<compile_context>
chip_gen: v7x
topology: tpu7x:2x2x1
jax: 0.10.2.dev20260603
libtpu: 0.0.44.dev20260713+nightly
codegen_flags: <defaults>
</compile_context>

<pallas_src>
import jax
import jax.numpy as jnp
import numpy as np
from jax.experimental import pallas as pl
from jax.experimental.pallas import tpu as pltpu
from jax.experimental.pallas import tpu_sc as plsc

S, HID, HEADS = 2048, 1024, 16
CHUNK, TOPK = 64, 4
DH = HID // HEADS
C = S // CHUNK
NQKV = 3 * HID
BM = 512
BQ = 512
BK = 1024
NEG = -1e9


NCOL = NQKV + 128


def _proj_kernel(x_ref, w_ref, b_ref, qkv_ref, q32_ref, ns_ref, km_ref):
    acc = jnp.dot(x_ref[...], w_ref[...], preferred_element_type=jnp.float32)
    acc = acc + b_ref[...]
    qkv_ref[...] = acc[:, :NQKV].astype(jnp.bfloat16)
    q32_ref[...] = acc[:, :HID]
    ns_ref[...] = acc[:, NQKV:]
    r = jax.lax.broadcasted_iota(jnp.int32, (BM // CHUNK, BM), 1)
    c = jax.lax.broadcasted_iota(jnp.int32, (BM // CHUNK, BM), 0)
    m = jnp.where(r // CHUNK == c, 1.0 / CHUNK, 0.0)
    km_ref[...] = jnp.dot(m, acc[:, HID:2 * HID],
                          preferred_element_type=jnp.float32)


def _kk_sc_kernel(ns_hbm, kk_hbm, nsv, kkv):
    wid = jax.lax.axis_index("s") * 2 + jax.lax.axis_index("c")
    pltpu.sync_copy(ns_hbm, nsv)
    acc = jnp.zeros((16,), jnp.float32)
    for c in range(S // 16):
        acc = acc + nsv[c * 16:(c + 1) * 16]
    total = acc[0]
    for j in range(1, 16):
        total = total + acc[j]
    mean = total * jnp.float32(1.0 / S)
    cnt = jnp.zeros((16,), jnp.int32)
    for c in range(S // 16):
        cnt = cnt + jnp.where(nsv[c * 16:(c + 1) * 16] > mean, 1, 0)
    cnts = cnt[0]
    for j in range(1, 16):
        cnts = cnts + cnt[j]
    cntc = jnp.clip(cnts, 2, S)
    dyn = (jnp.float32(0.8 * float(TOPK))
           + jnp.float32(0.2) * cntc.astype(jnp.float32))
    kkv[...] = (jnp.clip(dyn.astype(jnp.int32), 1, C)
                + jnp.zeros((16,), jnp.int32))

    @pl.when(wid == 0)
    def _():
        pltpu.sync_copy(kkv, kk_hbm)


def _routing_kk(ns_col):
    mesh = plsc.VectorSubcoreMesh(core_axis_name="c", subcore_axis_name="s")
    return pl.kernel(
        _kk_sc_kernel,
        out_type=jax.ShapeDtypeStruct((16,), jnp.int32),
        scratch_types=[
            pltpu.VMEM((S,), jnp.float32),
            pltpu.VMEM((16,), jnp.int32),
        ],
        mesh=mesh,
    )(ns_col)


def _attend(i, q_ref, k_ref, v_ref, masker, mask_all=False):
    nb = ((i + 1) * BQ + BK - 1) // BK
    m0 = jnp.full((BQ, 1), -1e30, jnp.float32)
    a0 = jnp.zeros((BQ, 2 * DH), jnp.float32)
    init = (m0, a0, m0, a0)
    ones = jnp.ones((BK, DH), jnp.bfloat16)
    qs = [q_ref[:, t * DH:(t + 1) * DH] * jnp.bfloat16(0.125)
          for t in range(2)]

    def make_step(masked):
        def step(jb, carry):
            kb2 = k_ref[pl.ds(jb * BK, BK), :]
            vb2 = v_ref[pl.ds(jb * BK, BK), :]
            out = []
            for t in range(2):
                m, acc = carry[2 * t:2 * t + 2]
                kb = kb2[:, t * DH:(t + 1) * DH]
                vaug = jnp.concatenate(
                    [vb2[:, t * DH:(t + 1) * DH], ones], axis=1)
                s = jax.lax.dot_general(qs[t], kb, (((1,), (1,)), ((), ())),
                                        preferred_element_type=jnp.float32)
                if masked:
                    s = masker(s, jb, t)
                mn = jnp.maximum(m, jnp.max(s, axis=1, keepdims=True))
                p = jnp.exp(s - mn)
                alpha = jnp.exp(m - mn)
                acc2 = acc * alpha + jnp.dot(p.astype(jnp.bfloat16), vaug,
                                             preferred_element_type=jnp.float32)
                out += [mn, acc2]
            return tuple(out)
        return step

    c = jax.lax.fori_loop(0, nb - 1, make_step(mask_all), init)
    r = make_step(True)(nb - 1, c)
    return jnp.concatenate([r[1][:, :DH] / r[1][:, DH:DH + 1],
                            r[3][:, :DH] / r[3][:, DH:DH + 1]], axis=1)


def _flash_fast_kernel(q_ref, k_ref, v_ref, o_ref):
    i = pl.program_id(1)
    qr = i * BQ + jax.lax.broadcasted_iota(jnp.int32, (BQ, BK), 0)
    kt_loc = jax.lax.broadcasted_iota(jnp.int32, (BQ, BK), 1)
    causal = lambda s, jb, t: jnp.where(jb * BK + kt_loc <= qr, s, NEG)
    o_ref[...] = _attend(i, q_ref, k_ref, v_ref, causal)


def _flash_slow_kernel(kk_ref, q_ref, k_ref, v_ref, q32_ref, km_ref, o_ref):
    i = pl.program_id(1)
    kk = kk_ref[0, 0]
    row = i * BQ + jax.lax.broadcasted_iota(jnp.int32, (BQ, C), 0)
    cid = jax.lax.broadcasted_iota(jnp.int32, (BQ, C), 1)
    qc = row // CHUNK
    qr = i * BQ + jax.lax.broadcasted_iota(jnp.int32, (BQ, BK), 0)
    tE_c = jax.lax.broadcasted_iota(jnp.int32, (C, BK), 0)
    tE_t = jax.lax.broadcasted_iota(jnp.int32, (C, BK), 1) // CHUNK
    kt_loc = jax.lax.broadcasted_iota(jnp.int32, (BQ, BK), 1)

    sels = []
    for t in range(2):
        km = km_ref[:, t * DH:(t + 1) * DH]
        q32 = q32_ref[:, t * DH:(t + 1) * DH]
        g = jax.lax.dot_general(q32, km, (((1,), (1,)), ((), ())),
                                preferred_element_type=jnp.float32)
        g = jnp.where(cid > qc, NEG, g)
        g = jnp.where(cid == qc, 1e9, g)
        rank = jnp.zeros((BQ, C), jnp.int32)
        for j in range(C):
            gj = g[:, j:j + 1]
            beat = (gj > g) | ((gj == g) & (j < cid))
            rank = rank + beat.astype(jnp.int32)
        sels.append(((rank < kk) & (g > -1e8)).astype(jnp.bfloat16))

    def masker(s, jb, t):
        e = jnp.where(tE_c == jb * (BK // CHUNK) + tE_t, 1.0,
                      0.0).astype(jnp.bfloat16)
        tok = jnp.dot(sels[t], e, preferred_element_type=jnp.float32)
        ok = (tok > 0.5) & (jb * BK + kt_loc <= qr)
        return jnp.where(ok, s, NEG)

    o_ref[...] = _attend(i, q_ref, k_ref, v_ref, masker, mask_all=True)


def _layernorm(x, g, b):
    mu = jnp.mean(x, axis=1, keepdims=True)
    var = jnp.mean((x - mu) ** 2, axis=1, keepdims=True)
    return (x - mu) / jnp.sqrt(var + 1e-6) * g + b


def _mlp_kernel(x_ref, w1_ref, b1_ref, geln_ref, beln_ref,
                w2_ref, b2_ref, gfn_ref, bfn_ref, o_ref):
    h = jnp.dot(x_ref[...], w1_ref[...], preferred_element_type=jnp.float32)
    h = _layernorm(h + b1_ref[...], geln_ref[...], beln_ref[...])
    h = jnp.maximum(h, 0.0)
    o = jnp.dot(h, w2_ref[...], preferred_element_type=jnp.float32)
    o_ref[...] = _layernorm(o + b2_ref[...], gfn_ref[...], bfn_ref[...])


def kernel(node_feats, edge_feats, Wq, bq, Wk, bk, Wv, bv, W_topk, b_topk,
           lambda_soft, g_fn, b_fn, W_e1, b_e1, g_eln, b_eln, W_e2, b_e2):
    x = node_feats.reshape(S, HID)
    wt = jnp.pad(W_topk, ((0, 0), (0, 127)))
    Wcat = jnp.concatenate([Wq, Wk, Wv, wt], axis=1)
    bcat = jnp.concatenate([bq, bk, bv, jnp.pad(b_topk, (0, 127))])[None, :]

    qkv, q32, ns, km = pl.pallas_call(
        _proj_kernel,
        grid=(S // BM,),
        in_specs=[
            pl.BlockSpec((BM, HID), lambda i: (i, 0)),
            pl.BlockSpec((HID, NCOL), lambda i: (0, 0)),
            pl.BlockSpec((1, NCOL), lambda i: (0, 0)),
        ],
        out_specs=[
            pl.BlockSpec((BM, NQKV), lambda i: (i, 0)),
            pl.BlockSpec((BM, HID), lambda i: (i, 0)),
            pl.BlockSpec((BM, 128), lambda i: (i, 0)),
            pl.BlockSpec((BM // CHUNK, HID), lambda i: (i, 0)),
        ],
        out_shape=[
            jax.ShapeDtypeStruct((S, NQKV), jnp.bfloat16),
            jax.ShapeDtypeStruct((S, HID), jnp.float32),
            jax.ShapeDtypeStruct((S, 128), jnp.float32),
            jax.ShapeDtypeStruct((C, HID), jnp.float32),
        ],
    )(x, Wcat, bcat)

    kk = _routing_kk(ns[:, 0])[:1].reshape(1, 1)

    HP = HEADS // 2
    grid = (HP, S // BQ)
    qspec = pl.BlockSpec((BQ, 2 * DH), lambda p, i: (i, p))
    kspec = pl.BlockSpec((S, 2 * DH), lambda p, i: (0, HP + p))
    vspec = pl.BlockSpec((S, 2 * DH), lambda p, i: (0, 2 * HP + p))
    ospec = pl.BlockSpec((BQ, 2 * DH), lambda p, i: (i, p))
    oshape = jax.ShapeDtypeStruct((S, HID), jnp.float32)

    def call_fast():
        return pl.pallas_call(
            _flash_fast_kernel, grid=grid,
            in_specs=[qspec, kspec, vspec],
            out_specs=ospec, out_shape=oshape,
        )(qkv, qkv, qkv)

    def call_slow():
        return pl.pallas_call(
            _flash_slow_kernel, grid=grid,
            in_specs=[
                pl.BlockSpec(memory_space=pltpu.SMEM),
                qspec, kspec, vspec,
                pl.BlockSpec((BQ, 2 * DH), lambda p, i: (i, p)),
                pl.BlockSpec((C, 2 * DH), lambda p, i: (0, p)),
            ],
            out_specs=ospec, out_shape=oshape,
        )(kk, qkv, qkv, qkv, q32, km)

    moba_fast = call_fast()
    moba = jax.lax.cond(kk[0, 0] >= C, lambda: moba_fast, call_slow)

    processed = pl.pallas_call(
        _mlp_kernel,
        grid=(S // BQ,),
        in_specs=[
            pl.BlockSpec((BQ, HID), lambda i: (i, 0)),
            pl.BlockSpec((HID, HID), lambda i: (0, 0)),
            pl.BlockSpec((1, HID), lambda i: (0, 0)),
            pl.BlockSpec((1, HID), lambda i: (0, 0)),
            pl.BlockSpec((1, HID), lambda i: (0, 0)),
            pl.BlockSpec((HID, HID), lambda i: (0, 0)),
            pl.BlockSpec((1, HID), lambda i: (0, 0)),
            pl.BlockSpec((1, HID), lambda i: (0, 0)),
            pl.BlockSpec((1, HID), lambda i: (0, 0)),
        ],
        out_specs=pl.BlockSpec((BQ, HID), lambda i: (i, 0)),
        out_shape=jax.ShapeDtypeStruct((S, HID), jnp.float32),
    )(moba, W_e1, b_e1[None, :], g_eln[None, :], b_eln[None, :],
      W_e2, b_e2[None, :], g_fn[None, :], b_fn[None, :])

    return processed.reshape(1, S, HID), edge_feats

# --- scband reference (transcript-rebuilt; emitter-appended) ---
"""Pipeline reference for scband-mo-bainterformer-adapter-10720238370923 (READ-ONLY COPY).

The authoritative reference and input builder live on the scoring server;
editing this copy changes nothing except your own understanding.
"""

import jax, jax.numpy as jnp
import numpy as np

B, S, HID, HEADS = 1, 2048, 1024, 16
CHUNK, TOPK = 64, 4
DH = HID // HEADS


def _layernorm(x, g, b, eps=1e-6):
    mu = x.mean(-1, keepdims=True)
    var = ((x - mu) ** 2).mean(-1, keepdims=True)
    return (x - mu) / jnp.sqrt(var + eps) * g + b


def setup_inputs(seed: int = 0):
    key = jax.random.key(seed)
    ks = jax.random.split(key, 16)
    s = 1.0 / np.sqrt(HID)
    inp = {}
    inp['node_feats'] = jax.random.normal(ks[0], (B, S, HID), jnp.float32)
    inp['edge_feats'] = jax.random.normal(ks[1], (B, S, HID), jnp.float32)
    inp['Wq'] = jax.random.normal(ks[2], (HID, HID), jnp.float32) * s
    inp['bq'] = jnp.zeros((HID,), jnp.float32)
    inp['Wk'] = jax.random.normal(ks[3], (HID, HID), jnp.float32) * s
    inp['bk'] = jnp.zeros((HID,), jnp.float32)
    inp['Wv'] = jax.random.normal(ks[4], (HID, HID), jnp.float32) * s
    inp['bv'] = jnp.zeros((HID,), jnp.float32)
    inp['W_topk'] = jax.random.normal(ks[5], (HID, 1), jnp.float32) * s
    inp['b_topk'] = jnp.zeros((1,), jnp.float32)
    inp['lambda_soft'] = jnp.array(5.0, jnp.float32)
    inp['g_fn'] = jnp.ones((HID,), jnp.float32)
    inp['b_fn'] = jnp.zeros((HID,), jnp.float32)
    inp['W_e1'] = jax.random.normal(ks[6], (HID, HID), jnp.float32) * s
    inp['b_e1'] = jnp.zeros((HID,), jnp.float32)
    inp['g_eln'] = jnp.ones((HID,), jnp.float32)
    inp['b_eln'] = jnp.zeros((HID,), jnp.float32)
    inp['W_e2'] = jax.random.normal(ks[7], (HID, HID), jnp.float32) * s
    inp['b_e2'] = jnp.zeros((HID,), jnp.float32)
    return inp


def _dynamic_params(node_feats, W_topk, b_topk):
    # mirrors the torch.no_grad() block: data-dependent top-k + EMA smoothing
    ns = (node_feats @ W_topk + b_topk)[..., 0]
    mean = ns.mean(axis=1, keepdims=True)
    cnt = jnp.clip((ns > mean).sum(axis=1), 2, S)
    dynamic_topk = cnt.max()
    avg_topk = 0.8 * float(TOPK) + 0.2 * dynamic_topk.astype(jnp.float32)
    dynamic_topk = jnp.floor(avg_topk).astype(jnp.int32)
    avg_chunk = 0.8 * float(CHUNK) + 0.2 * float(CHUNK)  # ChunkStrategy returns base chunk size
    chunk_size = int(avg_chunk)
    return dynamic_topk, chunk_size


def _moba_forward(node_feats, edge_feats, Wq, bq, Wk, bk, Wv, bv, W_topk, b_topk,
                  lambda_soft, g_fn, b_fn, W_e1, b_e1, g_eln, b_eln, W_e2, b_e2,
                  dynamic_topk, chunk_size):
    node_feats = jnp.nan_to_num(node_feats)
    edge_feats = jnp.nan_to_num(edge_feats)
    # TopKStrategy: linear scorer over node features (masked by all-ones sequence mask)
    node_scores = (node_feats @ W_topk + b_topk)[..., 0]
    smin = node_scores.min(axis=1, keepdims=True)
    smax = node_scores.max(axis=1, keepdims=True)
    norm_scores = (node_scores - smin) / (smax - smin + 1e-6)  # soft_bias_temp = 1.0
    # attn_bias is built exactly as in torch but never consumed downstream
    bias_inner = lambda_soft * norm_scores[:, None, :] + lambda_soft * norm_scores[:, :, None]
    attn_bias = jnp.zeros((B, S + 1, S + 1), jnp.float32).at[:, 1:, 1:].add(bias_inner)
    del attn_bias
    q = jnp.nan_to_num(node_feats @ Wq + bq).reshape(B, S, HEADS, DH).transpose(0, 2, 1, 3)
    k = jnp.nan_to_num(node_feats @ Wk + bk).reshape(B, S, HEADS, DH).transpose(0, 2, 1, 3)
    v = jnp.nan_to_num(node_feats @ Wv + bv).reshape(B, S, HEADS, DH).transpose(0, 2, 1, 3)
    # moba_attn_varlen: equal-length sequences -> per-batch MoBA attention
    C = S // chunk_size
    km = k.reshape(B, HEADS, C, chunk_size, DH).mean(axis=3)
    gate = jnp.einsum('bhid,bhcd->bhic', q, km)
    pos = jnp.arange(S)
    cidx = jnp.arange(C)
    qi_chunk = pos // chunk_size
    future = cidx[None, :] > qi_chunk[:, None]
    selfc = cidx[None, :] == qi_chunk[:, None]
    gate = jnp.where(future[None, None], -1e9, gate)
    gate = jnp.where(selfc[None, None], 1e9, gate)  # own chunk always selected
    kk = jnp.clip(dynamic_topk, 1, C)
    vals, idx = jax.lax.top_k(gate, C)
    oh = jax.nn.one_hot(idx, C, dtype=jnp.float32)
    keep = (jnp.arange(C) < kk) & (vals > -1e8)
    sel = (oh * keep.astype(jnp.float32)[..., None]).sum(axis=-2) > 0
    token_sel = jnp.repeat(sel, chunk_size, axis=-1)
    causal = pos[None, :] <= pos[:, None]
    mask = token_sel & causal[None, None]
    scores = jnp.einsum('bhid,bhjd->bhij', q, k) / np.sqrt(DH)
    scores = jnp.where(mask, scores, -1e9)
    attn = jax.nn.softmax(scores, axis=-1)
    out = jnp.einsum('bhij,bhjd->bhid', attn, v)
    moba_out = jnp.nan_to_num(out.transpose(0, 2, 1, 3).reshape(B, S, HID))
    # task_specific['energy']: Linear -> LayerNorm -> ReLU -> Linear
    h1 = jax.nn.relu(_layernorm(moba_out @ W_e1 + b_e1, g_eln, b_eln))
    out2 = h1 @ W_e2 + b_e2
    processed = _layernorm(out2, g_fn, b_fn)
    return processed


def reference(node_feats, edge_feats, Wq, bq, Wk, bk, Wv, bv, W_topk, b_topk,
              lambda_soft, g_fn, b_fn, W_e1, b_e1, g_eln, b_eln, W_e2, b_e2):
    dynamic_topk, chunk_size = _dynamic_params(node_feats, W_topk, b_topk)
    processed = _moba_forward(node_feats, edge_feats, Wq, bq, Wk, bk, Wv, bv,
                              W_topk, b_topk, lambda_soft, g_fn, b_fn,
                              W_e1, b_e1, g_eln, b_eln, W_e2, b_e2,
                              dynamic_topk, chunk_size)
    return (processed, edge_feats)

if __name__ == "__main__":
    import jax
    _d = setup_inputs()
    print(jax.jit(kernel)(*tuple(_d.values())))

</pallas_src>

<mosaic_0001>
#map = affine_map<(d0, d1) -> (0)>
module attributes {stable_mosaic.version = 14 : i64} {
  func.func @_kk_sc_kernel(%arg0: i32, %arg1: i32, %arg2: memref<2048xf32, #tpu.memory_space<hbm>>, %arg3: memref<16xi32, #tpu.memory_space<hbm>>, %arg4: memref<2048xf32, #tpu.memory_space<vmem>>, %arg5: memref<16xi32, #tpu.memory_space<vmem>>) attributes {dimension_semantics = [#tpu.dimension_semantics<core_parallel>, #tpu.dimension_semantics<subcore_parallel>], iteration_bounds = array<i64: 2, 16>, scalar_prefetch = 0 : i64, scratch_operands = 2 : i64, tpu.core_type = #tpu.core_type<sc_vector_subcore>, window_params = [{transform_indices = #map}, {transform_indices = #map}]} {
    %mul3A = arith.constant 2 : i32
    %mul3A_0 = arith.muli %arg1, %mul3A : i32
    %add3A = arith.addi %mul3A_0, %arg0 : i32
    "tpu.region"() ({
      %run_scoped3A = tpu.sem_alloc : memref<!tpu.dma_semaphore, #tpu.memory_space<semaphore_mem>>
      tpu.enqueue_dma source(%arg2 : memref<2048xf32, #tpu.memory_space<hbm>>) target(%arg4 : memref<2048xf32, #tpu.memory_space<vmem>>) target_semaphore(%run_scoped3A : memref<!tpu.dma_semaphore, #tpu.memory_space<semaphore_mem>>)
      tpu.wait_dma2 semaphore(%run_scoped3A : memref<!tpu.dma_semaphore, #tpu.memory_space<semaphore_mem>>) src(%arg2 : memref<2048xf32, #tpu.memory_space<hbm>>) dst(%arg4 : memref<2048xf32, #tpu.memory_space<vmem>>)
      tpu.yield
    }) : () -> ()
    %broadcast_in_dim3A = arith.constant 0.000000e+00 : f32
    %broadcast_in_dim3A_1 = vector.broadcast %broadcast_in_dim3A : f32 to vector<16xf32>
    %get3A = arith.constant 0 : index
    %get3A_2 = tpu.vector_load %arg4[%get3A] {strides = array<i32>} : memref<2048xf32, #tpu.memory_space<vmem>>, vector<16xf32>,
    %get3A_3 = vector.shape_cast %get3A_2 : vector<16xf32> to vector<16xf32>
    %add3A_4 = arith.addf %broadcast_in_dim3A_1, %get3A_3 : vector<16xf32>
    %get3A_5 = arith.constant 16 : index
    %get3A_6 = tpu.vector_load %arg4[%get3A_5] {strides = array<i32>} : memref<2048xf32, #tpu.memory_space<vmem>>, vector<16xf32>,
    %get3A_7 = vector.shape_cast %get3A_6 : vector<16xf32> to vector<16xf32>
    %add3A_8 = arith.addf %add3A_4, %get3A_7 : vector<16xf32>
    %get3A_9 = arith.constant 32 : index
    %get3A_10 = tpu.vector_load %arg4[%get3A_9] {strides = array<i32>} : memref<2048xf32, #tpu.memory_space<vmem>>, vector<16xf32>,
    %get3A_11 = vector.shape_cast %get3A_10 : vector<16xf32> to vector<16xf32>
    %add3A_12 = arith.addf %add3A_8, %get3A_11 : vector<16xf32>
    %get3A_13 = arith.constant 48 : index
    %get3A_14 = tpu.vector_load %arg4[%get3A_13] {strides = array<i32>} : memref<2048xf32, #tpu.memory_space<vmem>>, vector<16xf32>,
    %get3A_15 = vector.shape_cast %get3A_14 : vector<16xf32> to vector<16xf32>
    %add3A_16 = arith.addf %add3A_12, %get3A_15 : vector<16xf32>
    %get3A_17 = arith.constant 64 : index
    %get3A_18 = tpu.vector_load %arg4[%get3A_17] {strides = array<i32>} : memref<2048xf32, #tpu.memory_space<vmem>>, vector<16xf32>,
    %get3A_19 = vector.shape_cast %get3A_18 : vector<16xf32> to vector<16xf32>
    %add3A_20 = arith.addf %add3A_16, %get3A_19 : vector<16xf32>
    %get3A_21 = arith.constant 80 : index
    %get3A_22 = tpu.vector_load %arg4[%get3A_21] {strides = array<i32>} : memref<2048xf32, #tpu.memory_space<vmem>>, vector<16xf32>,
    %get3A_23 = vector.shape_cast %get3A_22 : vector<16xf32> to vector<16xf32>
    %add3A_24 = arith.addf %add3A_20, %get3A_23 : vector<16xf32>
    %get3A_25 = arith.constant 96 : index
    %get3A_26 = tpu.vector_load %arg4[%get3A_25] {strides = array<i32>} : memref<2048xf32, #tpu.memory_space<vmem>>, vector<16xf32>,
    %get3A_27 = vector.shape_cast %get3A_26 : vector<16xf32> to vector<16xf32>
    %add3A_28 = arith.addf %add3A_24, %get3A_27 : vector<16xf32>
    %get3A_29 = arith.constant 112 : index
    %get3A_30 = tpu.vector_load %arg4[%get3A_29] {strides = array<i32>} : memref<2048xf32, #tpu.memory_space<vmem>>, vector<16xf32>,
    %get3A_31 = vector.shape_cast %get3A_30 : vector<16xf32> to vector<16xf32>
    %add3A_32 = arith.addf %add3A_28, %get3A_31 : vector<16xf32>
    %get3A_33 = arith.constant 128 : index
    %get3A_34 = tpu.vector_load %arg4[%get3A_33] {strides = array<i32>} : memref<2048xf32, #tpu.memory_space<vmem>>, vector<16xf32>,
    %get3A_35 = vector.shape_cast %get3A_34 : vector<16xf32> to vector<16xf32>
    %add3A_36 = arith.addf %add3A_32, %get3A_35 : vector<16xf32>
    %get3A_37 = arith.constant 144 : index
    %get3A_38 = tpu.vector_load %arg4[%get3A_37] {strides = array<i32>} : memref<2048xf32, #tpu.memory_space<vmem>>, vector<16xf32>,
    %get3A_39 = vector.shape_cast %get3A_38 : vector<16xf32> to vector<16xf32>
    %add3A_40 = arith.addf %add3A_36, %get3A_39 : vector<16xf32>
    %get3A_41 = arith.constant 160 : index
    %get3A_42 = tpu.vector_load %arg4[%get3A_41] {strides = array<i32>} : memref<2048xf32, #tpu.memory_space<vmem>>, vector<16xf32>,
    %get3A_43 = vector.shape_cast %get3A_42 : vector<16xf32> to vector<16xf32>
    %add3A_44 = arith.addf %add3A_40, %get3A_43 : vector<16xf32>
    %get3A_45 = arith.constant 176 : index
    %get3A_46 = tpu.vector_load %arg4[%get3A_45] {strides = array<i32>} : memref<2048xf32, #tpu.memory_space<vmem>>, vector<16xf32>,
    %get3A_47 = vector.shape_cast %get3A_46 : vector<16xf32> to vector<16xf32>
    %add3A_48 = arith.addf %add3A_44, %get3A_47 : vector<16xf32>
    %get3A_49 = arith.constant 192 : index
    %get3A_50 = tpu.vector_load %arg4[%get3A_49] {strides = array<i32>} : memref<2048xf32, #tpu.memory_space<vmem>>, vector<16xf32>,
    %get3A_51 = vector.shape_cast %get3A_50 : vector<16xf32> to vector<16xf32>
    %add3A_52 = arith.addf %add3A_48, %get3A_51 : vector<16xf32>
    %get3A_53 = arith.constant 208 : index
    %get3A_54 = tpu.vector_load %arg4[%get3A_53] {strides = array<i32>} : memref<2048xf32, #tpu.memory_space<vmem>>, vector<16xf32>,
    %get3A_55 = vector.shape_cast %get3A_54 : vector<16xf32> to vector<16xf32>
    %add3A_56 = arith.addf %add3A_52, %get3A_55 : vector<16xf32>
    %get3A_57 = arith.constant 224 : index
    %get3A_58 = tpu.vector_load %arg4[%get3A_57] {strides = array<i32>} : memref<2048xf32, #tpu.memory_space<vmem>>, vector<16xf32>,
    %get3A_59 = vector.shape_cast %get3A_58 : vector<16xf32> to vector<16xf32>
    %add3A_60 = arith.addf %add3A_56, %get3A_59 : vector<16xf32>
    %get3A_61 = arith.constant 240 : index
    %get3A_62 = tpu.vector_load %arg4[%get3A_61] {strides = array<i32>} : memref<2048xf32, #tpu.memory_space<vmem>>, vector<16xf32>,
    %get3A_63 = vector.shape_cast %get3A_62 : vector<16xf32> to vector<16xf32>
    %add3A_64 = arith.addf %add3A_60, %get3A_63 : vector<16xf32>
    %get3A_65 = arith.constant 256 : index
    %get3A_66 = tpu.vector_load %arg4[%get3A_65] {strides = array<i32>} : memref<2048xf32, #tpu.memory_space<vmem>>, vector<16xf32>,
    %get3A_67 = vector.shape_cast %get3A_66 : vector<16xf32> to vector<16xf32>
    %add3A_68 = arith.addf %add3A_64, %get3A_67 : vector<16xf32>
    %get3A_69 = arith.constant 272 : index
    %get3A_70 = tpu.vector_load %arg4[%get3A_69] {strides = array<i32>} : memref<2048xf32, #tpu.memory_space<vmem>>, vector<16xf32>,
    %get3A_71 = vector.shape_cast %get3A_70 : vector<16xf32> to vector<16xf32>
    %add3A_72 = arith.addf %add3A_68, %get3A_71 : vector<16xf32>
    %get3A_73 = arith.constant 288 : index
    %get3A_74 = tpu.vector_load %arg4[%get3A_73] {strides = array<i32>} : memref<2048xf32, #tpu.memory_space<vmem>>, vector<16xf32>,
    %get3A_75 = vector.shape_cast %get3A_74 : vector<16xf32> to vector<16xf32>
    %add3A_76 = arith.addf %add3A_72, %get3A_75 : vector<16xf32>
    %get3A_77 = arith.constant 304 : index
    %get3A_78 = tpu.vector_load %arg4[%get3A_77] {strides = array<i32>} : memref<2048xf32, #tpu.memory_space<vmem>>, vector<16xf32>,
    %get3A_79 = vector.shape_cast %get3A_78 : vector<16xf32> to vector<16xf32>
    %add3A_80 = arith.addf %add3A_76, %get3A_79 : vector<16xf32>
    %get3A_81 = arith.constant 320 : index
    %get3A_82 = tpu.vector_load %arg4[%get3A_81] {strides = array<i32>} : memref<2048xf32, #tpu.memory_space<vmem>>, vector<16xf32>,
    %get3A_83 = vector.shape_cast %get3A_82 : vector<16xf32> to vector<16xf32>
    %add3A_84 = arith.addf %add3A_80, %get3A_83 : vector<16xf32>
    %get3A_85 = arith.constant 336 : index
    %get3A_86 = tpu.vector_load %arg4[%get3A_85] {strides = array<i32>} : memref<2048xf32, #tpu.memory_space<vmem>>, vector<16xf32>,
    %get3A_87 = vector.shape_cast %get3A_86 : vector<16xf32> to vector<16xf32>
    %add3A_88 = arith.addf %add3A_84, %get3A_87 : vector<16xf32>
    %get3A_89 = arith.constant 352 : index
    %get3A_90 = tpu.vector_load %arg4[%get3A_89] {strides = array<i32>} : memref<2048xf32, #tpu.memory_space<vmem>>, vector<16xf32>,
    %get3A_91 = vector.shape_cast %get3A_90 : vector<16xf32> to vector<16xf32>
    %add3A_92 = arith.addf %add3A_88, %get3A_91 : vector<16xf32>
    %get3A_93 = arith.constant 368 : index
    %get3A_94 = tpu.vector_load %arg4[%get3A_93] {strides = array<i32>} : memref<2048xf32, #tpu.memory_space<vmem>>, vector<16xf32>,
    %get3A_95 = vector.shape_cast %get3A_94 : vector<16xf32> to vector<16xf32>
    %add3A_96 = arith.addf %add3A_92, %get3A_95 : vector<16xf32>
    %get3A_97 = arith.constant 384 : index
    %get3A_98 = tpu.vector_load %arg4[%get3A_97] {strides = array<i32>} : memref<2048xf32, #tpu.memory_space<vmem>>, vector<16xf32>,
    %get3A_99 = vector.shape_cast %get3A_98 : vector<16xf32> to vector<16xf32>
    %add3A_100 = arith.addf %add3A_96, %get3A_99 : vector<16xf32>
    %get3A_101 = arith.constant 400 : index
    %get3A_102 = tpu.vector_load %arg4[%get3A_101] {strides = array<i32>} : memref<2048xf32, #tpu.memory_space<vmem>>, vector<16xf32>,
    %get3A_103 = vector.shape_cast %get3A_102 : vector<16xf32> to vector<16xf32>
    %add3A_104 = arith.addf %add3A_100, %get3A_103 : vector<16xf32>
    %get3A_105 = arith.constant 416 : index
    %get3A_106 = tpu.vector_load %arg4[%get3A_105] {strides = array<i32>} : memref<2048xf32, #tpu.memory_space<vmem>>, vector<16xf32>,
    %get3A_107 = vector.shape_cast %get3A_106 : vector<16xf32> to vector<16xf32>
    %add3A_108 = arith.addf %add3A_104, %get3A_107 : vector<16xf32>
    %get3A_109 = arith.constant 432 : index
    %get3A_110 = tpu.vector_load %arg4[%get3A_109] {strides = array<i32>} : memref<2048xf32, #tpu.memory_space<vmem>>, vector<16xf32>,
    %get3A_111 = vector.shape_cast %get3A_110 : vector<16xf32> to vector<16xf32>
    %add3A_112 = arith.addf %add3A_108, %get3A_111 : vector<16xf32>
    %get3A_113 = arith.constant 448 : index
    %get3A_114 = tpu.vector_load %arg4[%get3A_113] {strides = array<i32>} : memref<2048xf32, #tpu.memory_space<vmem>>, vector<16xf32>,
    %get3A_115 = vector.shape_cast %get3A_114 : vector<16xf32> to vector<16xf32>
    %add3A_116 = arith.addf %add3A_112, %get3A_115 : vector<16xf32>
    %get3A_117 = arith.constant 464 : index
    %get3A_118 = tpu.vector_load %arg4[%get3A_117] {strides = array<i32>} : memref<2048xf32, #tpu.memory_space<vmem>>, vector<16xf32>,
    %get3A_119 = vector.shape_cast %get3A_118 : vector<16xf32> to vector<16xf32>
    %add3A_120 = arith.addf %add3A_116, %get3A_119 : vector<16xf32>
    %get3A_121 = arith.constant 480 : index
    %get3A_122 = tpu.vector_load %arg4[%get3A_121] {strides = array<i32>} : memref<2048xf32, #tpu.memory_space<vmem>>, vector<16xf32>,
    %get3A_123 = vector.shape_cast %get3A_122 : vector<16xf32> to vector<16xf32>
    %add3A_124 = arith.addf %add3A_120, %get3A_123 : vector<16xf32>
    %get3A_125 = arith.constant 496 : index
    %get3A_126 = tpu.vector_load %arg4[%get3A_125] {strides = array<i32>} : memref<2048xf32, #tpu.memory_space<vmem>>, vector<16xf32>,
    %get3A_127 = vector.shape_cast %get3A_126 : vector<16xf32> to vector<16xf32>
    %add3A_128 = arith.addf %add3A_124, %get3A_127 : vector<16xf32>
    %get3A_129 = arith.constant 512 : index
    %get3A_130 = tpu.vector_load %arg4[%get3A_129] {strides = array<i32>} : memref<2048xf32, #tpu.memory_space<vmem>>, vector<16xf32>,
    %get3A_131 = vector.shape_cast %get3A_130 : vector<16xf32> to vector<16xf32>
    %add3A_132 = arith.addf %add3A_128, %get3A_131 : vector<16xf32>
    %get3A_133 = arith.constant 528 : index
    %get3A_134 = tpu.vector_load %arg4[%get3A_133] {strides = array<i32>} : memref<2048xf32, #tpu.memory_space<vmem>>, vector<16xf32>,
    %get3A_135 = vector.shape_cast %get3A_134 : vector<16xf32> to vector<16xf32>
    %add3A_136 = arith.addf %add3A_132, %get3A_135 : vector<16xf32>
    %get3A_137 = arith.constant 544 : index
    %get3A_138 = tpu.vector_load %arg4[%get3A_137] {strides = array<i32>} : memref<2048xf32, #tpu.memory_space<vmem>>, vector<16xf32>,
    %get3A_139 = vector.shape_cast %get3A_138 : vector<16xf32> to vector<16xf32>
    %add3A_140 = arith.addf %add3A_136, %get3A_139 : vector<16xf32>
    %get3A_141 = arith.constant 560 : index
    %get3A_142 = tpu.vector_load %arg4[%get3A_141] {strides = array<i32>} : memref<2048xf32, #tpu.memory_space<vmem>>, vector<16xf32>,
    %get3A_143 = vector.shape_cast %get3A_142 : vector<16xf32> to vector<16xf32>
    %add3A_144 = arith.addf %add3A_140, %get3A_143 : vector<16xf32>
    %get3A_145 = arith.constant 576 : index
    %get3A_146 = tpu.vector_load %arg4[%get3A_145] {strides = array<i32>} : memref<2048xf32, #tpu.memory_space<vmem>>, vector<16xf32>,
    %get3A_147 = vector.shape_cast %get3A_146 : vector<16xf32> to vector<16xf32>
    %add3A_148 = arith.addf %add3A_144, %get3A_147 : vector<16xf32>
    %get3A_149 = arith.constant 592 : index
    %get3A_150 = tpu.vector_load %arg4[%get3A_149] {strides = array<i32>} : memref<2048xf32, #tpu.memory_space<vmem>>, vector<16xf32>,
    %get3A_151 = vector.shape_cast %get3A_150 : vector<16xf32> to vector<16xf32>
    %add3A_152 = arith.addf %add3A_148, %get3A_151 : vector<16xf32>
    %get3A_153 = arith.constant 608 : index
    %get3A_154 = tpu.vector_load %arg4[%get3A_153] {strides = array<i32>} : memref<2048xf32, #tpu.memory_space<vmem>>, vector<16xf32>,
    %get3A_155 = vector.shape_cast %get3A_154 : vector<16xf32> to vector<16xf32>
    %add3A_156 = arith.addf %add3A_152, %get3A_155 : vector<16xf32>
    %get3A_157 = arith.constant 624 : index
    %get3A_158 = tpu.vector_load %arg4[%get3A_157] {strides = array<i32>} : memref<2048xf32, #tpu.memory_space<vmem>>, vector<16xf32>,
    %get3A_159 = vector.shape_cast %get3A_158 : vector<16xf32> to vector<16xf32>
    %add3A_160 = arith.addf %add3A_156, %get3A_159 : vector<16xf32>
    %get3A_161 = arith.constant 640 : index
    %get3A_162 = tpu.vector_load %arg4[%get3A_161] {strides = array<i32>} : memref<2048xf32, #tpu.memory_space<vmem>>, vector<16xf32>,
    %get3A_163 = vector.shape_cast %get3A_162 : vector<16xf32> to vector<16xf32>
    %add3A_164 = arith.addf %add3A_160, %get3A_163 : vector<16xf32>
    %get3A_165 = arith.constant 656 : index
    %get3A_166 = tpu.vector_load %arg4[%get3A_165] {strides = array<i32>} : memref<2048xf32, #tpu.memory_space<vmem>>, vector<16xf32>,
    %get3A_167 = vector.shape_cast %get3A_166 : vector<16xf32> to vector<16xf32>
    %add3A_168 = arith.addf %add3A_164, %get3A_167 : vector<16xf32>
    %get3A_169 = arith.constant 672 : index
    %get3A_170 = tpu.vector_load %arg4[%get3A_169] {strides = array<i32>} : memref<2048xf32, #tpu.memory_space<vmem>>, vector<16xf32>,
    %get3A_171 = vector.shape_cast %get3A_170 : vector<16xf32> to vector<16xf32>
    %add3A_172 = arith.addf %add3A_168, %get3A_171 : vector<16xf32>
    %get3A_173 = arith.constant 688 : index
    %get3A_174 = tpu.vector_load %arg4[%get3A_173] {strides = array<i32>} : memref<2048xf32, #tpu.memory_space<vmem>>, vector<16xf32>,
    %get3A_175 = vector.shape_cast %get3A_174 : vector<16xf32> to vector<16xf32>
    %add3A_176 = arith.addf %add3A_172, %get3A_175 : vector<16xf32>
    %get3A_177 = arith.constant 704 : index
    %get3A_178 = tpu.vector_load %arg4[%get3A_177] {strides = array<i32>} : memref<2048xf32, #tpu.memory_space<vmem>>, vector<16xf32>,
    %get3A_179 = vector.shape_cast %get3A_178 : vector<16xf32> to vector<16xf32>
    %add3A_180 = arith.addf %add3A_176, %get3A_179 : vector<16xf32>
    %get3A_181 = arith.constant 720 : index
    %get3A_182 = tpu.vector_load %arg4[%get3A_181] {strides = array<i32>} : memref<2048xf32, #tpu.memory_space<vmem>>, vector<16xf32>,
    %get3A_183 = vector.shape_cast %get3A_182 : vector<16xf32> to vector<16xf32>
    %add3A_184 = arith.addf %add3A_180, %get3A_183 : vector<16xf32>
    %get3A_185 = arith.constant 736 : index
    %get3A_186 = tpu.vector_load %arg4[%get3A_185] {strides = array<i32>} : memref<2048xf32, #tpu.memory_space<vmem>>, vector<16xf32>,
    %get3A_187 = vector.shape_cast %get3A_186 : vector<16xf32> to vector<16xf32>
    %add3A_188 = arith.addf %add3A_184, %get3A_187 : vector<16xf32>
    %get3A_189 = arith.constant 752 : index
    %get3A_190 = tpu.vector_load %arg4[%get3A_189] {strides = array<i32>} : memref<2048xf32, #tpu.memory_space<vmem>>, vector<16xf32>,
    %get3A_191 = vector.shape_cast %get3A_190 : vector<16xf32> to vector<16xf32>
    %add3A_192 = arith.addf %add3A_188, %get3A_191 : vector<16xf32>
    %get3A_193 = arith.constant 768 : index
    %get3A_194 = tpu.vector_load %arg4[%get3A_193] {strides = array<i32>} : memref<2048xf32, #tpu.memory_space<vmem>>, vector<16xf32>,
    %get3A_195 = vector.shape_cast %get3A_194 : vector<16xf32> to vector<16xf32>
    %add3A_196 = arith.addf %add3A_192, %get3A_195 : vector<16xf32>
    %get3A_197 = arith.constant 784 : index
    %get3A_198 = tpu.vector_load %arg4[%get3A_197] {strides = array<i32>} : memref<2048xf32, #tpu.memory_space<vmem>>, vector<16xf32>,
    %get3A_199 = vector.shape_cast %get3A_198 : vector<16xf32> to vector<16xf32>
    %add3A_200 = arith.addf %add3A_196, %get3A_199 : vector<16xf32>
    %get3A_201 = arith.constant 800 : index
    %get3A_202 = tpu.vector_load %arg4[%get3A_201] {strides = array<i32>} : memref<2048xf32, #tpu.memory_space<vmem>>, vector<16xf32>,
    %get3A_203 = vector.shape_cast %get3A_202 : vector<16xf32> to vector<16xf32>
    %add3A_204 = arith.addf %add3A_200, %get3A_203 : vector<16xf32>
    %get3A_205 = arith.constant 816 : index
    %get3A_206 = tpu.vector_load %arg4[%get3A_205] {strides = array<i32>} : memref<2048xf32, #tpu.memory_space<vmem>>, vector<16xf32>,
    %get3A_207 = vector.shape_cast %get3A_206 : vector<16xf32> to vector<16xf32>
    %add3A_208 = arith.addf %add3A_204, %get3A_207 : vector<16xf32>
    %get3A_209 = arith.constant 832 : index
    %get3A_210 = tpu.vector_load %arg4[%get3A_209] {strides = array<i32>} : memref<2048xf32, #tpu.memory_space<vmem>>, vector<16xf32>,
    %get3A_211 = vector.shape_cast %get3A_210 : vector<16xf32> to vector<16xf32>
    %add3A_212 = arith.addf %add3A_208, %get3A_211 : vector<16xf32>
    %get3A_213 = arith.constant 848 : index
    %get3A_214 = tpu.vector_load %arg4[%get3A_213] {strides = array<i32>} : memref<2048xf32, #tpu.memory_space<vmem>>, vector<16xf32>,
    %get3A_215 = vector.shape_cast %get3A_214 : vector<16xf32> to vector<16xf32>
    %add3A_216 = arith.addf %add3A_212, %get3A_215 : vector<16xf32>
    %get3A_217 = arith.constant 864 : index
    %get3A_218 = tpu.vector_load %arg4[%get3A_217] {strides = array<i32>} : memref<2048xf32, #tpu.memory_space<vmem>>, vector<16xf32>,
    %get3A_219 = vector.shape_cast %get3A_218 : vector<16xf32> to vector<16xf32>
    %add3A_220 = arith.addf %add3A_216, %get3A_219 : vector<16xf32>
    %get3A_221 = arith.constant 880 : index
    %get3A_222 = tpu.vector_load %arg4[%get3A_221] {strides = array<i32>} : memref<2048xf32, #tpu.memory_space<vmem>>, vector<16xf32>,
    %get3A_223 = vector.shape_cast %get3A_222 : vector<16xf32> to vector<16xf32>
    %add3A_224 = arith.addf %add3A_220, %get3A_223 : vector<16xf32>
    %get3A_225 = arith.constant 896 : index
    %get3A_226 = tpu.vector_load %arg4[%get3A_225] {strides = array<i32>} : memref<2048xf32, #tpu.memory_space<vmem>>, vector<16xf32>,
    %get3A_227 = vector.shape_cast %get3A_226 : vector<16xf32> to vector<16xf32>
    %add3A_228 = arith.addf %add3A_224, %get3A_227 : vector<16xf32>
    %get3A_229 = arith.constant 912 : index
    %get3A_230 = tpu.vector_load %arg4[%get3A_229] {strides = array<i32>} : memref<2048xf32, #tpu.memory_space<vmem>>, vector<16xf32>,
    %get3A_231 = vector.shape_cast %get3A_230 : vector<16xf32> to vector<16xf32>
    %add3A_232 = arith.addf %add3A_228, %get3A_231 : vector<16xf32>
    %get3A_233 = arith.constant 928 : index
    %get3A_234 = tpu.vector_load %arg4[%get3A_233] {strides = array<i32>} : memref<2048xf32, #tpu.memory_space<vmem>>, vector<16xf32>,
    %get3A_235 = vector.shape_cast %get3A_234 : vector<16xf32> to vector<16xf32>
    %add3A_236 = arith.addf %add3A_232, %get3A_235 : vector<16xf32>
    %get3A_237 = arith.constant 944 : index
    %get3A_238 = tpu.vector_load %arg4[%get3A_237] {strides = array<i32>} : memref<2048xf32, #tpu.memory_space<vmem>>, vector<16xf32>,
    %get3A_239 = vector.shape_cast %get3A_238 : vector<16xf32> to vector<16xf32>
    %add3A_240 = arith.addf %add3A_236, %get3A_239 : vector<16xf32>
    %get3A_241 = arith.constant 960 : index
    %get3A_242 = tpu.vector_load %arg4[%get3A_241] {strides = array<i32>} : memref<2048xf32, #tpu.memory_space<vmem>>, vector<16xf32>,
    %get3A_243 = vector.shape_cast %get3A_242 : vector<16xf32> to vector<16xf32>
    %add3A_244 = arith.addf %add3A_240, %get3A_243 : vector<16xf32>
    %get3A_245 = arith.constant 976 : index
    %get3A_246 = tpu.vector_load %arg4[%get3A_245] {strides = array<i32>} : memref<2048xf32, #tpu.memory_space<vmem>>, vector<16xf32>,
    %get3A_247 = vector.shape_cast %get3A_246 : vector<16xf32> to vector<16xf32>
    %add3A_248 = arith.addf %add3A_244, %get3A_247 : vector<16xf32>
    %get3A_249 = arith.constant 992 : index
    %get3A_250 = tpu.vector_load %arg4[%get3A_249] {strides = array<i32>} : memref<2048xf32, #tpu.memory_space<vmem>>, vector<16xf32>,
    %get3A_251 = vector.shape_cast %get3A_250 : vector<16xf32> to vector<16xf32>
    %add3A_252 = arith.addf %add3A_248, %get3A_251 : vector<16xf32>
    %get3A_253 = arith.constant 1008 : index
    %get3A_254 = tpu.vector_load %arg4[%get3A_253] {strides = array<i32>} : memref<2048xf32, #tpu.memory_space<vmem>>, vector<16xf32>,
    %get3A_255 = vector.shape_cast %get3A_254 : vector<16xf32> to vector<16xf32>
    %add3A_256 = arith.addf %add3A_252, %get3A_255 : vector<16xf32>
    %get3A_257 = arith.constant 1024 : index
    %get3A_258 = tpu.vector_load %arg4[%get3A_257] {strides = array<i32>} : memref<2048xf32, #tpu.memory_space<vmem>>, vector<16xf32>,
    %get3A_259 = vector.shape_cast %get3A_258 : vector<16xf32> to vector<16xf32>
    %add3A_260 = arith.addf %add3A_256, %get3A_259 : vector<16xf32>
    %get3A_261 = arith.constant 1040 : index
    %get3A_262 = tpu.vector_load %arg4[%get3A_261] {strides = array<i32>} : memref<2048xf32, #tpu.memory_space<vmem>>, vector<16xf32>,
    %get3A_263 = vector.shape_cast %get3A_262 : vector<16xf32> to vector<16xf32>
    %add3A_264 = arith.addf %add3A_260, %get3A_263 : vector<16xf32>
    %get3A_265 = arith.constant 1056 : index
    %get3A_266 = tpu.vector_load %arg4[%get3A_265] {strides = array<i32>} : memref<2048xf32, #tpu.memory_space<vmem>>, vector<16xf32>,
    %get3A_267 = vector.shape_cast %get3A_266 : vector<16xf32> to vector<16xf32>
    %add3A_268 = arith.addf %add3A_264, %get3A_267 : vector<16xf32>
    %get3A_269 = arith.constant 1072 : index
    %get3A_270 = tpu.vector_load %arg4[%get3A_269] {strides = array<i32>} : memref<2048xf32, #tpu.memory_space<vmem>>, vector<16xf32>,
    %get3A_271 = vector.shape_cast %get3A_270 : vector<16xf32> to vector<16xf32>
    %add3A_272 = arith.addf %add3A_268, %get3A_271 : vector<16xf32>
    %get3A_273 = arith.constant 1088 : index
    %get3A_274 = tpu.vector_load %arg4[%get3A_273] {strides = array<i32>} : memref<2048xf32, #tpu.memory_space<vmem>>, vector<16xf32>,
    %get3A_275 = vector.shape_cast %get3A_274 : vector<16xf32> to vector<16xf32>
    %add3A_276 = arith.addf %add3A_272, %get3A_275 : vector<16xf32>
    %get3A_277 = arith.constant 1104 : index
    %get3A_278 = tpu.vector_load %arg4[%get3A_277] {strides = array<i32>} : memref<2048xf32, #tpu.memory_space<vmem>>, vector<16xf32>,
    %get3A_279 = vector.shape_cast %get3A_278 : vector<16xf32> to vector<16xf32>
    %add3A_280 = arith.addf %add3A_276, %get3A_279 : vector<16xf32>
    %get3A_281 = arith.constant 1120 : index
    %get3A_282 = tpu.vector_load %arg4[%get3A_281] {strides = array<i32>} : memref<2048xf32, #tpu.memory_space<vmem>>, vector<16xf32>,
    %get3A_283 = vector.shape_cast %get3A_282 : vector<16xf32> to vector<16xf32>
    %add3A_284 = arith.addf %add3A_280, %get3A_283 : vector<16xf32>
    %get3A_285 = arith.constant 1136 : index
    %get3A_286 = tpu.vector_load %arg4[%get3A_285] {strides = array<i32>} : memref<2048xf32, #tpu.memory_space<vmem>>, vector<16xf32>,
    %get3A_287 = vector.shape_cast %get3A_286 : vector<16xf32> to vector<16xf32>
    %add3A_288 = arith.addf %add3A_284, %get3A_287 : vector<16xf32>
    %get3A_289 = arith.constant 1152 : index
    %get3A_290 = tpu.vector_load %arg4[%get3A_289] {strides = array<i32>} : memref<2048xf32, #tpu.memory_space<vmem>>, vector<16xf32>,
    %get3A_291 = vector.shape_cast %get3A_290 : vector<16xf32> to vector<16xf32>
    %add3A_292 = arith.addf %add3A_288, %get3A_291 : vector<16xf32>
    %get3A_293 = arith.constant 1168 : index
    %get3A_294 = tpu.vector_load %arg4[%get3A_293] {strides = array<i32>} : memref<2048xf32, #tpu.memory_space<vmem>>, vector<16xf32>,
    %get3A_295 = vector.shape_cast %get3A_294 : vector<16xf32> to vector<16xf32>
    %add3A_296 = arith.addf %add3A_292, %get3A_295 : vector<16xf32>
    %get3A_297 = arith.constant 1184 : index
    %get3A_298 = tpu.vector_load %arg4[%get3A_297] {strides = array<i32>} : memref<2048xf32, #tpu.memory_space<vmem>>, vector<16xf32>,
    %get3A_299 = vector.shape_cast %get3A_298 : vector<16xf32> to vector<16xf32>
    %add3A_300 = arith.addf %add3A_296, %get3A_299 : vector<16xf32>
    %get3A_301 = arith.constant 1200 : index
    %get3A_302 = tpu.vector_load %arg4[%get3A_301] {strides = array<i32>} : memref<2048xf32, #tpu.memory_space<vmem>>, vector<16xf32>,
    %get3A_303 = vector.shape_cast %get3A_302 : vector<16xf32> to vector<16xf32>
    %add3A_304 = arith.addf %add3A_300, %get3A_303 : vector<16xf32>
    %get3A_305 = arith.constant 1216 : index
    %get3A_306 = tpu.vector_load %arg4[%get3A_305] {strides = array<i32>} : memref<2048xf32, #tpu.memory_space<vmem>>, vector<16xf32>,
    %get3A_307 = vector.shape_cast %get3A_306 : vector<16xf32> to vector<16xf32>
    %add3A_308 = arith.addf %add3A_304, %get3A_307 : vector<16xf32>
    %get3A_309 = arith.constant 1232 : index
    %get3A_310 = tpu.vector_load %arg4[%get3A_309] {strides = array<i32>} : memref<2048xf32, #tpu.memory_space<vmem>>, vector<16xf32>,
    %get3A_311 = vector.shape_cast %get3A_310 : vector<16xf32> to vector<16xf32>
    %add3A_312 = arith.addf %add3A_308, %get3A_311 : vector<16xf32>
    %get3A_313 = arith.constant 1248 : index
    %get3A_314 = tpu.vector_load %arg4[%get3A_313] {strides = array<i32>} : memref<2048xf32, #tpu.memory_space<vmem>>, vector<16xf32>,
    %get3A_315 = vector.shape_cast %get3A_314 : vector<16xf32> to vector<16xf32>
    %add3A_316 = arith.addf %add3A_312, %get3A_315 : vector<16xf32>
    %get3A_317 = arith.constant 1264 : index
    %get3A_318 = tpu.vector_load %arg4[%get3A_317] {strides = array<i32>} : memref<2048xf32, #tpu.memory_space<vmem>>, vector<16xf32>,
    %get3A_319 = vector.shape_cast %get3A_318 : vector<16xf32> to vector<16xf32>
    %add3A_320 = arith.addf %add3A_316, %get3A_319 : vector<16xf32>
    %get3A_321 = arith.constant 1280 : index
    %get3A_322 = tpu.vector_load %arg4[%get3A_321] {strides = array<i32>} : memref<2048xf32, #tpu.memory_space<vmem>>, vector<16xf32>,
    %get3A_323 = vector.shape_cast %get3A_322 : vector<16xf32> to vector<16xf32>
    %add3A_324 = arith.addf %add3A_320, %get3A_323 : vector<16xf32>
    %get3A_325 = arith.constant 1296 : index
    %get3A_326 = tpu.vector_load %arg4[%get3A_325] {strides = array<i32>} : memref<2048xf32, #tpu.memory_space<vmem>>, vector<16xf32>,
    %get3A_327 = vector.shape_cast %get3A_326 : vector<16xf32> to vector<16xf32>
    %add3A_328 = arith.addf %add3A_324, %get3A_327 : vector<16xf32>
    %get3A_329 = arith.constant 1312 : index
    %get3A_330 = tpu.vector_load %arg4[%get3A_329] {strides = array<i32>} : memref<2048xf32, #tpu.memory_space<vmem>>, vector<16xf32>,
    %get3A_331 = vector.shape_cast %get3A_330 : vector<16xf32> to vector<16xf32>
    %add3A_332 = arith.addf %add3A_328, %get3A_331 : vector<16xf32>
    %get3A_333 = arith.constant 1328 : index
    %get3A_334 = tpu.vector_load %arg4[%get3A_333] {strides = array<i32>} : memref<2048xf32, #tpu.memory_space<vmem>>, vector<16xf32>,
    %get3A_335 = vector.shape_cast %get3A_334 : vector<16xf32> to vector<16xf32>
    %add3A_336 = arith.addf %add3A_332, %get3A_335 : vector<16xf32>
    %get3A_337 = arith.constant 1344 : index
    %get3A_338 = tpu.vector_load %arg4[%get3A_337] {strides = array<i32>} : memref<2048xf32, #tpu.memory_space<vmem>>, vector<16xf32>,
    %get3A_339 = vector.shape_cast %get3A_338 : vector<16xf32> to vector<16xf32>
    %add3A_340 = arith.addf %add3A_336, %get3A_339 : vector<16xf32>
    %get3A_341 = arith.constant 1360 : index
    %get3A_342 = tpu.vector_load %arg4[%get3A_341] {strides = array<i32>} : memref<2048xf32, #tpu.memory_space<vmem>>, vector<16xf32>,
    %get3A_343 = vector.shape_cast %get3A_342 : vector<16xf32> to vector<16xf32>
    %add3A_344 = arith.addf %add3A_340, %get3A_343 : vector<16xf32>
    %get3A_345 = arith.constant 1376 : index
    %get3A_346 = tpu.vector_load %arg4[%get3A_345] {strides = array<i32>} : memref<2048xf32, #tpu.memory_space<vmem>>, vector<16xf32>,
    %get3A_347 = vector.shape_cast %get3A_346 : vector<16xf32> to vector<16xf32>
    %add3A_348 = arith.addf %add3A_344, %get3A_347 : vector<16xf32>
    %get3A_349 = arith.constant 1392 : index
    %get3A_350 = tpu.vector_load %arg4[%get3A_349] {strides = array<i32>} : memref<2048xf32, #tpu.memory_space<vmem>>, vector<16xf32>,
    %get3A_351 = vector.shape_cast %get3A_350 : vector<16xf32> to vector<16xf32>
    %add3A_352 = arith.addf %add3A_348, %get3A_351 : vector<16xf32>
    %get3A_353 = arith.constant 1408 : index
    %get3A_354 = tpu.vector_load %arg4[%get3A_353] {strides = array<i32>} : memref<2048xf32, #tpu.memory_space<vmem>>, vector<16xf32>,
    %get3A_355 = vector.shape_cast %get3A_354 : vector<16xf32> to vector<16xf32>
    %add3A_356 = arith.addf %add3A_352, %get3A_355 : vector<16xf32>
    %get3A_357 = arith.constant 1424 : index
    %get3A_358 = tpu.vector_load %arg4[%get3A_357] {strides = array<i32>} : memref<2048xf32, #tpu.memory_space<vmem>>, vector<16xf32>,
    %get3A_359 = vector.shape_cast %get3A_358 : vector<16xf32> to vector<16xf32>
    %add3A_360 = arith.addf %add3A_356, %get3A_359 : vector<16xf32>
    %get3A_361 = arith.constant 1440 : index
    %get3A_362 = tpu.vector_load %arg4[%get3A_361] {strides = array<i32>} : memref<2048xf32, #tpu.memory_space<vmem>>, vector<16xf32>,
    %get3A_363 = vector.shape_cast %get3A_362 : vector<16xf32> to vector<16xf32>
    %add3A_364 = arith.addf %add3A_360, %get3A_363 : vector<16xf32>
    %get3A_365 = arith.constant 1456 : index
    %get3A_366 = tpu.vector_load %arg4[%get3A_365] {strides = array<i32>} : memref<2048xf32, #tpu.memory_space<vmem>>, vector<16xf32>,
    %get3A_367 = vector.shape_cast %get3A_366 : vector<16xf32> to vector<16xf32>
    %add3A_368 = arith.addf %add3A_364, %get3A_367 : vector<16xf32>
    %get3A_369 = arith.constant 1472 : index
    %get3A_370 = tpu.vector_load %arg4[%get3A_369] {strides = array<i32>} : memref<2048xf32, #tpu.memory_space<vmem>>, vector<16xf32>,
    %get3A_371 = vector.shape_cast %get3A_370 : vector<16xf32> to vector<16xf32>
    %add3A_372 = arith.addf %add3A_368, %get3A_371 : vector<16xf32>
    %get3A_373 = arith.constant 1488 : index
    %get3A_374 = tpu.vector_load %arg4[%get3A_373] {strides = array<i32>} : memref<2048xf32, #tpu.memory_space<vmem>>, vector<16xf32>,
    %get3A_375 = vector.shape_cast %get3A_374 : vector<16xf32> to vector<16xf32>
    %add3A_376 = arith.addf %add3A_372, %get3A_375 : vector<16xf32>
    %get3A_377 = arith.constant 1504 : index
    %get3A_378 = tpu.vector_load %arg4[%get3A_377] {strides = array<i32>} : memref<2048xf32, #tpu.memory_space<vmem>>, vector<16xf32>,
    %get3A_379 = vector.shape_cast %get3A_378 : vector<16xf32> to vector<16xf32>
    %add3A_380 = arith.addf %add3A_376, %get3A_379 : vector<16xf32>
    %get3A_381 = arith.constant 1520 : index
    %get3A_382 = tpu.vector_load %arg4[%get3A_381] {strides = array<i32>} : memref<2048xf32, #tpu.memory_space<vmem>>, vector<16xf32>,
    %get3A_383 = vector.shape_cast %get3A_382 : vector<16xf32> to vector<16xf32>
    %add3A_384 = arith.addf %add3A_380, %get3A_383 : vector<16xf32>
    %get3A_385 = arith.constant 1536 : index
    %get3A_386 = tpu.vector_load %arg4[%get3A_385] {strides = array<i32>} : memref<2048xf32, #tpu.memory_space<vmem>>, vector<16xf32>,
    %get3A_387 = vector.shape_cast %get3A_386 : vector<16xf32> to vector<16xf32>
    %add3A_388 = arith.addf %add3A_384, %get3A_387 : vector<16xf32>
    %get3A_389 = arith.constant 1552 : index
    %get3A_390 = tpu.vector_load %arg4[%get3A_389] {strides = array<i32>} : memref<2048xf32, #tpu.memory_space<vmem>>, vector<16xf32>,
    %get3A_391 = vector.shape_cast %get3A_390 : vector<16xf32> to vector<16xf32>
    %add3A_392 = arith.addf %add3A_388, %get3A_391 : vector<16xf32>
    %get3A_393 = arith.constant 1568 : index
    %get3A_394 = tpu.vector_load %arg4[%get3A_393] {strides = array<i32>} : memref<2048xf32, #tpu.memory_space<vmem>>, vector<16xf32>,
    %get3A_395 = vector.shape_cast %get3A_394 : vector<16xf32> to vector<16xf32>
    %add3A_396 = arith.addf %add3A_392, %get3A_395 : vector<16xf32>
    %get3A_397 = arith.constant 1584 : index
    %get3A_398 = tpu.vector_load %arg4[%get3A_397] {strides = array<i32>} : memref<2048xf32, #tpu.memory_space<vmem>>, vector<16xf32>,
    %get3A_399 = vector.shape_cast %get3A_398 : vector<16xf32> to vector<16xf32>
    %add3A_400 = arith.addf %add3A_396, %get3A_399 : vector<16xf32>
    %get3A_401 = arith.constant 1600 : index
    %get3A_402 = tpu.vector_load %arg4[%get3A_401] {strides = array<i32>} : memref<2048xf32, #tpu.memory_space<vmem>>, vector<16xf32>,
    %get3A_403 = vector.shape_cast %get3A_402 : vector<16xf32> to vector<16xf32>
    %add3A_404 = arith.addf %add3A_400, %get3A_403 : vector<16xf32>
    %get3A_405 = arith.constant 1616 : index
    %get3A_406 = tpu.vector_load %arg4[%get3A_405] {strides = array<i32>} : memref<2048xf32, #tpu.memory_space<vmem>>, vector<16xf32>,
    %get3A_407 = vector.shape_cast %get3A_406 : vector<16xf32> to vector<16xf32>
    %add3A_408 = arith.addf %add3A_404, %get3A_407 : vector<16xf32>
    %get3A_409 = arith.constant 1632 : index
    %get3A_410 = tpu.vector_load %arg4[%get3A_409] {strides = array<i32>} : memref<2048xf32, #tpu.memory_space<vmem>>, vector<16xf32>,
    %get3A_411 = vector.shape_cast %get3A_410 : vector<16xf32> to vector<16xf32>
    %add3A_412 = arith.addf %add3A_408, %get3A_411 : vector<16xf32>
    %get3A_413 = arith.constant 1648 : index
    %get3A_414 = tpu.vector_load %arg4[%get3A_413] {strides = array<i32>} : memref<2048xf32, #tpu.memory_space<vmem>>, vector<16xf32>,
    %get3A_415 = vector.shape_cast %get3A_414 : vector<16xf32> to vector<16xf32>
    %add3A_416 = arith.addf %add3A_412, %get3A_415 : vector<16xf32>
    %get3A_417 = arith.constant 1664 : index
    %get3A_418 = tpu.vector_load %arg4[%get3A_417] {strides = array<i32>} : memref<2048xf32, #tpu.memory_space<vmem>>, vector<16xf32>,
    %get3A_419 = vector.shape_cast %get3A_418 : vector<16xf32> to vector<16xf32>
    %add3A_420 = arith.addf %add3A_416, %get3A_419 : vector<16xf32>
    %get3A_421 = arith.constant 1680 : index
    %get3A_422 = tpu.vector_load %arg4[%get3A_421] {strides = array<i32>} : memref<2048xf32, #tpu.memory_space<vmem>>, vector<16xf32>,
    %get3A_423 = vector.shape_cast %get3A_422 : vector<16xf32> to vector<16xf32>
    %add3A_424 = arith.addf %add3A_420, %get3A_423 : vector<16xf32>
    %get3A_425 = arith.constant 1696 : index
    %get3A_426 = tpu.vector_load %arg4[%get3A_425] {strides = array<i32>} : memref<2048xf32, #tpu.memory_space<vmem>>, vector<16xf32>,
    %get3A_427 = vector.shape_cast %get3A_426 : vector<16xf32> to vector<16xf32>
    %add3A_428 = arith.addf %add3A_424, %get3A_427 : vector<16xf32>
    %get3A_429 = arith.constant 1712 : index
    %get3A_430 = tpu.vector_load %arg4[%get3A_429] {strides = array<i32>} : memref<2048xf32, #tpu.memory_space<vmem>>, vector<16xf32>,
    %get3A_431 = vector.shape_cast %get3A_430 : vector<16xf32> to vector<16xf32>
    %add3A_432 = arith.addf %add3A_428, %get3A_431 : vector<16xf32>
    %get3A_433 = arith.constant 1728 : index
    %get3A_434 = tpu.vector_load %arg4[%get3A_433] {strides = array<i32>} : memref<2048xf32, #tpu.memory_space<vmem>>, vector<16xf32>,
    %get3A_435 = vector.shape_cast %get3A_434 : vector<16xf32> to vector<16xf32>
    %add3A_436 = arith.addf %add3A_432, %get3A_435 : vector<16xf32>
    %get3A_437 = arith.constant 1744 : index
    %get3A_438 = tpu.vector_load %arg4[%get3A_437] {strides = array<i32>} : memref<2048xf32, #tpu.memory_space<vmem>>, vector<16xf32>,
    %get3A_439 = vector.shape_cast %get3A_438 : vector<16xf32> to vector<16xf32>
    %add3A_440 = arith.addf %add3A_436, %get3A_439 : vector<16xf32>
    %get3A_441 = arith.constant 1760 : index
    %get3A_442 = tpu.vector_load %arg4[%get3A_441] {strides = array<i32>} : memref<2048xf32, #tpu.memory_space<vmem>>, vector<16xf32>,
    %get3A_443 = vector.shape_cast %get3A_442 : vector<16xf32> to vector<16xf32>
    %add3A_444 = arith.addf %add3A_440, %get3A_443 : vector<16xf32>
    %get3A_445 = arith.constant 1776 : index
    %get3A_446 = tpu.vector_load %arg4[%get3A_445] {strides = array<i32>} : memref<2048xf32, #tpu.memory_space<vmem>>, vector<16xf32>,
    %get3A_447 = vector.shape_cast %get3A_446 : vector<16xf32> to vector<16xf32>
    %add3A_448 = arith.addf %add3A_444, %get3A_447 : vector<16xf32>
    %get3A_449 = arith.constant 1792 : index
    %get3A_450 = tpu.vector_load %arg4[%get3A_449] {strides = array<i32>} : memref<2048xf32, #tpu.memory_space<vmem>>, vector<16xf32>,
    %get3A_451 = vector.shape_cast %get3A_450 : vector<16xf32> to vector<16xf32>
    %add3A_452 = arith.addf %add3A_448, %get3A_451 : vector<16xf32>
    %get3A_453 = arith.constant 1808 : index
    %get3A_454 = tpu.vector_load %arg4[%get3A_453] {strides = array<i32>} : memref<2048xf32, #tpu.memory_space<vmem>>, vector<16xf32>,
    %get3A_455 = vector.shape_cast %get3A_454 : vector<16xf32> to vector<16xf32>
    %add3A_456 = arith.addf %add3A_452, %get3A_455 : vector<16xf32>
    %get3A_457 = arith.constant 1824 : index
    %get3A_458 = tpu.vector_load %arg4[%get3A_457] {strides = array<i32>} : memref<2048xf32, #tpu.memory_space<vmem>>, vector<16xf32>,
    %get3A_459 = vector.shape_cast %get3A_458 : vector<16xf32> to vector<16xf32>
    %add3A_460 = arith.addf %add3A_456, %get3A_459 : vector<16xf32>
    %get3A_461 = arith.constant 1840 : index
    %get3A_462 = tpu.vector_load %arg4[%get3A_461] {strides = array<i32>} : memref<2048xf32, #tpu.memory_space<vmem>>, vector<16xf32>,
    %get3A_463 = vector.shape_cast %get3A_462 : vector<16xf32> to vector<16xf32>
    %add3A_464 = arith.addf %add3A_460, %get3A_463 : vector<16xf32>
    %get3A_465 = arith.constant 1856 : index
    %get3A_466 = tpu.vector_load %arg4[%get3A_465] {strides = array<i32>} : memref<2048xf32, #tpu.memory_space<vmem>>, vector<16xf32>,
    %get3A_467 = vector.shape_cast %get3A_466 : vector<16xf32> to vector<16xf32>
    %add3A_468 = arith.addf %add3A_464, %get3A_467 : vector<16xf32>
    %get3A_469 = arith.constant 1872 : index
    %get3A_470 = tpu.vector_load %arg4[%get3A_469] {strides = array<i32>} : memref<2048xf32, #tpu.memory_space<vmem>>, vector<16xf32>,
    %get3A_471 = vector.shape_cast %get3A_470 : vector<16xf32> to vector<16xf32>
    %add3A_472 = arith.addf %add3A_468, %get3A_471 : vector<16xf32>
    %get3A_473 = arith.constant 1888 : index
    %get3A_474 = tpu.vector_load %arg4[%get3A_473] {strides = array<i32>} : memref<2048xf32, #tpu.memory_space<vmem>>, vector<16xf32>,
    %get3A_475 = vector.shape_cast %get3A_474 : vector<16xf32> to vector<16xf32>
    %add3A_476 = arith.addf %add3A_472, %get3A_475 : vector<16xf32>
    %get3A_477 = arith.constant 1904 : index
    %get3A_478 = tpu.vector_load %arg4[%get3A_477] {strides = array<i32>} : memref<2048xf32, #tpu.memory_space<vmem>>, vector<16xf32>,
    %get3A_479 = vector.shape_cast %get3A_478 : vector<16xf32> to vector<16xf32>
    %add3A_480 = arith.addf %add3A_476, %get3A_479 : vector<16xf32>
    %get3A_481 = arith.constant 1920 : index
    %get3A_482 = tpu.vector_load %arg4[%get3A_481] {strides = array<i32>} : memref<2048xf32, #tpu.memory_space<vmem>>, vector<16xf32>,
    %get3A_483 = vector.shape_cast %get3A_482 : vector<16xf32> to vector<16xf32>
    %add3A_484 = arith.addf %add3A_480, %get3A_483 : vector<16xf32>
    %get3A_485 = arith.constant 1936 : index
    %get3A_486 = tpu.vector_load %arg4[%get3A_485] {strides = array<i32>} : memref<2048xf32, #tpu.memory_space<vmem>>, vector<16xf32>,
    %get3A_487 = vector.shape_cast %get3A_486 : vector<16xf32> to vector<16xf32>
    %add3A_488 = arith.addf %add3A_484, %get3A_487 : vector<16xf32>
    %get3A_489 = arith.constant 1952 : index
    %get3A_490 = tpu.vector_load %arg4[%get3A_489] {strides = array<i32>} : memref<2048xf32, #tpu.memory_space<vmem>>, vector<16xf32>,
    %get3A_491 = vector.shape_cast %get3A_490 : vector<16xf32> to vector<16xf32>
    %add3A_492 = arith.addf %add3A_488, %get3A_491 : vector<16xf32>
    %get3A_493 = arith.constant 1968 : index
    %get3A_494 = tpu.vector_load %arg4[%get3A_493] {strides = array<i32>} : memref<2048xf32, #tpu.memory_space<vmem>>, vector<16xf32>,
    %get3A_495 = vector.shape_cast %get3A_494 : vector<16xf32> to vector<16xf32>
    %add3A_496 = arith.addf %add3A_492, %get3A_495 : vector<16xf32>
    %get3A_497 = arith.constant 1984 : index
    %get3A_498 = tpu.vector_load %arg4[%get3A_497] {strides = array<i32>} : memref<2048xf32, #tpu.memory_space<vmem>>, vector<16xf32>,
    %get3A_499 = vector.shape_cast %get3A_498 : vector<16xf32> to vector<16xf32>
    %add3A_500 = arith.addf %add3A_496, %get3A_499 : vector<16xf32>
    %get3A_501 = arith.constant 2000 : index
    %get3A_502 = tpu.vector_load %arg4[%get3A_501] {strides = array<i32>} : memref<2048xf32, #tpu.memory_space<vmem>>, vector<16xf32>,
    %get3A_503 = vector.shape_cast %get3A_502 : vector<16xf32> to vector<16xf32>
    %add3A_504 = arith.addf %add3A_500, %get3A_503 : vector<16xf32>
    %get3A_505 = arith.constant 2016 : index
    %get3A_506 = tpu.vector_load %arg4[%get3A_505] {strides = array<i32>} : memref<2048xf32, #tpu.memory_space<vmem>>, vector<16xf32>,
    %get3A_507 = vector.shape_cast %get3A_506 : vector<16xf32> to vector<16xf32>
    %add3A_508 = arith.addf %add3A_504, %get3A_507 : vector<16xf32>
    %get3A_509 = arith.constant 2032 : index
    %get3A_510 = tpu.vector_load %arg4[%get3A_509] {strides = array<i32>} : memref<2048xf32, #tpu.memory_space<vmem>>, vector<16xf32>,
    %get3A_511 = vector.shape_cast %get3A_510 : vector<16xf32> to vector<16xf32>
    %add3A_512 = arith.addf %add3A_508, %get3A_511 : vector<16xf32>
    %slice3A = vector.extract_strided_slice %add3A_512 {offsets = [0], sizes = [1], strides = [1]} : vector<16xf32> to vector<1xf32>
    %squeeze3A = vector.extract %slice3A[0] : f32 from vector<1xf32>
    %slice3A_513 = vector.extract_strided_slice %add3A_512 {offsets = [1], sizes = [1], strides = [1]} : vector<16xf32> to vector<1xf32>
    %squeeze3A_514 = vector.extract %slice3A_513[0] : f32 from vector<1xf32>
    %add3A_515 = arith.addf %squeeze3A, %squeeze3A_514 : f32
    %slice3A_516 = vector.extract_strided_slice %add3A_512 {offsets = [2], sizes = [1], strides = [1]} : vector<16xf32> to vector<1xf32>
    %squeeze3A_517 = vector.extract %slice3A_516[0] : f32 from vector<1xf32>
    %add3A_518 = arith.addf %add3A_515, %squeeze3A_517 : f32
    %slice3A_519 = vector.extract_strided_slice %add3A_512 {offsets = [3], sizes = [1], strides = [1]} : vector<16xf32> to vector<1xf32>
    %squeeze3A_520 = vector.extract %slice3A_519[0] : f32 from vector<1xf32>
    %add3A_521 = arith.addf %add3A_518, %squeeze3A_520 : f32
    %slice3A_522 = vector.extract_strided_slice %add3A_512 {offsets = [4], sizes = [1], strides = [1]} : vector<16xf32> to vector<1xf32>
    %squeeze3A_523 = vector.extract %slice3A_522[0] : f32 from vector<1xf32>
    %add3A_524 = arith.addf %add3A_521, %squeeze3A_523 : f32
    %slice3A_525 = vector.extract_strided_slice %add3A_512 {offsets = [5], sizes = [1], strides = [1]} : vector<16xf32> to vector<1xf32>
    %squeeze3A_526 = vector.extract %slice3A_525[0] : f32 from vector<1xf32>
    %add3A_527 = arith.addf %add3A_524, %squeeze3A_526 : f32
    %slice3A_528 = vector.extract_strided_slice %add3A_512 {offsets = [6], sizes = [1], strides = [1]} : vector<16xf32> to vector<1xf32>
    %squeeze3A_529 = vector.extract %slice3A_528[0] : f32 from vector<1xf32>
    %add3A_530 = arith.addf %add3A_527, %squeeze3A_529 : f32
    %slice3A_531 = vector.extract_strided_slice %add3A_512 {offsets = [7], sizes = [1], strides = [1]} : vector<16xf32> to vector<1xf32>
    %squeeze3A_532 = vector.extract %slice3A_531[0] : f32 from vector<1xf32>
    %add3A_533 = arith.addf %add3A_530, %squeeze3A_532 : f32
    %slice3A_534 = vector.extract_strided_slice %add3A_512 {offsets = [8], sizes = [1], strides = [1]} : vector<16xf32> to vector<1xf32>
    %squeeze3A_535 = vector.extract %slice3A_534[0] : f32 from vector<1xf32>
    %add3A_536 = arith.addf %add3A_533, %squeeze3A_535 : f32
    %slice3A_537 = vector.extract_strided_slice %add3A_512 {offsets = [9], sizes = [1], strides = [1]} : vector<16xf32> to vector<1xf32>
    %squeeze3A_538 = vector.extract %slice3A_537[0] : f32 from vector<1xf32>
    %add3A_539 = arith.addf %add3A_536, %squeeze3A_538 : f32
    %slice3A_540 = vector.extract_strided_slice %add3A_512 {offsets = [10], sizes = [1], strides = [1]} : vector<16xf32> to vector<1xf32>
    %squeeze3A_541 = vector.extract %slice3A_540[0] : f32 from vector<1xf32>
    %add3A_542 = arith.addf %add3A_539, %squeeze3A_541 : f32
    %slice3A_543 = vector.extract_strided_slice %add3A_512 {offsets = [11], sizes = [1], strides = [1]} : vector<16xf32> to vector<1xf32>
    %squeeze3A_544 = vector.extract %slice3A_543[0] : f32 from vector<1xf32>
    %add3A_545 = arith.addf %add3A_542, %squeeze3A_544 : f32
    %slice3A_546 = vector.extract_strided_slice %add3A_512 {offsets = [12], sizes = [1], strides = [1]} : vector<16xf32> to vector<1xf32>
    %squeeze3A_547 = vector.extract %slice3A_546[0] : f32 from vector<1xf32>
    %add3A_548 = arith.addf %add3A_545, %squeeze3A_547 : f32
    %slice3A_549 = vector.extract_strided_slice %add3A_512 {offsets = [13], sizes = [1], strides = [1]} : vector<16xf32> to vector<1xf32>
    %squeeze3A_550 = vector.extract %slice3A_549[0] : f32 from vector<1xf32>
    %add3A_551 = arith.addf %add3A_548, %squeeze3A_550 : f32
    %slice3A_552 = vector.extract_strided_slice %add3A_512 {offsets = [14], sizes = [1], strides = [1]} : vector<16xf32> to vector<1xf32>
    %squeeze3A_553 = vector.extract %slice3A_552[0] : f32 from vector<1xf32>
    %add3A_554 = arith.addf %add3A_551, %squeeze3A_553 : f32
    %slice3A_555 = vector.extract_strided_slice %add3A_512 {offsets = [15], sizes = [1], strides = [1]} : vector<16xf32> to vector<1xf32>
    %squeeze3A_556 = vector.extract %slice3A_555[0] : f32 from vector<1xf32>
    %add3A_557 = arith.addf %add3A_554, %squeeze3A_556 : f32
    %mul3A_558 = arith.constant 4.8828125E-4 : f32
    %mul3A_559 = arith.mulf %add3A_557, %mul3A_558 : f32
    %broadcast_in_dim3A_560 = arith.constant 0 : i32
    %broadcast_in_dim3A_561 = vector.broadcast %broadcast_in_dim3A_560 : i32 to vector<16xi32>
    %get3A_562 = arith.constant 0 : index
    %get3A_563 = tpu.vector_load %arg4[%get3A_562] {strides = array<i32>} : memref<2048xf32, #tpu.memory_space<vmem>>, vector<16xf32>,
    %get3A_564 = vector.shape_cast %get3A_563 : vector<16xf32> to vector<16xf32>
    %gt3A = vector.broadcast %mul3A_559 : f32 to vector<16xf32>
    %gt3A_565 = arith.cmpf ogt, %get3A_564, %gt3A : vector<16xf32>
    %jit3A = arith.constant 1 : i32
    %jit3A_566 = arith.constant 0 : i32
    %broadcast_in_dim3A_567 = vector.broadcast %jit3A : i32 to vector<16xi32>
    %broadcast_in_dim3A_568 = vector.broadcast %jit3A_566 : i32 to vector<16xi32>
    %select_n3A = arith.select %gt3A_565, %broadcast_in_dim3A_567, %broadcast_in_dim3A_568 : vector<16xi1>, vector<16xi32>
    %add3A_569 = arith.addi %broadcast_in_dim3A_561, %select_n3A : vector<16xi32>
    %get3A_570 = arith.constant 16 : index
    %get3A_571 = tpu.vector_load %arg4[%get3A_570] {strides = array<i32>} : memref<2048xf32, #tpu.memory_space<vmem>>, vector<16xf32>,
    %get3A_572 = vector.shape_cast %get3A_571 : vector<16xf32> to vector<16xf32>
    %gt3A_573 = vector.broadcast %mul3A_559 : f32 to vector<16xf32>
    %gt3A_574 = arith.cmpf ogt, %get3A_572, %gt3A_573 : vector<16xf32>
    %jit3A_575 = arith.constant 1 : i32
    %jit3A_576 = arith.constant 0 : i32
    %broadcast_in_dim3A_577 = vector.broadcast %jit3A_575 : i32 to vector<16xi32>
    %broadcast_in_dim3A_578 = vector.broadcast %jit3A_576 : i32 to vector<16xi32>
    %select_n3A_579 = arith.select %gt3A_574, %broadcast_in_dim3A_577, %broadcast_in_dim3A_578 : vector<16xi1>, vector<16xi32>
    %add3A_580 = arith.addi %add3A_569, %select_n3A_579 : vector<16xi32>
    %get3A_581 = arith.constant 32 : index
    %get3A_582 = tpu.vector_load %arg4[%get3A_581] {strides = array<i32>} : memref<2048xf32, #tpu.memory_space<vmem>>, vector<16xf32>,
    %get3A_583 = vector.shape_cast %get3A_582 : vector<16xf32> to vector<16xf32>
    %gt3A_584 = vector.broadcast %mul3A_559 : f32 to vector<16xf32>
    %gt3A_585 = arith.cmpf ogt, %get3A_583, %gt3A_584 : vector<16xf32>
    %jit3A_586 = arith.constant 1 : i32
    %jit3A_587 = arith.constant 0 : i32
    %broadcast_in_dim3A_588 = vector.broadcast %jit3A_586 : i32 to vector<16xi32>
    %broadcast_in_dim3A_589 = vector.broadcast %jit3A_587 : i32 to vector<16xi32>
    %select_n3A_590 = arith.select %gt3A_585, %broadcast_in_dim3A_588, %broadcast_in_dim3A_589 : vector<16xi1>, vector<16xi32>
    %add3A_591 = arith.addi %add3A_580, %select_n3A_590 : vector<16xi32>
    %get3A_592 = arith.constant 48 : index
    %get3A_593 = tpu.vector_load %arg4[%get3A_592] {strides = array<i32>} : memref<2048xf32, #tpu.memory_space<vmem>>, vector<16xf32>,
    %get3A_594 = vector.shape_cast %get3A_593 : vector<16xf32> to vector<16xf32>
    %gt3A_595 = vector.broadcast %mul3A_559 : f32 to vector<16xf32>
    %gt3A_596 = arith.cmpf ogt, %get3A_594, %gt3A_595 : vector<16xf32>
    %jit3A_597 = arith.constant 1 : i32
    %jit3A_598 = arith.constant 0 : i32
    %broadcast_in_dim3A_599 = vector.broadcast %jit3A_597 : i32 to vector<16xi32>
    %broadcast_in_dim3A_600 = vector.broadcast %jit3A_598 : i32 to vector<16xi32>
    %select_n3A_601 = arith.select %gt3A_596, %broadcast_in_dim3A_599, %broadcast_in_dim3A_600 : vector<16xi1>, vector<16xi32>
    %add3A_602 = arith.addi %add3A_591, %select_n3A_601 : vector<16xi32>
    %get3A_603 = arith.constant 64 : index
    %get3A_604 = tpu.vector_load %arg4[%get3A_603] {strides = array<i32>} : memref<2048xf32, #tpu.memory_space<vmem>>, vector<16xf32>,
    %get3A_605 = vector.shape_cast %get3A_604 : vector<16xf32> to vector<16xf32>
    %gt3A_606 = vector.broadcast %mul3A_559 : f32 to vector<16xf32>
    %gt3A_607 = arith.cmpf ogt, %get3A_605, %gt3A_606 : vector<16xf32>
    %jit3A_608 = arith.constant 1 : i32
    %jit3A_609 = arith.constant 0 : i32
    %broadcast_in_dim3A_610 = vector.broadcast %jit3A_608 : i32 to vector<16xi32>
    %broadcast_in_dim3A_611 = vector.broadcast %jit3A_609 : i32 to vector<16xi32>
    %select_n3A_612 = arith.select %gt3A_607, %broadcast_in_dim3A_610, %broadcast_in_dim3A_611 : vector<16xi1>, vector<16xi32>
    %add3A_613 = arith.addi %add3A_602, %select_n3A_612 : vector<16xi32>
    %get3A_614 = arith.constant 80 : index
    %get3A_615 = tpu.vector_load %arg4[%get3A_614] {strides = array<i32>} : memref<2048xf32, #tpu.memory_space<vmem>>, vector<16xf32>,
    %get3A_616 = vector.shape_cast %get3A_615 : vector<16xf32> to vector<16xf32>
    %gt3A_617 = vector.broadcast %mul3A_559 : f32 to vector<16xf32>
    %gt3A_618 = arith.cmpf ogt, %get3A_616, %gt3A_617 : vector<16xf32>
    %jit3A_619 = arith.constant 1 : i32
    %jit3A_620 = arith.constant 0 : i32
    %broadcast_in_dim3A_621 = vector.broadcast %jit3A_619 : i32 to vector<16xi32>
    %broadcast_in_dim3A_622 = vector.broadcast %jit3A_620 : i32 to vector<16xi32>
    %select_n3A_623 = arith.select %gt3A_618, %broadcast_in_dim3A_621, %broadcast_in_dim3A_622 : vector<16xi1>, vector<16xi32>
    %add3A_624 = arith.addi %add3A_613, %select_n3A_623 : vector<16xi32>
    %get3A_625 = arith.constant 96 : index
    %get3A_626 = tpu.vector_load %arg4[%get3A_625] {strides = array<i32>} : memref<2048xf32, #tpu.memory_space<vmem>>, vector<16xf32>,
    %get3A_627 = vector.shape_cast %get3A_626 : vector<16xf32> to vector<16xf32>
    %gt3A_628 = vector.broadcast %mul3A_559 : f32 to vector<16xf32>
    %gt3A_629 = arith.cmpf ogt, %get3A_627, %gt3A_628 : vector<16xf32>
    %jit3A_630 = arith.constant 1 : i32
    %jit3A_631 = arith.constant 0 : i32
    %broadcast_in_dim3A_632 = vector.broadcast %jit3A_630 : i32 to vector<16xi32>
    %broadcast_in_dim3A_633 = vector.broadcast %jit3A_631 : i32 to vector<16xi32>
    %select_n3A_634 = arith.select %gt3A_629, %broadcast_in_dim3A_632, %broadcast_in_dim3A_633 : vector<16xi1>, vector<16xi32>
    %add3A_635 = arith.addi %add3A_624, %select_n3A_634 : vector<16xi32>
    %get3A_636 = arith.constant 112 : index
    %get3A_637 = tpu.vector_load %arg4[%get3A_636] {strides = array<i32>} : memref<2048xf32, #tpu.memory_space<vmem>>, vector<16xf32>,
    %get3A_638 = vector.shape_cast %get3A_637 : vector<16xf32> to vector<16xf32>
    %gt3A_639 = vector.broadcast %mul3A_559 : f32 to vector<16xf32>
    %gt3A_640 = arith.cmpf ogt, %get3A_638, %gt3A_639 : vector<16xf32>
    %jit3A_641 = arith.constant 1 : i32
    %jit3A_642 = arith.constant 0 : i32
    %broadcast_in_dim3A_643 = vector.broadcast %jit3A_641 : i32 to vector<16xi32>
    %broadcast_in_dim3A_644 = vector.broadcast %jit3A_642 : i32 to vector<16xi32>
    %select_n3A_645 = arith.select %gt3A_640, %broadcast_in_dim3A_643, %broadcast_in_dim3A_644 : vector<16xi1>, vector<16xi32>
    %add3A_646 = arith.addi %add3A_635, %select_n3A_645 : vector<16xi32>
    %get3A_647 = arith.constant 128 : index
    %get3A_648 = tpu.vector_load %arg4[%get3A_647] {strides = array<i32>} : memref<2048xf32, #tpu.memory_space<vmem>>, vector<16xf32>,
    %get3A_649 = vector.shape_cast %get3A_648 : vector<16xf32> to vector<16xf32>
    %gt3A_650 = vector.broadcast %mul3A_559 : f32 to vector<16xf32>
    %gt3A_651 = arith.cmpf ogt, %get3A_649, %gt3A_650 : vector<16xf32>
    %jit3A_652 = arith.constant 1 : i32
    %jit3A_653 = arith.constant 0 : i32
    %broadcast_in_dim3A_654 = vector.broadcast %jit3A_652 : i32 to vector<16xi32>
    %broadcast_in_dim3A_655 = vector.broadcast %jit3A_653 : i32 to vector<16xi32>
    %select_n3A_656 = arith.select %gt3A_651, %broadcast_in_dim3A_654, %broadcast_in_dim3A_655 : vector<16xi1>, vector<16xi32>
    %add3A_657 = arith.addi %add3A_646, %select_n3A_656 : vector<16xi32>
    %get3A_658 = arith.constant 144 : index
    %get3A_659 = tpu.vector_load %arg4[%get3A_658] {strides = array<i32>} : memref<2048xf32, #tpu.memory_space<vmem>>, vector<16xf32>,
    %get3A_660 = vector.shape_cast %get3A_659 : vector<16xf32> to vector<16xf32>
    %gt3A_661 = vector.broadcast %mul3A_559 : f32 to vector<16xf32>
    %gt3A_662 = arith.cmpf ogt, %get3A_660, %gt3A_661 : vector<16xf32>
    %jit3A_663 = arith.constant 1 : i32
    %jit3A_664 = arith.constant 0 : i32
    %broadcast_in_dim3A_665 = vector.broadcast %jit3A_663 : i32 to vector<16xi32>
    %broadcast_in_dim3A_666 = vector.broadcast %jit3A_664 : i32 to vector<16xi32>
    %select_n3A_667 = arith.select %gt3A_662, %broadcast_in_dim3A_665, %broadcast_in_dim3A_666 : vector<16xi1>, vector<16xi32>
    %add3A_668 = arith.addi %add3A_657, %select_n3A_667 : vector<16xi32>
    %get3A_669 = arith.constant 160 : index
    %get3A_670 = tpu.vector_load %arg4[%get3A_669] {strides = array<i32>} : memref<2048xf32, #tpu.memory_space<vmem>>, vector<16xf32>,
    %get3A_671 = vector.shape_cast %get3A_670 : vector<16xf32> to vector<16xf32>
    %gt3A_672 = vector.broadcast %mul3A_559 : f32 to vector<16xf32>
    %gt3A_673 = arith.cmpf ogt, %get3A_671, %gt3A_672 : vector<16xf32>
    %jit3A_674 = arith.constant 1 : i32
    %jit3A_675 = arith.constant 0 : i32
    %broadcast_in_dim3A_676 = vector.broadcast %jit3A_674 : i32 to vector<16xi32>
    %broadcast_in_dim3A_677 = vector.broadcast %jit3A_675 : i32 to vector<16xi32>
    %select_n3A_678 = arith.select %gt3A_673, %broadcast_in_dim3A_676, %broadcast_in_dim3A_677 : vector<16xi1>, vector<16xi32>
    %add3A_679 = arith.addi %add3A_668, %select_n3A_678 : vector<16xi32>
    %get3A_680 = arith.constant 176 : index
    %get3A_681 = tpu.vector_load %arg4[%get3A_680] {strides = array<i32>} : memref<2048xf32, #tpu.memory_space<vmem>>, vector<16xf32>,
    %get3A_682 = vector.shape_cast %get3A_681 : vector<16xf32> to vector<16xf32>
    %gt3A_683 = vector.broadcast %mul3A_559 : f32 to vector<16xf32>
    %gt3A_684 = arith.cmpf ogt, %get3A_682, %gt3A_683 : vector<16xf32>
    %jit3A_685 = arith.constant 1 : i32
    %jit3A_686 = arith.constant 0 : i32
    %broadcast_in_dim3A_687 = vector.broadcast %jit3A_685 : i32 to vector<16xi32>
    %broadcast_in_dim3A_688 = vector.broadcast %jit3A_686 : i32 to vector<16xi32>
    %select_n3A_689 = arith.select %gt3A_684, %broadcast_in_dim3A_687, %broadcast_in_dim3A_688 : vector<16xi1>, vector<16xi32>
    %add3A_690 = arith.addi %add3A_679, %select_n3A_689 : vector<16xi32>
    %get3A_691 = arith.constant 192 : index
    %get3A_692 = tpu.vector_load %arg4[%get3A_691] {strides = array<i32>} : memref<2048xf32, #tpu.memory_space<vmem>>, vector<16xf32>,
    %get3A_693 = vector.shape_cast %get3A_692 : vector<16xf32> to vector<16xf32>
    %gt3A_694 = vector.broadcast %mul3A_559 : f32 to vector<16xf32>
    %gt3A_695 = arith.cmpf ogt, %get3A_693, %gt3A_694 : vector<16xf32>
    %jit3A_696 = arith.constant 1 : i32
    %jit3A_697 = arith.constant 0 : i32
    %broadcast_in_dim3A_698 = vector.broadcast %jit3A_696 : i32 to vector<16xi32>
    %broadcast_in_dim3A_699 = vector.broadcast %jit3A_697 : i32 to vector<16xi32>
    %select_n3A_700 = arith.select %gt3A_695, %broadcast_in_dim3A_698, %broadcast_in_dim3A_699 : vector<16xi1>, vector<16xi32>
    %add3A_701 = arith.addi %add3A_690, %select_n3A_700 : vector<16xi32>
    %get3A_702 = arith.constant 208 : index
    %get3A_703 = tpu.vector_load %arg4[%get3A_702] {strides = array<i32>} : memref<2048xf32, #tpu.memory_space<vmem>>, vector<16xf32>,
    %get3A_704 = vector.shape_cast %get3A_703 : vector<16xf32> to vector<16xf32>
    %gt3A_705 = vector.broadcast %mul3A_559 : f32 to vector<16xf32>
    %gt3A_706 = arith.cmpf ogt, %get3A_704, %gt3A_705 : vector<16xf32>
    %jit3A_707 = arith.constant 1 : i32
    %jit3A_708 = arith.constant 0 : i32
    %broadcast_in_dim3A_709 = vector.broadcast %jit3A_707 : i32 to vector<16xi32>
    %broadcast_in_dim3A_710 = vector.broadcast %jit3A_708 : i32 to vector<16xi32>
    %select_n3A_711 = arith.select %gt3A_706, %broadcast_in_dim3A_709, %broadcast_in_dim3A_710 : vector<16xi1>, vector<16xi32>
    %add3A_712 = arith.addi %add3A_701, %select_n3A_711 : vector<16xi32>
    %get3A_713 = arith.constant 224 : index
    %get3A_714 = tpu.vector_load %arg4[%get3A_713] {strides = array<i32>} : memref<2048xf32, #tpu.memory_space<vmem>>, vector<16xf32>,
    %get3A_715 = vector.shape_cast %get3A_714 : vector<16xf32> to vector<16xf32>
    %gt3A_716 = vector.broadcast %mul3A_559 : f32 to vector<16xf32>
    %gt3A_717 = arith.cmpf ogt, %get3A_715, %gt3A_716 : vector<16xf32>
    %jit3A_718 = arith.constant 1 : i32
    %jit3A_719 = arith.constant 0 : i32
    %broadcast_in_dim3A_720 = vector.broadcast %jit3A_718 : i32 to vector<16xi32>
    %broadcast_in_dim3A_721 = vector.broadcast %jit3A_719 : i32 to vector<16xi32>
    %select_n3A_722 = arith.select %gt3A_717, %broadcast_in_dim3A_720, %broadcast_in_dim3A_721 : vector<16xi1>, vector<16xi32>
    %add3A_723 = arith.addi %add3A_712, %select_n3A_722 : vector<16xi32>
    %get3A_724 = arith.constant 240 : index
    %get3A_725 = tpu.vector_load %arg4[%get3A_724] {strides = array<i32>} : memref<2048xf32, #tpu.memory_space<vmem>>, vector<16xf32>,
    %get3A_726 = vector.shape_cast %get3A_725 : vector<16xf32> to vector<16xf32>
    %gt3A_727 = vector.broadcast %mul3A_559 : f32 to vector<16xf32>
    %gt3A_728 = arith.cmpf ogt, %get3A_726, %gt3A_727 : vector<16xf32>
    %jit3A_729 = arith.constant 1 : i32
    %jit3A_730 = arith.constant 0 : i32
    %broadcast_in_dim3A_731 = vector.broadcast %jit3A_729 : i32 to vector<16xi32>
    %broadcast_in_dim3A_732 = vector.broadcast %jit3A_730 : i32 to vector<16xi32>
    %select_n3A_733 = arith.select %gt3A_728, %broadcast_in_dim3A_731, %broadcast_in_dim3A_732 : vector<16xi1>, vector<16xi32>
    %add3A_734 = arith.addi %add3A_723, %select_n3A_733 : vector<16xi32>
    %get3A_735 = arith.constant 256 : index
    %get3A_736 = tpu.vector_load %arg4[%get3A_735] {strides = array<i32>} : memref<2048xf32, #tpu.memory_space<vmem>>, vector<16xf32>,
    %get3A_737 = vector.shape_cast %get3A_736 : vector<16xf32> to vector<16xf32>
    %gt3A_738 = vector.broadcast %mul3A_559 : f32 to vector<16xf32>
    %gt3A_739 = arith.cmpf ogt, %get3A_737, %gt3A_738 : vector<16xf32>
    %jit3A_740 = arith.constant 1 : i32
    %jit3A_741 = arith.constant 0 : i32
    %broadcast_in_dim3A_742 = vector.broadcast %jit3A_740 : i32 to vector<16xi32>
    %broadcast_in_dim3A_743 = vector.broadcast %jit3A_741 : i32 to vector<16xi32>
    %select_n3A_744 = arith.select %gt3A_739, %broadcast_in_dim3A_742, %broadcast_in_dim3A_743 : vector<16xi1>, vector<16xi32>
    %add3A_745 = arith.addi %add3A_734, %select_n3A_744 : vector<16xi32>
    %get3A_746 = arith.constant 272 : index
    %get3A_747 = tpu.vector_load %arg4[%get3A_746] {strides = array<i32>} : memref<2048xf32, #tpu.memory_space<vmem>>, vector<16xf32>,
    %get3A_748 = vector.shape_cast %get3A_747 : vector<16xf32> to vector<16xf32>
    %gt3A_749 = vector.broadcast %mul3A_559 : f32 to vector<16xf32>
    %gt3A_750 = arith.cmpf ogt, %get3A_748, %gt3A_749 : vector<16xf32>
    %jit3A_751 = arith.constant 1 : i32
    %jit3A_752 = arith.constant 0 : i32
    %broadcast_in_dim3A_753 = vector.broadcast %jit3A_751 : i32 to vector<16xi32>
    %broadcast_in_dim3A_754 = vector.broadcast %jit3A_752 : i32 to vector<16xi32>
    %select_n3A_755 = arith.select %gt3A_750, %broadcast_in_dim3A_753, %broadcast_in_dim3A_754 : vector<16xi1>, vector<16xi32>
    %add3A_756 = arith.addi %add3A_745, %select_n3A_755 : vector<16xi32>
    %get3A_757 = arith.constant 288 : index
    %get3A_758 = tpu.vector_load %arg4[%get3A_757] {strides = array<i32>} : memref<2048xf32, #tpu.memory_space<vmem>>, vector<16xf32>,
    %get3A_759 = vector.shape_cast %get3A_758 : vector<16xf32> to vector<16xf32>
    %gt3A_760 = vector.broadcast %mul3A_559 : f32 to vector<16xf32>
    %gt3A_761 = arith.cmpf ogt, %get3A_759, %gt3A_760 : vector<16xf32>
    %jit3A_762 = arith.constant 1 : i32
    %jit3A_763 = arith.constant 0 : i32
    %broadcast_in_dim3A_764 = vector.broadcast %jit3A_762 : i32 to vector<16xi32>
    %broadcast_in_dim3A_765 = vector.broadcast %jit3A_763 : i32 to vector<16xi32>
    %select_n3A_766 = arith.select %gt3A_761, %broadcast_in_dim3A_764, %broadcast_in_dim3A_765 : vector<16xi1>, vector<16xi32>
    %add3A_767 = arith.addi %add3A_756, %select_n3A_766 : vector<16xi32>
    %get3A_768 = arith.constant 304 : index
    %get3A_769 = tpu.vector_load %arg4[%get3A_768] {strides = array<i32>} : memref<2048xf32, #tpu.memory_space<vmem>>, vector<16xf32>,
    %get3A_770 = vector.shape_cast %get3A_769 : vector<16xf32> to vector<16xf32>
    %gt3A_771 = vector.broadcast %mul3A_559 : f32 to vector<16xf32>
    %gt3A_772 = arith.cmpf ogt, %get3A_770, %gt3A_771 : vector<16xf32>
    %jit3A_773 = arith.constant 1 : i32
    %jit3A_774 = arith.constant 0 : i32
    %broadcast_in_dim3A_775 = vector.broadcast %jit3A_773 : i32 to vector<16xi32>
    %broadcast_in_dim3A_776 = vector.broadcast %jit3A_774 : i32 to vector<16xi32>
    %select_n3A_777 = arith.select %gt3A_772, %broadcast_in_dim3A_775, %broadcast_in_dim3A_776 : vector<16xi1>, vector<16xi32>
    %add3A_778 = arith.addi %add3A_767, %select_n3A_777 : vector<16xi32>
    %get3A_779 = arith.constant 320 : index
    %get3A_780 = tpu.vector_load %arg4[%get3A_779] {strides = array<i32>} : memref<2048xf32, #tpu.memory_space<vmem>>, vector<16xf32>,
    %get3A_781 = vector.shape_cast %get3A_780 : vector<16xf32> to vector<16xf32>
    %gt3A_782 = vector.broadcast %mul3A_559 : f32 to vector<16xf32>
    %gt3A_783 = arith.cmpf ogt, %get3A_781, %gt3A_782 : vector<16xf32>
    %jit3A_784 = arith.constant 1 : i32
    %jit3A_785 = arith.constant 0 : i32
    %broadcast_in_dim3A_786 = vector.broadcast %jit3A_784 : i32 to vector<16xi32>
    %broadcast_in_dim3A_787 = vector.broadcast %jit3A_785 : i32 to vector<16xi32>
    %select_n3A_788 = arith.select %gt3A_783, %broadcast_in_dim3A_786, %broadcast_in_dim3A_787 : vector<16xi1>, vector<16xi32>
    %add3A_789 = arith.addi %add3A_778, %select_n3A_788 : vector<16xi32>
    %get3A_790 = arith.constant 336 : index
    %get3A_791 = tpu.vector_load %arg4[%get3A_790] {strides = array<i32>} : memref<2048xf32, #tpu.memory_space<vmem>>, vector<16xf32>,
    %get3A_792 = vector.shape_cast %get3A_791 : vector<16xf32> to vector<16xf32>
    %gt3A_793 = vector.broadcast %mul3A_559 : f32 to vector<16xf32>
    %gt3A_794 = arith.cmpf ogt, %get3A_792, %gt3A_793 : vector<16xf32>
    %jit3A_795 = arith.constant 1 : i32
    %jit3A_796 = arith.constant 0 : i32
    %broadcast_in_dim3A_797 = vector.broadcast %jit3A_795 : i32 to vector<16xi32>
    %broadcast_in_dim3A_798 = vector.broadcast %jit3A_796 : i32 to vector<16xi32>
    %select_n3A_799 = arith.select %gt3A_794, %broadcast_in_dim3A_797, %broadcast_in_dim3A_798 : vector<16xi1>, vector<16xi32>
    %add3A_800 = arith.addi %add3A_789, %select_n3A_799 : vector<16xi32>
    %get3A_801 = arith.constant 352 : index
    %get3A_802 = tpu.vector_load %arg4[%get3A_801] {strides = array<i32>} : memref<2048xf32, #tpu.memory_space<vmem>>, vector<16xf32>,
    %get3A_803 = vector.shape_cast %get3A_802 : vector<16xf32> to vector<16xf32>
    %gt3A_804 = vector.broadcast %mul3A_559 : f32 to vector<16xf32>
    %gt3A_805 = arith.cmpf ogt, %get3A_803, %gt3A_804 : vector<16xf32>
    %jit3A_806 = arith.constant 1 : i32
    %jit3A_807 = arith.constant 0 : i32
    %broadcast_in_dim3A_808 = vector.broadcast %jit3A_806 : i32 to vector<16xi32>
    %broadcast_in_dim3A_809 = vector.broadcast %jit3A_807 : i32 to vector<16xi32>
    %select_n3A_810 = arith.select %gt3A_805, %broadcast_in_dim3A_808, %broadcast_in_dim3A_809 : vector<16xi1>, vector<16xi32>
    %add3A_811 = arith.addi %add3A_800, %select_n3A_810 : vector<16xi32>
    %get3A_812 = arith.constant 368 : index
    %get3A_813 = tpu.vector_load %arg4[%get3A_812] {strides = array<i32>} : memref<2048xf32, #tpu.memory_space<vmem>>, vector<16xf32>,
    %get3A_814 = vector.shape_cast %get3A_813 : vector<16xf32> to vector<16xf32>
    %gt3A_815 = vector.broadcast %mul3A_559 : f32 to vector<16xf32>
    %gt3A_816 = arith.cmpf ogt, %get3A_814, %gt3A_815 : vector<16xf32>
    %jit3A_817 = arith.constant 1 : i32
    %jit3A_818 = arith.constant 0 : i32
    %broadcast_in_dim3A_819 = vector.broadcast %jit3A_817 : i32 to vector<16xi32>
    %broadcast_in_dim3A_820 = vector.broadcast %jit3A_818 : i32 to vector<16xi32>
    %select_n3A_821 = arith.select %gt3A_816, %broadcast_in_dim3A_819, %broadcast_in_dim3A_820 : vector<16xi1>, vector<16xi32>
    %add3A_822 = arith.addi %add3A_811, %select_n3A_821 : vector<16xi32>
    %get3A_823 = arith.constant 384 : index
    %get3A_824 = tpu.vector_load %arg4[%get3A_823] {strides = array<i32>} : memref<2048xf32, #tpu.memory_space<vmem>>, vector<16xf32>,
    %get3A_825 = vector.shape_cast %get3A_824 : vector<16xf32> to vector<16xf32>
    %gt3A_826 = vector.broadcast %mul3A_559 : f32 to vector<16xf32>
    %gt3A_827 = arith.cmpf ogt, %get3A_825, %gt3A_826 : vector<16xf32>
    %jit3A_828 = arith.constant 1 : i32
    %jit3A_829 = arith.constant 0 : i32
    %broadcast_in_dim3A_830 = vector.broadcast %jit3A_828 : i32 to vector<16xi32>
    %broadcast_in_dim3A_831 = vector.broadcast %jit3A_829 : i32 to vector<16xi32>
    %select_n3A_832 = arith.select %gt3A_827, %broadcast_in_dim3A_830, %broadcast_in_dim3A_831 : vector<16xi1>, vector<16xi32>
    %add3A_833 = arith.addi %add3A_822, %select_n3A_832 : vector<16xi32>
    %get3A_834 = arith.constant 400 : index
    %get3A_835 = tpu.vector_load %arg4[%get3A_834] {strides = array<i32>} : memref<2048xf32, #tpu.memory_space<vmem>>, vector<16xf32>,
    %get3A_836 = vector.shape_cast %get3A_835 : vector<16xf32> to vector<16xf32>
    %gt3A_837 = vector.broadcast %mul3A_559 : f32 to vector<16xf32>
    %gt3A_838 = arith.cmpf ogt, %get3A_836, %gt3A_837 : vector<16xf32>
    %jit3A_839 = arith.constant 1 : i32
    %jit3A_840 = arith.constant 0 : i32
    %broadcast_in_dim3A_841 = vector.broadcast %jit3A_839 : i32 to vector<16xi32>
    %broadcast_in_dim3A_842 = vector.broadcast %jit3A_840 : i32 to vector<16xi32>
    %select_n3A_843 = arith.select %gt3A_838, %broadcast_in_dim3A_841, %broadcast_in_dim3A_842 : vector<16xi1>, vector<16xi32>
    %add3A_844 = arith.addi %add3A_833, %select_n3A_843 : vector<16xi32>
    %get3A_845 = arith.constant 416 : index
    %get3A_846 = tpu.vector_load %arg4[%get3A_845] {strides = array<i32>} : memref<2048xf32, #tpu.memory_space<vmem>>, vector<16xf32>,
    %get3A_847 = vector.shape_cast %get3A_846 : vector<16xf32> to vector<16xf32>
    %gt3A_848 = vector.broadcast %mul3A_559 : f32 to vector<16xf32>
    %gt3A_849 = arith.cmpf ogt, %get3A_847, %gt3A_848 : vector<16xf32>
    %jit3A_850 = arith.constant 1 : i32
    %jit3A_851 = arith.constant 0 : i32
    %broadcast_in_dim3A_852 = vector.broadcast %jit3A_850 : i32 to vector<16xi32>
    %broadcast_in_dim3A_853 = vector.broadcast %jit3A_851 : i32 to vector<16xi32>
    %select_n3A_854 = arith.select %gt3A_849, %broadcast_in_dim3A_852, %broadcast_in_dim3A_853 : vector<16xi1>, vector<16xi32>
    %add3A_855 = arith.addi %add3A_844, %select_n3A_854 : vector<16xi32>
    %get3A_856 = arith.constant 432 : index
    %get3A_857 = tpu.vector_load %arg4[%get3A_856] {strides = array<i32>} : memref<2048xf32, #tpu.memory_space<vmem>>, vector<16xf32>,
    %get3A_858 = vector.shape_cast %get3A_857 : vector<16xf32> to vector<16xf32>
    %gt3A_859 = vector.broadcast %mul3A_559 : f32 to vector<16xf32>
    %gt3A_860 = arith.cmpf ogt, %get3A_858, %gt3A_859 : vector<16xf32>
    %jit3A_861 = arith.constant 1 : i32
    %jit3A_862 = arith.constant 0 : i32
    %broadcast_in_dim3A_863 = vector.broadcast %jit3A_861 : i32 to vector<16xi32>
    %broadcast_in_dim3A_864 = vector.broadcast %jit3A_862 : i32 to vector<16xi32>
    %select_n3A_865 = arith.select %gt3A_860, %broadcast_in_dim3A_863, %broadcast_in_dim3A_864 : vector<16xi1>, vector<16xi32>
    %add3A_866 = arith.addi %add3A_855, %select_n3A_865 : vector<16xi32>
    %get3A_867 = arith.constant 448 : index
    %get3A_868 = tpu.vector_load %arg4[%get3A_867] {strides = array<i32>} : memref<2048xf32, #tpu.memory_space<vmem>>, vector<16xf32>,
    %get3A_869 = vector.shape_cast %get3A_868 : vector<16xf32> to vector<16xf32>
    %gt3A_870 = vector.broadcast %mul3A_559 : f32 to vector<16xf32>
    %gt3A_871 = arith.cmpf ogt, %get3A_869, %gt3A_870 : vector<16xf32>
    %jit3A_872 = arith.constant 1 : i32
    %jit3A_873 = arith.constant 0 : i32
    %broadcast_in_dim3A_874 = vector.broadcast %jit3A_872 : i32 to vector<16xi32>
    %broadcast_in_dim3A_875 = vector.broadcast %jit3A_873 : i32 to vector<16xi32>
    %select_n3A_876 = arith.select %gt3A_871, %broadcast_in_dim3A_874, %broadcast_in_dim3A_875 : vector<16xi1>, vector<16xi32>
    %add3A_877 = arith.addi %add3A_866, %select_n3A_876 : vector<16xi32>
    %get3A_878 = arith.constant 464 : index
    %get3A_879 = tpu.vector_load %arg4[%get3A_878] {strides = array<i32>} : memref<2048xf32, #tpu.memory_space<vmem>>, vector<16xf32>,
    %get3A_880 = vector.shape_cast %get3A_879 : vector<16xf32> to vector<16xf32>
    %gt3A_881 = vector.broadcast %mul3A_559 : f32 to vector<16xf32>
    %gt3A_882 = arith.cmpf ogt, %get3A_880, %gt3A_881 : vector<16xf32>
    %jit3A_883 = arith.constant 1 : i32
    %jit3A_884 = arith.constant 0 : i32
    %broadcast_in_dim3A_885 = vector.broadcast %jit3A_883 : i32 to vector<16xi32>
    %broadcast_in_dim3A_886 = vector.broadcast %jit3A_884 : i32 to vector<16xi32>
    %select_n3A_887 = arith.select %gt3A_882, %broadcast_in_dim3A_885, %broadcast_in_dim3A_886 : vector<16xi1>, vector<16xi32>
    %add3A_888 = arith.addi %add3A_877, %select_n3A_887 : vector<16xi32>
    %get3A_889 = arith.constant 480 : index
    %get3A_890 = tpu.vector_load %arg4[%get3A_889] {strides = array<i32>} : memref<2048xf32, #tpu.memory_space<vmem>>, vector<16xf32>,
    %get3A_891 = vector.shape_cast %get3A_890 : vector<16xf32> to vector<16xf32>
    %gt3A_892 = vector.broadcast %mul3A_559 : f32 to vector<16xf32>
    %gt3A_893 = arith.cmpf ogt, %get3A_891, %gt3A_892 : vector<16xf32>
    %jit3A_894 = arith.constant 1 : i32
    %jit3A_895 = arith.constant 0 : i32
    %broadcast_in_dim3A_896 = vector.broadcast %jit3A_894 : i32 to vector<16xi32>
    %broadcast_in_dim3A_897 = vector.broadcast %jit3A_895 : i32 to vector<16xi32>
    %select_n3A_898 = arith.select %gt3A_893, %broadcast_in_dim3A_896, %broadcast_in_dim3A_897 : vector<16xi1>, vector<16xi32>
    %add3A_899 = arith.addi %add3A_888, %select_n3A_898 : vector<16xi32>
    %get3A_900 = arith.constant 496 : index
    %get3A_901 = tpu.vector_load %arg4[%get3A_900] {strides = array<i32>} : memref<2048xf32, #tpu.memory_space<vmem>>, vector<16xf32>,
    %get3A_902 = vector.shape_cast %get3A_901 : vector<16xf32> to vector<16xf32>
    %gt3A_903 = vector.broadcast %mul3A_559 : f32 to vector<16xf32>
    %gt3A_904 = arith.cmpf ogt, %get3A_902, %gt3A_903 : vector<16xf32>
    %jit3A_905 = arith.constant 1 : i32
    %jit3A_906 = arith.constant 0 : i32
    %broadcast_in_dim3A_907 = vector.broadcast %jit3A_905 : i32 to vector<16xi32>
    %broadcast_in_dim3A_908 = vector.broadcast %jit3A_906 : i32 to vector<16xi32>
    %select_n3A_909 = arith.select %gt3A_904, %broadcast_in_dim3A_907, %broadcast_in_dim3A_908 : vector<16xi1>, vector<16xi32>
    %add3A_910 = arith.addi %add3A_899, %select_n3A_909 : vector<16xi32>
    %get3A_911 = arith.constant 512 : index
    %get3A_912 = tpu.vector_load %arg4[%get3A_911] {strides = array<i32>} : memref<2048xf32, #tpu.memory_space<vmem>>, vector<16xf32>,
    %get3A_913 = vector.shape_cast %get3A_912 : vector<16xf32> to vector<16xf32>
    %gt3A_914 = vector.broadcast %mul3A_559 : f32 to vector<16xf32>
    %gt3A_915 = arith.cmpf ogt, %get3A_913, %gt3A_914 : vector<16xf32>
    %jit3A_916 = arith.constant 1 : i32
    %jit3A_917 = arith.constant 0 : i32
    %broadcast_in_dim3A_918 = vector.broadcast %jit3A_916 : i32 to vector<16xi32>
    %broadcast_in_dim3A_919 = vector.broadcast %jit3A_917 : i32 to vector<16xi32>
    %select_n3A_920 = arith.select %gt3A_915, %broadcast_in_dim3A_918, %broadcast_in_dim3A_919 : vector<16xi1>, vector<16xi32>
    %add3A_921 = arith.addi %add3A_910, %select_n3A_920 : vector<16xi32>
    %get3A_922 = arith.constant 528 : index
    %get3A_923 = tpu.vector_load %arg4[%get3A_922] {strides = array<i32>} : memref<2048xf32, #tpu.memory_space<vmem>>, vector<16xf32>,
    %get3A_924 = vector.shape_cast %get3A_923 : vector<16xf32> to vector<16xf32>
    %gt3A_925 = vector.broadcast %mul3A_559 : f32 to vector<16xf32>
    %gt3A_926 = arith.cmpf ogt, %get3A_924, %gt3A_925 : vector<16xf32>
    %jit3A_927 = arith.constant 1 : i32
    %jit3A_928 = arith.constant 0 : i32
    %broadcast_in_dim3A_929 = vector.broadcast %jit3A_927 : i32 to vector<16xi32>
    %broadcast_in_dim3A_930 = vector.broadcast %jit3A_928 : i32 to vector<16xi32>
    %select_n3A_931 = arith.select %gt3A_926, %broadcast_in_dim3A_929, %broadcast_in_dim3A_930 : vector<16xi1>, vector<16xi32>
    %add3A_932 = arith.addi %add3A_921, %select_n3A_931 : vector<16xi32>
    %get3A_933 = arith.constant 544 : index
    %get3A_934 = tpu.vector_load %arg4[%get3A_933] {strides = array<i32>} : memref<2048xf32, #tpu.memory_space<vmem>>, vector<16xf32>,
    %get3A_935 = vector.shape_cast %get3A_934 : vector<16xf32> to vector<16xf32>
    %gt3A_936 = vector.broadcast %mul3A_559 : f32 to vector<16xf32>
    %gt3A_937 = arith.cmpf ogt, %get3A_935, %gt3A_936 : vector<16xf32>
    %jit3A_938 = arith.constant 1 : i32
    %jit3A_939 = arith.constant 0 : i32
    %broadcast_in_dim3A_940 = vector.broadcast %jit3A_938 : i32 to vector<16xi32>
    %broadcast_in_dim3A_941 = vector.broadcast %jit3A_939 : i32 to vector<16xi32>
    %select_n3A_942 = arith.select %gt3A_937, %broadcast_in_dim3A_940, %broadcast_in_dim3A_941 : vector<16xi1>, vector<16xi32>
    %add3A_943 = arith.addi %add3A_932, %select_n3A_942 : vector<16xi32>
    %get3A_944 = arith.constant 560 : index
    %get3A_945 = tpu.vector_load %arg4[%get3A_944] {strides = array<i32>} : memref<2048xf32, #tpu.memory_space<vmem>>, vector<16xf32>,
    %get3A_946 = vector.shape_cast %get3A_945 : vector<16xf32> to vector<16xf32>
    %gt3A_947 = vector.broadcast %mul3A_559 : f32 to vector<16xf32>
    %gt3A_948 = arith.cmpf ogt, %get3A_946, %gt3A_947 : vector<16xf32>
    %jit3A_949 = arith.constant 1 : i32
    %jit3A_950 = arith.constant 0 : i32
    %broadcast_in_dim3A_951 = vector.broadcast %jit3A_949 : i32 to vector<16xi32>
    %broadcast_in_dim3A_952 = vector.broadcast %jit3A_950 : i32 to vector<16xi32>
    %select_n3A_953 = arith.select %gt3A_948, %broadcast_in_dim3A_951, %broadcast_in_dim3A_952 : vector<16xi1>, vector<16xi32>
    %add3A_954 = arith.addi %add3A_943, %select_n3A_953 : vector<16xi32>
    %get3A_955 = arith.constant 576 : index
    %get3A_956 = tpu.vector_load %arg4[%get3A_955] {strides = array<i32>} : memref<2048xf32, #tpu.memory_space<vmem>>, vector<16xf32>,
    %get3A_957 = vector.shape_cast %get3A_956 : vector<16xf32> to vector<16xf32>
    %gt3A_958 = vector.broadcast %mul3A_559 : f32 to vector<16xf32>
    %gt3A_959 = arith.cmpf ogt, %get3A_957, %gt3A_958 : vector<16xf32>
    %jit3A_960 = arith.constant 1 : i32
    %jit3A_961 = arith.constant 0 : i32
    %broadcast_in_dim3A_962 = vector.broadcast %jit3A_960 : i32 to vector<16xi32>
    %broadcast_in_dim3A_963 = vector.broadcast %jit3A_961 : i32 to vector<16xi32>
    %select_n3A_964 = arith.select %gt3A_959, %broadcast_in_dim3A_962, %broadcast_in_dim3A_963 : vector<16xi1>, vector<16xi32>
    %add3A_965 = arith.addi %add3A_954, %select_n3A_964 : vector<16xi32>
    %get3A_966 = arith.constant 592 : index
    %get3A_967 = tpu.vector_load %arg4[%get3A_966] {strides = array<i32>} : memref<2048xf32, #tpu.memory_space<vmem>>, vector<16xf32>,
    %get3A_968 = vector.shape_cast %get3A_967 : vector<16xf32> to vector<16xf32>
    %gt3A_969 = vector.broadcast %mul3A_559 : f32 to vector<16xf32>
    %gt3A_970 = arith.cmpf ogt, %get3A_968, %gt3A_969 : vector<16xf32>
    %jit3A_971 = arith.constant 1 : i32
    %jit3A_972 = arith.constant 0 : i32
    %broadcast_in_dim3A_973 = vector.broadcast %jit3A_971 : i32 to vector<16xi32>
    %broadcast_in_dim3A_974 = vector.broadcast %jit3A_972 : i32 to vector<16xi32>
    %select_n3A_975 = arith.select %gt3A_970, %broadcast_in_dim3A_973, %broadcast_in_dim3A_974 : vector<16xi1>, vector<16xi32>
    %add3A_976 = arith.addi %add3A_965, %select_n3A_975 : vector<16xi32>
    %get3A_977 = arith.constant 608 : index
    %get3A_978 = tpu.vector_load %arg4[%get3A_977] {strides = array<i32>} : memref<2048xf32, #tpu.memory_space<vmem>>, vector<16xf32>,
    %get3A_979 = vector.shape_cast %get3A_978 : vector<16xf32> to vector<16xf32>
    %gt3A_980 = vector.broadcast %mul3A_559 : f32 to vector<16xf32>
    %gt3A_981 = arith.cmpf ogt, %get3A_979, %gt3A_980 : vector<16xf32>
    %jit3A_982 = arith.constant 1 : i32
    %jit3A_983 = arith.constant 0 : i32
    %broadcast_in_dim3A_984 = vector.broadcast %jit3A_982 : i32 to vector<16xi32>
    %broadcast_in_dim3A_985 = vector.broadcast %jit3A_983 : i32 to vector<16xi32>
    %select_n3A_986 = arith.select %gt3A_981, %broadcast_in_dim3A_984, %broadcast_in_dim3A_985 : vector<16xi1>, vector<16xi32>
    %add3A_987 = arith.addi %add3A_976, %select_n3A_986 : vector<16xi32>
    %get3A_988 = arith.constant 624 : index
    %get3A_989 = tpu.vector_load %arg4[%get3A_988] {strides = array<i32>} : memref<2048xf32, #tpu.memory_space<vmem>>, vector<16xf32>,
    %get3A_990 = vector.shape_cast %get3A_989 : vector<16xf32> to vector<16xf32>
    %gt3A_991 = vector.broadcast %mul3A_559 : f32 to vector<16xf32>
    %gt3A_992 = arith.cmpf ogt, %get3A_990, %gt3A_991 : vector<16xf32>
    %jit3A_993 = arith.constant 1 : i32
    %jit3A_994 = arith.constant 0 : i32
    %broadcast_in_dim3A_995 = vector.broadcast %jit3A_993 : i32 to vector<16xi32>
    %broadcast_in_dim3A_996 = vector.broadcast %jit3A_994 : i32 to vector<16xi32>
    %select_n3A_997 = arith.select %gt3A_992, %broadcast_in_dim3A_995, %broadcast_in_dim3A_996 : vector<16xi1>, vector<16xi32>
    %add3A_998 = arith.addi %add3A_987, %select_n3A_997 : vector<16xi32>
    %get3A_999 = arith.constant 640 : index
    %get3A_1000 = tpu.vector_load %arg4[%get3A_999] {strides = array<i32>} : memref<2048xf32, #tpu.memory_space<vmem>>, vector<16xf32>,
    %get3A_1001 = vector.shape_cast %get3A_1000 : vector<16xf32> to vector<16xf32>
    %gt3A_1002 = vector.broadcast %mul3A_559 : f32 to vector<16xf32>
    %gt3A_1003 = arith.cmpf ogt, %get3A_1001, %gt3A_1002 : vector<16xf32>
    %jit3A_1004 = arith.constant 1 : i32
    %jit3A_1005 = arith.constant 0 : i32
    %broadcast_in_dim3A_1006 = vector.broadcast %jit3A_1004 : i32 to vector<16xi32>
    %broadcast_in_dim3A_1007 = vector.broadcast %jit3A_1005 : i32 to vector<16xi32>
    %select_n3A_1008 = arith.select %gt3A_1003, %broadcast_in_dim3A_1006, %broadcast_in_dim3A_1007 : vector<16xi1>, vector<16xi32>
    %add3A_1009 = arith.addi %add3A_998, %select_n3A_1008 : vector<16xi32>
    %get3A_1010 = arith.constant 656 : index
    %get3A_1011 = tpu.vector_load %arg4[%get3A_1010] {strides = array<i32>} : memref<2048xf32, #tpu.memory_space<vmem>>, vector<16xf32>,
    %get3A_1012 = vector.shape_cast %get3A_1011 : vector<16xf32> to vector<16xf32>
    %gt3A_1013 = vector.broadcast %mul3A_559 : f32 to vector<16xf32>
    %gt3A_1014 = arith.cmpf ogt, %get3A_1012, %gt3A_1013 : vector<16xf32>
    %jit3A_1015 = arith.constant 1 : i32
    %jit3A_1016 = arith.constant 0 : i32
    %broadcast_in_dim3A_1017 = vector.broadcast %jit3A_1015 : i32 to vector<16xi32>
    %broadcast_in_dim3A_1018 = vector.broadcast %jit3A_1016 : i32 to vector<16xi32>
    %select_n3A_1019 = arith.select %gt3A_1014, %broadcast_in_dim3A_1017, %broadcast_in_dim3A_1018 : vector<16xi1>, vector<16xi32>
    %add3A_1020 = arith.addi %add3A_1009, %select_n3A_1019 : vector<16xi32>
    %get3A_1021 = arith.constant 672 : index
    %get3A_1022 = tpu.vector_load %arg4[%get3A_1021] {strides = array<i32>} : memref<2048xf32, #tpu.memory_space<vmem>>, vector<16xf32>,
    %get3A_1023 = vector.shape_cast %get3A_1022 : vector<16xf32> to vector<16xf32>
    %gt3A_1024 = vector.broadcast %mul3A_559 : f32 to vector<16xf32>
    %gt3A_1025 = arith.cmpf ogt, %get3A_1023, %gt3A_1024 : vector<16xf32>
    %jit3A_1026 = arith.constant 1 : i32
    %jit3A_1027 = arith.constant 0 : i32
    %broadcast_in_dim3A_1028 = vector.broadcast %jit3A_1026 : i32 to vector<16xi32>
    %broadcast_in_dim3A_1029 = vector.broadcast %jit3A_1027 : i32 to vector<16xi32>
    %select_n3A_1030 = arith.select %gt3A_1025, %broadcast_in_dim3A_1028, %broadcast_in_dim3A_1029 : vector<16xi1>, vector<16xi32>
    %add3A_1031 = arith.addi %add3A_1020, %select_n3A_1030 : vector<16xi32>
    %get3A_1032 = arith.constant 688 : index
    %get3A_1033 = tpu.vector_load %arg4[%get3A_1032] {strides = array<i32>} : memref<2048xf32, #tpu.memory_space<vmem>>, vector<16xf32>,
    %get3A_1034 = vector.shape_cast %get3A_1033 : vector<16xf32> to vector<16xf32>
    %gt3A_1035 = vector.broadcast %mul3A_559 : f32 to vector<16xf32>
    %gt3A_1036 = arith.cmpf ogt, %get3A_1034, %gt3A_1035 : vector<16xf32>
    %jit3A_1037 = arith.constant 1 : i32
    %jit3A_1038 = arith.constant 0 : i32
    %broadcast_in_dim3A_1039 = vector.broadcast %jit3A_1037 : i32 to vector<16xi32>
    %broadcast_in_dim3A_1040 = vector.broadcast %jit3A_1038 : i32 to vector<16xi32>
    %select_n3A_1041 = arith.select %gt3A_1036, %broadcast_in_dim3A_1039, %broadcast_in_dim3A_1040 : vector<16xi1>, vector<16xi32>
    %add3A_1042 = arith.addi %add3A_1031, %select_n3A_1041 : vector<16xi32>
    %get3A_1043 = arith.constant 704 : index
    %get3A_1044 = tpu.vector_load %arg4[%get3A_1043] {strides = array<i32>} : memref<2048xf32, #tpu.memory_space<vmem>>, vector<16xf32>,
    %get3A_1045 = vector.shape_cast %get3A_1044 : vector<16xf32> to vector<16xf32>
    %gt3A_1046 = vector.broadcast %mul3A_559 : f32 to vector<16xf32>
    %gt3A_1047 = arith.cmpf ogt, %get3A_1045, %gt3A_1046 : vector<16xf32>
    %jit3A_1048 = arith.constant 1 : i32
    %jit3A_1049 = arith.constant 0 : i32
    %broadcast_in_dim3A_1050 = vector.broadcast %jit3A_1048 : i32 to vector<16xi32>
    %broadcast_in_dim3A_1051 = vector.broadcast %jit3A_1049 : i32 to vector<16xi32>
    %select_n3A_1052 = arith.select %gt3A_1047, %broadcast_in_dim3A_1050, %broadcast_in_dim3A_1051 : vector<16xi1>, vector<16xi32>
    %add3A_1053 = arith.addi %add3A_1042, %select_n3A_1052 : vector<16xi32>
    %get3A_1054 = arith.constant 720 : index
    %get3A_1055 = tpu.vector_load %arg4[%get3A_1054] {strides = array<i32>} : memref<2048xf32, #tpu.memory_space<vmem>>, vector<16xf32>,
    %get3A_1056 = vector.shape_cast %get3A_1055 : vector<16xf32> to vector<16xf32>
    %gt3A_1057 = vector.broadcast %mul3A_559 : f32 to vector<16xf32>
    %gt3A_1058 = arith.cmpf ogt, %get3A_1056, %gt3A_1057 : vector<16xf32>
    %jit3A_1059 = arith.constant 1 : i32
    %jit3A_1060 = arith.constant 0 : i32
    %broadcast_in_dim3A_1061 = vector.broadcast %jit3A_1059 : i32 to vector<16xi32>
    %broadcast_in_dim3A_1062 = vector.broadcast %jit3A_1060 : i32 to vector<16xi32>
    %select_n3A_1063 = arith.select %gt3A_1058, %broadcast_in_dim3A_1061, %broadcast_in_dim3A_1062 : vector<16xi1>, vector<16xi32>
    %add3A_1064 = arith.addi %add3A_1053, %select_n3A_1063 : vector<16xi32>
    %get3A_1065 = arith.constant 736 : index
    %get3A_1066 = tpu.vector_load %arg4[%get3A_1065] {strides = array<i32>} : memref<2048xf32, #tpu.memory_space<vmem>>, vector<16xf32>,
    %get3A_1067 = vector.shape_cast %get3A_1066 : vector<16xf32> to vector<16xf32>
    %gt3A_1068 = vector.broadcast %mul3A_559 : f32 to vector<16xf32>
    %gt3A_1069 = arith.cmpf ogt, %get3A_1067, %gt3A_1068 : vector<16xf32>
    %jit3A_1070 = arith.constant 1 : i32
    %jit3A_1071 = arith.constant 0 : i32
    %broadcast_in_dim3A_1072 = vector.broadcast %jit3A_1070 : i32 to vector<16xi32>
    %broadcast_in_dim3A_1073 = vector.broadcast %jit3A_1071 : i32 to vector<16xi32>
    %select_n3A_1074 = arith.select %gt3A_1069, %broadcast_in_dim3A_1072, %broadcast_in_dim3A_1073 : vector<16xi1>, vector<16xi32>
    %add3A_1075 = arith.addi %add3A_1064, %select_n3A_1074 : vector<16xi32>
    %get3A_1076 = arith.constant 752 : index
    %get3A_1077 = tpu.vector_load %arg4[%get3A_1076] {strides = array<i32>} : memref<2048xf32, #tpu.memory_space<vmem>>, vector<16xf32>,
    %get3A_1078 = vector.shape_cast %get3A_1077 : vector<16xf32> to vector<16xf32>
    %gt3A_1079 = vector.broadcast %mul3A_559 : f32 to vector<16xf32>
    %gt3A_1080 = arith.cmpf ogt, %get3A_1078, %gt3A_1079 : vector<16xf32>
    %jit3A_1081 = arith.constant 1 : i32
    %jit3A_1082 = arith.constant 0 : i32
    %broadcast_in_dim3A_1083 = vector.broadcast %jit3A_1081 : i32 to vector<16xi32>
    %broadcast_in_dim3A_1084 = vector.broadcast %jit3A_1082 : i32 to vector<16xi32>
    %select_n3A_1085 = arith.select %gt3A_1080, %broadcast_in_dim3A_1083, %broadcast_in_dim3A_1084 : vector<16xi1>, vector<16xi32>
    %add3A_1086 = arith.addi %add3A_1075, %select_n3A_1085 : vector<16xi32>
    %get3A_1087 = arith.constant 768 : index
    %get3A_1088 = tpu.vector_load %arg4[%get3A_1087] {strides = array<i32>} : memref<2048xf32, #tpu.memory_space<vmem>>, vector<16xf32>,
    %get3A_1089 = vector.shape_cast %get3A_1088 : vector<16xf32> to vector<16xf32>
    %gt3A_1090 = vector.broadcast %mul3A_559 : f32 to vector<16xf32>
    %gt3A_1091 = arith.cmpf ogt, %get3A_1089, %gt3A_1090 : vector<16xf32>
    %jit3A_1092 = arith.constant 1 : i32
    %jit3A_1093 = arith.constant 0 : i32
    %broadcast_in_dim3A_1094 = vector.broadcast %jit3A_1092 : i32 to vector<16xi32>
    %broadcast_in_dim3A_1095 = vector.broadcast %jit3A_1093 : i32 to vector<16xi32>
    %select_n3A_1096 = arith.select %gt3A_1091, %broadcast_in_dim3A_1094, %broadcast_in_dim3A_1095 : vector<16xi1>, vector<16xi32>
    %add3A_1097 = arith.addi %add3A_1086, %select_n3A_1096 : vector<16xi32>
    %get3A_1098 = arith.constant 784 : index
    %get3A_1099 = tpu.vector_load %arg4[%get3A_1098] {strides = array<i32>} : memref<2048xf32, #tpu.memory_space<vmem>>, vector<16xf32>,
    %get3A_1100 = vector.shape_cast %get3A_1099 : vector<16xf32> to vector<16xf32>
    %gt3A_1101 = vector.broadcast %mul3A_559 : f32 to vector<16xf32>
    %gt3A_1102 = arith.cmpf ogt, %get3A_1100, %gt3A_1101 : vector<16xf32>
    %jit3A_1103 = arith.constant 1 : i32
    %jit3A_1104 = arith.constant 0 : i32
    %broadcast_in_dim3A_1105 = vector.broadcast %jit3A_1103 : i32 to vector<16xi32>
    %broadcast_in_dim3A_1106 = vector.broadcast %jit3A_1104 : i32 to vector<16xi32>
    %select_n3A_1107 = arith.select %gt3A_1102, %broadcast_in_dim3A_1105, %broadcast_in_dim3A_1106 : vector<16xi1>, vector<16xi32>
    %add3A_1108 = arith.addi %add3A_1097, %select_n3A_1107 : vector<16xi32>
    %get3A_1109 = arith.constant 800 : index
    %get3A_1110 = tpu.vector_load %arg4[%get3A_1109] {strides = array<i32>} : memref<2048xf32, #tpu.memory_space<vmem>>, vector<16xf32>,
    %get3A_1111 = vector.shape_cast %get3A_1110 : vector<16xf32> to vector<16xf32>
    %gt3A_1112 = vector.broadcast %mul3A_559 : f32 to vector<16xf32>
    %gt3A_1113 = arith.cmpf ogt, %get3A_1111, %gt3A_1112 : vector<16xf32>
    %jit3A_1114 = arith.constant 1 : i32
    %jit3A_1115 = arith.constant 0 : i32
    %broadcast_in_dim3A_1116 = vector.broadcast %jit3A_1114 : i32 to vector<16xi32>
    %broadcast_in_dim3A_1117 = vector.broadcast %jit3A_1115 : i32 to vector<16xi32>
    %select_n3A_1118 = arith.select %gt3A_1113, %broadcast_in_dim3A_1116, %broadcast_in_dim3A_1117 : vector<16xi1>, vector<16xi32>
    %add3A_1119 = arith.addi %add3A_1108, %select_n3A_1118 : vector<16xi32>
    %get3A_1120 = arith.constant 816 : index
    %get3A_1121 = tpu.vector_load %arg4[%get3A_1120] {strides = array<i32>} : memref<2048xf32, #tpu.memory_space<vmem>>, vector<16xf32>,
    %get3A_1122 = vector.shape_cast %get3A_1121 : vector<16xf32> to vector<16xf32>
    %gt3A_1123 = vector.broadcast %mul3A_559 : f32 to vector<16xf32>
    %gt3A_1124 = arith.cmpf ogt, %get3A_1122, %gt3A_1123 : vector<16xf32>
    %jit3A_1125 = arith.constant 1 : i32
    %jit3A_1126 = arith.constant 0 : i32
    %broadcast_in_dim3A_1127 = vector.broadcast %jit3A_1125 : i32 to vector<16xi32>
    %broadcast_in_dim3A_1128 = vector.broadcast %jit3A_1126 : i32 to vector<16xi32>
    %select_n3A_1129 = arith.select %gt3A_1124, %broadcast_in_dim3A_1127, %broadcast_in_dim3A_1128 : vector<16xi1>, vector<16xi32>
    %add3A_1130 = arith.addi %add3A_1119, %select_n3A_1129 : vector<16xi32>
    %get3A_1131 = arith.constant 832 : index
    %get3A_1132 = tpu.vector_load %arg4[%get3A_1131] {strides = array<i32>} : memref<2048xf32, #tpu.memory_space<vmem>>, vector<16xf32>,
    %get3A_1133 = vector.shape_cast %get3A_1132 : vector<16xf32> to vector<16xf32>
    %gt3A_1134 = vector.broadcast %mul3A_559 : f32 to vector<16xf32>
    %gt3A_1135 = arith.cmpf ogt, %get3A_1133, %gt3A_1134 : vector<16xf32>
    %jit3A_1136 = arith.constant 1 : i32
    %jit3A_1137 = arith.constant 0 : i32
    %broadcast_in_dim3A_1138 = vector.broadcast %jit3A_1136 : i32 to vector<16xi32>
    %broadcast_in_dim3A_1139 = vector.broadcast %jit3A_1137 : i32 to vector<16xi32>
    %select_n3A_1140 = arith.select %gt3A_1135, %broadcast_in_dim3A_1138, %broadcast_in_dim3A_1139 : vector<16xi1>, vector<16xi32>
    %add3A_1141 = arith.addi %add3A_1130, %select_n3A_1140 : vector<16xi32>
    %get3A_1142 = arith.constant 848 : index
    %get3A_1143 = tpu.vector_load %arg4[%get3A_1142] {strides = array<i32>} : memref<2048xf32, #tpu.memory_space<vmem>>, vector<16xf32>,
    %get3A_1144 = vector.shape_cast %get3A_1143 : vector<16xf32> to vector<16xf32>
    %gt3A_1145 = vector.broadcast %mul3A_559 : f32 to vector<16xf32>
    %gt3A_1146 = arith.cmpf ogt, %get3A_1144, %gt3A_1145 : vector<16xf32>
    %jit3A_1147 = arith.constant 1 : i32
    %jit3A_1148 = arith.constant 0 : i32
    %broadcast_in_dim3A_1149 = vector.broadcast %jit3A_1147 : i32 to vector<16xi32>
    %broadcast_in_dim3A_1150 = vector.broadcast %jit3A_1148 : i32 to vector<16xi32>
    %select_n3A_1151 = arith.select %gt3A_1146, %broadcast_in_dim3A_1149, %broadcast_in_dim3A_1150 : vector<16xi1>, vector<16xi32>
    %add3A_1152 = arith.addi %add3A_1141, %select_n3A_1151 : vector<16xi32>
    %get3A_1153 = arith.constant 864 : index
    %get3A_1154 = tpu.vector_load %arg4[%get3A_1153] {strides = array<i32>} : memref<2048xf32, #tpu.memory_space<vmem>>, vector<16xf32>,
    %get3A_1155 = vector.shape_cast %get3A_1154 : vector<16xf32> to vector<16xf32>
    %gt3A_1156 = vector.broadcast %mul3A_559 : f32 to vector<16xf32>
    %gt3A_1157 = arith.cmpf ogt, %get3A_1155, %gt3A_1156 : vector<16xf32>
    %jit3A_1158 = arith.constant 1 : i32
    %jit3A_1159 = arith.constant 0 : i32
    %broadcast_in_dim3A_1160 = vector.broadcast %jit3A_1158 : i32 to vector<16xi32>
    %broadcast_in_dim3A_1161 = vector.broadcast %jit3A_1159 : i32 to vector<16xi32>
    %select_n3A_1162 = arith.select %gt3A_1157, %broadcast_in_dim3A_1160, %broadcast_in_dim3A_1161 : vector<16xi1>, vector<16xi32>
    %add3A_1163 = arith.addi %add3A_1152, %select_n3A_1162 : vector<16xi32>
    %get3A_1164 = arith.constant 880 : index
    %get3A_1165 = tpu.vector_load %arg4[%get3A_1164] {strides = array<i32>} : memref<2048xf32, #tpu.memory_space<vmem>>, vector<16xf32>,
    %get3A_1166 = vector.shape_cast %get3A_1165 : vector<16xf32> to vector<16xf32>
    %gt3A_1167 = vector.broadcast %mul3A_559 : f32 to vector<16xf32>
    %gt3A_1168 = arith.cmpf ogt, %get3A_1166, %gt3A_1167 : vector<16xf32>
    %jit3A_1169 = arith.constant 1 : i32
    %jit3A_1170 = arith.constant 0 : i32
    %broadcast_in_dim3A_1171 = vector.broadcast %jit3A_1169 : i32 to vector<16xi32>
    %broadcast_in_dim3A_1172 = vector.broadcast %jit3A_1170 : i32 to vector<16xi32>
    %select_n3A_1173 = arith.select %gt3A_1168, %broadcast_in_dim3A_1171, %broadcast_in_dim3A_1172 : vector<16xi1>, vector<16xi32>
    %add3A_1174 = arith.addi %add3A_1163, %select_n3A_1173 : vector<16xi32>
    %get3A_1175 = arith.constant 896 : index
    %get3A_1176 = tpu.vector_load %arg4[%get3A_1175] {strides = array<i32>} : memref<2048xf32, #tpu.memory_space<vmem>>, vector<16xf32>,
    %get3A_1177 = vector.shape_cast %get3A_1176 : vector<16xf32> to vector<16xf32>
    %gt3A_1178 = vector.broadcast %mul3A_559 : f32 to vector<16xf32>
    %gt3A_1179 = arith.cmpf ogt, %get3A_1177, %gt3A_1178 : vector<16xf32>
    %jit3A_1180 = arith.constant 1 : i32
    %jit3A_1181 = arith.constant 0 : i32
    %broadcast_in_dim3A_1182 = vector.broadcast %jit3A_1180 : i32 to vector<16xi32>
    %broadcast_in_dim3A_1183 = vector.broadcast %jit3A_1181 : i32 to vector<16xi32>
    %select_n3A_1184 = arith.select %gt3A_1179, %broadcast_in_dim3A_1182, %broadcast_in_dim3A_1183 : vector<16xi1>, vector<16xi32>
    %add3A_1185 = arith.addi %add3A_1174, %select_n3A_1184 : vector<16xi32>
    %get3A_1186 = arith.constant 912 : index
    %get3A_1187 = tpu.vector_load %arg4[%get3A_1186] {strides = array<i32>} : memref<2048xf32, #tpu.memory_space<vmem>>, vector<16xf32>,
    %get3A_1188 = vector.shape_cast %get3A_1187 : vector<16xf32> to vector<16xf32>
    %gt3A_1189 = vector.broadcast %mul3A_559 : f32 to vector<16xf32>
    %gt3A_1190 = arith.cmpf ogt, %get3A_1188, %gt3A_1189 : vector<16xf32>
    %jit3A_1191 = arith.constant 1 : i32
    %jit3A_1192 = arith.constant 0 : i32
    %broadcast_in_dim3A_1193 = vector.broadcast %jit3A_1191 : i32 to vector<16xi32>
    %broadcast_in_dim3A_1194 = vector.broadcast %jit3A_1192 : i32 to vector<16xi32>
    %select_n3A_1195 = arith.select %gt3A_1190, %broadcast_in_dim3A_1193, %broadcast_in_dim3A_1194 : vector<16xi1>, vector<16xi32>
    %add3A_1196 = arith.addi %add3A_1185, %select_n3A_1195 : vector<16xi32>
    %get3A_1197 = arith.constant 928 : index
    %get3A_1198 = tpu.vector_load %arg4[%get3A_1197] {strides = array<i32>} : memref<2048xf32, #tpu.memory_space<vmem>>, vector<16xf32>,
    %get3A_1199 = vector.shape_cast %get3A_1198 : vector<16xf32> to vector<16xf32>
    %gt3A_1200 = vector.broadcast %mul3A_559 : f32 to vector<16xf32>
    %gt3A_1201 = arith.cmpf ogt, %get3A_1199, %gt3A_1200 : vector<16xf32>
    %jit3A_1202 = arith.constant 1 : i32
    %jit3A_1203 = arith.constant 0 : i32
    %broadcast_in_dim3A_1204 = vector.broadcast %jit3A_1202 : i32 to vector<16xi32>
    %broadcast_in_dim3A_1205 = vector.broadcast %jit3A_1203 : i32 to vector<16xi32>
    %select_n3A_1206 = arith.select %gt3A_1201, %broadcast_in_dim3A_1204, %broadcast_in_dim3A_1205 : vector<16xi1>, vector<16xi32>
    %add3A_1207 = arith.addi %add3A_1196, %select_n3A_1206 : vector<16xi32>
    %get3A_1208 = arith.constant 944 : index
    %get3A_1209 = tpu.vector_load %arg4[%get3A_1208] {strides = array<i32>} : memref<2048xf32, #tpu.memory_space<vmem>>, vector<16xf32>,
    %get3A_1210 = vector.shape_cast %get3A_1209 : vector<16xf32> to vector<16xf32>
    %gt3A_1211 = vector.broadcast %mul3A_559 : f32 to vector<16xf32>
    %gt3A_1212 = arith.cmpf ogt, %get3A_1210, %gt3A_1211 : vector<16xf32>
    %jit3A_1213 = arith.constant 1 : i32
    %jit3A_1214 = arith.constant 0 : i32
    %broadcast_in_dim3A_1215 = vector.broadcast %jit3A_1213 : i32 to vector<16xi32>
    %broadcast_in_dim3A_1216 = vector.broadcast %jit3A_1214 : i32 to vector<16xi32>
    %select_n3A_1217 = arith.select %gt3A_1212, %broadcast_in_dim3A_1215, %broadcast_in_dim3A_1216 : vector<16xi1>, vector<16xi32>
    %add3A_1218 = arith.addi %add3A_1207, %select_n3A_1217 : vector<16xi32>
    %get3A_1219 = arith.constant 960 : index
    %get3A_1220 = tpu.vector_load %arg4[%get3A_1219] {strides = array<i32>} : memref<2048xf32, #tpu.memory_space<vmem>>, vector<16xf32>,
    %get3A_1221 = vector.shape_cast %get3A_1220 : vector<16xf32> to vector<16xf32>
    %gt3A_1222 = vector.broadcast %mul3A_559 : f32 to vector<16xf32>
    %gt3A_1223 = arith.cmpf ogt, %get3A_1221, %gt3A_1222 : vector<16xf32>
    %jit3A_1224 = arith.constant 1 : i32
    %jit3A_1225 = arith.constant 0 : i32
    %broadcast_in_dim3A_1226 = vector.broadcast %jit3A_1224 : i32 to vector<16xi32>
    %broadcast_in_dim3A_1227 = vector.broadcast %jit3A_1225 : i32 to vector<16xi32>
    %select_n3A_1228 = arith.select %gt3A_1223, %broadcast_in_dim3A_1226, %broadcast_in_dim3A_1227 : vector<16xi1>, vector<16xi32>
    %add3A_1229 = arith.addi %add3A_1218, %select_n3A_1228 : vector<16xi32>
    %get3A_1230 = arith.constant 976 : index
    %get3A_1231 = tpu.vector_load %arg4[%get3A_1230] {strides = array<i32>} : memref<2048xf32, #tpu.memory_space<vmem>>, vector<16xf32>,
    %get3A_1232 = vector.shape_cast %get3A_1231 : vector<16xf32> to vector<16xf32>
    %gt3A_1233 = vector.broadcast %mul3A_559 : f32 to vector<16xf32>
    %gt3A_1234 = arith.cmpf ogt, %get3A_1232, %gt3A_1233 : vector<16xf32>
    %jit3A_1235 = arith.constant 1 : i32
    %jit3A_1236 = arith.constant 0 : i32
    %broadcast_in_dim3A_1237 = vector.broadcast %jit3A_1235 : i32 to vector<16xi32>
    %broadcast_in_dim3A_1238 = vector.broadcast %jit3A_1236 : i32 to vector<16xi32>
    %select_n3A_1239 = arith.select %gt3A_1234, %broadcast_in_dim3A_1237, %broadcast_in_dim3A_1238 : vector<16xi1>, vector<16xi32>
    %add3A_1240 = arith.addi %add3A_1229, %select_n3A_1239 : vector<16xi32>
    %get3A_1241 = arith.constant 992 : index
    %get3A_1242 = tpu.vector_load %arg4[%get3A_1241] {strides = array<i32>} : memref<2048xf32, #tpu.memory_space<vmem>>, vector<16xf32>,
    %get3A_1243 = vector.shape_cast %get3A_1242 : vector<16xf32> to vector<16xf32>
    %gt3A_1244 = vector.broadcast %mul3A_559 : f32 to vector<16xf32>
    %gt3A_1245 = arith.cmpf ogt, %get3A_1243, %gt3A_1244 : vector<16xf32>
    %jit3A_1246 = arith.constant 1 : i32
    %jit3A_1247 = arith.constant 0 : i32
    %broadcast_in_dim3A_1248 = vector.broadcast %jit3A_1246 : i32 to vector<16xi32>
    %broadcast_in_dim3A_1249 = vector.broadcast %jit3A_1247 : i32 to vector<16xi32>
    %select_n3A_1250 = arith.select %gt3A_1245, %broadcast_in_dim3A_1248, %broadcast_in_dim3A_1249 : vector<16xi1>, vector<16xi32>
    %add3A_1251 = arith.addi %add3A_1240, %select_n3A_1250 : vector<16xi32>
    %get3A_1252 = arith.constant 1008 : index
    %get3A_1253 = tpu.vector_load %arg4[%get3A_1252] {strides = array<i32>} : memref<2048xf32, #tpu.memory_space<vmem>>, vector<16xf32>,
    %get3A_1254 = vector.shape_cast %get3A_1253 : vector<16xf32> to vector<16xf32>
    %gt3A_1255 = vector.broadcast %mul3A_559 : f32 to vector<16xf32>
    %gt3A_1256 = arith.cmpf ogt, %get3A_1254, %gt3A_1255 : vector<16xf32>
    %jit3A_1257 = arith.constant 1 : i32
    %jit3A_1258 = arith.constant 0 : i32
    %broadcast_in_dim3A_1259 = vector.broadcast %jit3A_1257 : i32 to vector<16xi32>
    %broadcast_in_dim3A_1260 = vector.broadcast %jit3A_1258 : i32 to vector<16xi32>
    %select_n3A_1261 = arith.select %gt3A_1256, %broadcast_in_dim3A_1259, %broadcast_in_dim3A_1260 : vector<16xi1>, vector<16xi32>
    %add3A_1262 = arith.addi %add3A_1251, %select_n3A_1261 : vector<16xi32>
    %get3A_1263 = arith.constant 1024 : index
    %get3A_1264 = tpu.vector_load %arg4[%get3A_1263] {strides = array<i32>} : memref<2048xf32, #tpu.memory_space<vmem>>, vector<16xf32>,
    %get3A_1265 = vector.shape_cast %get3A_1264 : vector<16xf32> to vector<16xf32>
    %gt3A_1266 = vector.broadcast %mul3A_559 : f32 to vector<16xf32>
    %gt3A_1267 = arith.cmpf ogt, %get3A_1265, %gt3A_1266 : vector<16xf32>
    %jit3A_1268 = arith.constant 1 : i32
    %jit3A_1269 = arith.constant 0 : i32
    %broadcast_in_dim3A_1270 = vector.broadcast %jit3A_1268 : i32 to vector<16xi32>
    %broadcast_in_dim3A_1271 = vector.broadcast %jit3A_1269 : i32 to vector<16xi32>
    %select_n3A_1272 = arith.select %gt3A_1267, %broadcast_in_dim3A_1270, %broadcast_in_dim3A_1271 : vector<16xi1>, vector<16xi32>
    %add3A_1273 = arith.addi %add3A_1262, %select_n3A_1272 : vector<16xi32>
    %get3A_1274 = arith.constant 1040 : index
    %get3A_1275 = tpu.vector_load %arg4[%get3A_1274] {strides = array<i32>} : memref<2048xf32, #tpu.memory_space<vmem>>, vector<16xf32>,
    %get3A_1276 = vector.shape_cast %get3A_1275 : vector<16xf32> to vector<16xf32>
    %gt3A_1277 = vector.broadcast %mul3A_559 : f32 to vector<16xf32>
    %gt3A_1278 = arith.cmpf ogt, %get3A_1276, %gt3A_1277 : vector<16xf32>
    %jit3A_1279 = arith.constant 1 : i32
    %jit3A_1280 = arith.constant 0 : i32
    %broadcast_in_dim3A_1281 = vector.broadcast %jit3A_1279 : i32 to vector<16xi32>
    %broadcast_in_dim3A_1282 = vector.broadcast %jit3A_1280 : i32 to vector<16xi32>
    %select_n3A_1283 = arith.select %gt3A_1278, %broadcast_in_dim3A_1281, %broadcast_in_dim3A_1282 : vector<16xi1>, vector<16xi32>
    %add3A_1284 = arith.addi %add3A_1273, %select_n3A_1283 : vector<16xi32>
    %get3A_1285 = arith.constant 1056 : index
    %get3A_1286 = tpu.vector_load %arg4[%get3A_1285] {strides = array<i32>} : memref<2048xf32, #tpu.memory_space<vmem>>, vector<16xf32>,
    %get3A_1287 = vector.shape_cast %get3A_1286 : vector<16xf32> to vector<16xf32>
    %gt3A_1288 = vector.broadcast %mul3A_559 : f32 to vector<16xf32>
    %gt3A_1289 = arith.cmpf ogt, %get3A_1287, %gt3A_1288 : vector<16xf32>
    %jit3A_1290 = arith.constant 1 : i32
    %jit3A_1291 = arith.constant 0 : i32
    %broadcast_in_dim3A_1292 = vector.broadcast %jit3A_1290 : i32 to vector<16xi32>
    %broadcast_in_dim3A_1293 = vector.broadcast %jit3A_1291 : i32 to vector<16xi32>
    %select_n3A_1294 = arith.select %gt3A_1289, %broadcast_in_dim3A_1292, %broadcast_in_dim3A_1293 : vector<16xi1>, vector<16xi32>
    %add3A_1295 = arith.addi %add3A_1284, %select_n3A_1294 : vector<16xi32>
    %get3A_1296 = arith.constant 1072 : index
    %get3A_1297 = tpu.vector_load %arg4[%get3A_1296] {strides = array<i32>} : memref<2048xf32, #tpu.memory_space<vmem>>, vector<16xf32>,
    %get3A_1298 = vector.shape_cast %get3A_1297 : vector<16xf32> to vector<16xf32>
    %gt3A_1299 = vector.broadcast %mul3A_559 : f32 to vector<16xf32>
    %gt3A_1300 = arith.cmpf ogt, %get3A_1298, %gt3A_1299 : vector<16xf32>
    %jit3A_1301 = arith.constant 1 : i32
    %jit3A_1302 = arith.constant 0 : i32
    %broadcast_in_dim3A_1303 = vector.broadcast %jit3A_1301 : i32 to vector<16xi32>
    %broadcast_in_dim3A_1304 = vector.broadcast %jit3A_1302 : i32 to vector<16xi32>
    %select_n3A_1305 = arith.select %gt3A_1300, %broadcast_in_dim3A_1303, %broadcast_in_dim3A_1304 : vector<16xi1>, vector<16xi32>
    %add3A_1306 = arith.addi %add3A_1295, %select_n3A_1305 : vector<16xi32>
    %get3A_1307 = arith.constant 1088 : index
    %get3A_1308 = tpu.vector_load %arg4[%get3A_1307] {strides = array<i32>} : memref<2048xf32, #tpu.memory_space<vmem>>, vector<16xf32>,
    %get3A_1309 = vector.shape_cast %get3A_1308 : vector<16xf32> to vector<16xf32>
    %gt3A_1310 = vector.broadcast %mul3A_559 : f32 to vector<16xf32>
    %gt3A_1311 = arith.cmpf ogt, %get3A_1309, %gt3A_1310 : vector<16xf32>
    %jit3A_1312 = arith.constant 1 : i32
    %jit3A_1313 = arith.constant 0 : i32
    %broadcast_in_dim3A_1314 = vector.broadcast %jit3A_1312 : i32 to vector<16xi32>
    %broadcast_in_dim3A_1315 = vector.broadcast %jit3A_1313 : i32 to vector<16xi32>
    %select_n3A_1316 = arith.select %gt3A_1311, %broadcast_in_dim3A_1314, %broadcast_in_dim3A_1315 : vector<16xi1>, vector<16xi32>
    %add3A_1317 = arith.addi %add3A_1306, %select_n3A_1316 : vector<16xi32>
    %get3A_1318 = arith.constant 1104 : index
    %get3A_1319 = tpu.vector_load %arg4[%get3A_1318] {strides = array<i32>} : memref<2048xf32, #tpu.memory_space<vmem>>, vector<16xf32>,
    %get3A_1320 = vector.shape_cast %get3A_1319 : vector<16xf32> to vector<16xf32>
    %gt3A_1321 = vector.broadcast %mul3A_559 : f32 to vector<16xf32>
    %gt3A_1322 = arith.cmpf ogt, %get3A_1320, %gt3A_1321 : vector<16xf32>
    %jit3A_1323 = arith.constant 1 : i32
    %jit3A_1324 = arith.constant 0 : i32
    %broadcast_in_dim3A_1325 = vector.broadcast %jit3A_1323 : i32 to vector<16xi32>
    %broadcast_in_dim3A_1326 = vector.broadcast %jit3A_1324 : i32 to vector<16xi32>
    %select_n3A_1327 = arith.select %gt3A_1322, %broadcast_in_dim3A_1325, %broadcast_in_dim3A_1326 : vector<16xi1>, vector<16xi32>
    %add3A_1328 = arith.addi %add3A_1317, %select_n3A_1327 : vector<16xi32>
    %get3A_1329 = arith.constant 1120 : index
    %get3A_1330 = tpu.vector_load %arg4[%get3A_1329] {strides = array<i32>} : memref<2048xf32, #tpu.memory_space<vmem>>, vector<16xf32>,
    %get3A_1331 = vector.shape_cast %get3A_1330 : vector<16xf32> to vector<16xf32>
    %gt3A_1332 = vector.broadcast %mul3A_559 : f32 to vector<16xf32>
    %gt3A_1333 = arith.cmpf ogt, %get3A_1331, %gt3A_1332 : vector<16xf32>
    %jit3A_1334 = arith.constant 1 : i32
    %jit3A_1335 = arith.constant 0 : i32
    %broadcast_in_dim3A_1336 = vector.broadcast %jit3A_1334 : i32 to vector<16xi32>
    %broadcast_in_dim3A_1337 = vector.broadcast %jit3A_1335 : i32 to vector<16xi32>
    %select_n3A_1338 = arith.select %gt3A_1333, %broadcast_in_dim3A_1336, %broadcast_in_dim3A_1337 : vector<16xi1>, vector<16xi32>
    %add3A_1339 = arith.addi %add3A_1328, %select_n3A_1338 : vector<16xi32>
    %get3A_1340 = arith.constant 1136 : index
    %get3A_1341 = tpu.vector_load %arg4[%get3A_1340] {strides = array<i32>} : memref<2048xf32, #tpu.memory_space<vmem>>, vector<16xf32>,
    %get3A_1342 = vector.shape_cast %get3A_1341 : vector<16xf32> to vector<16xf32>
    %gt3A_1343 = vector.broadcast %mul3A_559 : f32 to vector<16xf32>
    %gt3A_1344 = arith.cmpf ogt, %get3A_1342, %gt3A_1343 : vector<16xf32>
    %jit3A_1345 = arith.constant 1 : i32
    %jit3A_1346 = arith.constant 0 : i32
    %broadcast_in_dim3A_1347 = vector.broadcast %jit3A_1345 : i32 to vector<16xi32>
    %broadcast_in_dim3A_1348 = vector.broadcast %jit3A_1346 : i32 to vector<16xi32>
    %select_n3A_1349 = arith.select %gt3A_1344, %broadcast_in_dim3A_1347, %broadcast_in_dim3A_1348 : vector<16xi1>, vector<16xi32>
    %add3A_1350 = arith.addi %add3A_1339, %select_n3A_1349 : vector<16xi32>
    %get3A_1351 = arith.constant 1152 : index
    %get3A_1352 = tpu.vector_load %arg4[%get3A_1351] {strides = array<i32>} : memref<2048xf32, #tpu.memory_space<vmem>>, vector<16xf32>,
    %get3A_1353 = vector.shape_cast %get3A_1352 : vector<16xf32> to vector<16xf32>
    %gt3A_1354 = vector.broadcast %mul3A_559 : f32 to vector<16xf32>
    %gt3A_1355 = arith.cmpf ogt, %get3A_1353, %gt3A_1354 : vector<16xf32>
    %jit3A_1356 = arith.constant 1 : i32
    %jit3A_1357 = arith.constant 0 : i32
    %broadcast_in_dim3A_1358 = vector.broadcast %jit3A_1356 : i32 to vector<16xi32>
    %broadcast_in_dim3A_1359 = vector.broadcast %jit3A_1357 : i32 to vector<16xi32>
    %select_n3A_1360 = arith.select %gt3A_1355, %broadcast_in_dim3A_1358, %broadcast_in_dim3A_1359 : vector<16xi1>, vector<16xi32>
    %add3A_1361 = arith.addi %add3A_1350, %select_n3A_1360 : vector<16xi32>
    %get3A_1362 = arith.constant 1168 : index
    %get3A_1363 = tpu.vector_load %arg4[%get3A_1362] {strides = array<i32>} : memref<2048xf32, #tpu.memory_space<vmem>>, vector<16xf32>,
    %get3A_1364 = vector.shape_cast %get3A_1363 : vector<16xf32> to vector<16xf32>
    %gt3A_1365 = vector.broadcast %mul3A_559 : f32 to vector<16xf32>
    %gt3A_1366 = arith.cmpf ogt, %get3A_1364, %gt3A_1365 : vector<16xf32>
    %jit3A_1367 = arith.constant 1 : i32
    %jit3A_1368 = arith.constant 0 : i32
    %broadcast_in_dim3A_1369 = vector.broadcast %jit3A_1367 : i32 to vector<16xi32>
    %broadcast_in_dim3A_1370 = vector.broadcast %jit3A_1368 : i32 to vector<16xi32>
    %select_n3A_1371 = arith.select %gt3A_1366, %broadcast_in_dim3A_1369, %broadcast_in_dim3A_1370 : vector<16xi1>, vector<16xi32>
    %add3A_1372 = arith.addi %add3A_1361, %select_n3A_1371 : vector<16xi32>
    %get3A_1373 = arith.constant 1184 : index
    %get3A_1374 = tpu.vector_load %arg4[%get3A_1373] {strides = array<i32>} : memref<2048xf32, #tpu.memory_space<vmem>>, vector<16xf32>,
    %get3A_1375 = vector.shape_cast %get3A_1374 : vector<16xf32> to vector<16xf32>
    %gt3A_1376 = vector.broadcast %mul3A_559 : f32 to vector<16xf32>
    %gt3A_1377 = arith.cmpf ogt, %get3A_1375, %gt3A_1376 : vector<16xf32>
    %jit3A_1378 = arith.constant 1 : i32
    %jit3A_1379 = arith.constant 0 : i32
    %broadcast_in_dim3A_1380 = vector.broadcast %jit3A_1378 : i32 to vector<16xi32>
    %broadcast_in_dim3A_1381 = vector.broadcast %jit3A_1379 : i32 to vector<16xi32>
    %select_n3A_1382 = arith.select %gt3A_1377, %broadcast_in_dim3A_1380, %broadcast_in_dim3A_1381 : vector<16xi1>, vector<16xi32>
    %add3A_1383 = arith.addi %add3A_1372, %select_n3A_1382 : vector<16xi32>
    %get3A_1384 = arith.constant 1200 : index
    %get3A_1385 = tpu.vector_load %arg4[%get3A_1384] {strides = array<i32>} : memref<2048xf32, #tpu.memory_space<vmem>>, vector<16xf32>,
    %get3A_1386 = vector.shape_cast %get3A_1385 : vector<16xf32> to vector<16xf32>
    %gt3A_1387 = vector.broadcast %mul3A_559 : f32 to vector<16xf32>
    %gt3A_1388 = arith.cmpf ogt, %get3A_1386, %gt3A_1387 : vector<16xf32>
    %jit3A_1389 = arith.constant 1 : i32
    %jit3A_1390 = arith.constant 0 : i32
    %broadcast_in_dim3A_1391 = vector.broadcast %jit3A_1389 : i32 to vector<16xi32>
    %broadcast_in_dim3A_1392 = vector.broadcast %jit3A_1390 : i32 to vector<16xi32>
    %select_n3A_1393 = arith.select %gt3A_1388, %broadcast_in_dim3A_1391, %broadcast_in_dim3A_1392 : vector<16xi1>, vector<16xi32>
    %add3A_1394 = arith.addi %add3A_1383, %select_n3A_1393 : vector<16xi32>
    %get3A_1395 = arith.constant 1216 : index
    %get3A_1396 = tpu.vector_load %arg4[%get3A_1395] {strides = array<i32>} : memref<2048xf32, #tpu.memory_space<vmem>>, vector<16xf32>,
    %get3A_1397 = vector.shape_cast %get3A_1396 : vector<16xf32> to vector<16xf32>
    %gt3A_1398 = vector.broadcast %mul3A_559 : f32 to vector<16xf32>
    %gt3A_1399 = arith.cmpf ogt, %get3A_1397, %gt3A_1398 : vector<16xf32>
    %jit3A_1400 = arith.constant 1 : i32
    %jit3A_1401 = arith.constant 0 : i32
    %broadcast_in_dim3A_1402 = vector.broadcast %jit3A_1400 : i32 to vector<16xi32>
    %broadcast_in_dim3A_1403 = vector.broadcast %jit3A_1401 : i32 to vector<16xi32>
    %select_n3A_1404 = arith.select %gt3A_1399, %broadcast_in_dim3A_1402, %broadcast_in_dim3A_1403 : vector<16xi1>, vector<16xi32>
    %add3A_1405 = arith.addi %add3A_1394, %select_n3A_1404 : vector<16xi32>
    %get3A_1406 = arith.constant 1232 : index
    %get3A_1407 = tpu.vector_load %arg4[%get3A_1406] {strides = array<i32>} : memref<2048xf32, #tpu.memory_space<vmem>>, vector<16xf32>,
    %get3A_1408 = vector.shape_cast %get3A_1407 : vector<16xf32> to vector<16xf32>
    %gt3A_1409 = vector.broadcast %mul3A_559 : f32 to vector<16xf32>
    %gt3A_1410 = arith.cmpf ogt, %get3A_1408, %gt3A_1409 : vector<16xf32>
    %jit3A_1411 = arith.constant 1 : i32
    %jit3A_1412 = arith.constant 0 : i32
    %broadcast_in_dim3A_1413 = vector.broadcast %jit3A_1411 : i32 to vector<16xi32>
    %broadcast_in_dim3A_1414 = vector.broadcast %jit3A_1412 : i32 to vector<16xi32>
    %select_n3A_1415 = arith.select %gt3A_1410, %broadcast_in_dim3A_1413, %broadcast_in_dim3A_1414 : vector<16xi1>, vector<16xi32>
    %add3A_1416 = arith.addi %add3A_1405, %select_n3A_1415 : vector<16xi32>
    %get3A_1417 = arith.constant 1248 : index
    %get3A_1418 = tpu.vector_load %arg4[%get3A_1417] {strides = array<i32>} : memref<2048xf32, #tpu.memory_space<vmem>>, vector<16xf32>,
    %get3A_1419 = vector.shape_cast %get3A_1418 : vector<16xf32> to vector<16xf32>
    %gt3A_1420 = vector.broadcast %mul3A_559 : f32 to vector<16xf32>
    %gt3A_1421 = arith.cmpf ogt, %get3A_1419, %gt3A_1420 : vector<16xf32>
    %jit3A_1422 = arith.constant 1 : i32
    %jit3A_1423 = arith.constant 0 : i32
    %broadcast_in_dim3A_1424 = vector.broadcast %jit3A_1422 : i32 to vector<16xi32>
    %broadcast_in_dim3A_1425 = vector.broadcast %jit3A_1423 : i32 to vector<16xi32>
    %select_n3A_1426 = arith.select %gt3A_1421, %broadcast_in_dim3A_1424, %broadcast_in_dim3A_1425 : vector<16xi1>, vector<16xi32>
    %add3A_1427 = arith.addi %add3A_1416, %select_n3A_1426 : vector<16xi32>
    %get3A_1428 = arith.constant 1264 : index
    %get3A_1429 = tpu.vector_load %arg4[%get3A_1428] {strides = array<i32>} : memref<2048xf32, #tpu.memory_space<vmem>>, vector<16xf32>,
    %get3A_1430 = vector.shape_cast %get3A_1429 : vector<16xf32> to vector<16xf32>
    %gt3A_1431 = vector.broadcast %mul3A_559 : f32 to vector<16xf32>
    %gt3A_1432 = arith.cmpf ogt, %get3A_1430, %gt3A_1431 : vector<16xf32>
    %jit3A_1433 = arith.constant 1 : i32
    %jit3A_1434 = arith.constant 0 : i32
    %broadcast_in_dim3A_1435 = vector.broadcast %jit3A_1433 : i32 to vector<16xi32>
    %broadcast_in_dim3A_1436 = vector.broadcast %jit3A_1434 : i32 to vector<16xi32>
    %select_n3A_1437 = arith.select %gt3A_1432, %broadcast_in_dim3A_1435, %broadcast_in_dim3A_1436 : vector<16xi1>, vector<16xi32>
    %add3A_1438 = arith.addi %add3A_1427, %select_n3A_1437 : vector<16xi32>
    %get3A_1439 = arith.constant 1280 : index
    %get3A_1440 = tpu.vector_load %arg4[%get3A_1439] {strides = array<i32>} : memref<2048xf32, #tpu.memory_space<vmem>>, vector<16xf32>,
    %get3A_1441 = vector.shape_cast %get3A_1440 : vector<16xf32> to vector<16xf32>
    %gt3A_1442 = vector.broadcast %mul3A_559 : f32 to vector<16xf32>
    %gt3A_1443 = arith.cmpf ogt, %get3A_1441, %gt3A_1442 : vector<16xf32>
    %jit3A_1444 = arith.constant 1 : i32
    %jit3A_1445 = arith.constant 0 : i32
    %broadcast_in_dim3A_1446 = vector.broadcast %jit3A_1444 : i32 to vector<16xi32>
    %broadcast_in_dim3A_1447 = vector.broadcast %jit3A_1445 : i32 to vector<16xi32>
    %select_n3A_1448 = arith.select %gt3A_1443, %broadcast_in_dim3A_1446, %broadcast_in_dim3A_1447 : vector<16xi1>, vector<16xi32>
    %add3A_1449 = arith.addi %add3A_1438, %select_n3A_1448 : vector<16xi32>
    %get3A_1450 = arith.constant 1296 : index
    %get3A_1451 = tpu.vector_load %arg4[%get3A_1450] {strides = array<i32>} : memref<2048xf32, #tpu.memory_space<vmem>>, vector<16xf32>,
    %get3A_1452 = vector.shape_cast %get3A_1451 : vector<16xf32> to vector<16xf32>
    %gt3A_1453 = vector.broadcast %mul3A_559 : f32 to vector<16xf32>
    %gt3A_1454 = arith.cmpf ogt, %get3A_1452, %gt3A_1453 : vector<16xf32>
    %jit3A_1455 = arith.constant 1 : i32
    %jit3A_1456 = arith.constant 0 : i32
    %broadcast_in_dim3A_1457 = vector.broadcast %jit3A_1455 : i32 to vector<16xi32>
    %broadcast_in_dim3A_1458 = vector.broadcast %jit3A_1456 : i32 to vector<16xi32>
    %select_n3A_1459 = arith.select %gt3A_1454, %broadcast_in_dim3A_1457, %broadcast_in_dim3A_1458 : vector<16xi1>, vector<16xi32>
    %add3A_1460 = arith.addi %add3A_1449, %select_n3A_1459 : vector<16xi32>
    %get3A_1461 = arith.constant 1312 : index
    %get3A_1462 = tpu.vector_load %arg4[%get3A_1461] {strides = array<i32>} : memref<2048xf32, #tpu.memory_space<vmem>>, vector<16xf32>,
    %get3A_1463 = vector.shape_cast %get3A_1462 : vector<16xf32> to vector<16xf32>
    %gt3A_1464 = vector.broadcast %mul3A_559 : f32 to vector<16xf32>
    %gt3A_1465 = arith.cmpf ogt, %get3A_1463, %gt3A_1464 : vector<16xf32>
    %jit3A_1466 = arith.constant 1 : i32
    %jit3A_1467 = arith.constant 0 : i32
    %broadcast_in_dim3A_1468 = vector.broadcast %jit3A_1466 : i32 to vector<16xi32>
    %broadcast_in_dim3A_1469 = vector.broadcast %jit3A_1467 : i32 to vector<16xi32>
    %select_n3A_1470 = arith.select %gt3A_1465, %broadcast_in_dim3A_1468, %broadcast_in_dim3A_1469 : vector<16xi1>, vector<16xi32>
    %add3A_1471 = arith.addi %add3A_1460, %select_n3A_1470 : vector<16xi32>
    %get3A_1472 = arith.constant 1328 : index
    %get3A_1473 = tpu.vector_load %arg4[%get3A_1472] {strides = array<i32>} : memref<2048xf32, #tpu.memory_space<vmem>>, vector<16xf32>,
    %get3A_1474 = vector.shape_cast %get3A_1473 : vector<16xf32> to vector<16xf32>
    %gt3A_1475 = vector.broadcast %mul3A_559 : f32 to vector<16xf32>
    %gt3A_1476 = arith.cmpf ogt, %get3A_1474, %gt3A_1475 : vector<16xf32>
    %jit3A_1477 = arith.constant 1 : i32
    %jit3A_1478 = arith.constant 0 : i32
    %broadcast_in_dim3A_1479 = vector.broadcast %jit3A_1477 : i32 to vector<16xi32>
    %broadcast_in_dim3A_1480 = vector.broadcast %jit3A_1478 : i32 to vector<16xi32>
    %select_n3A_1481 = arith.select %gt3A_1476, %broadcast_in_dim3A_1479, %broadcast_in_dim3A_1480 : vector<16xi1>, vector<16xi32>
    %add3A_1482 = arith.addi %add3A_1471, %select_n3A_1481 : vector<16xi32>
    %get3A_1483 = arith.constant 1344 : index
    %get3A_1484 = tpu.vector_load %arg4[%get3A_1483] {strides = array<i32>} : memref<2048xf32, #tpu.memory_space<vmem>>, vector<16xf32>,
    %get3A_1485 = vector.shape_cast %get3A_1484 : vector<16xf32> to vector<16xf32>
    %gt3A_1486 = vector.broadcast %mul3A_559 : f32 to vector<16xf32>
    %gt3A_1487 = arith.cmpf ogt, %get3A_1485, %gt3A_1486 : vector<16xf32>
    %jit3A_1488 = arith.constant 1 : i32
    %jit3A_1489 = arith.constant 0 : i32
    %broadcast_in_dim3A_1490 = vector.broadcast %jit3A_1488 : i32 to vector<16xi32>
    %broadcast_in_dim3A_1491 = vector.broadcast %jit3A_1489 : i32 to vector<16xi32>
    %select_n3A_1492 = arith.select %gt3A_1487, %broadcast_in_dim3A_1490, %broadcast_in_dim3A_1491 : vector<16xi1>, vector<16xi32>
    %add3A_1493 = arith.addi %add3A_1482, %select_n3A_1492 : vector<16xi32>
    %get3A_1494 = arith.constant 1360 : index
    %get3A_1495 = tpu.vector_load %arg4[%get3A_1494] {strides = array<i32>} : memref<2048xf32, #tpu.memory_space<vmem>>, vector<16xf32>,
    %get3A_1496 = vector.shape_cast %get3A_1495 : vector<16xf32> to vector<16xf32>
    %gt3A_1497 = vector.broadcast %mul3A_559 : f32 to vector<16xf32>
    %gt3A_1498 = arith.cmpf ogt, %get3A_1496, %gt3A_1497 : vector<16xf32>
    %jit3A_1499 = arith.constant 1 : i32
    %jit3A_1500 = arith.constant 0 : i32
    %broadcast_in_dim3A_1501 = vector.broadcast %jit3A_1499 : i32 to vector<16xi32>
    %broadcast_in_dim3A_1502 = vector.broadcast %jit3A_1500 : i32 to vector<16xi32>
    %select_n3A_1503 = arith.select %gt3A_1498, %broadcast_in_dim3A_1501, %broadcast_in_dim3A_1502 : vector<16xi1>, vector<16xi32>
    %add3A_1504 = arith.addi %add3A_1493, %select_n3A_1503 : vector<16xi32>
    %get3A_1505 = arith.constant 1376 : index
    %get3A_1506 = tpu.vector_load %arg4[%get3A_1505] {strides = array<i32>} : memref<2048xf32, #tpu.memory_space<vmem>>, vector<16xf32>,
    %get3A_1507 = vector.shape_cast %get3A_1506 : vector<16xf32> to vector<16xf32>
    %gt3A_1508 = vector.broadcast %mul3A_559 : f32 to vector<16xf32>
    %gt3A_1509 = arith.cmpf ogt, %get3A_1507, %gt3A_1508 : vector<16xf32>
    %jit3A_1510 = arith.constant 1 : i32
    %jit3A_1511 = arith.constant 0 : i32
    %broadcast_in_dim3A_1512 = vector.broadcast %jit3A_1510 : i32 to vector<16xi32>
    %broadcast_in_dim3A_1513 = vector.broadcast %jit3A_1511 : i32 to vector<16xi32>
    %select_n3A_1514 = arith.select %gt3A_1509, %broadcast_in_dim3A_1512, %broadcast_in_dim3A_1513 : vector<16xi1>, vector<16xi32>
    %add3A_1515 = arith.addi %add3A_1504, %select_n3A_1514 : vector<16xi32>
    %get3A_1516 = arith.constant 1392 : index
    %get3A_1517 = tpu.vector_load %arg4[%get3A_1516] {strides = array<i32>} : memref<2048xf32, #tpu.memory_space<vmem>>, vector<16xf32>,
    %get3A_1518 = vector.shape_cast %get3A_1517 : vector<16xf32> to vector<16xf32>
    %gt3A_1519 = vector.broadcast %mul3A_559 : f32 to vector<16xf32>
    %gt3A_1520 = arith.cmpf ogt, %get3A_1518, %gt3A_1519 : vector<16xf32>
    %jit3A_1521 = arith.constant 1 : i32
    %jit3A_1522 = arith.constant 0 : i32
    %broadcast_in_dim3A_1523 = vector.broadcast %jit3A_1521 : i32 to vector<16xi32>
    %broadcast_in_dim3A_1524 = vector.broadcast %jit3A_1522 : i32 to vector<16xi32>
    %select_n3A_1525 = arith.select %gt3A_1520, %broadcast_in_dim3A_1523, %broadcast_in_dim3A_1524 : vector<16xi1>, vector<16xi32>
    %add3A_1526 = arith.addi %add3A_1515, %select_n3A_1525 : vector<16xi32>
    %get3A_1527 = arith.constant 1408 : index
    %get3A_1528 = tpu.vector_load %arg4[%get3A_1527] {strides = array<i32>} : memref<2048xf32, #tpu.memory_space<vmem>>, vector<16xf32>,
    %get3A_1529 = vector.shape_cast %get3A_1528 : vector<16xf32> to vector<16xf32>
    %gt3A_1530 = vector.broadcast %mul3A_559 : f32 to vector<16xf32>
    %gt3A_1531 = arith.cmpf ogt, %get3A_1529, %gt3A_1530 : vector<16xf32>
    %jit3A_1532 = arith.constant 1 : i32
    %jit3A_1533 = arith.constant 0 : i32
    %broadcast_in_dim3A_1534 = vector.broadcast %jit3A_1532 : i32 to vector<16xi32>
    %broadcast_in_dim3A_1535 = vector.broadcast %jit3A_1533 : i32 to vector<16xi32>
    %select_n3A_1536 = arith.select %gt3A_1531, %broadcast_in_dim3A_1534, %broadcast_in_dim3A_1535 : vector<16xi1>, vector<16xi32>
    %add3A_1537 = arith.addi %add3A_1526, %select_n3A_1536 : vector<16xi32>
    %get3A_1538 = arith.constant 1424 : index
    %get3A_1539 = tpu.vector_load %arg4[%get3A_1538] {strides = array<i32>} : memref<2048xf32, #tpu.memory_space<vmem>>, vector<16xf32>,
    %get3A_1540 = vector.shape_cast %get3A_1539 : vector<16xf32> to vector<16xf32>
    %gt3A_1541 = vector.broadcast %mul3A_559 : f32 to vector<16xf32>
    %gt3A_1542 = arith.cmpf ogt, %get3A_1540, %gt3A_1541 : vector<16xf32>
    %jit3A_1543 = arith.constant 1 : i32
    %jit3A_1544 = arith.constant 0 : i32
    %broadcast_in_dim3A_1545 = vector.broadcast %jit3A_1543 : i32 to vector<16xi32>
    %broadcast_in_dim3A_1546 = vector.broadcast %jit3A_1544 : i32 to vector<16xi32>
    %select_n3A_1547 = arith.select %gt3A_1542, %broadcast_in_dim3A_1545, %broadcast_in_dim3A_1546 : vector<16xi1>, vector<16xi32>
    %add3A_1548 = arith.addi %add3A_1537, %select_n3A_1547 : vector<16xi32>
    %get3A_1549 = arith.constant 1440 : index
    %get3A_1550 = tpu.vector_load %arg4[%get3A_1549] {strides = array<i32>} : memref<2048xf32, #tpu.memory_space<vmem>>, vector<16xf32>,
    %get3A_1551 = vector.shape_cast %get3A_1550 : vector<16xf32> to vector<16xf32>
    %gt3A_1552 = vector.broadcast %mul3A_559 : f32 to vector<16xf32>
    %gt3A_1553 = arith.cmpf ogt, %get3A_1551, %gt3A_1552 : vector<16xf32>
    %jit3A_1554 = arith.constant 1 : i32
    %jit3A_1555 = arith.constant 0 : i32
    %broadcast_in_dim3A_1556 = vector.broadcast %jit3A_1554 : i32 to vector<16xi32>
    %broadcast_in_dim3A_1557 = vector.broadcast %jit3A_1555 : i32 to vector<16xi32>
    %select_n3A_1558 = arith.select %gt3A_1553, %broadcast_in_dim3A_1556, %broadcast_in_dim3A_1557 : vector<16xi1>, vector<16xi32>
    %add3A_1559 = arith.addi %add3A_1548, %select_n3A_1558 : vector<16xi32>
    %get3A_1560 = arith.constant 1456 : index
    %get3A_1561 = tpu.vector_load %arg4[%get3A_1560] {strides = array<i32>} : memref<2048xf32, #tpu.memory_space<vmem>>, vector<16xf32>,
    %get3A_1562 = vector.shape_cast %get3A_1561 : vector<16xf32> to vector<16xf32>
    %gt3A_1563 = vector.broadcast %mul3A_559 : f32 to vector<16xf32>
    %gt3A_1564 = arith.cmpf ogt, %get3A_1562, %gt3A_1563 : vector<16xf32>
    %jit3A_1565 = arith.constant 1 : i32
    %jit3A_1566 = arith.constant 0 : i32
    %broadcast_in_dim3A_1567 = vector.broadcast %jit3A_1565 : i32 to vector<16xi32>
    %broadcast_in_dim3A_1568 = vector.broadcast %jit3A_1566 : i32 to vector<16xi32>
    %select_n3A_1569 = arith.select %gt3A_1564, %broadcast_in_dim3A_1567, %broadcast_in_dim3A_1568 : vector<16xi1>, vector<16xi32>
    %add3A_1570 = arith.addi %add3A_1559, %select_n3A_1569 : vector<16xi32>
    %get3A_1571 = arith.constant 1472 : index
    %get3A_1572 = tpu.vector_load %arg4[%get3A_1571] {strides = array<i32>} : memref<2048xf32, #tpu.memory_space<vmem>>, vector<16xf32>,
    %get3A_1573 = vector.shape_cast %get3A_1572 : vector<16xf32> to vector<16xf32>
    %gt3A_1574 = vector.broadcast %mul3A_559 : f32 to vector<16xf32>
    %gt3A_1575 = arith.cmpf ogt, %get3A_1573, %gt3A_1574 : vector<16xf32>
    %jit3A_1576 = arith.constant 1 : i32
    %jit3A_1577 = arith.constant 0 : i32
    %broadcast_in_dim3A_1578 = vector.broadcast %jit3A_1576 : i32 to vector<16xi32>
    %broadcast_in_dim3A_1579 = vector.broadcast %jit3A_1577 : i32 to vector<16xi32>
    %select_n3A_1580 = arith.select %gt3A_1575, %broadcast_in_dim3A_1578, %broadcast_in_dim3A_1579 : vector<16xi1>, vector<16xi32>
    %add3A_1581 = arith.addi %add3A_1570, %select_n3A_1580 : vector<16xi32>
    %get3A_1582 = arith.constant 1488 : index
    %get3A_1583 = tpu.vector_load %arg4[%get3A_1582] {strides = array<i32>} : memref<2048xf32, #tpu.memory_space<vmem>>, vector<16xf32>,
    %get3A_1584 = vector.shape_cast %get3A_1583 : vector<16xf32> to vector<16xf32>
    %gt3A_1585 = vector.broadcast %mul3A_559 : f32 to vector<16xf32>
    %gt3A_1586 = arith.cmpf ogt, %get3A_1584, %gt3A_1585 : vector<16xf32>
    %jit3A_1587 = arith.constant 1 : i32
    %jit3A_1588 = arith.constant 0 : i32
    %broadcast_in_dim3A_1589 = vector.broadcast %jit3A_1587 : i32 to vector<16xi32>
    %broadcast_in_dim3A_1590 = vector.broadcast %jit3A_1588 : i32 to vector<16xi32>
    %select_n3A_1591 = arith.select %gt3A_1586, %broadcast_in_dim3A_1589, %broadcast_in_dim3A_1590 : vector<16xi1>, vector<16xi32>
    %add3A_1592 = arith.addi %add3A_1581, %select_n3A_1591 : vector<16xi32>
    %get3A_1593 = arith.constant 1504 : index
    %get3A_1594 = tpu.vector_load %arg4[%get3A_1593] {strides = array<i32>} : memref<2048xf32, #tpu.memory_space<vmem>>, vector<16xf32>,
    %get3A_1595 = vector.shape_cast %get3A_1594 : vector<16xf32> to vector<16xf32>
    %gt3A_1596 = vector.broadcast %mul3A_559 : f32 to vector<16xf32>
    %gt3A_1597 = arith.cmpf ogt, %get3A_1595, %gt3A_1596 : vector<16xf32>
    %jit3A_1598 = arith.constant 1 : i32
    %jit3A_1599 = arith.constant 0 : i32
    %broadcast_in_dim3A_1600 = vector.broadcast %jit3A_1598 : i32 to vector<16xi32>
    %broadcast_in_dim3A_1601 = vector.broadcast %jit3A_1599 : i32 to vector<16xi32>
    %select_n3A_1602 = arith.select %gt3A_1597, %broadcast_in_dim3A_1600, %broadcast_in_dim3A_1601 : vector<16xi1>, vector<16xi32>
    %add3A_1603 = arith.addi %add3A_1592, %select_n3A_1602 : vector<16xi32>
    %get3A_1604 = arith.constant 1520 : index
    %get3A_1605 = tpu.vector_load %arg4[%get3A_1604] {strides = array<i32>} : memref<2048xf32, #tpu.memory_space<vmem>>, vector<16xf32>,
    %get3A_1606 = vector.shape_cast %get3A_1605 : vector<16xf32> to vector<16xf32>
    %gt3A_1607 = vector.broadcast %mul3A_559 : f32 to vector<16xf32>
    %gt3A_1608 = arith.cmpf ogt, %get3A_1606, %gt3A_1607 : vector<16xf32>
    %jit3A_1609 = arith.constant 1 : i32
    %jit3A_1610 = arith.constant 0 : i32
    %broadcast_in_dim3A_1611 = vector.broadcast %jit3A_1609 : i32 to vector<16xi32>
    %broadcast_in_dim3A_1612 = vector.broadcast %jit3A_1610 : i32 to vector<16xi32>
    %select_n3A_1613 = arith.select %gt3A_1608, %broadcast_in_dim3A_1611, %broadcast_in_dim3A_1612 : vector<16xi1>, vector<16xi32>
    %add3A_1614 = arith.addi %add3A_1603, %select_n3A_1613 : vector<16xi32>
    %get3A_1615 = arith.constant 1536 : index
    %get3A_1616 = tpu.vector_load %arg4[%get3A_1615] {strides = array<i32>} : memref<2048xf32, #tpu.memory_space<vmem>>, vector<16xf32>,
    %get3A_1617 = vector.shape_cast %get3A_1616 : vector<16xf32> to vector<16xf32>
    %gt3A_1618 = vector.broadcast %mul3A_559 : f32 to vector<16xf32>
    %gt3A_1619 = arith.cmpf ogt, %get3A_1617, %gt3A_1618 : vector<16xf32>
    %jit3A_1620 = arith.constant 1 : i32
    %jit3A_1621 = arith.constant 0 : i32
    %broadcast_in_dim3A_1622 = vector.broadcast %jit3A_1620 : i32 to vector<16xi32>
    %broadcast_in_dim3A_1623 = vector.broadcast %jit3A_1621 : i32 to vector<16xi32>
    %select_n3A_1624 = arith.select %gt3A_1619, %broadcast_in_dim3A_1622, %broadcast_in_dim3A_1623 : vector<16xi1>, vector<16xi32>
    %add3A_1625 = arith.addi %add3A_1614, %select_n3A_1624 : vector<16xi32>
    %get3A_1626 = arith.constant 1552 : index
    %get3A_1627 = tpu.vector_load %arg4[%get3A_1626] {strides = array<i32>} : memref<2048xf32, #tpu.memory_space<vmem>>, vector<16xf32>,
    %get3A_1628 = vector.shape_cast %get3A_1627 : vector<16xf32> to vector<16xf32>
    %gt3A_1629 = vector.broadcast %mul3A_559 : f32 to vector<16xf32>
    %gt3A_1630 = arith.cmpf ogt, %get3A_1628, %gt3A_1629 : vector<16xf32>
    %jit3A_1631 = arith.constant 1 : i32
    %jit3A_1632 = arith.constant 0 : i32
    %broadcast_in_dim3A_1633 = vector.broadcast %jit3A_1631 : i32 to vector<16xi32>
    %broadcast_in_dim3A_1634 = vector.broadcast %jit3A_1632 : i32 to vector<16xi32>
    %select_n3A_1635 = arith.select %gt3A_1630, %broadcast_in_dim3A_1633, %broadcast_in_dim3A_1634 : vector<16xi1>, vector<16xi32>
    %add3A_1636 = arith.addi %add3A_1625, %select_n3A_1635 : vector<16xi32>
    %get3A_1637 = arith.constant 1568 : index
    %get3A_1638 = tpu.vector_load %arg4[%get3A_1637] {strides = array<i32>} : memref<2048xf32, #tpu.memory_space<vmem>>, vector<16xf32>,
    %get3A_1639 = vector.shape_cast %get3A_1638 : vector<16xf32> to vector<16xf32>
    %gt3A_1640 = vector.broadcast %mul3A_559 : f32 to vector<16xf32>
    %gt3A_1641 = arith.cmpf ogt, %get3A_1639, %gt3A_1640 : vector<16xf32>
    %jit3A_1642 = arith.constant 1 : i32
    %jit3A_1643 = arith.constant 0 : i32
    %broadcast_in_dim3A_1644 = vector.broadcast %jit3A_1642 : i32 to vector<16xi32>
    %broadcast_in_dim3A_1645 = vector.broadcast %jit3A_1643 : i32 to vector<16xi32>
    %select_n3A_1646 = arith.select %gt3A_1641, %broadcast_in_dim3A_1644, %broadcast_in_dim3A_1645 : vector<16xi1>, vector<16xi32>
    %add3A_1647 = arith.addi %add3A_1636, %select_n3A_1646 : vector<16xi32>
    %get3A_1648 = arith.constant 1584 : index
    %get3A_1649 = tpu.vector_load %arg4[%get3A_1648] {strides = array<i32>} : memref<2048xf32, #tpu.memory_space<vmem>>, vector<16xf32>,
    %get3A_1650 = vector.shape_cast %get3A_1649 : vector<16xf32> to vector<16xf32>
    %gt3A_1651 = vector.broadcast %mul3A_559 : f32 to vector<16xf32>
    %gt3A_1652 = arith.cmpf ogt, %get3A_1650, %gt3A_1651 : vector<16xf32>
    %jit3A_1653 = arith.constant 1 : i32
    %jit3A_1654 = arith.constant 0 : i32
    %broadcast_in_dim3A_1655 = vector.broadcast %jit3A_1653 : i32 to vector<16xi32>
    %broadcast_in_dim3A_1656 = vector.broadcast %jit3A_1654 : i32 to vector<16xi32>
    %select_n3A_1657 = arith.select %gt3A_1652, %broadcast_in_dim3A_1655, %broadcast_in_dim3A_1656 : vector<16xi1>, vector<16xi32>
    %add3A_1658 = arith.addi %add3A_1647, %select_n3A_1657 : vector<16xi32>
    %get3A_1659 = arith.constant 1600 : index
    %get3A_1660 = tpu.vector_load %arg4[%get3A_1659] {strides = array<i32>} : memref<2048xf32, #tpu.memory_space<vmem>>, vector<16xf32>,
    %get3A_1661 = vector.shape_cast %get3A_1660 : vector<16xf32> to vector<16xf32>
    %gt3A_1662 = vector.broadcast %mul3A_559 : f32 to vector<16xf32>
    %gt3A_1663 = arith.cmpf ogt, %get3A_1661, %gt3A_1662 : vector<16xf32>
    %jit3A_1664 = arith.constant 1 : i32
    %jit3A_1665 = arith.constant 0 : i32
    %broadcast_in_dim3A_1666 = vector.broadcast %jit3A_1664 : i32 to vector<16xi32>
    %broadcast_in_dim3A_1667 = vector.broadcast %jit3A_1665 : i32 to vector<16xi32>
    %select_n3A_1668 = arith.select %gt3A_1663, %broadcast_in_dim3A_1666, %broadcast_in_dim3A_1667 : vector<16xi1>, vector<16xi32>
    %add3A_1669 = arith.addi %add3A_1658, %select_n3A_1668 : vector<16xi32>
    %get3A_1670 = arith.constant 1616 : index
    %get3A_1671 = tpu.vector_load %arg4[%get3A_1670] {strides = array<i32>} : memref<2048xf32, #tpu.memory_space<vmem>>, vector<16xf32>,
    %get3A_1672 = vector.shape_cast %get3A_1671 : vector<16xf32> to vector<16xf32>
    %gt3A_1673 = vector.broadcast %mul3A_559 : f32 to vector<16xf32>
    %gt3A_1674 = arith.cmpf ogt, %get3A_1672, %gt3A_1673 : vector<16xf32>
    %jit3A_1675 = arith.constant 1 : i32
    %jit3A_1676 = arith.constant 0 : i32
    %broadcast_in_dim3A_1677 = vector.broadcast %jit3A_1675 : i32 to vector<16xi32>
    %broadcast_in_dim3A_1678 = vector.broadcast %jit3A_1676 : i32 to vector<16xi32>
    %select_n3A_1679 = arith.select %gt3A_1674, %broadcast_in_dim3A_1677, %broadcast_in_dim3A_1678 : vector<16xi1>, vector<16xi32>
    %add3A_1680 = arith.addi %add3A_1669, %select_n3A_1679 : vector<16xi32>
    %get3A_1681 = arith.constant 1632 : index
    %get3A_1682 = tpu.vector_load %arg4[%get3A_1681] {strides = array<i32>} : memref<2048xf32, #tpu.memory_space<vmem>>, vector<16xf32>,
    %get3A_1683 = vector.shape_cast %get3A_1682 : vector<16xf32> to vector<16xf32>
    %gt3A_1684 = vector.broadcast %mul3A_559 : f32 to vector<16xf32>
    %gt3A_1685 = arith.cmpf ogt, %get3A_1683, %gt3A_1684 : vector<16xf32>
    %jit3A_1686 = arith.constant 1 : i32
    %jit3A_1687 = arith.constant 0 : i32
    %broadcast_in_dim3A_1688 = vector.broadcast %jit3A_1686 : i32 to vector<16xi32>
    %broadcast_in_dim3A_1689 = vector.broadcast %jit3A_1687 : i32 to vector<16xi32>
    %select_n3A_1690 = arith.select %gt3A_1685, %broadcast_in_dim3A_1688, %broadcast_in_dim3A_1689 : vector<16xi1>, vector<16xi32>
    %add3A_1691 = arith.addi %add3A_1680, %select_n3A_1690 : vector<16xi32>
    %get3A_1692 = arith.constant 1648 : index
    %get3A_1693 = tpu.vector_load %arg4[%get3A_1692] {strides = array<i32>} : memref<2048xf32, #tpu.memory_space<vmem>>, vector<16xf32>,
    %get3A_1694 = vector.shape_cast %get3A_1693 : vector<16xf32> to vector<16xf32>
    %gt3A_1695 = vector.broadcast %mul3A_559 : f32 to vector<16xf32>
    %gt3A_1696 = arith.cmpf ogt, %get3A_1694, %gt3A_1695 : vector<16xf32>
    %jit3A_1697 = arith.constant 1 : i32
    %jit3A_1698 = arith.constant 0 : i32
    %broadcast_in_dim3A_1699 = vector.broadcast %jit3A_1697 : i32 to vector<16xi32>
    %broadcast_in_dim3A_1700 = vector.broadcast %jit3A_1698 : i32 to vector<16xi32>
    %select_n3A_1701 = arith.select %gt3A_1696, %broadcast_in_dim3A_1699, %broadcast_in_dim3A_1700 : vector<16xi1>, vector<16xi32>
    %add3A_1702 = arith.addi %add3A_1691, %select_n3A_1701 : vector<16xi32>
    %get3A_1703 = arith.constant 1664 : index
    %get3A_1704 = tpu.vector_load %arg4[%get3A_1703] {strides = array<i32>} : memref<2048xf32, #tpu.memory_space<vmem>>, vector<16xf32>,
    %get3A_1705 = vector.shape_cast %get3A_1704 : vector<16xf32> to vector<16xf32>
    %gt3A_1706 = vector.broadcast %mul3A_559 : f32 to vector<16xf32>
    %gt3A_1707 = arith.cmpf ogt, %get3A_1705, %gt3A_1706 : vector<16xf32>
    %jit3A_1708 = arith.constant 1 : i32
    %jit3A_1709 = arith.constant 0 : i32
    %broadcast_in_dim3A_1710 = vector.broadcast %jit3A_1708 : i32 to vector<16xi32>
    %broadcast_in_dim3A_1711 = vector.broadcast %jit3A_1709 : i32 to vector<16xi32>
    %select_n3A_1712 = arith.select %gt3A_1707, %broadcast_in_dim3A_1710, %broadcast_in_dim3A_1711 : vector<16xi1>, vector<16xi32>
    %add3A_1713 = arith.addi %add3A_1702, %select_n3A_1712 : vector<16xi32>
    %get3A_1714 = arith.constant 1680 : index
    %get3A_1715 = tpu.vector_load %arg4[%get3A_1714] {strides = array<i32>} : memref<2048xf32, #tpu.memory_space<vmem>>, vector<16xf32>,
    %get3A_1716 = vector.shape_cast %get3A_1715 : vector<16xf32> to vector<16xf32>
    %gt3A_1717 = vector.broadcast %mul3A_559 : f32 to vector<16xf32>
    %gt3A_1718 = arith.cmpf ogt, %get3A_1716, %gt3A_1717 : vector<16xf32>
    %jit3A_1719 = arith.constant 1 : i32
    %jit3A_1720 = arith.constant 0 : i32
    %broadcast_in_dim3A_1721 = vector.broadcast %jit3A_1719 : i32 to vector<16xi32>
    %broadcast_in_dim3A_1722 = vector.broadcast %jit3A_1720 : i32 to vector<16xi32>
    %select_n3A_1723 = arith.select %gt3A_1718, %broadcast_in_dim3A_1721, %broadcast_in_dim3A_1722 : vector<16xi1>, vector<16xi32>
    %add3A_1724 = arith.addi %add3A_1713, %select_n3A_1723 : vector<16xi32>
    %get3A_1725 = arith.constant 1696 : index
    %get3A_1726 = tpu.vector_load %arg4[%get3A_1725] {strides = array<i32>} : memref<2048xf32, #tpu.memory_space<vmem>>, vector<16xf32>,
    %get3A_1727 = vector.shape_cast %get3A_1726 : vector<16xf32> to vector<16xf32>
    %gt3A_1728 = vector.broadcast %mul3A_559 : f32 to vector<16xf32>
    %gt3A_1729 = arith.cmpf ogt, %get3A_1727, %gt3A_1728 : vector<16xf32>
    %jit3A_1730 = arith.constant 1 : i32
    %jit3A_1731 = arith.constant 0 : i32
    %broadcast_in_dim3A_1732 = vector.broadcast %jit3A_1730 : i32 to vector<16xi32>
    %broadcast_in_dim3A_1733 = vector.broadcast %jit3A_1731 : i32 to vector<16xi32>
    %select_n3A_1734 = arith.select %gt3A_1729, %broadcast_in_dim3A_1732, %broadcast_in_dim3A_1733 : vector<16xi1>, vector<16xi32>
    %add3A_1735 = arith.addi %add3A_1724, %select_n3A_1734 : vector<16xi32>
    %get3A_1736 = arith.constant 1712 : index
    %get3A_1737 = tpu.vector_load %arg4[%get3A_1736] {strides = array<i32>} : memref<2048xf32, #tpu.memory_space<vmem>>, vector<16xf32>,
    %get3A_1738 = vector.shape_cast %get3A_1737 : vector<16xf32> to vector<16xf32>
    %gt3A_1739 = vector.broadcast %mul3A_559 : f32 to vector<16xf32>
    %gt3A_1740 = arith.cmpf ogt, %get3A_1738, %gt3A_1739 : vector<16xf32>
    %jit3A_1741 = arith.constant 1 : i32
    %jit3A_1742 = arith.constant 0 : i32
    %broadcast_in_dim3A_1743 = vector.broadcast %jit3A_1741 : i32 to vector<16xi32>
    %broadcast_in_dim3A_1744 = vector.broadcast %jit3A_1742 : i32 to vector<16xi32>
    %select_n3A_1745 = arith.select %gt3A_1740, %broadcast_in_dim3A_1743, %broadcast_in_dim3A_1744 : vector<16xi1>, vector<16xi32>
    %add3A_1746 = arith.addi %add3A_1735, %select_n3A_1745 : vector<16xi32>
    %get3A_1747 = arith.constant 1728 : index
    %get3A_1748 = tpu.vector_load %arg4[%get3A_1747] {strides = array<i32>} : memref<2048xf32, #tpu.memory_space<vmem>>, vector<16xf32>,
    %get3A_1749 = vector.shape_cast %get3A_1748 : vector<16xf32> to vector<16xf32>
    %gt3A_1750 = vector.broadcast %mul3A_559 : f32 to vector<16xf32>
    %gt3A_1751 = arith.cmpf ogt, %get3A_1749, %gt3A_1750 : vector<16xf32>
    %jit3A_1752 = arith.constant 1 : i32
    %jit3A_1753 = arith.constant 0 : i32
    %broadcast_in_dim3A_1754 = vector.broadcast %jit3A_1752 : i32 to vector<16xi32>
    %broadcast_in_dim3A_1755 = vector.broadcast %jit3A_1753 : i32 to vector<16xi32>
    %select_n3A_1756 = arith.select %gt3A_1751, %broadcast_in_dim3A_1754, %broadcast_in_dim3A_1755 : vector<16xi1>, vector<16xi32>
    %add3A_1757 = arith.addi %add3A_1746, %select_n3A_1756 : vector<16xi32>
    %get3A_1758 = arith.constant 1744 : index
    %get3A_1759 = tpu.vector_load %arg4[%get3A_1758] {strides = array<i32>} : memref<2048xf32, #tpu.memory_space<vmem>>, vector<16xf32>,
    %get3A_1760 = vector.shape_cast %get3A_1759 : vector<16xf32> to vector<16xf32>
    %gt3A_1761 = vector.broadcast %mul3A_559 : f32 to vector<16xf32>
    %gt3A_1762 = arith.cmpf ogt, %get3A_1760, %gt3A_1761 : vector<16xf32>
    %jit3A_1763 = arith.constant 1 : i32
    %jit3A_1764 = arith.constant 0 : i32
    %broadcast_in_dim3A_1765 = vector.broadcast %jit3A_1763 : i32 to vector<16xi32>
    %broadcast_in_dim3A_1766 = vector.broadcast %jit3A_1764 : i32 to vector<16xi32>
    %select_n3A_1767 = arith.select %gt3A_1762, %broadcast_in_dim3A_1765, %broadcast_in_dim3A_1766 : vector<16xi1>, vector<16xi32>
    %add3A_1768 = arith.addi %add3A_1757, %select_n3A_1767 : vector<16xi32>
    %get3A_1769 = arith.constant 1760 : index
    %get3A_1770 = tpu.vector_load %arg4[%get3A_1769] {strides = array<i32>} : memref<2048xf32, #tpu.memory_space<vmem>>, vector<16xf32>,
    %get3A_1771 = vector.shape_cast %get3A_1770 : vector<16xf32> to vector<16xf32>
    %gt3A_1772 = vector.broadcast %mul3A_559 : f32 to vector<16xf32>
    %gt3A_1773 = arith.cmpf ogt, %get3A_1771, %gt3A_1772 : vector<16xf32>
    %jit3A_1774 = arith.constant 1 : i32
    %jit3A_1775 = arith.constant 0 : i32
    %broadcast_in_dim3A_1776 = vector.broadcast %jit3A_1774 : i32 to vector<16xi32>
    %broadcast_in_dim3A_1777 = vector.broadcast %jit3A_1775 : i32 to vector<16xi32>
    %select_n3A_1778 = arith.select %gt3A_1773, %broadcast_in_dim3A_1776, %broadcast_in_dim3A_1777 : vector<16xi1>, vector<16xi32>
    %add3A_1779 = arith.addi %add3A_1768, %select_n3A_1778 : vector<16xi32>
    %get3A_1780 = arith.constant 1776 : index
    %get3A_1781 = tpu.vector_load %arg4[%get3A_1780] {strides = array<i32>} : memref<2048xf32, #tpu.memory_space<vmem>>, vector<16xf32>,
    %get3A_1782 = vector.shape_cast %get3A_1781 : vector<16xf32> to vector<16xf32>
    %gt3A_1783 = vector.broadcast %mul3A_559 : f32 to vector<16xf32>
    %gt3A_1784 = arith.cmpf ogt, %get3A_1782, %gt3A_1783 : vector<16xf32>
    %jit3A_1785 = arith.constant 1 : i32
    %jit3A_1786 = arith.constant 0 : i32
    %broadcast_in_dim3A_1787 = vector.broadcast %jit3A_1785 : i32 to vector<16xi32>
    %broadcast_in_dim3A_1788 = vector.broadcast %jit3A_1786 : i32 to vector<16xi32>
    %select_n3A_1789 = arith.select %gt3A_1784, %broadcast_in_dim3A_1787, %broadcast_in_dim3A_1788 : vector<16xi1>, vector<16xi32>
    %add3A_1790 = arith.addi %add3A_1779, %select_n3A_1789 : vector<16xi32>
    %get3A_1791 = arith.constant 1792 : index
    %get3A_1792 = tpu.vector_load %arg4[%get3A_1791] {strides = array<i32>} : memref<2048xf32, #tpu.memory_space<vmem>>, vector<16xf32>,
    %get3A_1793 = vector.shape_cast %get3A_1792 : vector<16xf32> to vector<16xf32>
    %gt3A_1794 = vector.broadcast %mul3A_559 : f32 to vector<16xf32>
    %gt3A_1795 = arith.cmpf ogt, %get3A_1793, %gt3A_1794 : vector<16xf32>
    %jit3A_1796 = arith.constant 1 : i32
    %jit3A_1797 = arith.constant 0 : i32
    %broadcast_in_dim3A_1798 = vector.broadcast %jit3A_1796 : i32 to vector<16xi32>
    %broadcast_in_dim3A_1799 = vector.broadcast %jit3A_1797 : i32 to vector<16xi32>
    %select_n3A_1800 = arith.select %gt3A_1795, %broadcast_in_dim3A_1798, %broadcast_in_dim3A_1799 : vector<16xi1>, vector<16xi32>
    %add3A_1801 = arith.addi %add3A_1790, %select_n3A_1800 : vector<16xi32>
    %get3A_1802 = arith.constant 1808 : index
    %get3A_1803 = tpu.vector_load %arg4[%get3A_1802] {strides = array<i32>} : memref<2048xf32, #tpu.memory_space<vmem>>, vector<16xf32>,
    %get3A_1804 = vector.shape_cast %get3A_1803 : vector<16xf32> to vector<16xf32>
    %gt3A_1805 = vector.broadcast %mul3A_559 : f32 to vector<16xf32>
    %gt3A_1806 = arith.cmpf ogt, %get3A_1804, %gt3A_1805 : vector<16xf32>
    %jit3A_1807 = arith.constant 1 : i32
    %jit3A_1808 = arith.constant 0 : i32
    %broadcast_in_dim3A_1809 = vector.broadcast %jit3A_1807 : i32 to vector<16xi32>
    %broadcast_in_dim3A_1810 = vector.broadcast %jit3A_1808 : i32 to vector<16xi32>
    %select_n3A_1811 = arith.select %gt3A_1806, %broadcast_in_dim3A_1809, %broadcast_in_dim3A_1810 : vector<16xi1>, vector<16xi32>
    %add3A_1812 = arith.addi %add3A_1801, %select_n3A_1811 : vector<16xi32>
    %get3A_1813 = arith.constant 1824 : index
    %get3A_1814 = tpu.vector_load %arg4[%get3A_1813] {strides = array<i32>} : memref<2048xf32, #tpu.memory_space<vmem>>, vector<16xf32>,
    %get3A_1815 = vector.shape_cast %get3A_1814 : vector<16xf32> to vector<16xf32>
    %gt3A_1816 = vector.broadcast %mul3A_559 : f32 to vector<16xf32>
    %gt3A_1817 = arith.cmpf ogt, %get3A_1815, %gt3A_1816 : vector<16xf32>
    %jit3A_1818 = arith.constant 1 : i32
    %jit3A_1819 = arith.constant 0 : i32
    %broadcast_in_dim3A_1820 = vector.broadcast %jit3A_1818 : i32 to vector<16xi32>
    %broadcast_in_dim3A_1821 = vector.broadcast %jit3A_1819 : i32 to vector<16xi32>
    %select_n3A_1822 = arith.select %gt3A_1817, %broadcast_in_dim3A_1820, %broadcast_in_dim3A_1821 : vector<16xi1>, vector<16xi32>
    %add3A_1823 = arith.addi %add3A_1812, %select_n3A_1822 : vector<16xi32>
    %get3A_1824 = arith.constant 1840 : index
    %get3A_1825 = tpu.vector_load %arg4[%get3A_1824] {strides = array<i32>} : memref<2048xf32, #tpu.memory_space<vmem>>, vector<16xf32>,
    %get3A_1826 = vector.shape_cast %get3A_1825 : vector<16xf32> to vector<16xf32>
    %gt3A_1827 = vector.broadcast %mul3A_559 : f32 to vector<16xf32>
    %gt3A_1828 = arith.cmpf ogt, %get3A_1826, %gt3A_1827 : vector<16xf32>
    %jit3A_1829 = arith.constant 1 : i32
    %jit3A_1830 = arith.constant 0 : i32
    %broadcast_in_dim3A_1831 = vector.broadcast %jit3A_1829 : i32 to vector<16xi32>
    %broadcast_in_dim3A_1832 = vector.broadcast %jit3A_1830 : i32 to vector<16xi32>
    %select_n3A_1833 = arith.select %gt3A_1828, %broadcast_in_dim3A_1831, %broadcast_in_dim3A_1832 : vector<16xi1>, vector<16xi32>
    %add3A_1834 = arith.addi %add3A_1823, %select_n3A_1833 : vector<16xi32>
    %get3A_1835 = arith.constant 1856 : index
    %get3A_1836 = tpu.vector_load %arg4[%get3A_1835] {strides = array<i32>} : memref<2048xf32, #tpu.memory_space<vmem>>, vector<16xf32>,
    %get3A_1837 = vector.shape_cast %get3A_1836 : vector<16xf32> to vector<16xf32>
    %gt3A_1838 = vector.broadcast %mul3A_559 : f32 to vector<16xf32>
    %gt3A_1839 = arith.cmpf ogt, %get3A_1837, %gt3A_1838 : vector<16xf32>
    %jit3A_1840 = arith.constant 1 : i32
    %jit3A_1841 = arith.constant 0 : i32
    %broadcast_in_dim3A_1842 = vector.broadcast %jit3A_1840 : i32 to vector<16xi32>
    %broadcast_in_dim3A_1843 = vector.broadcast %jit3A_1841 : i32 to vector<16xi32>
    %select_n3A_1844 = arith.select %gt3A_1839, %broadcast_in_dim3A_1842, %broadcast_in_dim3A_1843 : vector<16xi1>, vector<16xi32>
    %add3A_1845 = arith.addi %add3A_1834, %select_n3A_1844 : vector<16xi32>
    %get3A_1846 = arith.constant 1872 : index
    %get3A_1847 = tpu.vector_load %arg4[%get3A_1846] {strides = array<i32>} : memref<2048xf32, #tpu.memory_space<vmem>>, vector<16xf32>,
    %get3A_1848 = vector.shape_cast %get3A_1847 : vector<16xf32> to vector<16xf32>
    %gt3A_1849 = vector.broadcast %mul3A_559 : f32 to vector<16xf32>
    %gt3A_1850 = arith.cmpf ogt, %get3A_1848, %gt3A_1849 : vector<16xf32>
    %jit3A_1851 = arith.constant 1 : i32
    %jit3A_1852 = arith.constant 0 : i32
    %broadcast_in_dim3A_1853 = vector.broadcast %jit3A_1851 : i32 to vector<16xi32>
    %broadcast_in_dim3A_1854 = vector.broadcast %jit3A_1852 : i32 to vector<16xi32>
    %select_n3A_1855 = arith.select %gt3A_1850, %broadcast_in_dim3A_1853, %broadcast_in_dim3A_1854 : vector<16xi1>, vector<16xi32>
    %add3A_1856 = arith.addi %add3A_1845, %select_n3A_1855 : vector<16xi32>
    %get3A_1857 = arith.constant 1888 : index
    %get3A_1858 = tpu.vector_load %arg4[%get3A_1857] {strides = array<i32>} : memref<2048xf32, #tpu.memory_space<vmem>>, vector<16xf32>,
    %get3A_1859 = vector.shape_cast %get3A_1858 : vector<16xf32> to vector<16xf32>
    %gt3A_1860 = vector.broadcast %mul3A_559 : f32 to vector<16xf32>
    %gt3A_1861 = arith.cmpf ogt, %get3A_1859, %gt3A_1860 : vector<16xf32>
    %jit3A_1862 = arith.constant 1 : i32
    %jit3A_1863 = arith.constant 0 : i32
    %broadcast_in_dim3A_1864 = vector.broadcast %jit3A_1862 : i32 to vector<16xi32>
    %broadcast_in_dim3A_1865 = vector.broadcast %jit3A_1863 : i32 to vector<16xi32>
    %select_n3A_1866 = arith.select %gt3A_1861, %broadcast_in_dim3A_1864, %broadcast_in_dim3A_1865 : vector<16xi1>, vector<16xi32>
    %add3A_1867 = arith.addi %add3A_1856, %select_n3A_1866 : vector<16xi32>
    %get3A_1868 = arith.constant 1904 : index
    %get3A_1869 = tpu.vector_load %arg4[%get3A_1868] {strides = array<i32>} : memref<2048xf32, #tpu.memory_space<vmem>>, vector<16xf32>,
    %get3A_1870 = vector.shape_cast %get3A_1869 : vector<16xf32> to vector<16xf32>
    %gt3A_1871 = vector.broadcast %mul3A_559 : f32 to vector<16xf32>
    %gt3A_1872 = arith.cmpf ogt, %get3A_1870, %gt3A_1871 : vector<16xf32>
    %jit3A_1873 = arith.constant 1 : i32
    %jit3A_1874 = arith.constant 0 : i32
    %broadcast_in_dim3A_1875 = vector.broadcast %jit3A_1873 : i32 to vector<16xi32>
    %broadcast_in_dim3A_1876 = vector.broadcast %jit3A_1874 : i32 to vector<16xi32>
    %select_n3A_1877 = arith.select %gt3A_1872, %broadcast_in_dim3A_1875, %broadcast_in_dim3A_1876 : vector<16xi1>, vector<16xi32>
    %add3A_1878 = arith.addi %add3A_1867, %select_n3A_1877 : vector<16xi32>
    %get3A_1879 = arith.constant 1920 : index
    %get3A_1880 = tpu.vector_load %arg4[%get3A_1879] {strides = array<i32>} : memref<2048xf32, #tpu.memory_space<vmem>>, vector<16xf32>,
    %get3A_1881 = vector.shape_cast %get3A_1880 : vector<16xf32> to vector<16xf32>
    %gt3A_1882 = vector.broadcast %mul3A_559 : f32 to vector<16xf32>
    %gt3A_1883 = arith.cmpf ogt, %get3A_1881, %gt3A_1882 : vector<16xf32>
    %jit3A_1884 = arith.constant 1 : i32
    %jit3A_1885 = arith.constant 0 : i32
    %broadcast_in_dim3A_1886 = vector.broadcast %jit3A_1884 : i32 to vector<16xi32>
    %broadcast_in_dim3A_1887 = vector.broadcast %jit3A_1885 : i32 to vector<16xi32>
    %select_n3A_1888 = arith.select %gt3A_1883, %broadcast_in_dim3A_1886, %broadcast_in_dim3A_1887 : vector<16xi1>, vector<16xi32>
    %add3A_1889 = arith.addi %add3A_1878, %select_n3A_1888 : vector<16xi32>
    %get3A_1890 = arith.constant 1936 : index
    %get3A_1891 = tpu.vector_load %arg4[%get3A_1890] {strides = array<i32>} : memref<2048xf32, #tpu.memory_space<vmem>>, vector<16xf32>,
    %get3A_1892 = vector.shape_cast %get3A_1891 : vector<16xf32> to vector<16xf32>
    %gt3A_1893 = vector.broadcast %mul3A_559 : f32 to vector<16xf32>
    %gt3A_1894 = arith.cmpf ogt, %get3A_1892, %gt3A_1893 : vector<16xf32>
    %jit3A_1895 = arith.constant 1 : i32
    %jit3A_1896 = arith.constant 0 : i32
    %broadcast_in_dim3A_1897 = vector.broadcast %jit3A_1895 : i32 to vector<16xi32>
    %broadcast_in_dim3A_1898 = vector.broadcast %jit3A_1896 : i32 to vector<16xi32>
    %select_n3A_1899 = arith.select %gt3A_1894, %broadcast_in_dim3A_1897, %broadcast_in_dim3A_1898 : vector<16xi1>, vector<16xi32>
    %add3A_1900 = arith.addi %add3A_1889, %select_n3A_1899 : vector<16xi32>
    %get3A_1901 = arith.constant 1952 : index
    %get3A_1902 = tpu.vector_load %arg4[%get3A_1901] {strides = array<i32>} : memref<2048xf32, #tpu.memory_space<vmem>>, vector<16xf32>,
    %get3A_1903 = vector.shape_cast %get3A_1902 : vector<16xf32> to vector<16xf32>
    %gt3A_1904 = vector.broadcast %mul3A_559 : f32 to vector<16xf32>
    %gt3A_1905 = arith.cmpf ogt, %get3A_1903, %gt3A_1904 : vector<16xf32>
    %jit3A_1906 = arith.constant 1 : i32
    %jit3A_1907 = arith.constant 0 : i32
    %broadcast_in_dim3A_1908 = vector.broadcast %jit3A_1906 : i32 to vector<16xi32>
    %broadcast_in_dim3A_1909 = vector.broadcast %jit3A_1907 : i32 to vector<16xi32>
    %select_n3A_1910 = arith.select %gt3A_1905, %broadcast_in_dim3A_1908, %broadcast_in_dim3A_1909 : vector<16xi1>, vector<16xi32>
    %add3A_1911 = arith.addi %add3A_1900, %select_n3A_1910 : vector<16xi32>
    %get3A_1912 = arith.constant 1968 : index
    %get3A_1913 = tpu.vector_load %arg4[%get3A_1912] {strides = array<i32>} : memref<2048xf32, #tpu.memory_space<vmem>>, vector<16xf32>,
    %get3A_1914 = vector.shape_cast %get3A_1913 : vector<16xf32> to vector<16xf32>
    %gt3A_1915 = vector.broadcast %mul3A_559 : f32 to vector<16xf32>
    %gt3A_1916 = arith.cmpf ogt, %get3A_1914, %gt3A_1915 : vector<16xf32>
    %jit3A_1917 = arith.constant 1 : i32
    %jit3A_1918 = arith.constant 0 : i32
    %broadcast_in_dim3A_1919 = vector.broadcast %jit3A_1917 : i32 to vector<16xi32>
    %broadcast_in_dim3A_1920 = vector.broadcast %jit3A_1918 : i32 to vector<16xi32>
    %select_n3A_1921 = arith.select %gt3A_1916, %broadcast_in_dim3A_1919, %broadcast_in_dim3A_1920 : vector<16xi1>, vector<16xi32>
    %add3A_1922 = arith.addi %add3A_1911, %select_n3A_1921 : vector<16xi32>
    %get3A_1923 = arith.constant 1984 : index
    %get3A_1924 = tpu.vector_load %arg4[%get3A_1923] {strides = array<i32>} : memref<2048xf32, #tpu.memory_space<vmem>>, vector<16xf32>,
    %get3A_1925 = vector.shape_cast %get3A_1924 : vector<16xf32> to vector<16xf32>
    %gt3A_1926 = vector.broadcast %mul3A_559 : f32 to vector<16xf32>
    %gt3A_1927 = arith.cmpf ogt, %get3A_1925, %gt3A_1926 : vector<16xf32>
    %jit3A_1928 = arith.constant 1 : i32
    %jit3A_1929 = arith.constant 0 : i32
    %broadcast_in_dim3A_1930 = vector.broadcast %jit3A_1928 : i32 to vector<16xi32>
    %broadcast_in_dim3A_1931 = vector.broadcast %jit3A_1929 : i32 to vector<16xi32>
    %select_n3A_1932 = arith.select %gt3A_1927, %broadcast_in_dim3A_1930, %broadcast_in_dim3A_1931 : vector<16xi1>, vector<16xi32>
    %add3A_1933 = arith.addi %add3A_1922, %select_n3A_1932 : vector<16xi32>
    %get3A_1934 = arith.constant 2000 : index
    %get3A_1935 = tpu.vector_load %arg4[%get3A_1934] {strides = array<i32>} : memref<2048xf32, #tpu.memory_space<vmem>>, vector<16xf32>,
    %get3A_1936 = vector.shape_cast %get3A_1935 : vector<16xf32> to vector<16xf32>
    %gt3A_1937 = vector.broadcast %mul3A_559 : f32 to vector<16xf32>
    %gt3A_1938 = arith.cmpf ogt, %get3A_1936, %gt3A_1937 : vector<16xf32>
    %jit3A_1939 = arith.constant 1 : i32
    %jit3A_1940 = arith.constant 0 : i32
    %broadcast_in_dim3A_1941 = vector.broadcast %jit3A_1939 : i32 to vector<16xi32>
    %broadcast_in_dim3A_1942 = vector.broadcast %jit3A_1940 : i32 to vector<16xi32>
    %select_n3A_1943 = arith.select %gt3A_1938, %broadcast_in_dim3A_1941, %broadcast_in_dim3A_1942 : vector<16xi1>, vector<16xi32>
    %add3A_1944 = arith.addi %add3A_1933, %select_n3A_1943 : vector<16xi32>
    %get3A_1945 = arith.constant 2016 : index
    %get3A_1946 = tpu.vector_load %arg4[%get3A_1945] {strides = array<i32>} : memref<2048xf32, #tpu.memory_space<vmem>>, vector<16xf32>,
    %get3A_1947 = vector.shape_cast %get3A_1946 : vector<16xf32> to vector<16xf32>
    %gt3A_1948 = vector.broadcast %mul3A_559 : f32 to vector<16xf32>
    %gt3A_1949 = arith.cmpf ogt, %get3A_1947, %gt3A_1948 : vector<16xf32>
    %jit3A_1950 = arith.constant 1 : i32
    %jit3A_1951 = arith.constant 0 : i32
    %broadcast_in_dim3A_1952 = vector.broadcast %jit3A_1950 : i32 to vector<16xi32>
    %broadcast_in_dim3A_1953 = vector.broadcast %jit3A_1951 : i32 to vector<16xi32>
    %select_n3A_1954 = arith.select %gt3A_1949, %broadcast_in_dim3A_1952, %broadcast_in_dim3A_1953 : vector<16xi1>, vector<16xi32>
    %add3A_1955 = arith.addi %add3A_1944, %select_n3A_1954 : vector<16xi32>
    %get3A_1956 = arith.constant 2032 : index
    %get3A_1957 = tpu.vector_load %arg4[%get3A_1956] {strides = array<i32>} : memref<2048xf32, #tpu.memory_space<vmem>>, vector<16xf32>,
    %get3A_1958 = vector.shape_cast %get3A_1957 : vector<16xf32> to vector<16xf32>
    %gt3A_1959 = vector.broadcast %mul3A_559 : f32 to vector<16xf32>
    %gt3A_1960 = arith.cmpf ogt, %get3A_1958, %gt3A_1959 : vector<16xf32>
    %jit3A_1961 = arith.constant 1 : i32
    %jit3A_1962 = arith.constant 0 : i32
    %broadcast_in_dim3A_1963 = vector.broadcast %jit3A_1961 : i32 to vector<16xi32>
    %broadcast_in_dim3A_1964 = vector.broadcast %jit3A_1962 : i32 to vector<16xi32>
    %select_n3A_1965 = arith.select %gt3A_1960, %broadcast_in_dim3A_1963, %broadcast_in_dim3A_1964 : vector<16xi1>, vector<16xi32>
    %add3A_1966 = arith.addi %add3A_1955, %select_n3A_1965 : vector<16xi32>
    %slice3A_1967 = vector.extract_strided_slice %add3A_1966 {offsets = [0], sizes = [1], strides = [1]} : vector<16xi32> to vector<1xi32>
    %squeeze3A_1968 = vector.extract %slice3A_1967[0] : i32 from vector<1xi32>
    %slice3A_1969 = vector.extract_strided_slice %add3A_1966 {offsets = [1], sizes = [1], strides = [1]} : vector<16xi32> to vector<1xi32>
    %squeeze3A_1970 = vector.extract %slice3A_1969[0] : i32 from vector<1xi32>
    %add3A_1971 = arith.addi %squeeze3A_1968, %squeeze3A_1970 : i32
    %slice3A_1972 = vector.extract_strided_slice %add3A_1966 {offsets = [2], sizes = [1], strides = [1]} : vector<16xi32> to vector<1xi32>
    %squeeze3A_1973 = vector.extract %slice3A_1972[0] : i32 from vector<1xi32>
    %add3A_1974 = arith.addi %add3A_1971, %squeeze3A_1973 : i32
    %slice3A_1975 = vector.extract_strided_slice %add3A_1966 {offsets = [3], sizes = [1], strides = [1]} : vector<16xi32> to vector<1xi32>
    %squeeze3A_1976 = vector.extract %slice3A_1975[0] : i32 from vector<1xi32>
    %add3A_1977 = arith.addi %add3A_1974, %squeeze3A_1976 : i32
    %slice3A_1978 = vector.extract_strided_slice %add3A_1966 {offsets = [4], sizes = [1], strides = [1]} : vector<16xi32> to vector<1xi32>
    %squeeze3A_1979 = vector.extract %slice3A_1978[0] : i32 from vector<1xi32>
    %add3A_1980 = arith.addi %add3A_1977, %squeeze3A_1979 : i32
    %slice3A_1981 = vector.extract_strided_slice %add3A_1966 {offsets = [5], sizes = [1], strides = [1]} : vector<16xi32> to vector<1xi32>
    %squeeze3A_1982 = vector.extract %slice3A_1981[0] : i32 from vector<1xi32>
    %add3A_1983 = arith.addi %add3A_1980, %squeeze3A_1982 : i32
    %slice3A_1984 = vector.extract_strided_slice %add3A_1966 {offsets = [6], sizes = [1], strides = [1]} : vector<16xi32> to vector<1xi32>
    %squeeze3A_1985 = vector.extract %slice3A_1984[0] : i32 from vector<1xi32>
    %add3A_1986 = arith.addi %add3A_1983, %squeeze3A_1985 : i32
    %slice3A_1987 = vector.extract_strided_slice %add3A_1966 {offsets = [7], sizes = [1], strides = [1]} : vector<16xi32> to vector<1xi32>
    %squeeze3A_1988 = vector.extract %slice3A_1987[0] : i32 from vector<1xi32>
    %add3A_1989 = arith.addi %add3A_1986, %squeeze3A_1988 : i32
    %slice3A_1990 = vector.extract_strided_slice %add3A_1966 {offsets = [8], sizes = [1], strides = [1]} : vector<16xi32> to vector<1xi32>
    %squeeze3A_1991 = vector.extract %slice3A_1990[0] : i32 from vector<1xi32>
    %add3A_1992 = arith.addi %add3A_1989, %squeeze3A_1991 : i32
    %slice3A_1993 = vector.extract_strided_slice %add3A_1966 {offsets = [9], sizes = [1], strides = [1]} : vector<16xi32> to vector<1xi32>
    %squeeze3A_1994 = vector.extract %slice3A_1993[0] : i32 from vector<1xi32>
    %add3A_1995 = arith.addi %add3A_1992, %squeeze3A_1994 : i32
    %slice3A_1996 = vector.extract_strided_slice %add3A_1966 {offsets = [10], sizes = [1], strides = [1]} : vector<16xi32> to vector<1xi32>
    %squeeze3A_1997 = vector.extract %slice3A_1996[0] : i32 from vector<1xi32>
    %add3A_1998 = arith.addi %add3A_1995, %squeeze3A_1997 : i32
    %slice3A_1999 = vector.extract_strided_slice %add3A_1966 {offsets = [11], sizes = [1], strides = [1]} : vector<16xi32> to vector<1xi32>
    %squeeze3A_2000 = vector.extract %slice3A_1999[0] : i32 from vector<1xi32>
    %add3A_2001 = arith.addi %add3A_1998, %squeeze3A_2000 : i32
    %slice3A_2002 = vector.extract_strided_slice %add3A_1966 {offsets = [12], sizes = [1], strides = [1]} : vector<16xi32> to vector<1xi32>
    %squeeze3A_2003 = vector.extract %slice3A_2002[0] : i32 from vector<1xi32>
    %add3A_2004 = arith.addi %add3A_2001, %squeeze3A_2003 : i32
    %slice3A_2005 = vector.extract_strided_slice %add3A_1966 {offsets = [13], sizes = [1], strides = [1]} : vector<16xi32> to vector<1xi32>
    %squeeze3A_2006 = vector.extract %slice3A_2005[0] : i32 from vector<1xi32>
    %add3A_2007 = arith.addi %add3A_2004, %squeeze3A_2006 : i32
    %slice3A_2008 = vector.extract_strided_slice %add3A_1966 {offsets = [14], sizes = [1], strides = [1]} : vector<16xi32> to vector<1xi32>
    %squeeze3A_2009 = vector.extract %slice3A_2008[0] : i32 from vector<1xi32>
    %add3A_2010 = arith.addi %add3A_2007, %squeeze3A_2009 : i32
    %slice3A_2011 = vector.extract_strided_slice %add3A_1966 {offsets = [15], sizes = [1], strides = [1]} : vector<16xi32> to vector<1xi32>
    %squeeze3A_2012 = vector.extract %slice3A_2011[0] : i32 from vector<1xi32>
    %add3A_2013 = arith.addi %add3A_2010, %squeeze3A_2012 : i32
    %jit3A_2014 = arith.constant 2 : i32
    %jit3A_2015 = arith.constant 2048 : i32
    %max3A = arith.maxsi %jit3A_2014, %add3A_2013 : i32
    %min3A = arith.minsi %jit3A_2015, %max3A : i32
    %convert_element_type3A = arith.sitofp %min3A : i32 to f32
    %mul3A_2016 = arith.constant 2.000000e-01 : f32
    %mul3A_2017 = arith.mulf %mul3A_2016, %convert_element_type3A : f32
    %add3A_2018 = arith.constant 3.200000e+00 : f32
    %add3A_2019 = arith.addf %add3A_2018, %mul3A_2017 : f32
    %convert_element_type3A_2020 = arith.fptosi %add3A_2019 : f32 to i32
    %jit3A_2021 = arith.constant 1 : i32
    %jit3A_2022 = arith.constant 32 : i32
    %max3A_2023 = arith.maxsi %jit3A_2021, %convert_element_type3A_2020 : i32
    %min3A_2024 = arith.minsi %jit3A_2022, %max3A_2023 : i32
    %broadcast_in_dim3A_2025 = arith.constant 0 : i32
    %broadcast_in_dim3A_2026 = vector.broadcast %broadcast_in_dim3A_2025 : i32 to vector<16xi32>
    %add3A_2027 = vector.broadcast %min3A_2024 : i32 to vector<16xi32>
    %add3A_2028 = arith.addi %add3A_2027, %broadcast_in_dim3A_2026 : vector<16xi32>
    %swap3A = arith.constant 0 : index
    %swap3A_2029 = tpu.vector_load %arg5[%swap3A] {strides = array<i32>} : memref<16xi32, #tpu.memory_space<vmem>>, vector<16xi32>,
    %swap3A_2030 = vector.shape_cast %swap3A_2029 : vector<16xi32> to vector<16xi32>
    %swap3A_2031 = vector.shape_cast %add3A_2028 : vector<16xi32> to vector<16xi32>
    tpu.vector_store %arg5[%swap3A], %swap3A_2031 {strides = array<i32>} : memref<16xi32, #tpu.memory_space<vmem>>, vector<16xi32>,
    %eq3A = arith.constant 0 : i32
    %eq3A_2032 = arith.cmpi eq, %add3A, %eq3A : i32
    %convert_element_type3A_2033 = arith.extui %eq3A_2032 : i1 to i32
    %cond3A = arith.constant 0 : i32
    %cond3A_2034 = arith.cmpi ne, %convert_element_type3A_2033, %cond3A : i32
    scf.if %cond3A_2034 {
      "tpu.region"() ({
        %run_scoped3A = tpu.sem_alloc : memref<!tpu.dma_semaphore, #tpu.memory_space<semaphore_mem>>
        tpu.enqueue_dma source(%arg5 : memref<16xi32, #tpu.memory_space<vmem>>) target(%arg3 : memref<16xi32, #tpu.memory_space<hbm>>) target_semaphore(%run_scoped3A : memref<!tpu.dma_semaphore, #tpu.memory_space<semaphore_mem>>)
        tpu.wait_dma2 semaphore(%run_scoped3A : memref<!tpu.dma_semaphore, #tpu.memory_space<semaphore_mem>>) src(%arg5 : memref<16xi32, #tpu.memory_space<vmem>>) dst(%arg3 : memref<16xi32, #tpu.memory_space<hbm>>)
        tpu.yield
      }) : () -> ()
    } else {
    }
    return
  }
}

module attributes {stable_mosaic.version = 14 : i64} {
  func.func @_proj_kernel(%arg0: i32, %arg1: memref<512x1024xf32, #tpu.memory_space<vmem>>, %arg2: memref<1024x3200xf32, #tpu.memory_space<vmem>>, %arg3: memref<1x3200xf32, #tpu.memory_space<vmem>>, %arg4: memref<512x3072xbf16, #tpu.memory_space<vmem>>, %arg5: memref<512x1024xf32, #tpu.memory_space<vmem>>, %arg6: memref<512x128xf32, #tpu.memory_space<vmem>>, %arg7: memref<8x1024xf32, #tpu.memory_space<vmem>>) attributes {dimension_semantics = [#tpu.dimension_semantics<arbitrary>], iteration_bounds = array<i64: 4>, scalar_prefetch = 0 : i64, scratch_operands = 0 : i64, tpu.core_type = #tpu.core_type<tc>, window_params = [{transform_indices = @transform_0, window_bounds = array<i64: 512, 1024>}, {pipeline_mode = #tpu.pipeline_mode<synchronous>, transform_indices = @transform_1, window_bounds = array<i64: 1024, 3200>}, {pipeline_mode = #tpu.pipeline_mode<synchronous>, transform_indices = @transform_2, window_bounds = array<i64: 1, 3200>}, {transform_indices = @transform_3, window_bounds = array<i64: 512, 3072>}, {transform_indices = @transform_4, window_bounds = array<i64: 512, 1024>}, {transform_indices = @transform_5, window_bounds = array<i64: 512, 128>}, {transform_indices = @transform_6, window_bounds = array<i64: 8, 1024>}]} {
    %get3A = arith.constant 0 : index
    %get3A_0 = arith.constant 0 : index
    %get3A_1 = vector.load %arg1[%get3A, %get3A_0] : memref<512x1024xf32, #tpu.memory_space<vmem>>, vector<512x1024xf32>
    %get3A_2 = arith.constant 0 : index
    %get3A_3 = arith.constant 0 : index
    %get3A_4 = vector.load %arg2[%get3A_2, %get3A_3] : memref<1024x3200xf32, #tpu.memory_space<vmem>>, vector<1024x3200xf32>
    %dot_general3A = arith.constant dense<0.000000e+00> : vector<512x3200xf32>
    %dot_general3A_5 = tpu.matmul %get3A_1, %get3A_4, %dot_general3A {dimension_numbers = #tpu.dot_dimension_numbers<[1], [0], [0], [1], [0, 0, 1, 1], [], []>, transpose_lhs_hint = false} : vector<512x1024xf32>, vector<1024x3200xf32>, vector<512x3200xf32> -> vector<512x3200xf32>
    %get3A_6 = arith.constant 0 : index
    %get3A_7 = arith.constant 0 : index
    %get3A_8 = vector.load %arg3[%get3A_6, %get3A_7] : memref<1x3200xf32, #tpu.memory_space<vmem>>, vector<1x3200xf32>
    %add3A = vector.broadcast %get3A_8 : vector<1x3200xf32> to vector<512x3200xf32>
    %add3A_9 = arith.addf %dot_general3A_5, %add3A : vector<512x3200xf32>
    %slice3A = vector.extract_strided_slice %add3A_9 {offsets = [0, 0], sizes = [512, 3072], strides = [1, 1]} : vector<512x3200xf32> to vector<512x3072xf32>
    %convert_element_type3A = arith.truncf %slice3A : vector<512x3072xf32> to vector<512x3072xbf16>
    %swap3A = arith.constant 0 : index
    %swap3A_10 = arith.constant 0 : index
    %swap3A_11 = vector.load %arg4[%swap3A, %swap3A_10] : memref<512x3072xbf16, #tpu.memory_space<vmem>>, vector<512x3072xbf16>
    tpu.vector_store %arg4[%swap3A, %swap3A_10], %convert_element_type3A {strides = array<i32>} : memref<512x3072xbf16, #tpu.memory_space<vmem>>, vector<512x3072xbf16>,
    %slice3A_12 = vector.extract_strided_slice %add3A_9 {offsets = [0, 0], sizes = [512, 1024], strides = [1, 1]} : vector<512x3200xf32> to vector<512x1024xf32>
    %swap3A_13 = arith.constant 0 : index
    %swap3A_14 = arith.constant 0 : index
    %swap3A_15 = vector.load %arg5[%swap3A_13, %swap3A_14] : memref<512x1024xf32, #tpu.memory_space<vmem>>, vector<512x1024xf32>
    tpu.vector_store %arg5[%swap3A_13, %swap3A_14], %slice3A_12 {strides = array<i32>} : memref<512x1024xf32, #tpu.memory_space<vmem>>, vector<512x1024xf32>,
    %slice3A_16 = vector.extract_strided_slice %add3A_9 {offsets = [0, 3072], sizes = [512, 128], strides = [1, 1]} : vector<512x3200xf32> to vector<512x128xf32>
    %swap3A_17 = arith.constant 0 : index
    %swap3A_18 = arith.constant 0 : index
    %swap3A_19 = vector.load %arg6[%swap3A_17, %swap3A_18] : memref<512x128xf32, #tpu.memory_space<vmem>>, vector<512x128xf32>
    tpu.vector_store %arg6[%swap3A_17, %swap3A_18], %slice3A_16 {strides = array<i32>} : memref<512x128xf32, #tpu.memory_space<vmem>>, vector<512x128xf32>,
    %iota3A = tpu.iota {dimensions = array<i32: 1>} : vector<8x512xi32>
    %iota3A_20 = tpu.iota {dimensions = array<i32: 0>} : vector<8x512xi32>
    %jit3A = arith.constant 64 : i32
    %div3A = vector.broadcast %jit3A : i32 to vector<8x512xi32>
    %div3A_21 = arith.divsi %iota3A, %div3A : vector<8x512xi32>
    %sign3A = arith.constant 0 : i32
    %sign3A_22 = vector.broadcast %sign3A : i32 to vector<8x512xi32>
    %sign3A_23 = arith.cmpi sgt, %iota3A, %sign3A_22 : vector<8x512xi32>
    %sign3A_24 = arith.extui %sign3A_23 : vector<8x512xi1> to vector<8x512xi32>
    %sign3A_25 = arith.constant 0 : i32
    %sign3A_26 = vector.broadcast %sign3A_25 : i32 to vector<8x512xi32>
    %sign3A_27 = arith.cmpi slt, %iota3A, %sign3A_26 : vector<8x512xi32>
    %sign3A_28 = arith.extui %sign3A_27 : vector<8x512xi1> to vector<8x512xi32>
    %sign3A_29 = arith.subi %sign3A_24, %sign3A_28 : vector<8x512xi32>
    %sign3A_30 = arith.constant 0 : i32
    %sign3A_31 = arith.cmpi sgt, %jit3A, %sign3A_30 : i32
    %sign3A_32 = arith.extui %sign3A_31 : i1 to i32
    %sign3A_33 = arith.constant 0 : i32
    %sign3A_34 = arith.cmpi slt, %jit3A, %sign3A_33 : i32
    %sign3A_35 = arith.extui %sign3A_34 : i1 to i32
    %sign3A_36 = arith.subi %sign3A_32, %sign3A_35 : i32
    %ne3A = vector.broadcast %sign3A_36 : i32 to vector<8x512xi32>
    %ne3A_37 = arith.cmpi ne, %sign3A_29, %ne3A : vector<8x512xi32>
    %rem3A = vector.broadcast %jit3A : i32 to vector<8x512xi32>
    %rem3A_38 = arith.remsi %iota3A, %rem3A : vector<8x512xi32>
    %ne3A_39 = arith.constant 0 : i32
    %ne3A_40 = vector.broadcast %ne3A_39 : i32 to vector<8x512xi32>
    %ne3A_41 = arith.cmpi ne, %rem3A_38, %ne3A_40 : vector<8x512xi32>
    %and3A = arith.andi %ne3A_37, %ne3A_41 : vector<8x512xi1>
    %sub3A = arith.constant 1 : i32
    %sub3A_42 = vector.broadcast %sub3A : i32 to vector<8x512xi32>
    %sub3A_43 = arith.subi %div3A_21, %sub3A_42 : vector<8x512xi32>
    %select_n3A = arith.select %and3A, %sub3A_43, %div3A_21 : vector<8x512xi1>, vector<8x512xi32>
    %eq3A = arith.cmpi eq, %select_n3A, %iota3A_20 : vector<8x512xi32>
    %jit3A_44 = arith.constant 1.562500e-02 : f32
    %jit3A_45 = arith.constant 0.000000e+00 : f32
    %broadcast_in_dim3A = vector.broadcast %jit3A_44 : f32 to vector<8x512xf32>
    %broadcast_in_dim3A_46 = vector.broadcast %jit3A_45 : f32 to vector<8x512xf32>
    %select_n3A_47 = arith.select %eq3A, %broadcast_in_dim3A, %broadcast_in_dim3A_46 : vector<8x512xi1>, vector<8x512xf32>
    %slice3A_48 = vector.extract_strided_slice %add3A_9 {offsets = [0, 1024], sizes = [512, 1024], strides = [1, 1]} : vector<512x3200xf32> to vector<512x1024xf32>
    %dot_general3A_49 = arith.constant dense<0.000000e+00> : vector<8x1024xf32>
    %dot_general3A_50 = tpu.matmul %select_n3A_47, %slice3A_48, %dot_general3A_49 {dimension_numbers = #tpu.dot_dimension_numbers<[1], [0], [0], [1], [0, 0, 1, 1], [], []>, transpose_lhs_hint = false} : vector<8x512xf32>, vector<512x1024xf32>, vector<8x1024xf32> -> vector<8x1024xf32>
    %swap3A_51 = arith.constant 0 : index
    %swap3A_52 = arith.constant 0 : index
    %swap3A_53 = vector.load %arg7[%swap3A_51, %swap3A_52] : memref<8x1024xf32, #tpu.memory_space<vmem>>, vector<8x1024xf32>
    tpu.vector_store %arg7[%swap3A_51, %swap3A_52], %dot_general3A_50 {strides = array<i32>} : memref<8x1024xf32, #tpu.memory_space<vmem>>, vector<8x1024xf32>,
    return
  }
  func.func @transform_0(%arg0: i32) -> (i32, i32) {
    %c0_i32 = arith.constant 0 : i32
    %c0_i32_0 = arith.constant 0 : i32
    return %arg0, %c0_i32 : i32, i32
  }
  func.func @transform_1(%arg0: i32) -> (i32, i32) {
    %c0_i32 = arith.constant 0 : i32
    %c0_i32_0 = arith.constant 0 : i32
    %c0_i32_1 = arith.constant 0 : i32
    return %c0_i32, %c0_i32_0 : i32, i32
  }
  func.func @transform_2(%arg0: i32) -> (i32, i32) {
    %c0_i32 = arith.constant 0 : i32
    %c0_i32_0 = arith.constant 0 : i32
    %c0_i32_1 = arith.constant 0 : i32
    return %c0_i32, %c0_i32_0 : i32, i32
  }
  func.func @transform_3(%arg0: i32) -> (i32, i32) {
    %c0_i32 = arith.constant 0 : i32
    %c0_i32_0 = arith.constant 0 : i32
    return %arg0, %c0_i32 : i32, i32
  }
  func.func @transform_4(%arg0: i32) -> (i32, i32) {
    %c0_i32 = arith.constant 0 : i32
    %c0_i32_0 = arith.constant 0 : i32
    return %arg0, %c0_i32 : i32, i32
  }
  func.func @transform_5(%arg0: i32) -> (i32, i32) {
    %c0_i32 = arith.constant 0 : i32
    %c0_i32_0 = arith.constant 0 : i32
    return %arg0, %c0_i32 : i32, i32
  }
  func.func @transform_6(%arg0: i32) -> (i32, i32) {
    %c0_i32 = arith.constant 0 : i32
    %c0_i32_0 = arith.constant 0 : i32
    return %arg0, %c0_i32 : i32, i32
  }
}

module attributes {stable_mosaic.version = 14 : i64} {
  func.func @_flash_fast_kernel(%arg0: i32, %arg1: i32, %arg2: memref<512x128xbf16, #tpu.memory_space<vmem>>, %arg3: memref<2048x128xbf16, #tpu.memory_space<vmem>>, %arg4: memref<2048x128xbf16, #tpu.memory_space<vmem>>, %arg5: memref<512x128xf32, #tpu.memory_space<vmem>>) attributes {dimension_semantics = [#tpu.dimension_semantics<arbitrary>, #tpu.dimension_semantics<arbitrary>], iteration_bounds = array<i64: 8, 4>, scalar_prefetch = 0 : i64, scratch_operands = 0 : i64, tpu.core_type = #tpu.core_type<tc>, window_params = [{transform_indices = @transform_0, window_bounds = array<i64: 512, 128>}, {transform_indices = @transform_1, window_bounds = array<i64: 2048, 128>}, {transform_indices = @transform_2, window_bounds = array<i64: 2048, 128>}, {transform_indices = @transform_3, window_bounds = array<i64: 512, 128>}]} {
    %mul3A = arith.constant 512 : i32
    %mul3A_0 = arith.muli %arg1, %mul3A : i32
    %iota3A = tpu.iota {dimensions = array<i32: 0>} : vector<512x1024xi32>
    %add3A = vector.broadcast %mul3A_0 : i32 to vector<512x1024xi32>
    %add3A_1 = arith.addi %add3A, %iota3A : vector<512x1024xi32>
    %iota3A_2 = tpu.iota {dimensions = array<i32: 1>} : vector<512x1024xi32>
    %add3A_3 = arith.constant 1 : i32
    %add3A_4 = arith.addi %arg1, %add3A_3 : i32
    %mul3A_5 = arith.constant 512 : i32
    %mul3A_6 = arith.muli %add3A_4, %mul3A_5 : i32
    %add3A_7 = arith.constant 1024 : i32
    %add3A_8 = arith.addi %mul3A_6, %add3A_7 : i32
    %sub3A = arith.constant 1 : i32
    %sub3A_9 = arith.subi %add3A_8, %sub3A : i32
    %jit3A = arith.constant 1024 : i32
    %div3A = arith.divsi %sub3A_9, %jit3A : i32
    %sign3A = arith.constant 0 : i32
    %sign3A_10 = arith.cmpi sgt, %sub3A_9, %sign3A : i32
    %sign3A_11 = arith.extui %sign3A_10 : i1 to i32
    %sign3A_12 = arith.constant 0 : i32
    %sign3A_13 = arith.cmpi slt, %sub3A_9, %sign3A_12 : i32
    %sign3A_14 = arith.extui %sign3A_13 : i1 to i32
    %sign3A_15 = arith.subi %sign3A_11, %sign3A_14 : i32
    %sign3A_16 = arith.constant 0 : i32
    %sign3A_17 = arith.cmpi sgt, %jit3A, %sign3A_16 : i32
    %sign3A_18 = arith.extui %sign3A_17 : i1 to i32
    %sign3A_19 = arith.constant 0 : i32
    %sign3A_20 = arith.cmpi slt, %jit3A, %sign3A_19 : i32
    %sign3A_21 = arith.extui %sign3A_20 : i1 to i32
    %sign3A_22 = arith.subi %sign3A_18, %sign3A_21 : i32
    %ne3A = arith.cmpi ne, %sign3A_15, %sign3A_22 : i32
    %rem3A = arith.remsi %sub3A_9, %jit3A : i32
    %ne3A_23 = arith.constant 0 : i32
    %ne3A_24 = arith.cmpi ne, %rem3A, %ne3A_23 : i32
    %and3A = arith.andi %ne3A, %ne3A_24 : i1
    %sub3A_25 = arith.constant 1 : i32
    %sub3A_26 = arith.subi %div3A, %sub3A_25 : i32
    %select_n3A = arith.select %and3A, %sub3A_26, %div3A : i32
    %broadcast_in_dim3A = arith.constant -1.000000e+30 : f32
    %broadcast_in_dim3A_27 = vector.broadcast %broadcast_in_dim3A : f32 to vector<512x1xf32>
    %broadcast_in_dim3A_28 = arith.constant 0.000000e+00 : f32
    %broadcast_in_dim3A_29 = vector.broadcast %broadcast_in_dim3A_28 : f32 to vector<512x128xf32>
    %broadcast_in_dim3A_30 = arith.constant 1.000000e+00 : bf16
    %broadcast_in_dim3A_31 = vector.broadcast %broadcast_in_dim3A_30 : bf16 to vector<1024x64xbf16>
    %get3A = arith.constant 0 : index
    %get3A_32 = arith.constant 0 : index
    %get3A_33 = vector.load %arg2[%get3A, %get3A_32] : memref<512x128xbf16, #tpu.memory_space<vmem>>, vector<512x64xbf16>
    %mul3A_34 = arith.constant 1.250000e-01 : bf16
    %mul3A_35 = vector.broadcast %mul3A_34 : bf16 to vector<512x64xbf16>
    %mul3A_36 = arith.mulf %get3A_33, %mul3A_35 : vector<512x64xbf16>
    %get3A_37 = arith.constant 0 : index
    %get3A_38 = arith.constant 64 : index
    %get3A_39 = vector.load %arg2[%get3A_37, %get3A_38] : memref<512x128xbf16, #tpu.memory_space<vmem>>, vector<512x64xbf16>
    %mul3A_40 = arith.constant 1.250000e-01 : bf16
    %mul3A_41 = vector.broadcast %mul3A_40 : bf16 to vector<512x64xbf16>
    %mul3A_42 = arith.mulf %get3A_39, %mul3A_41 : vector<512x64xbf16>
    %sub3A_43 = arith.constant 1 : i32
    %sub3A_44 = arith.subi %select_n3A, %sub3A_43 : i32
    %while3A = arith.constant 0 : i32
    %while3A_45 = arith.subi %sub3A_44, %while3A : i32
    %while3A_46 = arith.addi %while3A, %while3A_45 : i32
    %while3A_47 = arith.constant 1 : i32
    %while3A_48 = arith.divsi %while3A_45, %while3A_47 : i32
    %while3A_49 = arith.muli %while3A_48, %while3A_47 : i32
    %while3A_50 = arith.addi %while3A, %while3A_49 : i32
    %while3A_51 = arith.constant 1 : i32
    %while3A_52:4 = scf.for %while3A_126 = %while3A to %while3A_50 step %while3A_51 iter_args(%while3A_127 = %broadcast_in_dim3A_27, %while3A_128 = %broadcast_in_dim3A_29, %while3A_129 = %broadcast_in_dim3A_27, %while3A_130 = %broadcast_in_dim3A_29) -> (vector<512x1xf32>, vector<512x128xf32>, vector<512x1xf32>, vector<512x128xf32>)  : i32 {
      %mul3A_131 = arith.constant 1024 : i32
      %mul3A_132 = arith.muli %while3A_126, %mul3A_131 : i32
      %get3A_133 = arith.index_cast %mul3A_132 : i32 to index
      %get3A_134 = arith.constant 0 : index
      %get3A_135 = vector.load %arg3[%get3A_133, %get3A_134] : memref<2048x128xbf16, #tpu.memory_space<vmem>>, vector<1024x128xbf16>
      %mul3A_136 = arith.constant 1024 : i32
      %mul3A_137 = arith.muli %while3A_126, %mul3A_136 : i32
      %get3A_138 = arith.index_cast %mul3A_137 : i32 to index
      %get3A_139 = arith.constant 0 : index
      %get3A_140 = vector.load %arg4[%get3A_138, %get3A_139] : memref<2048x128xbf16, #tpu.memory_space<vmem>>, vector<1024x128xbf16>
      %slice3A_141 = vector.extract_strided_slice %get3A_135 {offsets = [0, 0], sizes = [1024, 64], strides = [1, 1]} : vector<1024x128xbf16> to vector<1024x64xbf16>
      %slice3A_142 = vector.extract_strided_slice %get3A_140 {offsets = [0, 0], sizes = [1024, 64], strides = [1, 1]} : vector<1024x128xbf16> to vector<1024x64xbf16>
      %concatenate3A_143 = tpu.concatenate %slice3A_142, %broadcast_in_dim3A_31 in 1 : vector<1024x64xbf16>, vector<1024x64xbf16> -> vector<1024x128xbf16>
      %dot_general3A_144 = arith.constant dense<0.000000e+00> : vector<512x1024xf32>
      %dot_general3A_145 = tpu.matmul %mul3A_36, %slice3A_141, %dot_general3A_144 {dimension_numbers = #tpu.dot_dimension_numbers<[1], [1], [0], [0], [0, 0, 1, 0], [], []>, transpose_lhs_hint = false} : vector<512x64xbf16>, vector<1024x64xbf16>, vector<512x1024xf32> -> vector<512x1024xf32>
      %reduce_max3A_146 = arith.constant dense<0xFF800000> : vector<512xf32>
      %reduce_max3A_147 = vector.multi_reduction <maximumf>, %dot_general3A_145, %reduce_max3A_146 [1] : vector<512x1024xf32> to vector<512xf32>
      %broadcast_in_dim3A_148 = vector.shape_cast %reduce_max3A_147 : vector<512xf32> to vector<512x1xf32>
      %max3A_149 = arith.maximumf %while3A_127, %broadcast_in_dim3A_148 : vector<512x1xf32>
      %sub3A_150 = vector.broadcast %max3A_149 : vector<512x1xf32> to vector<512x1024xf32>
      %sub3A_151 = arith.subf %dot_general3A_145, %sub3A_150 : vector<512x1024xf32>
      %exp3A_152 = math.exp %sub3A_151 : vector<512x1024xf32>
      %sub3A_153 = arith.subf %while3A_127, %max3A_149 : vector<512x1xf32>
      %exp3A_154 = math.exp %sub3A_153 : vector<512x1xf32>
      %mul3A_155 = vector.broadcast %exp3A_154 : vector<512x1xf32> to vector<512x128xf32>
      %mul3A_156 = arith.mulf %while3A_128, %mul3A_155 : vector<512x128xf32>
      %convert_element_type3A_157 = arith.truncf %exp3A_152 : vector<512x1024xf32> to vector<512x1024xbf16>
      %dot_general3A_158 = arith.constant dense<0.000000e+00> : vector<512x128xf32>
      %dot_general3A_159 = tpu.matmul %convert_element_type3A_157, %concatenate3A_143, %dot_general3A_158 {dimension_numbers = #tpu.dot_dimension_numbers<[1], [0], [0], [1], [0, 0, 1, 1], [], []>, transpose_lhs_hint = false} : vector<512x1024xbf16>, vector<1024x128xbf16>, vector<512x128xf32> -> vector<512x128xf32>
      %add3A_160 = arith.addf %mul3A_156, %dot_general3A_159 : vector<512x128xf32>
      %slice3A_161 = vector.extract_strided_slice %get3A_135 {offsets = [0, 64], sizes = [1024, 64], strides = [1, 1]} : vector<1024x128xbf16> to vector<1024x64xbf16>
      %slice3A_162 = vector.extract_strided_slice %get3A_140 {offsets = [0, 64], sizes = [1024, 64], strides = [1, 1]} : vector<1024x128xbf16> to vector<1024x64xbf16>
      %concatenate3A_163 = tpu.concatenate %slice3A_162, %broadcast_in_dim3A_31 in 1 : vector<1024x64xbf16>, vector<1024x64xbf16> -> vector<1024x128xbf16>
      %dot_general3A_164 = arith.constant dense<0.000000e+00> : vector<512x1024xf32>
      %dot_general3A_165 = tpu.matmul %mul3A_42, %slice3A_161, %dot_general3A_164 {dimension_numbers = #tpu.dot_dimension_numbers<[1], [1], [0], [0], [0, 0, 1, 0], [], []>, transpose_lhs_hint = false} : vector<512x64xbf16>, vector<1024x64xbf16>, vector<512x1024xf32> -> vector<512x1024xf32>
      %reduce_max3A_166 = arith.constant dense<0xFF800000> : vector<512xf32>
      %reduce_max3A_167 = vector.multi_reduction <maximumf>, %dot_general3A_165, %reduce_max3A_166 [1] : vector<512x1024xf32> to vector<512xf32>
      %broadcast_in_dim3A_168 = vector.shape_cast %reduce_max3A_167 : vector<512xf32> to vector<512x1xf32>
      %max3A_169 = arith.maximumf %while3A_129, %broadcast_in_dim3A_168 : vector<512x1xf32>
      %sub3A_170 = vector.broadcast %max3A_169 : vector<512x1xf32> to vector<512x1024xf32>
      %sub3A_171 = arith.subf %dot_general3A_165, %sub3A_170 : vector<512x1024xf32>
      %exp3A_172 = math.exp %sub3A_171 : vector<512x1024xf32>
      %sub3A_173 = arith.subf %while3A_129, %max3A_169 : vector<512x1xf32>
      %exp3A_174 = math.exp %sub3A_173 : vector<512x1xf32>
      %mul3A_175 = vector.broadcast %exp3A_174 : vector<512x1xf32> to vector<512x128xf32>
      %mul3A_176 = arith.mulf %while3A_130, %mul3A_175 : vector<512x128xf32>
      %convert_element_type3A_177 = arith.truncf %exp3A_172 : vector<512x1024xf32> to vector<512x1024xbf16>
      %dot_general3A_178 = arith.constant dense<0.000000e+00> : vector<512x128xf32>
      %dot_general3A_179 = tpu.matmul %convert_element_type3A_177, %concatenate3A_163, %dot_general3A_178 {dimension_numbers = #tpu.dot_dimension_numbers<[1], [0], [0], [1], [0, 0, 1, 1], [], []>, transpose_lhs_hint = false} : vector<512x1024xbf16>, vector<1024x128xbf16>, vector<512x128xf32> -> vector<512x128xf32>
      %add3A_180 = arith.addf %mul3A_176, %dot_general3A_179 : vector<512x128xf32>
      scf.yield %max3A_149, %add3A_160, %max3A_169, %add3A_180 : vector<512x1xf32>, vector<512x128xf32>, vector<512x1xf32>, vector<512x128xf32>
    }
    %while3A_53 = arith.constant 1 : i32
    %while3A_54:4 = scf.for %while3A_126 = %while3A_50 to %while3A_46 step %while3A_53 iter_args(%while3A_127 = %while3A_52#0, %while3A_128 = %while3A_52#1, %while3A_129 = %while3A_52#2, %while3A_130 = %while3A_52#3) -> (vector<512x1xf32>, vector<512x128xf32>, vector<512x1xf32>, vector<512x128xf32>)  : i32 {
      %mul3A_131 = arith.constant 1024 : i32
      %mul3A_132 = arith.muli %while3A_126, %mul3A_131 : i32
      %get3A_133 = arith.index_cast %mul3A_132 : i32 to index
      %get3A_134 = arith.constant 0 : index
      %get3A_135 = vector.load %arg3[%get3A_133, %get3A_134] : memref<2048x128xbf16, #tpu.memory_space<vmem>>, vector<1024x128xbf16>
      %mul3A_136 = arith.constant 1024 : i32
      %mul3A_137 = arith.muli %while3A_126, %mul3A_136 : i32
      %get3A_138 = arith.index_cast %mul3A_137 : i32 to index
      %get3A_139 = arith.constant 0 : index
      %get3A_140 = vector.load %arg4[%get3A_138, %get3A_139] : memref<2048x128xbf16, #tpu.memory_space<vmem>>, vector<1024x128xbf16>
      %slice3A_141 = vector.extract_strided_slice %get3A_135 {offsets = [0, 0], sizes = [1024, 64], strides = [1, 1]} : vector<1024x128xbf16> to vector<1024x64xbf16>
      %slice3A_142 = vector.extract_strided_slice %get3A_140 {offsets = [0, 0], sizes = [1024, 64], strides = [1, 1]} : vector<1024x128xbf16> to vector<1024x64xbf16>
      %concatenate3A_143 = tpu.concatenate %slice3A_142, %broadcast_in_dim3A_31 in 1 : vector<1024x64xbf16>, vector<1024x64xbf16> -> vector<1024x128xbf16>
      %dot_general3A_144 = arith.constant dense<0.000000e+00> : vector<512x1024xf32>
      %dot_general3A_145 = tpu.matmul %mul3A_36, %slice3A_141, %dot_general3A_144 {dimension_numbers = #tpu.dot_dimension_numbers<[1], [1], [0], [0], [0, 0, 1, 0], [], []>, transpose_lhs_hint = false} : vector<512x64xbf16>, vector<1024x64xbf16>, vector<512x1024xf32> -> vector<512x1024xf32>
      %reduce_max3A_146 = arith.constant dense<0xFF800000> : vector<512xf32>
      %reduce_max3A_147 = vector.multi_reduction <maximumf>, %dot_general3A_145, %reduce_max3A_146 [1] : vector<512x1024xf32> to vector<512xf32>
      %broadcast_in_dim3A_148 = vector.shape_cast %reduce_max3A_147 : vector<512xf32> to vector<512x1xf32>
      %max3A_149 = arith.maximumf %while3A_127, %broadcast_in_dim3A_148 : vector<512x1xf32>
      %sub3A_150 = vector.broadcast %max3A_149 : vector<512x1xf32> to vector<512x1024xf32>
      %sub3A_151 = arith.subf %dot_general3A_145, %sub3A_150 : vector<512x1024xf32>
      %exp3A_152 = math.exp %sub3A_151 : vector<512x1024xf32>
      %sub3A_153 = arith.subf %while3A_127, %max3A_149 : vector<512x1xf32>
      %exp3A_154 = math.exp %sub3A_153 : vector<512x1xf32>
      %mul3A_155 = vector.broadcast %exp3A_154 : vector<512x1xf32> to vector<512x128xf32>
      %mul3A_156 = arith.mulf %while3A_128, %mul3A_155 : vector<512x128xf32>
      %convert_element_type3A_157 = arith.truncf %exp3A_152 : vector<512x1024xf32> to vector<512x1024xbf16>
      %dot_general3A_158 = arith.constant dense<0.000000e+00> : vector<512x128xf32>
      %dot_general3A_159 = tpu.matmul %convert_element_type3A_157, %concatenate3A_143, %dot_general3A_158 {dimension_numbers = #tpu.dot_dimension_numbers<[1], [0], [0], [1], [0, 0, 1, 1], [], []>, transpose_lhs_hint = false} : vector<512x1024xbf16>, vector<1024x128xbf16>, vector<512x128xf32> -> vector<512x128xf32>
      %add3A_160 = arith.addf %mul3A_156, %dot_general3A_159 : vector<512x128xf32>
      %slice3A_161 = vector.extract_strided_slice %get3A_135 {offsets = [0, 64], sizes = [1024, 64], strides = [1, 1]} : vector<1024x128xbf16> to vector<1024x64xbf16>
      %slice3A_162 = vector.extract_strided_slice %get3A_140 {offsets = [0, 64], sizes = [1024, 64], strides = [1, 1]} : vector<1024x128xbf16> to vector<1024x64xbf16>
      %concatenate3A_163 = tpu.concatenate %slice3A_162, %broadcast_in_dim3A_31 in 1 : vector<1024x64xbf16>, vector<1024x64xbf16> -> vector<1024x128xbf16>
      %dot_general3A_164 = arith.constant dense<0.000000e+00> : vector<512x1024xf32>
      %dot_general3A_165 = tpu.matmul %mul3A_42, %slice3A_161, %dot_general3A_164 {dimension_numbers = #tpu.dot_dimension_numbers<[1], [1], [0], [0], [0, 0, 1, 0], [], []>, transpose_lhs_hint = false} : vector<512x64xbf16>, vector<1024x64xbf16>, vector<512x1024xf32> -> vector<512x1024xf32>
      %reduce_max3A_166 = arith.constant dense<0xFF800000> : vector<512xf32>
      %reduce_max3A_167 = vector.multi_reduction <maximumf>, %dot_general3A_165, %reduce_max3A_166 [1] : vector<512x1024xf32> to vector<512xf32>
      %broadcast_in_dim3A_168 = vector.shape_cast %reduce_max3A_167 : vector<512xf32> to vector<512x1xf32>
      %max3A_169 = arith.maximumf %while3A_129, %broadcast_in_dim3A_168 : vector<512x1xf32>
      %sub3A_170 = vector.broadcast %max3A_169 : vector<512x1xf32> to vector<512x1024xf32>
      %sub3A_171 = arith.subf %dot_general3A_165, %sub3A_170 : vector<512x1024xf32>
      %exp3A_172 = math.exp %sub3A_171 : vector<512x1024xf32>
      %sub3A_173 = arith.subf %while3A_129, %max3A_169 : vector<512x1xf32>
      %exp3A_174 = math.exp %sub3A_173 : vector<512x1xf32>
      %mul3A_175 = vector.broadcast %exp3A_174 : vector<512x1xf32> to vector<512x128xf32>
      %mul3A_176 = arith.mulf %while3A_130, %mul3A_175 : vector<512x128xf32>
      %convert_element_type3A_177 = arith.truncf %exp3A_172 : vector<512x1024xf32> to vector<512x1024xbf16>
      %dot_general3A_178 = arith.constant dense<0.000000e+00> : vector<512x128xf32>
      %dot_general3A_179 = tpu.matmul %convert_element_type3A_177, %concatenate3A_163, %dot_general3A_178 {dimension_numbers = #tpu.dot_dimension_numbers<[1], [0], [0], [1], [0, 0, 1, 1], [], []>, transpose_lhs_hint = false} : vector<512x1024xbf16>, vector<1024x128xbf16>, vector<512x128xf32> -> vector<512x128xf32>
      %add3A_180 = arith.addf %mul3A_176, %dot_general3A_179 : vector<512x128xf32>
      scf.yield %max3A_149, %add3A_160, %max3A_169, %add3A_180 : vector<512x1xf32>, vector<512x128xf32>, vector<512x1xf32>, vector<512x128xf32>
    }
    %sub3A_55 = arith.constant 1 : i32
    %sub3A_56 = arith.subi %select_n3A, %sub3A_55 : i32
    %mul3A_57 = arith.constant 1024 : i32
    %mul3A_58 = arith.muli %sub3A_56, %mul3A_57 : i32
    %get3A_59 = arith.index_cast %mul3A_58 : i32 to index
    %get3A_60 = arith.constant 0 : index
    %get3A_61 = vector.load %arg3[%get3A_59, %get3A_60] : memref<2048x128xbf16, #tpu.memory_space<vmem>>, vector<1024x128xbf16>
    %mul3A_62 = arith.constant 1024 : i32
    %mul3A_63 = arith.muli %sub3A_56, %mul3A_62 : i32
    %get3A_64 = arith.index_cast %mul3A_63 : i32 to index
    %get3A_65 = arith.constant 0 : index
    %get3A_66 = vector.load %arg4[%get3A_64, %get3A_65] : memref<2048x128xbf16, #tpu.memory_space<vmem>>, vector<1024x128xbf16>
    %slice3A = vector.extract_strided_slice %get3A_61 {offsets = [0, 0], sizes = [1024, 64], strides = [1, 1]} : vector<1024x128xbf16> to vector<1024x64xbf16>
    %slice3A_67 = vector.extract_strided_slice %get3A_66 {offsets = [0, 0], sizes = [1024, 64], strides = [1, 1]} : vector<1024x128xbf16> to vector<1024x64xbf16>
    %concatenate3A = tpu.concatenate %slice3A_67, %broadcast_in_dim3A_31 in 1 : vector<1024x64xbf16>, vector<1024x64xbf16> -> vector<1024x128xbf16>
    %dot_general3A = arith.constant dense<0.000000e+00> : vector<512x1024xf32>
    %dot_general3A_68 = tpu.matmul %mul3A_36, %slice3A, %dot_general3A {dimension_numbers = #tpu.dot_dimension_numbers<[1], [1], [0], [0], [0, 0, 1, 0], [], []>, transpose_lhs_hint = false} : vector<512x64xbf16>, vector<1024x64xbf16>, vector<512x1024xf32> -> vector<512x1024xf32>
    %mul3A_69 = arith.constant 1024 : i32
    %mul3A_70 = arith.muli %sub3A_56, %mul3A_69 : i32
    %add3A_71 = vector.broadcast %mul3A_70 : i32 to vector<512x1024xi32>
    %add3A_72 = arith.addi %add3A_71, %iota3A_2 : vector<512x1024xi32>
    %le3A = arith.cmpi sle, %add3A_72, %add3A_1 : vector<512x1024xi32>
    %jit3A_73 = arith.constant -1.000000e+09 : f32
    %broadcast_in_dim3A_74 = vector.broadcast %jit3A_73 : f32 to vector<512x1024xf32>
    %select_n3A_75 = arith.select %le3A, %dot_general3A_68, %broadcast_in_dim3A_74 : vector<512x1024xi1>, vector<512x1024xf32>
    %reduce_max3A = arith.constant dense<0xFF800000> : vector<512xf32>
    %reduce_max3A_76 = vector.multi_reduction <maximumf>, %select_n3A_75, %reduce_max3A [1] : vector<512x1024xf32> to vector<512xf32>
    %broadcast_in_dim3A_77 = vector.shape_cast %reduce_max3A_76 : vector<512xf32> to vector<512x1xf32>
    %max3A = arith.maximumf %while3A_54#0, %broadcast_in_dim3A_77 : vector<512x1xf32>
    %sub3A_78 = vector.broadcast %max3A : vector<512x1xf32> to vector<512x1024xf32>
    %sub3A_79 = arith.subf %select_n3A_75, %sub3A_78 : vector<512x1024xf32>
    %exp3A = math.exp %sub3A_79 : vector<512x1024xf32>
    %sub3A_80 = arith.subf %while3A_54#0, %max3A : vector<512x1xf32>
    %exp3A_81 = math.exp %sub3A_80 : vector<512x1xf32>
    %mul3A_82 = vector.broadcast %exp3A_81 : vector<512x1xf32> to vector<512x128xf32>
    %mul3A_83 = arith.mulf %while3A_54#1, %mul3A_82 : vector<512x128xf32>
    %convert_element_type3A = arith.truncf %exp3A : vector<512x1024xf32> to vector<512x1024xbf16>
    %dot_general3A_84 = arith.constant dense<0.000000e+00> : vector<512x128xf32>
    %dot_general3A_85 = tpu.matmul %convert_element_type3A, %concatenate3A, %dot_general3A_84 {dimension_numbers = #tpu.dot_dimension_numbers<[1], [0], [0], [1], [0, 0, 1, 1], [], []>, transpose_lhs_hint = false} : vector<512x1024xbf16>, vector<1024x128xbf16>, vector<512x128xf32> -> vector<512x128xf32>
    %add3A_86 = arith.addf %mul3A_83, %dot_general3A_85 : vector<512x128xf32>
    %slice3A_87 = vector.extract_strided_slice %get3A_61 {offsets = [0, 64], sizes = [1024, 64], strides = [1, 1]} : vector<1024x128xbf16> to vector<1024x64xbf16>
    %slice3A_88 = vector.extract_strided_slice %get3A_66 {offsets = [0, 64], sizes = [1024, 64], strides = [1, 1]} : vector<1024x128xbf16> to vector<1024x64xbf16>
    %concatenate3A_89 = tpu.concatenate %slice3A_88, %broadcast_in_dim3A_31 in 1 : vector<1024x64xbf16>, vector<1024x64xbf16> -> vector<1024x128xbf16>
    %dot_general3A_90 = arith.constant dense<0.000000e+00> : vector<512x1024xf32>
    %dot_general3A_91 = tpu.matmul %mul3A_42, %slice3A_87, %dot_general3A_90 {dimension_numbers = #tpu.dot_dimension_numbers<[1], [1], [0], [0], [0, 0, 1, 0], [], []>, transpose_lhs_hint = false} : vector<512x64xbf16>, vector<1024x64xbf16>, vector<512x1024xf32> -> vector<512x1024xf32>
    %mul3A_92 = arith.constant 1024 : i32
    %mul3A_93 = arith.muli %sub3A_56, %mul3A_92 : i32
    %add3A_94 = vector.broadcast %mul3A_93 : i32 to vector<512x1024xi32>
    %add3A_95 = arith.addi %add3A_94, %iota3A_2 : vector<512x1024xi32>
    %le3A_96 = arith.cmpi sle, %add3A_95, %add3A_1 : vector<512x1024xi32>
    %jit3A_97 = arith.constant -1.000000e+09 : f32
    %broadcast_in_dim3A_98 = vector.broadcast %jit3A_97 : f32 to vector<512x1024xf32>
    %select_n3A_99 = arith.select %le3A_96, %dot_general3A_91, %broadcast_in_dim3A_98 : vector<512x1024xi1>, vector<512x1024xf32>
    %reduce_max3A_100 = arith.constant dense<0xFF800000> : vector<512xf32>
    %reduce_max3A_101 = vector.multi_reduction <maximumf>, %select_n3A_99, %reduce_max3A_100 [1] : vector<512x1024xf32> to vector<512xf32>
    %broadcast_in_dim3A_102 = vector.shape_cast %reduce_max3A_101 : vector<512xf32> to vector<512x1xf32>
    %max3A_103 = arith.maximumf %while3A_54#2, %broadcast_in_dim3A_102 : vector<512x1xf32>
    %sub3A_104 = vector.broadcast %max3A_103 : vector<512x1xf32> to vector<512x1024xf32>
    %sub3A_105 = arith.subf %select_n3A_99, %sub3A_104 : vector<512x1024xf32>
    %exp3A_106 = math.exp %sub3A_105 : vector<512x1024xf32>
    %sub3A_107 = arith.subf %while3A_54#2, %max3A_103 : vector<512x1xf32>
    %exp3A_108 = math.exp %sub3A_107 : vector<512x1xf32>
    %mul3A_109 = vector.broadcast %exp3A_108 : vector<512x1xf32> to vector<512x128xf32>
    %mul3A_110 = arith.mulf %while3A_54#3, %mul3A_109 : vector<512x128xf32>
    %convert_element_type3A_111 = arith.truncf %exp3A_106 : vector<512x1024xf32> to vector<512x1024xbf16>
    %dot_general3A_112 = arith.constant dense<0.000000e+00> : vector<512x128xf32>
    %dot_general3A_113 = tpu.matmul %convert_element_type3A_111, %concatenate3A_89, %dot_general3A_112 {dimension_numbers = #tpu.dot_dimension_numbers<[1], [0], [0], [1], [0, 0, 1, 1], [], []>, transpose_lhs_hint = false} : vector<512x1024xbf16>, vector<1024x128xbf16>, vector<512x128xf32> -> vector<512x128xf32>
    %add3A_114 = arith.addf %mul3A_110, %dot_general3A_113 : vector<512x128xf32>
    %slice3A_115 = vector.extract_strided_slice %add3A_86 {offsets = [0, 0], sizes = [512, 64], strides = [1, 1]} : vector<512x128xf32> to vector<512x64xf32>
    %slice3A_116 = vector.extract_strided_slice %add3A_86 {offsets = [0, 64], sizes = [512, 1], strides = [1, 1]} : vector<512x128xf32> to vector<512x1xf32>
    %div3A_117 = vector.broadcast %slice3A_116 : vector<512x1xf32> to vector<512x64xf32>
    %div3A_118 = arith.divf %slice3A_115, %div3A_117 : vector<512x64xf32>
    %slice3A_119 = vector.extract_strided_slice %add3A_114 {offsets = [0, 0], sizes = [512, 64], strides = [1, 1]} : vector<512x128xf32> to vector<512x64xf32>
    %slice3A_120 = vector.extract_strided_slice %add3A_114 {offsets = [0, 64], sizes = [512, 1], strides = [1, 1]} : vector<512x128xf32> to vector<512x1xf32>
    %div3A_121 = vector.broadcast %slice3A_120 : vector<512x1xf32> to vector<512x64xf32>
    %div3A_122 = arith.divf %slice3A_119, %div3A_121 : vector<512x64xf32>
    %concatenate3A_123 = tpu.concatenate %div3A_118, %div3A_122 in 1 : vector<512x64xf32>, vector<512x64xf32> -> vector<512x128xf32>
    %swap3A = arith.constant 0 : index
    %swap3A_124 = arith.constant 0 : index
    %swap3A_125 = vector.load %arg5[%swap3A, %swap3A_124] : memref<512x128xf32, #tpu.memory_space<vmem>>, vector<512x128xf32>
    tpu.vector_store %arg5[%swap3A, %swap3A_124], %concatenate3A_123 {strides = array<i32>} : memref<512x128xf32, #tpu.memory_space<vmem>>, vector<512x128xf32>,
    return
  }
  func.func @transform_0(%arg0: i32, %arg1: i32) -> (i32, i32) {
    %c0_i32 = arith.constant 0 : i32
    return %arg1, %arg0 : i32, i32
  }
  func.func @transform_1(%arg0: i32, %arg1: i32) -> (i32, i32) {
    %add3A = arith.constant 8 : i32
    %add3A_0 = arith.addi %add3A, %arg0 : i32
    %c0_i32 = arith.constant 0 : i32
    %c0_i32_1 = arith.constant 0 : i32
    return %c0_i32, %add3A_0 : i32, i32
  }
  func.func @transform_2(%arg0: i32, %arg1: i32) -> (i32, i32) {
    %add3A = arith.constant 16 : i32
    %add3A_0 = arith.addi %add3A, %arg0 : i32
    %c0_i32 = arith.constant 0 : i32
    %c0_i32_1 = arith.constant 0 : i32
    return %c0_i32, %add3A_0 : i32, i32
  }
  func.func @transform_3(%arg0: i32, %arg1: i32) -> (i32, i32) {
    %c0_i32 = arith.constant 0 : i32
    return %arg1, %arg0 : i32, i32
  }
}

module attributes {stable_mosaic.version = 14 : i64} {
  func.func @_flash_slow_kernel(%arg0: i32, %arg1: i32, %arg2: memref<1x1xi32, #tpu.memory_space<smem>>, %arg3: memref<512x128xbf16, #tpu.memory_space<vmem>>, %arg4: memref<2048x128xbf16, #tpu.memory_space<vmem>>, %arg5: memref<2048x128xbf16, #tpu.memory_space<vmem>>, %arg6: memref<512x128xf32, #tpu.memory_space<vmem>>, %arg7: memref<32x128xf32, #tpu.memory_space<vmem>>, %arg8: memref<512x128xf32, #tpu.memory_space<vmem>>) attributes {dimension_semantics = [#tpu.dimension_semantics<arbitrary>, #tpu.dimension_semantics<arbitrary>], iteration_bounds = array<i64: 8, 4>, scalar_prefetch = 0 : i64, scratch_operands = 0 : i64, tpu.core_type = #tpu.core_type<tc>, window_params = [{transform_indices = @transform_0, window_bounds = array<i64: 1, 1>}, {transform_indices = @transform_1, window_bounds = array<i64: 512, 128>}, {transform_indices = @transform_2, window_bounds = array<i64: 2048, 128>}, {transform_indices = @transform_3, window_bounds = array<i64: 2048, 128>}, {transform_indices = @transform_4, window_bounds = array<i64: 512, 128>}, {transform_indices = @transform_5, window_bounds = array<i64: 32, 128>}, {transform_indices = @transform_6, window_bounds = array<i64: 512, 128>}]} {
    %get3A = arith.constant 0 : index
    %get3A_0 = arith.constant 0 : index
    %get3A_1 = memref.load %arg2[%get3A, %get3A_0] : memref<1x1xi32, #tpu.memory_space<smem>>
    %mul3A = arith.constant 512 : i32
    %mul3A_2 = arith.muli %arg1, %mul3A : i32
    %iota3A = tpu.iota {dimensions = array<i32: 0>} : vector<512x32xi32>
    %add3A = vector.broadcast %mul3A_2 : i32 to vector<512x32xi32>
    %add3A_3 = arith.addi %add3A, %iota3A : vector<512x32xi32>
    %iota3A_4 = tpu.iota {dimensions = array<i32: 1>} : vector<512x32xi32>
    %jit3A = arith.constant 64 : i32
    %div3A = vector.broadcast %jit3A : i32 to vector<512x32xi32>
    %div3A_5 = arith.divsi %add3A_3, %div3A : vector<512x32xi32>
    %sign3A = arith.constant 0 : i32
    %sign3A_6 = vector.broadcast %sign3A : i32 to vector<512x32xi32>
    %sign3A_7 = arith.cmpi sgt, %add3A_3, %sign3A_6 : vector<512x32xi32>
    %sign3A_8 = arith.extui %sign3A_7 : vector<512x32xi1> to vector<512x32xi32>
    %sign3A_9 = arith.constant 0 : i32
    %sign3A_10 = vector.broadcast %sign3A_9 : i32 to vector<512x32xi32>
    %sign3A_11 = arith.cmpi slt, %add3A_3, %sign3A_10 : vector<512x32xi32>
    %sign3A_12 = arith.extui %sign3A_11 : vector<512x32xi1> to vector<512x32xi32>
    %sign3A_13 = arith.subi %sign3A_8, %sign3A_12 : vector<512x32xi32>
    %sign3A_14 = arith.constant 0 : i32
    %sign3A_15 = arith.cmpi sgt, %jit3A, %sign3A_14 : i32
    %sign3A_16 = arith.extui %sign3A_15 : i1 to i32
    %sign3A_17 = arith.constant 0 : i32
    %sign3A_18 = arith.cmpi slt, %jit3A, %sign3A_17 : i32
    %sign3A_19 = arith.extui %sign3A_18 : i1 to i32
    %sign3A_20 = arith.subi %sign3A_16, %sign3A_19 : i32
    %ne3A = vector.broadcast %sign3A_20 : i32 to vector<512x32xi32>
    %ne3A_21 = arith.cmpi ne, %sign3A_13, %ne3A : vector<512x32xi32>
    %rem3A = vector.broadcast %jit3A : i32 to vector<512x32xi32>
    %rem3A_22 = arith.remsi %add3A_3, %rem3A : vector<512x32xi32>
    %ne3A_23 = arith.constant 0 : i32
    %ne3A_24 = vector.broadcast %ne3A_23 : i32 to vector<512x32xi32>
    %ne3A_25 = arith.cmpi ne, %rem3A_22, %ne3A_24 : vector<512x32xi32>
    %and3A = arith.andi %ne3A_21, %ne3A_25 : vector<512x32xi1>
    %sub3A = arith.constant 1 : i32
    %sub3A_26 = vector.broadcast %sub3A : i32 to vector<512x32xi32>
    %sub3A_27 = arith.subi %div3A_5, %sub3A_26 : vector<512x32xi32>
    %select_n3A = arith.select %and3A, %sub3A_27, %div3A_5 : vector<512x32xi1>, vector<512x32xi32>
    %mul3A_28 = arith.constant 512 : i32
    %mul3A_29 = arith.muli %arg1, %mul3A_28 : i32
    %iota3A_30 = tpu.iota {dimensions = array<i32: 0>} : vector<512x1024xi32>
    %add3A_31 = vector.broadcast %mul3A_29 : i32 to vector<512x1024xi32>
    %add3A_32 = arith.addi %add3A_31, %iota3A_30 : vector<512x1024xi32>
    %iota3A_33 = tpu.iota {dimensions = array<i32: 0>} : vector<32x1024xi32>
    %iota3A_34 = tpu.iota {dimensions = array<i32: 1>} : vector<32x1024xi32>
    %jit3A_35 = arith.constant 64 : i32
    %div3A_36 = vector.broadcast %jit3A_35 : i32 to vector<32x1024xi32>
    %div3A_37 = arith.divsi %iota3A_34, %div3A_36 : vector<32x1024xi32>
    %sign3A_38 = arith.constant 0 : i32
    %sign3A_39 = vector.broadcast %sign3A_38 : i32 to vector<32x1024xi32>
    %sign3A_40 = arith.cmpi sgt, %iota3A_34, %sign3A_39 : vector<32x1024xi32>
    %sign3A_41 = arith.extui %sign3A_40 : vector<32x1024xi1> to vector<32x1024xi32>
    %sign3A_42 = arith.constant 0 : i32
    %sign3A_43 = vector.broadcast %sign3A_42 : i32 to vector<32x1024xi32>
    %sign3A_44 = arith.cmpi slt, %iota3A_34, %sign3A_43 : vector<32x1024xi32>
    %sign3A_45 = arith.extui %sign3A_44 : vector<32x1024xi1> to vector<32x1024xi32>
    %sign3A_46 = arith.subi %sign3A_41, %sign3A_45 : vector<32x1024xi32>
    %sign3A_47 = arith.constant 0 : i32
    %sign3A_48 = arith.cmpi sgt, %jit3A_35, %sign3A_47 : i32
    %sign3A_49 = arith.extui %sign3A_48 : i1 to i32
    %sign3A_50 = arith.constant 0 : i32
    %sign3A_51 = arith.cmpi slt, %jit3A_35, %sign3A_50 : i32
    %sign3A_52 = arith.extui %sign3A_51 : i1 to i32
    %sign3A_53 = arith.subi %sign3A_49, %sign3A_52 : i32
    %ne3A_54 = vector.broadcast %sign3A_53 : i32 to vector<32x1024xi32>
    %ne3A_55 = arith.cmpi ne, %sign3A_46, %ne3A_54 : vector<32x1024xi32>
    %rem3A_56 = vector.broadcast %jit3A_35 : i32 to vector<32x1024xi32>
    %rem3A_57 = arith.remsi %iota3A_34, %rem3A_56 : vector<32x1024xi32>
    %ne3A_58 = arith.constant 0 : i32
    %ne3A_59 = vector.broadcast %ne3A_58 : i32 to vector<32x1024xi32>
    %ne3A_60 = arith.cmpi ne, %rem3A_57, %ne3A_59 : vector<32x1024xi32>
    %and3A_61 = arith.andi %ne3A_55, %ne3A_60 : vector<32x1024xi1>
    %sub3A_62 = arith.constant 1 : i32
    %sub3A_63 = vector.broadcast %sub3A_62 : i32 to vector<32x1024xi32>
    %sub3A_64 = arith.subi %div3A_37, %sub3A_63 : vector<32x1024xi32>
    %select_n3A_65 = arith.select %and3A_61, %sub3A_64, %div3A_37 : vector<32x1024xi1>, vector<32x1024xi32>
    %iota3A_66 = tpu.iota {dimensions = array<i32: 1>} : vector<512x1024xi32>
    %get3A_67 = arith.constant 0 : index
    %get3A_68 = arith.constant 0 : index
    %get3A_69 = vector.load %arg7[%get3A_67, %get3A_68] : memref<32x128xf32, #tpu.memory_space<vmem>>, vector<32x64xf32>
    %get3A_70 = arith.constant 0 : index
    %get3A_71 = arith.constant 0 : index
    %get3A_72 = vector.load %arg6[%get3A_70, %get3A_71] : memref<512x128xf32, #tpu.memory_space<vmem>>, vector<512x64xf32>
    %dot_general3A = arith.constant dense<0.000000e+00> : vector<512x32xf32>
    %dot_general3A_73 = tpu.matmul %get3A_72, %get3A_69, %dot_general3A {dimension_numbers = #tpu.dot_dimension_numbers<[1], [1], [0], [0], [0, 0, 1, 0], [], []>, transpose_lhs_hint = false} : vector<512x64xf32>, vector<32x64xf32>, vector<512x32xf32> -> vector<512x32xf32>
    %gt3A = arith.cmpi sgt, %iota3A_4, %select_n3A : vector<512x32xi32>
    %jit3A_74 = arith.constant -1.000000e+09 : f32
    %broadcast_in_dim3A = vector.broadcast %jit3A_74 : f32 to vector<512x32xf32>
    %select_n3A_75 = arith.select %gt3A, %broadcast_in_dim3A, %dot_general3A_73 : vector<512x32xi1>, vector<512x32xf32>
    %eq3A = arith.cmpi eq, %iota3A_4, %select_n3A : vector<512x32xi32>
    %jit3A_76 = arith.constant 1.000000e+09 : f32
    %broadcast_in_dim3A_77 = vector.broadcast %jit3A_76 : f32 to vector<512x32xf32>
    %select_n3A_78 = arith.select %eq3A, %broadcast_in_dim3A_77, %select_n3A_75 : vector<512x32xi1>, vector<512x32xf32>
    %broadcast_in_dim3A_79 = arith.constant 0 : i32
    %broadcast_in_dim3A_80 = vector.broadcast %broadcast_in_dim3A_79 : i32 to vector<512x32xi32>
    %slice3A = vector.extract_strided_slice %select_n3A_78 {offsets = [0, 0], sizes = [512, 1], strides = [1, 1]} : vector<512x32xf32> to vector<512x1xf32>
    %gt3A_81 = vector.broadcast %slice3A : vector<512x1xf32> to vector<512x32xf32>
    %gt3A_82 = arith.cmpf ogt, %gt3A_81, %select_n3A_78 : vector<512x32xf32>
    %eq3A_83 = vector.broadcast %slice3A : vector<512x1xf32> to vector<512x32xf32>
    %eq3A_84 = arith.cmpf oeq, %eq3A_83, %select_n3A_78 : vector<512x32xf32>
    %gt3A_85 = arith.constant 0 : i32
    %gt3A_86 = vector.broadcast %gt3A_85 : i32 to vector<512x32xi32>
    %gt3A_87 = arith.cmpi sgt, %iota3A_4, %gt3A_86 : vector<512x32xi32>
    %and3A_88 = arith.andi %eq3A_84, %gt3A_87 : vector<512x32xi1>
    %or3A = arith.ori %gt3A_82, %and3A_88 : vector<512x32xi1>
    %convert_element_type3A = arith.extui %or3A : vector<512x32xi1> to vector<512x32xi32>
    %add3A_89 = arith.addi %broadcast_in_dim3A_80, %convert_element_type3A : vector<512x32xi32>
    %slice3A_90 = vector.extract_strided_slice %select_n3A_78 {offsets = [0, 1], sizes = [512, 1], strides = [1, 1]} : vector<512x32xf32> to vector<512x1xf32>
    %gt3A_91 = vector.broadcast %slice3A_90 : vector<512x1xf32> to vector<512x32xf32>
    %gt3A_92 = arith.cmpf ogt, %gt3A_91, %select_n3A_78 : vector<512x32xf32>
    %eq3A_93 = vector.broadcast %slice3A_90 : vector<512x1xf32> to vector<512x32xf32>
    %eq3A_94 = arith.cmpf oeq, %eq3A_93, %select_n3A_78 : vector<512x32xf32>
    %gt3A_95 = arith.constant 1 : i32
    %gt3A_96 = vector.broadcast %gt3A_95 : i32 to vector<512x32xi32>
    %gt3A_97 = arith.cmpi sgt, %iota3A_4, %gt3A_96 : vector<512x32xi32>
    %and3A_98 = arith.andi %eq3A_94, %gt3A_97 : vector<512x32xi1>
    %or3A_99 = arith.ori %gt3A_92, %and3A_98 : vector<512x32xi1>
    %convert_element_type3A_100 = arith.extui %or3A_99 : vector<512x32xi1> to vector<512x32xi32>
    %add3A_101 = arith.addi %add3A_89, %convert_element_type3A_100 : vector<512x32xi32>
    %slice3A_102 = vector.extract_strided_slice %select_n3A_78 {offsets = [0, 2], sizes = [512, 1], strides = [1, 1]} : vector<512x32xf32> to vector<512x1xf32>
    %gt3A_103 = vector.broadcast %slice3A_102 : vector<512x1xf32> to vector<512x32xf32>
    %gt3A_104 = arith.cmpf ogt, %gt3A_103, %select_n3A_78 : vector<512x32xf32>
    %eq3A_105 = vector.broadcast %slice3A_102 : vector<512x1xf32> to vector<512x32xf32>
    %eq3A_106 = arith.cmpf oeq, %eq3A_105, %select_n3A_78 : vector<512x32xf32>
    %gt3A_107 = arith.constant 2 : i32
    %gt3A_108 = vector.broadcast %gt3A_107 : i32 to vector<512x32xi32>
    %gt3A_109 = arith.cmpi sgt, %iota3A_4, %gt3A_108 : vector<512x32xi32>
    %and3A_110 = arith.andi %eq3A_106, %gt3A_109 : vector<512x32xi1>
    %or3A_111 = arith.ori %gt3A_104, %and3A_110 : vector<512x32xi1>
    %convert_element_type3A_112 = arith.extui %or3A_111 : vector<512x32xi1> to vector<512x32xi32>
    %add3A_113 = arith.addi %add3A_101, %convert_element_type3A_112 : vector<512x32xi32>
    %slice3A_114 = vector.extract_strided_slice %select_n3A_78 {offsets = [0, 3], sizes = [512, 1], strides = [1, 1]} : vector<512x32xf32> to vector<512x1xf32>
    %gt3A_115 = vector.broadcast %slice3A_114 : vector<512x1xf32> to vector<512x32xf32>
    %gt3A_116 = arith.cmpf ogt, %gt3A_115, %select_n3A_78 : vector<512x32xf32>
    %eq3A_117 = vector.broadcast %slice3A_114 : vector<512x1xf32> to vector<512x32xf32>
    %eq3A_118 = arith.cmpf oeq, %eq3A_117, %select_n3A_78 : vector<512x32xf32>
    %gt3A_119 = arith.constant 3 : i32
    %gt3A_120 = vector.broadcast %gt3A_119 : i32 to vector<512x32xi32>
    %gt3A_121 = arith.cmpi sgt, %iota3A_4, %gt3A_120 : vector<512x32xi32>
    %and3A_122 = arith.andi %eq3A_118, %gt3A_121 : vector<512x32xi1>
    %or3A_123 = arith.ori %gt3A_116, %and3A_122 : vector<512x32xi1>
    %convert_element_type3A_124 = arith.extui %or3A_123 : vector<512x32xi1> to vector<512x32xi32>
    %add3A_125 = arith.addi %add3A_113, %convert_element_type3A_124 : vector<512x32xi32>
    %slice3A_126 = vector.extract_strided_slice %select_n3A_78 {offsets = [0, 4], sizes = [512, 1], strides = [1, 1]} : vector<512x32xf32> to vector<512x1xf32>
    %gt3A_127 = vector.broadcast %slice3A_126 : vector<512x1xf32> to vector<512x32xf32>
    %gt3A_128 = arith.cmpf ogt, %gt3A_127, %select_n3A_78 : vector<512x32xf32>
    %eq3A_129 = vector.broadcast %slice3A_126 : vector<512x1xf32> to vector<512x32xf32>
    %eq3A_130 = arith.cmpf oeq, %eq3A_129, %select_n3A_78 : vector<512x32xf32>
    %gt3A_131 = arith.constant 4 : i32
    %gt3A_132 = vector.broadcast %gt3A_131 : i32 to vector<512x32xi32>
    %gt3A_133 = arith.cmpi sgt, %iota3A_4, %gt3A_132 : vector<512x32xi32>
    %and3A_134 = arith.andi %eq3A_130, %gt3A_133 : vector<512x32xi1>
    %or3A_135 = arith.ori %gt3A_128, %and3A_134 : vector<512x32xi1>
    %convert_element_type3A_136 = arith.extui %or3A_135 : vector<512x32xi1> to vector<512x32xi32>
    %add3A_137 = arith.addi %add3A_125, %convert_element_type3A_136 : vector<512x32xi32>
    %slice3A_138 = vector.extract_strided_slice %select_n3A_78 {offsets = [0, 5], sizes = [512, 1], strides = [1, 1]} : vector<512x32xf32> to vector<512x1xf32>
    %gt3A_139 = vector.broadcast %slice3A_138 : vector<512x1xf32> to vector<512x32xf32>
    %gt3A_140 = arith.cmpf ogt, %gt3A_139, %select_n3A_78 : vector<512x32xf32>
    %eq3A_141 = vector.broadcast %slice3A_138 : vector<512x1xf32> to vector<512x32xf32>
    %eq3A_142 = arith.cmpf oeq, %eq3A_141, %select_n3A_78 : vector<512x32xf32>
    %gt3A_143 = arith.constant 5 : i32
    %gt3A_144 = vector.broadcast %gt3A_143 : i32 to vector<512x32xi32>
    %gt3A_145 = arith.cmpi sgt, %iota3A_4, %gt3A_144 : vector<512x32xi32>
    %and3A_146 = arith.andi %eq3A_142, %gt3A_145 : vector<512x32xi1>
    %or3A_147 = arith.ori %gt3A_140, %and3A_146 : vector<512x32xi1>
    %convert_element_type3A_148 = arith.extui %or3A_147 : vector<512x32xi1> to vector<512x32xi32>
    %add3A_149 = arith.addi %add3A_137, %convert_element_type3A_148 : vector<512x32xi32>
    %slice3A_150 = vector.extract_strided_slice %select_n3A_78 {offsets = [0, 6], sizes = [512, 1], strides = [1, 1]} : vector<512x32xf32> to vector<512x1xf32>
    %gt3A_151 = vector.broadcast %slice3A_150 : vector<512x1xf32> to vector<512x32xf32>
    %gt3A_152 = arith.cmpf ogt, %gt3A_151, %select_n3A_78 : vector<512x32xf32>
    %eq3A_153 = vector.broadcast %slice3A_150 : vector<512x1xf32> to vector<512x32xf32>
    %eq3A_154 = arith.cmpf oeq, %eq3A_153, %select_n3A_78 : vector<512x32xf32>
    %gt3A_155 = arith.constant 6 : i32
    %gt3A_156 = vector.broadcast %gt3A_155 : i32 to vector<512x32xi32>
    %gt3A_157 = arith.cmpi sgt, %iota3A_4, %gt3A_156 : vector<512x32xi32>
    %and3A_158 = arith.andi %eq3A_154, %gt3A_157 : vector<512x32xi1>
    %or3A_159 = arith.ori %gt3A_152, %and3A_158 : vector<512x32xi1>
    %convert_element_type3A_160 = arith.extui %or3A_159 : vector<512x32xi1> to vector<512x32xi32>
    %add3A_161 = arith.addi %add3A_149, %convert_element_type3A_160 : vector<512x32xi32>
    %slice3A_162 = vector.extract_strided_slice %select_n3A_78 {offsets = [0, 7], sizes = [512, 1], strides = [1, 1]} : vector<512x32xf32> to vector<512x1xf32>
    %gt3A_163 = vector.broadcast %slice3A_162 : vector<512x1xf32> to vector<512x32xf32>
    %gt3A_164 = arith.cmpf ogt, %gt3A_163, %select_n3A_78 : vector<512x32xf32>
    %eq3A_165 = vector.broadcast %slice3A_162 : vector<512x1xf32> to vector<512x32xf32>
    %eq3A_166 = arith.cmpf oeq, %eq3A_165, %select_n3A_78 : vector<512x32xf32>
    %gt3A_167 = arith.constant 7 : i32
    %gt3A_168 = vector.broadcast %gt3A_167 : i32 to vector<512x32xi32>
    %gt3A_169 = arith.cmpi sgt, %iota3A_4, %gt3A_168 : vector<512x32xi32>
    %and3A_170 = arith.andi %eq3A_166, %gt3A_169 : vector<512x32xi1>
    %or3A_171 = arith.ori %gt3A_164, %and3A_170 : vector<512x32xi1>
    %convert_element_type3A_172 = arith.extui %or3A_171 : vector<512x32xi1> to vector<512x32xi32>
    %add3A_173 = arith.addi %add3A_161, %convert_element_type3A_172 : vector<512x32xi32>
    %slice3A_174 = vector.extract_strided_slice %select_n3A_78 {offsets = [0, 8], sizes = [512, 1], strides = [1, 1]} : vector<512x32xf32> to vector<512x1xf32>
    %gt3A_175 = vector.broadcast %slice3A_174 : vector<512x1xf32> to vector<512x32xf32>
    %gt3A_176 = arith.cmpf ogt, %gt3A_175, %select_n3A_78 : vector<512x32xf32>
    %eq3A_177 = vector.broadcast %slice3A_174 : vector<512x1xf32> to vector<512x32xf32>
    %eq3A_178 = arith.cmpf oeq, %eq3A_177, %select_n3A_78 : vector<512x32xf32>
    %gt3A_179 = arith.constant 8 : i32
    %gt3A_180 = vector.broadcast %gt3A_179 : i32 to vector<512x32xi32>
    %gt3A_181 = arith.cmpi sgt, %iota3A_4, %gt3A_180 : vector<512x32xi32>
    %and3A_182 = arith.andi %eq3A_178, %gt3A_181 : vector<512x32xi1>
    %or3A_183 = arith.ori %gt3A_176, %and3A_182 : vector<512x32xi1>
    %convert_element_type3A_184 = arith.extui %or3A_183 : vector<512x32xi1> to vector<512x32xi32>
    %add3A_185 = arith.addi %add3A_173, %convert_element_type3A_184 : vector<512x32xi32>
    %slice3A_186 = vector.extract_strided_slice %select_n3A_78 {offsets = [0, 9], sizes = [512, 1], strides = [1, 1]} : vector<512x32xf32> to vector<512x1xf32>
    %gt3A_187 = vector.broadcast %slice3A_186 : vector<512x1xf32> to vector<512x32xf32>
    %gt3A_188 = arith.cmpf ogt, %gt3A_187, %select_n3A_78 : vector<512x32xf32>
    %eq3A_189 = vector.broadcast %slice3A_186 : vector<512x1xf32> to vector<512x32xf32>
    %eq3A_190 = arith.cmpf oeq, %eq3A_189, %select_n3A_78 : vector<512x32xf32>
    %gt3A_191 = arith.constant 9 : i32
    %gt3A_192 = vector.broadcast %gt3A_191 : i32 to vector<512x32xi32>
    %gt3A_193 = arith.cmpi sgt, %iota3A_4, %gt3A_192 : vector<512x32xi32>
    %and3A_194 = arith.andi %eq3A_190, %gt3A_193 : vector<512x32xi1>
    %or3A_195 = arith.ori %gt3A_188, %and3A_194 : vector<512x32xi1>
    %convert_element_type3A_196 = arith.extui %or3A_195 : vector<512x32xi1> to vector<512x32xi32>
    %add3A_197 = arith.addi %add3A_185, %convert_element_type3A_196 : vector<512x32xi32>
    %slice3A_198 = vector.extract_strided_slice %select_n3A_78 {offsets = [0, 10], sizes = [512, 1], strides = [1, 1]} : vector<512x32xf32> to vector<512x1xf32>
    %gt3A_199 = vector.broadcast %slice3A_198 : vector<512x1xf32> to vector<512x32xf32>
    %gt3A_200 = arith.cmpf ogt, %gt3A_199, %select_n3A_78 : vector<512x32xf32>
    %eq3A_201 = vector.broadcast %slice3A_198 : vector<512x1xf32> to vector<512x32xf32>
    %eq3A_202 = arith.cmpf oeq, %eq3A_201, %select_n3A_78 : vector<512x32xf32>
    %gt3A_203 = arith.constant 10 : i32
    %gt3A_204 = vector.broadcast %gt3A_203 : i32 to vector<512x32xi32>
    %gt3A_205 = arith.cmpi sgt, %iota3A_4, %gt3A_204 : vector<512x32xi32>
    %and3A_206 = arith.andi %eq3A_202, %gt3A_205 : vector<512x32xi1>
    %or3A_207 = arith.ori %gt3A_200, %and3A_206 : vector<512x32xi1>
    %convert_element_type3A_208 = arith.extui %or3A_207 : vector<512x32xi1> to vector<512x32xi32>
    %add3A_209 = arith.addi %add3A_197, %convert_element_type3A_208 : vector<512x32xi32>
    %slice3A_210 = vector.extract_strided_slice %select_n3A_78 {offsets = [0, 11], sizes = [512, 1], strides = [1, 1]} : vector<512x32xf32> to vector<512x1xf32>
    %gt3A_211 = vector.broadcast %slice3A_210 : vector<512x1xf32> to vector<512x32xf32>
    %gt3A_212 = arith.cmpf ogt, %gt3A_211, %select_n3A_78 : vector<512x32xf32>
    %eq3A_213 = vector.broadcast %slice3A_210 : vector<512x1xf32> to vector<512x32xf32>
    %eq3A_214 = arith.cmpf oeq, %eq3A_213, %select_n3A_78 : vector<512x32xf32>
    %gt3A_215 = arith.constant 11 : i32
    %gt3A_216 = vector.broadcast %gt3A_215 : i32 to vector<512x32xi32>
    %gt3A_217 = arith.cmpi sgt, %iota3A_4, %gt3A_216 : vector<512x32xi32>
    %and3A_218 = arith.andi %eq3A_214, %gt3A_217 : vector<512x32xi1>
    %or3A_219 = arith.ori %gt3A_212, %and3A_218 : vector<512x32xi1>
    %convert_element_type3A_220 = arith.extui %or3A_219 : vector<512x32xi1> to vector<512x32xi32>
    %add3A_221 = arith.addi %add3A_209, %convert_element_type3A_220 : vector<512x32xi32>
    %slice3A_222 = vector.extract_strided_slice %select_n3A_78 {offsets = [0, 12], sizes = [512, 1], strides = [1, 1]} : vector<512x32xf32> to vector<512x1xf32>
    %gt3A_223 = vector.broadcast %slice3A_222 : vector<512x1xf32> to vector<512x32xf32>
    %gt3A_224 = arith.cmpf ogt, %gt3A_223, %select_n3A_78 : vector<512x32xf32>
    %eq3A_225 = vector.broadcast %slice3A_222 : vector<512x1xf32> to vector<512x32xf32>
    %eq3A_226 = arith.cmpf oeq, %eq3A_225, %select_n3A_78 : vector<512x32xf32>
    %gt3A_227 = arith.constant 12 : i32
    %gt3A_228 = vector.broadcast %gt3A_227 : i32 to vector<512x32xi32>
    %gt3A_229 = arith.cmpi sgt, %iota3A_4, %gt3A_228 : vector<512x32xi32>
    %and3A_230 = arith.andi %eq3A_226, %gt3A_229 : vector<512x32xi1>
    %or3A_231 = arith.ori %gt3A_224, %and3A_230 : vector<512x32xi1>
    %convert_element_type3A_232 = arith.extui %or3A_231 : vector<512x32xi1> to vector<512x32xi32>
    %add3A_233 = arith.addi %add3A_221, %convert_element_type3A_232 : vector<512x32xi32>
    %slice3A_234 = vector.extract_strided_slice %select_n3A_78 {offsets = [0, 13], sizes = [512, 1], strides = [1, 1]} : vector<512x32xf32> to vector<512x1xf32>
    %gt3A_235 = vector.broadcast %slice3A_234 : vector<512x1xf32> to vector<512x32xf32>
    %gt3A_236 = arith.cmpf ogt, %gt3A_235, %select_n3A_78 : vector<512x32xf32>
    %eq3A_237 = vector.broadcast %slice3A_234 : vector<512x1xf32> to vector<512x32xf32>
    %eq3A_238 = arith.cmpf oeq, %eq3A_237, %select_n3A_78 : vector<512x32xf32>
    %gt3A_239 = arith.constant 13 : i32
    %gt3A_240 = vector.broadcast %gt3A_239 : i32 to vector<512x32xi32>
    %gt3A_241 = arith.cmpi sgt, %iota3A_4, %gt3A_240 : vector<512x32xi32>
    %and3A_242 = arith.andi %eq3A_238, %gt3A_241 : vector<512x32xi1>
    %or3A_243 = arith.ori %gt3A_236, %and3A_242 : vector<512x32xi1>
    %convert_element_type3A_244 = arith.extui %or3A_243 : vector<512x32xi1> to vector<512x32xi32>
    %add3A_245 = arith.addi %add3A_233, %convert_element_type3A_244 : vector<512x32xi32>
    %slice3A_246 = vector.extract_strided_slice %select_n3A_78 {offsets = [0, 14], sizes = [512, 1], strides = [1, 1]} : vector<512x32xf32> to vector<512x1xf32>
    %gt3A_247 = vector.broadcast %slice3A_246 : vector<512x1xf32> to vector<512x32xf32>
    %gt3A_248 = arith.cmpf ogt, %gt3A_247, %select_n3A_78 : vector<512x32xf32>
    %eq3A_249 = vector.broadcast %slice3A_246 : vector<512x1xf32> to vector<512x32xf32>
    %eq3A_250 = arith.cmpf oeq, %eq3A_249, %select_n3A_78 : vector<512x32xf32>
    %gt3A_251 = arith.constant 14 : i32
    %gt3A_252 = vector.broadcast %gt3A_251 : i32 to vector<512x32xi32>
    %gt3A_253 = arith.cmpi sgt, %iota3A_4, %gt3A_252 : vector<512x32xi32>
    %and3A_254 = arith.andi %eq3A_250, %gt3A_253 : vector<512x32xi1>
    %or3A_255 = arith.ori %gt3A_248, %and3A_254 : vector<512x32xi1>
    %convert_element_type3A_256 = arith.extui %or3A_255 : vector<512x32xi1> to vector<512x32xi32>
    %add3A_257 = arith.addi %add3A_245, %convert_element_type3A_256 : vector<512x32xi32>
    %slice3A_258 = vector.extract_strided_slice %select_n3A_78 {offsets = [0, 15], sizes = [512, 1], strides = [1, 1]} : vector<512x32xf32> to vector<512x1xf32>
    %gt3A_259 = vector.broadcast %slice3A_258 : vector<512x1xf32> to vector<512x32xf32>
    %gt3A_260 = arith.cmpf ogt, %gt3A_259, %select_n3A_78 : vector<512x32xf32>
    %eq3A_261 = vector.broadcast %slice3A_258 : vector<512x1xf32> to vector<512x32xf32>
    %eq3A_262 = arith.cmpf oeq, %eq3A_261, %select_n3A_78 : vector<512x32xf32>
    %gt3A_263 = arith.constant 15 : i32
    %gt3A_264 = vector.broadcast %gt3A_263 : i32 to vector<512x32xi32>
    %gt3A_265 = arith.cmpi sgt, %iota3A_4, %gt3A_264 : vector<512x32xi32>
    %and3A_266 = arith.andi %eq3A_262, %gt3A_265 : vector<512x32xi1>
    %or3A_267 = arith.ori %gt3A_260, %and3A_266 : vector<512x32xi1>
    %convert_element_type3A_268 = arith.extui %or3A_267 : vector<512x32xi1> to vector<512x32xi32>
    %add3A_269 = arith.addi %add3A_257, %convert_element_type3A_268 : vector<512x32xi32>
    %slice3A_270 = vector.extract_strided_slice %select_n3A_78 {offsets = [0, 16], sizes = [512, 1], strides = [1, 1]} : vector<512x32xf32> to vector<512x1xf32>
    %gt3A_271 = vector.broadcast %slice3A_270 : vector<512x1xf32> to vector<512x32xf32>
    %gt3A_272 = arith.cmpf ogt, %gt3A_271, %select_n3A_78 : vector<512x32xf32>
    %eq3A_273 = vector.broadcast %slice3A_270 : vector<512x1xf32> to vector<512x32xf32>
    %eq3A_274 = arith.cmpf oeq, %eq3A_273, %select_n3A_78 : vector<512x32xf32>
    %gt3A_275 = arith.constant 16 : i32
    %gt3A_276 = vector.broadcast %gt3A_275 : i32 to vector<512x32xi32>
    %gt3A_277 = arith.cmpi sgt, %iota3A_4, %gt3A_276 : vector<512x32xi32>
    %and3A_278 = arith.andi %eq3A_274, %gt3A_277 : vector<512x32xi1>
    %or3A_279 = arith.ori %gt3A_272, %and3A_278 : vector<512x32xi1>
    %convert_element_type3A_280 = arith.extui %or3A_279 : vector<512x32xi1> to vector<512x32xi32>
    %add3A_281 = arith.addi %add3A_269, %convert_element_type3A_280 : vector<512x32xi32>
    %slice3A_282 = vector.extract_strided_slice %select_n3A_78 {offsets = [0, 17], sizes = [512, 1], strides = [1, 1]} : vector<512x32xf32> to vector<512x1xf32>
    %gt3A_283 = vector.broadcast %slice3A_282 : vector<512x1xf32> to vector<512x32xf32>
    %gt3A_284 = arith.cmpf ogt, %gt3A_283, %select_n3A_78 : vector<512x32xf32>
    %eq3A_285 = vector.broadcast %slice3A_282 : vector<512x1xf32> to vector<512x32xf32>
    %eq3A_286 = arith.cmpf oeq, %eq3A_285, %select_n3A_78 : vector<512x32xf32>
    %gt3A_287 = arith.constant 17 : i32
    %gt3A_288 = vector.broadcast %gt3A_287 : i32 to vector<512x32xi32>
    %gt3A_289 = arith.cmpi sgt, %iota3A_4, %gt3A_288 : vector<512x32xi32>
    %and3A_290 = arith.andi %eq3A_286, %gt3A_289 : vector<512x32xi1>
    %or3A_291 = arith.ori %gt3A_284, %and3A_290 : vector<512x32xi1>
    %convert_element_type3A_292 = arith.extui %or3A_291 : vector<512x32xi1> to vector<512x32xi32>
    %add3A_293 = arith.addi %add3A_281, %convert_element_type3A_292 : vector<512x32xi32>
    %slice3A_294 = vector.extract_strided_slice %select_n3A_78 {offsets = [0, 18], sizes = [512, 1], strides = [1, 1]} : vector<512x32xf32> to vector<512x1xf32>
    %gt3A_295 = vector.broadcast %slice3A_294 : vector<512x1xf32> to vector<512x32xf32>
    %gt3A_296 = arith.cmpf ogt, %gt3A_295, %select_n3A_78 : vector<512x32xf32>
    %eq3A_297 = vector.broadcast %slice3A_294 : vector<512x1xf32> to vector<512x32xf32>
    %eq3A_298 = arith.cmpf oeq, %eq3A_297, %select_n3A_78 : vector<512x32xf32>
    %gt3A_299 = arith.constant 18 : i32
    %gt3A_300 = vector.broadcast %gt3A_299 : i32 to vector<512x32xi32>
    %gt3A_301 = arith.cmpi sgt, %iota3A_4, %gt3A_300 : vector<512x32xi32>
    %and3A_302 = arith.andi %eq3A_298, %gt3A_301 : vector<512x32xi1>
    %or3A_303 = arith.ori %gt3A_296, %and3A_302 : vector<512x32xi1>
    %convert_element_type3A_304 = arith.extui %or3A_303 : vector<512x32xi1> to vector<512x32xi32>
    %add3A_305 = arith.addi %add3A_293, %convert_element_type3A_304 : vector<512x32xi32>
    %slice3A_306 = vector.extract_strided_slice %select_n3A_78 {offsets = [0, 19], sizes = [512, 1], strides = [1, 1]} : vector<512x32xf32> to vector<512x1xf32>
    %gt3A_307 = vector.broadcast %slice3A_306 : vector<512x1xf32> to vector<512x32xf32>
    %gt3A_308 = arith.cmpf ogt, %gt3A_307, %select_n3A_78 : vector<512x32xf32>
    %eq3A_309 = vector.broadcast %slice3A_306 : vector<512x1xf32> to vector<512x32xf32>
    %eq3A_310 = arith.cmpf oeq, %eq3A_309, %select_n3A_78 : vector<512x32xf32>
    %gt3A_311 = arith.constant 19 : i32
    %gt3A_312 = vector.broadcast %gt3A_311 : i32 to vector<512x32xi32>
    %gt3A_313 = arith.cmpi sgt, %iota3A_4, %gt3A_312 : vector<512x32xi32>
    %and3A_314 = arith.andi %eq3A_310, %gt3A_313 : vector<512x32xi1>
    %or3A_315 = arith.ori %gt3A_308, %and3A_314 : vector<512x32xi1>
    %convert_element_type3A_316 = arith.extui %or3A_315 : vector<512x32xi1> to vector<512x32xi32>
    %add3A_317 = arith.addi %add3A_305, %convert_element_type3A_316 : vector<512x32xi32>
    %slice3A_318 = vector.extract_strided_slice %select_n3A_78 {offsets = [0, 20], sizes = [512, 1], strides = [1, 1]} : vector<512x32xf32> to vector<512x1xf32>
    %gt3A_319 = vector.broadcast %slice3A_318 : vector<512x1xf32> to vector<512x32xf32>
    %gt3A_320 = arith.cmpf ogt, %gt3A_319, %select_n3A_78 : vector<512x32xf32>
    %eq3A_321 = vector.broadcast %slice3A_318 : vector<512x1xf32> to vector<512x32xf32>
    %eq3A_322 = arith.cmpf oeq, %eq3A_321, %select_n3A_78 : vector<512x32xf32>
    %gt3A_323 = arith.constant 20 : i32
    %gt3A_324 = vector.broadcast %gt3A_323 : i32 to vector<512x32xi32>
    %gt3A_325 = arith.cmpi sgt, %iota3A_4, %gt3A_324 : vector<512x32xi32>
    %and3A_326 = arith.andi %eq3A_322, %gt3A_325 : vector<512x32xi1>
    %or3A_327 = arith.ori %gt3A_320, %and3A_326 : vector<512x32xi1>
    %convert_element_type3A_328 = arith.extui %or3A_327 : vector<512x32xi1> to vector<512x32xi32>
    %add3A_329 = arith.addi %add3A_317, %convert_element_type3A_328 : vector<512x32xi32>
    %slice3A_330 = vector.extract_strided_slice %select_n3A_78 {offsets = [0, 21], sizes = [512, 1], strides = [1, 1]} : vector<512x32xf32> to vector<512x1xf32>
    %gt3A_331 = vector.broadcast %slice3A_330 : vector<512x1xf32> to vector<512x32xf32>
    %gt3A_332 = arith.cmpf ogt, %gt3A_331, %select_n3A_78 : vector<512x32xf32>
    %eq3A_333 = vector.broadcast %slice3A_330 : vector<512x1xf32> to vector<512x32xf32>
    %eq3A_334 = arith.cmpf oeq, %eq3A_333, %select_n3A_78 : vector<512x32xf32>
    %gt3A_335 = arith.constant 21 : i32
    %gt3A_336 = vector.broadcast %gt3A_335 : i32 to vector<512x32xi32>
    %gt3A_337 = arith.cmpi sgt, %iota3A_4, %gt3A_336 : vector<512x32xi32>
    %and3A_338 = arith.andi %eq3A_334, %gt3A_337 : vector<512x32xi1>
    %or3A_339 = arith.ori %gt3A_332, %and3A_338 : vector<512x32xi1>
    %convert_element_type3A_340 = arith.extui %or3A_339 : vector<512x32xi1> to vector<512x32xi32>
    %add3A_341 = arith.addi %add3A_329, %convert_element_type3A_340 : vector<512x32xi32>
    %slice3A_342 = vector.extract_strided_slice %select_n3A_78 {offsets = [0, 22], sizes = [512, 1], strides = [1, 1]} : vector<512x32xf32> to vector<512x1xf32>
    %gt3A_343 = vector.broadcast %slice3A_342 : vector<512x1xf32> to vector<512x32xf32>
    %gt3A_344 = arith.cmpf ogt, %gt3A_343, %select_n3A_78 : vector<512x32xf32>
    %eq3A_345 = vector.broadcast %slice3A_342 : vector<512x1xf32> to vector<512x32xf32>
    %eq3A_346 = arith.cmpf oeq, %eq3A_345, %select_n3A_78 : vector<512x32xf32>
    %gt3A_347 = arith.constant 22 : i32
    %gt3A_348 = vector.broadcast %gt3A_347 : i32 to vector<512x32xi32>
    %gt3A_349 = arith.cmpi sgt, %iota3A_4, %gt3A_348 : vector<512x32xi32>
    %and3A_350 = arith.andi %eq3A_346, %gt3A_349 : vector<512x32xi1>
    %or3A_351 = arith.ori %gt3A_344, %and3A_350 : vector<512x32xi1>
    %convert_element_type3A_352 = arith.extui %or3A_351 : vector<512x32xi1> to vector<512x32xi32>
    %add3A_353 = arith.addi %add3A_341, %convert_element_type3A_352 : vector<512x32xi32>
    %slice3A_354 = vector.extract_strided_slice %select_n3A_78 {offsets = [0, 23], sizes = [512, 1], strides = [1, 1]} : vector<512x32xf32> to vector<512x1xf32>
    %gt3A_355 = vector.broadcast %slice3A_354 : vector<512x1xf32> to vector<512x32xf32>
    %gt3A_356 = arith.cmpf ogt, %gt3A_355, %select_n3A_78 : vector<512x32xf32>
    %eq3A_357 = vector.broadcast %slice3A_354 : vector<512x1xf32> to vector<512x32xf32>
    %eq3A_358 = arith.cmpf oeq, %eq3A_357, %select_n3A_78 : vector<512x32xf32>
    %gt3A_359 = arith.constant 23 : i32
    %gt3A_360 = vector.broadcast %gt3A_359 : i32 to vector<512x32xi32>
    %gt3A_361 = arith.cmpi sgt, %iota3A_4, %gt3A_360 : vector<512x32xi32>
    %and3A_362 = arith.andi %eq3A_358, %gt3A_361 : vector<512x32xi1>
    %or3A_363 = arith.ori %gt3A_356, %and3A_362 : vector<512x32xi1>
    %convert_element_type3A_364 = arith.extui %or3A_363 : vector<512x32xi1> to vector<512x32xi32>
    %add3A_365 = arith.addi %add3A_353, %convert_element_type3A_364 : vector<512x32xi32>
    %slice3A_366 = vector.extract_strided_slice %select_n3A_78 {offsets = [0, 24], sizes = [512, 1], strides = [1, 1]} : vector<512x32xf32> to vector<512x1xf32>
    %gt3A_367 = vector.broadcast %slice3A_366 : vector<512x1xf32> to vector<512x32xf32>
    %gt3A_368 = arith.cmpf ogt, %gt3A_367, %select_n3A_78 : vector<512x32xf32>
    %eq3A_369 = vector.broadcast %slice3A_366 : vector<512x1xf32> to vector<512x32xf32>
    %eq3A_370 = arith.cmpf oeq, %eq3A_369, %select_n3A_78 : vector<512x32xf32>
    %gt3A_371 = arith.constant 24 : i32
    %gt3A_372 = vector.broadcast %gt3A_371 : i32 to vector<512x32xi32>
    %gt3A_373 = arith.cmpi sgt, %iota3A_4, %gt3A_372 : vector<512x32xi32>
    %and3A_374 = arith.andi %eq3A_370, %gt3A_373 : vector<512x32xi1>
    %or3A_375 = arith.ori %gt3A_368, %and3A_374 : vector<512x32xi1>
    %convert_element_type3A_376 = arith.extui %or3A_375 : vector<512x32xi1> to vector<512x32xi32>
    %add3A_377 = arith.addi %add3A_365, %convert_element_type3A_376 : vector<512x32xi32>
    %slice3A_378 = vector.extract_strided_slice %select_n3A_78 {offsets = [0, 25], sizes = [512, 1], strides = [1, 1]} : vector<512x32xf32> to vector<512x1xf32>
    %gt3A_379 = vector.broadcast %slice3A_378 : vector<512x1xf32> to vector<512x32xf32>
    %gt3A_380 = arith.cmpf ogt, %gt3A_379, %select_n3A_78 : vector<512x32xf32>
    %eq3A_381 = vector.broadcast %slice3A_378 : vector<512x1xf32> to vector<512x32xf32>
    %eq3A_382 = arith.cmpf oeq, %eq3A_381, %select_n3A_78 : vector<512x32xf32>
    %gt3A_383 = arith.constant 25 : i32
    %gt3A_384 = vector.broadcast %gt3A_383 : i32 to vector<512x32xi32>
    %gt3A_385 = arith.cmpi sgt, %iota3A_4, %gt3A_384 : vector<512x32xi32>
    %and3A_386 = arith.andi %eq3A_382, %gt3A_385 : vector<512x32xi1>
    %or3A_387 = arith.ori %gt3A_380, %and3A_386 : vector<512x32xi1>
    %convert_element_type3A_388 = arith.extui %or3A_387 : vector<512x32xi1> to vector<512x32xi32>
    %add3A_389 = arith.addi %add3A_377, %convert_element_type3A_388 : vector<512x32xi32>
    %slice3A_390 = vector.extract_strided_slice %select_n3A_78 {offsets = [0, 26], sizes = [512, 1], strides = [1, 1]} : vector<512x32xf32> to vector<512x1xf32>
    %gt3A_391 = vector.broadcast %slice3A_390 : vector<512x1xf32> to vector<512x32xf32>
    %gt3A_392 = arith.cmpf ogt, %gt3A_391, %select_n3A_78 : vector<512x32xf32>
    %eq3A_393 = vector.broadcast %slice3A_390 : vector<512x1xf32> to vector<512x32xf32>
    %eq3A_394 = arith.cmpf oeq, %eq3A_393, %select_n3A_78 : vector<512x32xf32>
    %gt3A_395 = arith.constant 26 : i32
    %gt3A_396 = vector.broadcast %gt3A_395 : i32 to vector<512x32xi32>
    %gt3A_397 = arith.cmpi sgt, %iota3A_4, %gt3A_396 : vector<512x32xi32>
    %and3A_398 = arith.andi %eq3A_394, %gt3A_397 : vector<512x32xi1>
    %or3A_399 = arith.ori %gt3A_392, %and3A_398 : vector<512x32xi1>
    %convert_element_type3A_400 = arith.extui %or3A_399 : vector<512x32xi1> to vector<512x32xi32>
    %add3A_401 = arith.addi %add3A_389, %convert_element_type3A_400 : vector<512x32xi32>
    %slice3A_402 = vector.extract_strided_slice %select_n3A_78 {offsets = [0, 27], sizes = [512, 1], strides = [1, 1]} : vector<512x32xf32> to vector<512x1xf32>
    %gt3A_403 = vector.broadcast %slice3A_402 : vector<512x1xf32> to vector<512x32xf32>
    %gt3A_404 = arith.cmpf ogt, %gt3A_403, %select_n3A_78 : vector<512x32xf32>
    %eq3A_405 = vector.broadcast %slice3A_402 : vector<512x1xf32> to vector<512x32xf32>
    %eq3A_406 = arith.cmpf oeq, %eq3A_405, %select_n3A_78 : vector<512x32xf32>
    %gt3A_407 = arith.constant 27 : i32
    %gt3A_408 = vector.broadcast %gt3A_407 : i32 to vector<512x32xi32>
    %gt3A_409 = arith.cmpi sgt, %iota3A_4, %gt3A_408 : vector<512x32xi32>
    %and3A_410 = arith.andi %eq3A_406, %gt3A_409 : vector<512x32xi1>
    %or3A_411 = arith.ori %gt3A_404, %and3A_410 : vector<512x32xi1>
    %convert_element_type3A_412 = arith.extui %or3A_411 : vector<512x32xi1> to vector<512x32xi32>
    %add3A_413 = arith.addi %add3A_401, %convert_element_type3A_412 : vector<512x32xi32>
    %slice3A_414 = vector.extract_strided_slice %select_n3A_78 {offsets = [0, 28], sizes = [512, 1], strides = [1, 1]} : vector<512x32xf32> to vector<512x1xf32>
    %gt3A_415 = vector.broadcast %slice3A_414 : vector<512x1xf32> to vector<512x32xf32>
    %gt3A_416 = arith.cmpf ogt, %gt3A_415, %select_n3A_78 : vector<512x32xf32>
    %eq3A_417 = vector.broadcast %slice3A_414 : vector<512x1xf32> to vector<512x32xf32>
    %eq3A_418 = arith.cmpf oeq, %eq3A_417, %select_n3A_78 : vector<512x32xf32>
    %gt3A_419 = arith.constant 28 : i32
    %gt3A_420 = vector.broadcast %gt3A_419 : i32 to vector<512x32xi32>
    %gt3A_421 = arith.cmpi sgt, %iota3A_4, %gt3A_420 : vector<512x32xi32>
    %and3A_422 = arith.andi %eq3A_418, %gt3A_421 : vector<512x32xi1>
    %or3A_423 = arith.ori %gt3A_416, %and3A_422 : vector<512x32xi1>
    %convert_element_type3A_424 = arith.extui %or3A_423 : vector<512x32xi1> to vector<512x32xi32>
    %add3A_425 = arith.addi %add3A_413, %convert_element_type3A_424 : vector<512x32xi32>
    %slice3A_426 = vector.extract_strided_slice %select_n3A_78 {offsets = [0, 29], sizes = [512, 1], strides = [1, 1]} : vector<512x32xf32> to vector<512x1xf32>
    %gt3A_427 = vector.broadcast %slice3A_426 : vector<512x1xf32> to vector<512x32xf32>
    %gt3A_428 = arith.cmpf ogt, %gt3A_427, %select_n3A_78 : vector<512x32xf32>
    %eq3A_429 = vector.broadcast %slice3A_426 : vector<512x1xf32> to vector<512x32xf32>
    %eq3A_430 = arith.cmpf oeq, %eq3A_429, %select_n3A_78 : vector<512x32xf32>
    %gt3A_431 = arith.constant 29 : i32
    %gt3A_432 = vector.broadcast %gt3A_431 : i32 to vector<512x32xi32>
    %gt3A_433 = arith.cmpi sgt, %iota3A_4, %gt3A_432 : vector<512x32xi32>
    %and3A_434 = arith.andi %eq3A_430, %gt3A_433 : vector<512x32xi1>
    %or3A_435 = arith.ori %gt3A_428, %and3A_434 : vector<512x32xi1>
    %convert_element_type3A_436 = arith.extui %or3A_435 : vector<512x32xi1> to vector<512x32xi32>
    %add3A_437 = arith.addi %add3A_425, %convert_element_type3A_436 : vector<512x32xi32>
    %slice3A_438 = vector.extract_strided_slice %select_n3A_78 {offsets = [0, 30], sizes = [512, 1], strides = [1, 1]} : vector<512x32xf32> to vector<512x1xf32>
    %gt3A_439 = vector.broadcast %slice3A_438 : vector<512x1xf32> to vector<512x32xf32>
    %gt3A_440 = arith.cmpf ogt, %gt3A_439, %select_n3A_78 : vector<512x32xf32>
    %eq3A_441 = vector.broadcast %slice3A_438 : vector<512x1xf32> to vector<512x32xf32>
    %eq3A_442 = arith.cmpf oeq, %eq3A_441, %select_n3A_78 : vector<512x32xf32>
    %gt3A_443 = arith.constant 30 : i32
    %gt3A_444 = vector.broadcast %gt3A_443 : i32 to vector<512x32xi32>
    %gt3A_445 = arith.cmpi sgt, %iota3A_4, %gt3A_444 : vector<512x32xi32>
    %and3A_446 = arith.andi %eq3A_442, %gt3A_445 : vector<512x32xi1>
    %or3A_447 = arith.ori %gt3A_440, %and3A_446 : vector<512x32xi1>
    %convert_element_type3A_448 = arith.extui %or3A_447 : vector<512x32xi1> to vector<512x32xi32>
    %add3A_449 = arith.addi %add3A_437, %convert_element_type3A_448 : vector<512x32xi32>
    %slice3A_450 = vector.extract_strided_slice %select_n3A_78 {offsets = [0, 31], sizes = [512, 1], strides = [1, 1]} : vector<512x32xf32> to vector<512x1xf32>
    %gt3A_451 = vector.broadcast %slice3A_450 : vector<512x1xf32> to vector<512x32xf32>
    %gt3A_452 = arith.cmpf ogt, %gt3A_451, %select_n3A_78 : vector<512x32xf32>
    %eq3A_453 = vector.broadcast %slice3A_450 : vector<512x1xf32> to vector<512x32xf32>
    %eq3A_454 = arith.cmpf oeq, %eq3A_453, %select_n3A_78 : vector<512x32xf32>
    %gt3A_455 = arith.constant 31 : i32
    %gt3A_456 = vector.broadcast %gt3A_455 : i32 to vector<512x32xi32>
    %gt3A_457 = arith.cmpi sgt, %iota3A_4, %gt3A_456 : vector<512x32xi32>
    %and3A_458 = arith.andi %eq3A_454, %gt3A_457 : vector<512x32xi1>
    %or3A_459 = arith.ori %gt3A_452, %and3A_458 : vector<512x32xi1>
    %convert_element_type3A_460 = arith.extui %or3A_459 : vector<512x32xi1> to vector<512x32xi32>
    %add3A_461 = arith.addi %add3A_449, %convert_element_type3A_460 : vector<512x32xi32>
    %lt3A = vector.broadcast %get3A_1 : i32 to vector<512x32xi32>
    %lt3A_462 = arith.cmpi slt, %add3A_461, %lt3A : vector<512x32xi32>
    %gt3A_463 = arith.constant -1.000000e+08 : f32
    %gt3A_464 = vector.broadcast %gt3A_463 : f32 to vector<512x32xf32>
    %gt3A_465 = arith.cmpf ogt, %select_n3A_78, %gt3A_464 : vector<512x32xf32>
    %and3A_466 = arith.andi %lt3A_462, %gt3A_465 : vector<512x32xi1>
    %convert_element_type3A_467 = arith.extui %and3A_466 : vector<512x32xi1> to vector<512x32xi32>
    %convert_element_type3A_468 = arith.sitofp %convert_element_type3A_467 : vector<512x32xi32> to vector<512x32xf32>
    %convert_element_type3A_469 = arith.truncf %convert_element_type3A_468 : vector<512x32xf32> to vector<512x32xbf16>
    %get3A_470 = arith.constant 0 : index
    %get3A_471 = arith.constant 64 : index
    %get3A_472 = vector.load %arg7[%get3A_470, %get3A_471] : memref<32x128xf32, #tpu.memory_space<vmem>>, vector<32x64xf32>
    %get3A_473 = arith.constant 0 : index
    %get3A_474 = arith.constant 64 : index
    %get3A_475 = vector.load %arg6[%get3A_473, %get3A_474] : memref<512x128xf32, #tpu.memory_space<vmem>>, vector<512x64xf32>
    %dot_general3A_476 = arith.constant dense<0.000000e+00> : vector<512x32xf32>
    %dot_general3A_477 = tpu.matmul %get3A_475, %get3A_472, %dot_general3A_476 {dimension_numbers = #tpu.dot_dimension_numbers<[1], [1], [0], [0], [0, 0, 1, 0], [], []>, transpose_lhs_hint = false} : vector<512x64xf32>, vector<32x64xf32>, vector<512x32xf32> -> vector<512x32xf32>
    %gt3A_478 = arith.cmpi sgt, %iota3A_4, %select_n3A : vector<512x32xi32>
    %jit3A_479 = arith.constant -1.000000e+09 : f32
    %broadcast_in_dim3A_480 = vector.broadcast %jit3A_479 : f32 to vector<512x32xf32>
    %select_n3A_481 = arith.select %gt3A_478, %broadcast_in_dim3A_480, %dot_general3A_477 : vector<512x32xi1>, vector<512x32xf32>
    %eq3A_482 = arith.cmpi eq, %iota3A_4, %select_n3A : vector<512x32xi32>
    %jit3A_483 = arith.constant 1.000000e+09 : f32
    %broadcast_in_dim3A_484 = vector.broadcast %jit3A_483 : f32 to vector<512x32xf32>
    %select_n3A_485 = arith.select %eq3A_482, %broadcast_in_dim3A_484, %select_n3A_481 : vector<512x32xi1>, vector<512x32xf32>
    %broadcast_in_dim3A_486 = arith.constant 0 : i32
    %broadcast_in_dim3A_487 = vector.broadcast %broadcast_in_dim3A_486 : i32 to vector<512x32xi32>
    %slice3A_488 = vector.extract_strided_slice %select_n3A_485 {offsets = [0, 0], sizes = [512, 1], strides = [1, 1]} : vector<512x32xf32> to vector<512x1xf32>
    %gt3A_489 = vector.broadcast %slice3A_488 : vector<512x1xf32> to vector<512x32xf32>
    %gt3A_490 = arith.cmpf ogt, %gt3A_489, %select_n3A_485 : vector<512x32xf32>
    %eq3A_491 = vector.broadcast %slice3A_488 : vector<512x1xf32> to vector<512x32xf32>
    %eq3A_492 = arith.cmpf oeq, %eq3A_491, %select_n3A_485 : vector<512x32xf32>
    %gt3A_493 = arith.constant 0 : i32
    %gt3A_494 = vector.broadcast %gt3A_493 : i32 to vector<512x32xi32>
    %gt3A_495 = arith.cmpi sgt, %iota3A_4, %gt3A_494 : vector<512x32xi32>
    %and3A_496 = arith.andi %eq3A_492, %gt3A_495 : vector<512x32xi1>
    %or3A_497 = arith.ori %gt3A_490, %and3A_496 : vector<512x32xi1>
    %convert_element_type3A_498 = arith.extui %or3A_497 : vector<512x32xi1> to vector<512x32xi32>
    %add3A_499 = arith.addi %broadcast_in_dim3A_487, %convert_element_type3A_498 : vector<512x32xi32>
    %slice3A_500 = vector.extract_strided_slice %select_n3A_485 {offsets = [0, 1], sizes = [512, 1], strides = [1, 1]} : vector<512x32xf32> to vector<512x1xf32>
    %gt3A_501 = vector.broadcast %slice3A_500 : vector<512x1xf32> to vector<512x32xf32>
    %gt3A_502 = arith.cmpf ogt, %gt3A_501, %select_n3A_485 : vector<512x32xf32>
    %eq3A_503 = vector.broadcast %slice3A_500 : vector<512x1xf32> to vector<512x32xf32>
    %eq3A_504 = arith.cmpf oeq, %eq3A_503, %select_n3A_485 : vector<512x32xf32>
    %gt3A_505 = arith.constant 1 : i32
    %gt3A_506 = vector.broadcast %gt3A_505 : i32 to vector<512x32xi32>
    %gt3A_507 = arith.cmpi sgt, %iota3A_4, %gt3A_506 : vector<512x32xi32>
    %and3A_508 = arith.andi %eq3A_504, %gt3A_507 : vector<512x32xi1>
    %or3A_509 = arith.ori %gt3A_502, %and3A_508 : vector<512x32xi1>
    %convert_element_type3A_510 = arith.extui %or3A_509 : vector<512x32xi1> to vector<512x32xi32>
    %add3A_511 = arith.addi %add3A_499, %convert_element_type3A_510 : vector<512x32xi32>
    %slice3A_512 = vector.extract_strided_slice %select_n3A_485 {offsets = [0, 2], sizes = [512, 1], strides = [1, 1]} : vector<512x32xf32> to vector<512x1xf32>
    %gt3A_513 = vector.broadcast %slice3A_512 : vector<512x1xf32> to vector<512x32xf32>
    %gt3A_514 = arith.cmpf ogt, %gt3A_513, %select_n3A_485 : vector<512x32xf32>
    %eq3A_515 = vector.broadcast %slice3A_512 : vector<512x1xf32> to vector<512x32xf32>
    %eq3A_516 = arith.cmpf oeq, %eq3A_515, %select_n3A_485 : vector<512x32xf32>
    %gt3A_517 = arith.constant 2 : i32
    %gt3A_518 = vector.broadcast %gt3A_517 : i32 to vector<512x32xi32>
    %gt3A_519 = arith.cmpi sgt, %iota3A_4, %gt3A_518 : vector<512x32xi32>
    %and3A_520 = arith.andi %eq3A_516, %gt3A_519 : vector<512x32xi1>
    %or3A_521 = arith.ori %gt3A_514, %and3A_520 : vector<512x32xi1>
    %convert_element_type3A_522 = arith.extui %or3A_521 : vector<512x32xi1> to vector<512x32xi32>
    %add3A_523 = arith.addi %add3A_511, %convert_element_type3A_522 : vector<512x32xi32>
    %slice3A_524 = vector.extract_strided_slice %select_n3A_485 {offsets = [0, 3], sizes = [512, 1], strides = [1, 1]} : vector<512x32xf32> to vector<512x1xf32>
    %gt3A_525 = vector.broadcast %slice3A_524 : vector<512x1xf32> to vector<512x32xf32>
    %gt3A_526 = arith.cmpf ogt, %gt3A_525, %select_n3A_485 : vector<512x32xf32>
    %eq3A_527 = vector.broadcast %slice3A_524 : vector<512x1xf32> to vector<512x32xf32>
    %eq3A_528 = arith.cmpf oeq, %eq3A_527, %select_n3A_485 : vector<512x32xf32>
    %gt3A_529 = arith.constant 3 : i32
    %gt3A_530 = vector.broadcast %gt3A_529 : i32 to vector<512x32xi32>
    %gt3A_531 = arith.cmpi sgt, %iota3A_4, %gt3A_530 : vector<512x32xi32>
    %and3A_532 = arith.andi %eq3A_528, %gt3A_531 : vector<512x32xi1>
    %or3A_533 = arith.ori %gt3A_526, %and3A_532 : vector<512x32xi1>
    %convert_element_type3A_534 = arith.extui %or3A_533 : vector<512x32xi1> to vector<512x32xi32>
    %add3A_535 = arith.addi %add3A_523, %convert_element_type3A_534 : vector<512x32xi32>
    %slice3A_536 = vector.extract_strided_slice %select_n3A_485 {offsets = [0, 4], sizes = [512, 1], strides = [1, 1]} : vector<512x32xf32> to vector<512x1xf32>
    %gt3A_537 = vector.broadcast %slice3A_536 : vector<512x1xf32> to vector<512x32xf32>
    %gt3A_538 = arith.cmpf ogt, %gt3A_537, %select_n3A_485 : vector<512x32xf32>
    %eq3A_539 = vector.broadcast %slice3A_536 : vector<512x1xf32> to vector<512x32xf32>
    %eq3A_540 = arith.cmpf oeq, %eq3A_539, %select_n3A_485 : vector<512x32xf32>
    %gt3A_541 = arith.constant 4 : i32
    %gt3A_542 = vector.broadcast %gt3A_541 : i32 to vector<512x32xi32>
    %gt3A_543 = arith.cmpi sgt, %iota3A_4, %gt3A_542 : vector<512x32xi32>
    %and3A_544 = arith.andi %eq3A_540, %gt3A_543 : vector<512x32xi1>
    %or3A_545 = arith.ori %gt3A_538, %and3A_544 : vector<512x32xi1>
    %convert_element_type3A_546 = arith.extui %or3A_545 : vector<512x32xi1> to vector<512x32xi32>
    %add3A_547 = arith.addi %add3A_535, %convert_element_type3A_546 : vector<512x32xi32>
    %slice3A_548 = vector.extract_strided_slice %select_n3A_485 {offsets = [0, 5], sizes = [512, 1], strides = [1, 1]} : vector<512x32xf32> to vector<512x1xf32>
    %gt3A_549 = vector.broadcast %slice3A_548 : vector<512x1xf32> to vector<512x32xf32>
    %gt3A_550 = arith.cmpf ogt, %gt3A_549, %select_n3A_485 : vector<512x32xf32>
    %eq3A_551 = vector.broadcast %slice3A_548 : vector<512x1xf32> to vector<512x32xf32>
    %eq3A_552 = arith.cmpf oeq, %eq3A_551, %select_n3A_485 : vector<512x32xf32>
    %gt3A_553 = arith.constant 5 : i32
    %gt3A_554 = vector.broadcast %gt3A_553 : i32 to vector<512x32xi32>
    %gt3A_555 = arith.cmpi sgt, %iota3A_4, %gt3A_554 : vector<512x32xi32>
    %and3A_556 = arith.andi %eq3A_552, %gt3A_555 : vector<512x32xi1>
    %or3A_557 = arith.ori %gt3A_550, %and3A_556 : vector<512x32xi1>
    %convert_element_type3A_558 = arith.extui %or3A_557 : vector<512x32xi1> to vector<512x32xi32>
    %add3A_559 = arith.addi %add3A_547, %convert_element_type3A_558 : vector<512x32xi32>
    %slice3A_560 = vector.extract_strided_slice %select_n3A_485 {offsets = [0, 6], sizes = [512, 1], strides = [1, 1]} : vector<512x32xf32> to vector<512x1xf32>
    %gt3A_561 = vector.broadcast %slice3A_560 : vector<512x1xf32> to vector<512x32xf32>
    %gt3A_562 = arith.cmpf ogt, %gt3A_561, %select_n3A_485 : vector<512x32xf32>
    %eq3A_563 = vector.broadcast %slice3A_560 : vector<512x1xf32> to vector<512x32xf32>
    %eq3A_564 = arith.cmpf oeq, %eq3A_563, %select_n3A_485 : vector<512x32xf32>
    %gt3A_565 = arith.constant 6 : i32
    %gt3A_566 = vector.broadcast %gt3A_565 : i32 to vector<512x32xi32>
    %gt3A_567 = arith.cmpi sgt, %iota3A_4, %gt3A_566 : vector<512x32xi32>
    %and3A_568 = arith.andi %eq3A_564, %gt3A_567 : vector<512x32xi1>
    %or3A_569 = arith.ori %gt3A_562, %and3A_568 : vector<512x32xi1>
    %convert_element_type3A_570 = arith.extui %or3A_569 : vector<512x32xi1> to vector<512x32xi32>
    %add3A_571 = arith.addi %add3A_559, %convert_element_type3A_570 : vector<512x32xi32>
    %slice3A_572 = vector.extract_strided_slice %select_n3A_485 {offsets = [0, 7], sizes = [512, 1], strides = [1, 1]} : vector<512x32xf32> to vector<512x1xf32>
    %gt3A_573 = vector.broadcast %slice3A_572 : vector<512x1xf32> to vector<512x32xf32>
    %gt3A_574 = arith.cmpf ogt, %gt3A_573, %select_n3A_485 : vector<512x32xf32>
    %eq3A_575 = vector.broadcast %slice3A_572 : vector<512x1xf32> to vector<512x32xf32>
    %eq3A_576 = arith.cmpf oeq, %eq3A_575, %select_n3A_485 : vector<512x32xf32>
    %gt3A_577 = arith.constant 7 : i32
    %gt3A_578 = vector.broadcast %gt3A_577 : i32 to vector<512x32xi32>
    %gt3A_579 = arith.cmpi sgt, %iota3A_4, %gt3A_578 : vector<512x32xi32>
    %and3A_580 = arith.andi %eq3A_576, %gt3A_579 : vector<512x32xi1>
    %or3A_581 = arith.ori %gt3A_574, %and3A_580 : vector<512x32xi1>
    %convert_element_type3A_582 = arith.extui %or3A_581 : vector<512x32xi1> to vector<512x32xi32>
    %add3A_583 = arith.addi %add3A_571, %convert_element_type3A_582 : vector<512x32xi32>
    %slice3A_584 = vector.extract_strided_slice %select_n3A_485 {offsets = [0, 8], sizes = [512, 1], strides = [1, 1]} : vector<512x32xf32> to vector<512x1xf32>
    %gt3A_585 = vector.broadcast %slice3A_584 : vector<512x1xf32> to vector<512x32xf32>
    %gt3A_586 = arith.cmpf ogt, %gt3A_585, %select_n3A_485 : vector<512x32xf32>
    %eq3A_587 = vector.broadcast %slice3A_584 : vector<512x1xf32> to vector<512x32xf32>
    %eq3A_588 = arith.cmpf oeq, %eq3A_587, %select_n3A_485 : vector<512x32xf32>
    %gt3A_589 = arith.constant 8 : i32
    %gt3A_590 = vector.broadcast %gt3A_589 : i32 to vector<512x32xi32>
    %gt3A_591 = arith.cmpi sgt, %iota3A_4, %gt3A_590 : vector<512x32xi32>
    %and3A_592 = arith.andi %eq3A_588, %gt3A_591 : vector<512x32xi1>
    %or3A_593 = arith.ori %gt3A_586, %and3A_592 : vector<512x32xi1>
    %convert_element_type3A_594 = arith.extui %or3A_593 : vector<512x32xi1> to vector<512x32xi32>
    %add3A_595 = arith.addi %add3A_583, %convert_element_type3A_594 : vector<512x32xi32>
    %slice3A_596 = vector.extract_strided_slice %select_n3A_485 {offsets = [0, 9], sizes = [512, 1], strides = [1, 1]} : vector<512x32xf32> to vector<512x1xf32>
    %gt3A_597 = vector.broadcast %slice3A_596 : vector<512x1xf32> to vector<512x32xf32>
    %gt3A_598 = arith.cmpf ogt, %gt3A_597, %select_n3A_485 : vector<512x32xf32>
    %eq3A_599 = vector.broadcast %slice3A_596 : vector<512x1xf32> to vector<512x32xf32>
    %eq3A_600 = arith.cmpf oeq, %eq3A_599, %select_n3A_485 : vector<512x32xf32>
    %gt3A_601 = arith.constant 9 : i32
    %gt3A_602 = vector.broadcast %gt3A_601 : i32 to vector<512x32xi32>
    %gt3A_603 = arith.cmpi sgt, %iota3A_4, %gt3A_602 : vector<512x32xi32>
    %and3A_604 = arith.andi %eq3A_600, %gt3A_603 : vector<512x32xi1>
    %or3A_605 = arith.ori %gt3A_598, %and3A_604 : vector<512x32xi1>
    %convert_element_type3A_606 = arith.extui %or3A_605 : vector<512x32xi1> to vector<512x32xi32>
    %add3A_607 = arith.addi %add3A_595, %convert_element_type3A_606 : vector<512x32xi32>
    %slice3A_608 = vector.extract_strided_slice %select_n3A_485 {offsets = [0, 10], sizes = [512, 1], strides = [1, 1]} : vector<512x32xf32> to vector<512x1xf32>
    %gt3A_609 = vector.broadcast %slice3A_608 : vector<512x1xf32> to vector<512x32xf32>
    %gt3A_610 = arith.cmpf ogt, %gt3A_609, %select_n3A_485 : vector<512x32xf32>
    %eq3A_611 = vector.broadcast %slice3A_608 : vector<512x1xf32> to vector<512x32xf32>
    %eq3A_612 = arith.cmpf oeq, %eq3A_611, %select_n3A_485 : vector<512x32xf32>
    %gt3A_613 = arith.constant 10 : i32
    %gt3A_614 = vector.broadcast %gt3A_613 : i32 to vector<512x32xi32>
    %gt3A_615 = arith.cmpi sgt, %iota3A_4, %gt3A_614 : vector<512x32xi32>
    %and3A_616 = arith.andi %eq3A_612, %gt3A_615 : vector<512x32xi1>
    %or3A_617 = arith.ori %gt3A_610, %and3A_616 : vector<512x32xi1>
    %convert_element_type3A_618 = arith.extui %or3A_617 : vector<512x32xi1> to vector<512x32xi32>
    %add3A_619 = arith.addi %add3A_607, %convert_element_type3A_618 : vector<512x32xi32>
    %slice3A_620 = vector.extract_strided_slice %select_n3A_485 {offsets = [0, 11], sizes = [512, 1], strides = [1, 1]} : vector<512x32xf32> to vector<512x1xf32>
    %gt3A_621 = vector.broadcast %slice3A_620 : vector<512x1xf32> to vector<512x32xf32>
    %gt3A_622 = arith.cmpf ogt, %gt3A_621, %select_n3A_485 : vector<512x32xf32>
    %eq3A_623 = vector.broadcast %slice3A_620 : vector<512x1xf32> to vector<512x32xf32>
    %eq3A_624 = arith.cmpf oeq, %eq3A_623, %select_n3A_485 : vector<512x32xf32>
    %gt3A_625 = arith.constant 11 : i32
    %gt3A_626 = vector.broadcast %gt3A_625 : i32 to vector<512x32xi32>
    %gt3A_627 = arith.cmpi sgt, %iota3A_4, %gt3A_626 : vector<512x32xi32>
    %and3A_628 = arith.andi %eq3A_624, %gt3A_627 : vector<512x32xi1>
    %or3A_629 = arith.ori %gt3A_622, %and3A_628 : vector<512x32xi1>
    %convert_element_type3A_630 = arith.extui %or3A_629 : vector<512x32xi1> to vector<512x32xi32>
    %add3A_631 = arith.addi %add3A_619, %convert_element_type3A_630 : vector<512x32xi32>
    %slice3A_632 = vector.extract_strided_slice %select_n3A_485 {offsets = [0, 12], sizes = [512, 1], strides = [1, 1]} : vector<512x32xf32> to vector<512x1xf32>
    %gt3A_633 = vector.broadcast %slice3A_632 : vector<512x1xf32> to vector<512x32xf32>
    %gt3A_634 = arith.cmpf ogt, %gt3A_633, %select_n3A_485 : vector<512x32xf32>
    %eq3A_635 = vector.broadcast %slice3A_632 : vector<512x1xf32> to vector<512x32xf32>
    %eq3A_636 = arith.cmpf oeq, %eq3A_635, %select_n3A_485 : vector<512x32xf32>
    %gt3A_637 = arith.constant 12 : i32
    %gt3A_638 = vector.broadcast %gt3A_637 : i32 to vector<512x32xi32>
    %gt3A_639 = arith.cmpi sgt, %iota3A_4, %gt3A_638 : vector<512x32xi32>
    %and3A_640 = arith.andi %eq3A_636, %gt3A_639 : vector<512x32xi1>
    %or3A_641 = arith.ori %gt3A_634, %and3A_640 : vector<512x32xi1>
    %convert_element_type3A_642 = arith.extui %or3A_641 : vector<512x32xi1> to vector<512x32xi32>
    %add3A_643 = arith.addi %add3A_631, %convert_element_type3A_642 : vector<512x32xi32>
    %slice3A_644 = vector.extract_strided_slice %select_n3A_485 {offsets = [0, 13], sizes = [512, 1], strides = [1, 1]} : vector<512x32xf32> to vector<512x1xf32>
    %gt3A_645 = vector.broadcast %slice3A_644 : vector<512x1xf32> to vector<512x32xf32>
    %gt3A_646 = arith.cmpf ogt, %gt3A_645, %select_n3A_485 : vector<512x32xf32>
    %eq3A_647 = vector.broadcast %slice3A_644 : vector<512x1xf32> to vector<512x32xf32>
    %eq3A_648 = arith.cmpf oeq, %eq3A_647, %select_n3A_485 : vector<512x32xf32>
    %gt3A_649 = arith.constant 13 : i32
    %gt3A_650 = vector.broadcast %gt3A_649 : i32 to vector<512x32xi32>
    %gt3A_651 = arith.cmpi sgt, %iota3A_4, %gt3A_650 : vector<512x32xi32>
    %and3A_652 = arith.andi %eq3A_648, %gt3A_651 : vector<512x32xi1>
    %or3A_653 = arith.ori %gt3A_646, %and3A_652 : vector<512x32xi1>
    %convert_element_type3A_654 = arith.extui %or3A_653 : vector<512x32xi1> to vector<512x32xi32>
    %add3A_655 = arith.addi %add3A_643, %convert_element_type3A_654 : vector<512x32xi32>
    %slice3A_656 = vector.extract_strided_slice %select_n3A_485 {offsets = [0, 14], sizes = [512, 1], strides = [1, 1]} : vector<512x32xf32> to vector<512x1xf32>
    %gt3A_657 = vector.broadcast %slice3A_656 : vector<512x1xf32> to vector<512x32xf32>
    %gt3A_658 = arith.cmpf ogt, %gt3A_657, %select_n3A_485 : vector<512x32xf32>
    %eq3A_659 = vector.broadcast %slice3A_656 : vector<512x1xf32> to vector<512x32xf32>
    %eq3A_660 = arith.cmpf oeq, %eq3A_659, %select_n3A_485 : vector<512x32xf32>
    %gt3A_661 = arith.constant 14 : i32
    %gt3A_662 = vector.broadcast %gt3A_661 : i32 to vector<512x32xi32>
    %gt3A_663 = arith.cmpi sgt, %iota3A_4, %gt3A_662 : vector<512x32xi32>
    %and3A_664 = arith.andi %eq3A_660, %gt3A_663 : vector<512x32xi1>
    %or3A_665 = arith.ori %gt3A_658, %and3A_664 : vector<512x32xi1>
    %convert_element_type3A_666 = arith.extui %or3A_665 : vector<512x32xi1> to vector<512x32xi32>
    %add3A_667 = arith.addi %add3A_655, %convert_element_type3A_666 : vector<512x32xi32>
    %slice3A_668 = vector.extract_strided_slice %select_n3A_485 {offsets = [0, 15], sizes = [512, 1], strides = [1, 1]} : vector<512x32xf32> to vector<512x1xf32>
    %gt3A_669 = vector.broadcast %slice3A_668 : vector<512x1xf32> to vector<512x32xf32>
    %gt3A_670 = arith.cmpf ogt, %gt3A_669, %select_n3A_485 : vector<512x32xf32>
    %eq3A_671 = vector.broadcast %slice3A_668 : vector<512x1xf32> to vector<512x32xf32>
    %eq3A_672 = arith.cmpf oeq, %eq3A_671, %select_n3A_485 : vector<512x32xf32>
    %gt3A_673 = arith.constant 15 : i32
    %gt3A_674 = vector.broadcast %gt3A_673 : i32 to vector<512x32xi32>
    %gt3A_675 = arith.cmpi sgt, %iota3A_4, %gt3A_674 : vector<512x32xi32>
    %and3A_676 = arith.andi %eq3A_672, %gt3A_675 : vector<512x32xi1>
    %or3A_677 = arith.ori %gt3A_670, %and3A_676 : vector<512x32xi1>
    %convert_element_type3A_678 = arith.extui %or3A_677 : vector<512x32xi1> to vector<512x32xi32>
    %add3A_679 = arith.addi %add3A_667, %convert_element_type3A_678 : vector<512x32xi32>
    %slice3A_680 = vector.extract_strided_slice %select_n3A_485 {offsets = [0, 16], sizes = [512, 1], strides = [1, 1]} : vector<512x32xf32> to vector<512x1xf32>
    %gt3A_681 = vector.broadcast %slice3A_680 : vector<512x1xf32> to vector<512x32xf32>
    %gt3A_682 = arith.cmpf ogt, %gt3A_681, %select_n3A_485 : vector<512x32xf32>
    %eq3A_683 = vector.broadcast %slice3A_680 : vector<512x1xf32> to vector<512x32xf32>
    %eq3A_684 = arith.cmpf oeq, %eq3A_683, %select_n3A_485 : vector<512x32xf32>
    %gt3A_685 = arith.constant 16 : i32
    %gt3A_686 = vector.broadcast %gt3A_685 : i32 to vector<512x32xi32>
    %gt3A_687 = arith.cmpi sgt, %iota3A_4, %gt3A_686 : vector<512x32xi32>
    %and3A_688 = arith.andi %eq3A_684, %gt3A_687 : vector<512x32xi1>
    %or3A_689 = arith.ori %gt3A_682, %and3A_688 : vector<512x32xi1>
    %convert_element_type3A_690 = arith.extui %or3A_689 : vector<512x32xi1> to vector<512x32xi32>
    %add3A_691 = arith.addi %add3A_679, %convert_element_type3A_690 : vector<512x32xi32>
    %slice3A_692 = vector.extract_strided_slice %select_n3A_485 {offsets = [0, 17], sizes = [512, 1], strides = [1, 1]} : vector<512x32xf32> to vector<512x1xf32>
    %gt3A_693 = vector.broadcast %slice3A_692 : vector<512x1xf32> to vector<512x32xf32>
    %gt3A_694 = arith.cmpf ogt, %gt3A_693, %select_n3A_485 : vector<512x32xf32>
    %eq3A_695 = vector.broadcast %slice3A_692 : vector<512x1xf32> to vector<512x32xf32>
    %eq3A_696 = arith.cmpf oeq, %eq3A_695, %select_n3A_485 : vector<512x32xf32>
    %gt3A_697 = arith.constant 17 : i32
    %gt3A_698 = vector.broadcast %gt3A_697 : i32 to vector<512x32xi32>
    %gt3A_699 = arith.cmpi sgt, %iota3A_4, %gt3A_698 : vector<512x32xi32>
    %and3A_700 = arith.andi %eq3A_696, %gt3A_699 : vector<512x32xi1>
    %or3A_701 = arith.ori %gt3A_694, %and3A_700 : vector<512x32xi1>
    %convert_element_type3A_702 = arith.extui %or3A_701 : vector<512x32xi1> to vector<512x32xi32>
    %add3A_703 = arith.addi %add3A_691, %convert_element_type3A_702 : vector<512x32xi32>
    %slice3A_704 = vector.extract_strided_slice %select_n3A_485 {offsets = [0, 18], sizes = [512, 1], strides = [1, 1]} : vector<512x32xf32> to vector<512x1xf32>
    %gt3A_705 = vector.broadcast %slice3A_704 : vector<512x1xf32> to vector<512x32xf32>
    %gt3A_706 = arith.cmpf ogt, %gt3A_705, %select_n3A_485 : vector<512x32xf32>
    %eq3A_707 = vector.broadcast %slice3A_704 : vector<512x1xf32> to vector<512x32xf32>
    %eq3A_708 = arith.cmpf oeq, %eq3A_707, %select_n3A_485 : vector<512x32xf32>
    %gt3A_709 = arith.constant 18 : i32
    %gt3A_710 = vector.broadcast %gt3A_709 : i32 to vector<512x32xi32>
    %gt3A_711 = arith.cmpi sgt, %iota3A_4, %gt3A_710 : vector<512x32xi32>
    %and3A_712 = arith.andi %eq3A_708, %gt3A_711 : vector<512x32xi1>
    %or3A_713 = arith.ori %gt3A_706, %and3A_712 : vector<512x32xi1>
    %convert_element_type3A_714 = arith.extui %or3A_713 : vector<512x32xi1> to vector<512x32xi32>
    %add3A_715 = arith.addi %add3A_703, %convert_element_type3A_714 : vector<512x32xi32>
    %slice3A_716 = vector.extract_strided_slice %select_n3A_485 {offsets = [0, 19], sizes = [512, 1], strides = [1, 1]} : vector<512x32xf32> to vector<512x1xf32>
    %gt3A_717 = vector.broadcast %slice3A_716 : vector<512x1xf32> to vector<512x32xf32>
    %gt3A_718 = arith.cmpf ogt, %gt3A_717, %select_n3A_485 : vector<512x32xf32>
    %eq3A_719 = vector.broadcast %slice3A_716 : vector<512x1xf32> to vector<512x32xf32>
    %eq3A_720 = arith.cmpf oeq, %eq3A_719, %select_n3A_485 : vector<512x32xf32>
    %gt3A_721 = arith.constant 19 : i32
    %gt3A_722 = vector.broadcast %gt3A_721 : i32 to vector<512x32xi32>
    %gt3A_723 = arith.cmpi sgt, %iota3A_4, %gt3A_722 : vector<512x32xi32>
    %and3A_724 = arith.andi %eq3A_720, %gt3A_723 : vector<512x32xi1>
    %or3A_725 = arith.ori %gt3A_718, %and3A_724 : vector<512x32xi1>
    %convert_element_type3A_726 = arith.extui %or3A_725 : vector<512x32xi1> to vector<512x32xi32>
    %add3A_727 = arith.addi %add3A_715, %convert_element_type3A_726 : vector<512x32xi32>
    %slice3A_728 = vector.extract_strided_slice %select_n3A_485 {offsets = [0, 20], sizes = [512, 1], strides = [1, 1]} : vector<512x32xf32> to vector<512x1xf32>
    %gt3A_729 = vector.broadcast %slice3A_728 : vector<512x1xf32> to vector<512x32xf32>
    %gt3A_730 = arith.cmpf ogt, %gt3A_729, %select_n3A_485 : vector<512x32xf32>
    %eq3A_731 = vector.broadcast %slice3A_728 : vector<512x1xf32> to vector<512x32xf32>
    %eq3A_732 = arith.cmpf oeq, %eq3A_731, %select_n3A_485 : vector<512x32xf32>
    %gt3A_733 = arith.constant 20 : i32
    %gt3A_734 = vector.broadcast %gt3A_733 : i32 to vector<512x32xi32>
    %gt3A_735 = arith.cmpi sgt, %iota3A_4, %gt3A_734 : vector<512x32xi32>
    %and3A_736 = arith.andi %eq3A_732, %gt3A_735 : vector<512x32xi1>
    %or3A_737 = arith.ori %gt3A_730, %and3A_736 : vector<512x32xi1>
    %convert_element_type3A_738 = arith.extui %or3A_737 : vector<512x32xi1> to vector<512x32xi32>
    %add3A_739 = arith.addi %add3A_727, %convert_element_type3A_738 : vector<512x32xi32>
    %slice3A_740 = vector.extract_strided_slice %select_n3A_485 {offsets = [0, 21], sizes = [512, 1], strides = [1, 1]} : vector<512x32xf32> to vector<512x1xf32>
    %gt3A_741 = vector.broadcast %slice3A_740 : vector<512x1xf32> to vector<512x32xf32>
    %gt3A_742 = arith.cmpf ogt, %gt3A_741, %select_n3A_485 : vector<512x32xf32>
    %eq3A_743 = vector.broadcast %slice3A_740 : vector<512x1xf32> to vector<512x32xf32>
    %eq3A_744 = arith.cmpf oeq, %eq3A_743, %select_n3A_485 : vector<512x32xf32>
    %gt3A_745 = arith.constant 21 : i32
    %gt3A_746 = vector.broadcast %gt3A_745 : i32 to vector<512x32xi32>
    %gt3A_747 = arith.cmpi sgt, %iota3A_4, %gt3A_746 : vector<512x32xi32>
    %and3A_748 = arith.andi %eq3A_744, %gt3A_747 : vector<512x32xi1>
    %or3A_749 = arith.ori %gt3A_742, %and3A_748 : vector<512x32xi1>
    %convert_element_type3A_750 = arith.extui %or3A_749 : vector<512x32xi1> to vector<512x32xi32>
    %add3A_751 = arith.addi %add3A_739, %convert_element_type3A_750 : vector<512x32xi32>
    %slice3A_752 = vector.extract_strided_slice %select_n3A_485 {offsets = [0, 22], sizes = [512, 1], strides = [1, 1]} : vector<512x32xf32> to vector<512x1xf32>
    %gt3A_753 = vector.broadcast %slice3A_752 : vector<512x1xf32> to vector<512x32xf32>
    %gt3A_754 = arith.cmpf ogt, %gt3A_753, %select_n3A_485 : vector<512x32xf32>
    %eq3A_755 = vector.broadcast %slice3A_752 : vector<512x1xf32> to vector<512x32xf32>
    %eq3A_756 = arith.cmpf oeq, %eq3A_755, %select_n3A_485 : vector<512x32xf32>
    %gt3A_757 = arith.constant 22 : i32
    %gt3A_758 = vector.broadcast %gt3A_757 : i32 to vector<512x32xi32>
    %gt3A_759 = arith.cmpi sgt, %iota3A_4, %gt3A_758 : vector<512x32xi32>
    %and3A_760 = arith.andi %eq3A_756, %gt3A_759 : vector<512x32xi1>
    %or3A_761 = arith.ori %gt3A_754, %and3A_760 : vector<512x32xi1>
    %convert_element_type3A_762 = arith.extui %or3A_761 : vector<512x32xi1> to vector<512x32xi32>
    %add3A_763 = arith.addi %add3A_751, %convert_element_type3A_762 : vector<512x32xi32>
    %slice3A_764 = vector.extract_strided_slice %select_n3A_485 {offsets = [0, 23], sizes = [512, 1], strides = [1, 1]} : vector<512x32xf32> to vector<512x1xf32>
    %gt3A_765 = vector.broadcast %slice3A_764 : vector<512x1xf32> to vector<512x32xf32>
    %gt3A_766 = arith.cmpf ogt, %gt3A_765, %select_n3A_485 : vector<512x32xf32>
    %eq3A_767 = vector.broadcast %slice3A_764 : vector<512x1xf32> to vector<512x32xf32>
    %eq3A_768 = arith.cmpf oeq, %eq3A_767, %select_n3A_485 : vector<512x32xf32>
    %gt3A_769 = arith.constant 23 : i32
    %gt3A_770 = vector.broadcast %gt3A_769 : i32 to vector<512x32xi32>
    %gt3A_771 = arith.cmpi sgt, %iota3A_4, %gt3A_770 : vector<512x32xi32>
    %and3A_772 = arith.andi %eq3A_768, %gt3A_771 : vector<512x32xi1>
    %or3A_773 = arith.ori %gt3A_766, %and3A_772 : vector<512x32xi1>
    %convert_element_type3A_774 = arith.extui %or3A_773 : vector<512x32xi1> to vector<512x32xi32>
    %add3A_775 = arith.addi %add3A_763, %convert_element_type3A_774 : vector<512x32xi32>
    %slice3A_776 = vector.extract_strided_slice %select_n3A_485 {offsets = [0, 24], sizes = [512, 1], strides = [1, 1]} : vector<512x32xf32> to vector<512x1xf32>
    %gt3A_777 = vector.broadcast %slice3A_776 : vector<512x1xf32> to vector<512x32xf32>
    %gt3A_778 = arith.cmpf ogt, %gt3A_777, %select_n3A_485 : vector<512x32xf32>
    %eq3A_779 = vector.broadcast %slice3A_776 : vector<512x1xf32> to vector<512x32xf32>
    %eq3A_780 = arith.cmpf oeq, %eq3A_779, %select_n3A_485 : vector<512x32xf32>
    %gt3A_781 = arith.constant 24 : i32
    %gt3A_782 = vector.broadcast %gt3A_781 : i32 to vector<512x32xi32>
    %gt3A_783 = arith.cmpi sgt, %iota3A_4, %gt3A_782 : vector<512x32xi32>
    %and3A_784 = arith.andi %eq3A_780, %gt3A_783 : vector<512x32xi1>
    %or3A_785 = arith.ori %gt3A_778, %and3A_784 : vector<512x32xi1>
    %convert_element_type3A_786 = arith.extui %or3A_785 : vector<512x32xi1> to vector<512x32xi32>
    %add3A_787 = arith.addi %add3A_775, %convert_element_type3A_786 : vector<512x32xi32>
    %slice3A_788 = vector.extract_strided_slice %select_n3A_485 {offsets = [0, 25], sizes = [512, 1], strides = [1, 1]} : vector<512x32xf32> to vector<512x1xf32>
    %gt3A_789 = vector.broadcast %slice3A_788 : vector<512x1xf32> to vector<512x32xf32>
    %gt3A_790 = arith.cmpf ogt, %gt3A_789, %select_n3A_485 : vector<512x32xf32>
    %eq3A_791 = vector.broadcast %slice3A_788 : vector<512x1xf32> to vector<512x32xf32>
    %eq3A_792 = arith.cmpf oeq, %eq3A_791, %select_n3A_485 : vector<512x32xf32>
    %gt3A_793 = arith.constant 25 : i32
    %gt3A_794 = vector.broadcast %gt3A_793 : i32 to vector<512x32xi32>
    %gt3A_795 = arith.cmpi sgt, %iota3A_4, %gt3A_794 : vector<512x32xi32>
    %and3A_796 = arith.andi %eq3A_792, %gt3A_795 : vector<512x32xi1>
    %or3A_797 = arith.ori %gt3A_790, %and3A_796 : vector<512x32xi1>
    %convert_element_type3A_798 = arith.extui %or3A_797 : vector<512x32xi1> to vector<512x32xi32>
    %add3A_799 = arith.addi %add3A_787, %convert_element_type3A_798 : vector<512x32xi32>
    %slice3A_800 = vector.extract_strided_slice %select_n3A_485 {offsets = [0, 26], sizes = [512, 1], strides = [1, 1]} : vector<512x32xf32> to vector<512x1xf32>
    %gt3A_801 = vector.broadcast %slice3A_800 : vector<512x1xf32> to vector<512x32xf32>
    %gt3A_802 = arith.cmpf ogt, %gt3A_801, %select_n3A_485 : vector<512x32xf32>
    %eq3A_803 = vector.broadcast %slice3A_800 : vector<512x1xf32> to vector<512x32xf32>
    %eq3A_804 = arith.cmpf oeq, %eq3A_803, %select_n3A_485 : vector<512x32xf32>
    %gt3A_805 = arith.constant 26 : i32
    %gt3A_806 = vector.broadcast %gt3A_805 : i32 to vector<512x32xi32>
    %gt3A_807 = arith.cmpi sgt, %iota3A_4, %gt3A_806 : vector<512x32xi32>
    %and3A_808 = arith.andi %eq3A_804, %gt3A_807 : vector<512x32xi1>
    %or3A_809 = arith.ori %gt3A_802, %and3A_808 : vector<512x32xi1>
    %convert_element_type3A_810 = arith.extui %or3A_809 : vector<512x32xi1> to vector<512x32xi32>
    %add3A_811 = arith.addi %add3A_799, %convert_element_type3A_810 : vector<512x32xi32>
    %slice3A_812 = vector.extract_strided_slice %select_n3A_485 {offsets = [0, 27], sizes = [512, 1], strides = [1, 1]} : vector<512x32xf32> to vector<512x1xf32>
    %gt3A_813 = vector.broadcast %slice3A_812 : vector<512x1xf32> to vector<512x32xf32>
    %gt3A_814 = arith.cmpf ogt, %gt3A_813, %select_n3A_485 : vector<512x32xf32>
    %eq3A_815 = vector.broadcast %slice3A_812 : vector<512x1xf32> to vector<512x32xf32>
    %eq3A_816 = arith.cmpf oeq, %eq3A_815, %select_n3A_485 : vector<512x32xf32>
    %gt3A_817 = arith.constant 27 : i32
    %gt3A_818 = vector.broadcast %gt3A_817 : i32 to vector<512x32xi32>
    %gt3A_819 = arith.cmpi sgt, %iota3A_4, %gt3A_818 : vector<512x32xi32>
    %and3A_820 = arith.andi %eq3A_816, %gt3A_819 : vector<512x32xi1>
    %or3A_821 = arith.ori %gt3A_814, %and3A_820 : vector<512x32xi1>
    %convert_element_type3A_822 = arith.extui %or3A_821 : vector<512x32xi1> to vector<512x32xi32>
    %add3A_823 = arith.addi %add3A_811, %convert_element_type3A_822 : vector<512x32xi32>
    %slice3A_824 = vector.extract_strided_slice %select_n3A_485 {offsets = [0, 28], sizes = [512, 1], strides = [1, 1]} : vector<512x32xf32> to vector<512x1xf32>
    %gt3A_825 = vector.broadcast %slice3A_824 : vector<512x1xf32> to vector<512x32xf32>
    %gt3A_826 = arith.cmpf ogt, %gt3A_825, %select_n3A_485 : vector<512x32xf32>
    %eq3A_827 = vector.broadcast %slice3A_824 : vector<512x1xf32> to vector<512x32xf32>
    %eq3A_828 = arith.cmpf oeq, %eq3A_827, %select_n3A_485 : vector<512x32xf32>
    %gt3A_829 = arith.constant 28 : i32
    %gt3A_830 = vector.broadcast %gt3A_829 : i32 to vector<512x32xi32>
    %gt3A_831 = arith.cmpi sgt, %iota3A_4, %gt3A_830 : vector<512x32xi32>
    %and3A_832 = arith.andi %eq3A_828, %gt3A_831 : vector<512x32xi1>
    %or3A_833 = arith.ori %gt3A_826, %and3A_832 : vector<512x32xi1>
    %convert_element_type3A_834 = arith.extui %or3A_833 : vector<512x32xi1> to vector<512x32xi32>
    %add3A_835 = arith.addi %add3A_823, %convert_element_type3A_834 : vector<512x32xi32>
    %slice3A_836 = vector.extract_strided_slice %select_n3A_485 {offsets = [0, 29], sizes = [512, 1], strides = [1, 1]} : vector<512x32xf32> to vector<512x1xf32>
    %gt3A_837 = vector.broadcast %slice3A_836 : vector<512x1xf32> to vector<512x32xf32>
    %gt3A_838 = arith.cmpf ogt, %gt3A_837, %select_n3A_485 : vector<512x32xf32>
    %eq3A_839 = vector.broadcast %slice3A_836 : vector<512x1xf32> to vector<512x32xf32>
    %eq3A_840 = arith.cmpf oeq, %eq3A_839, %select_n3A_485 : vector<512x32xf32>
    %gt3A_841 = arith.constant 29 : i32
    %gt3A_842 = vector.broadcast %gt3A_841 : i32 to vector<512x32xi32>
    %gt3A_843 = arith.cmpi sgt, %iota3A_4, %gt3A_842 : vector<512x32xi32>
    %and3A_844 = arith.andi %eq3A_840, %gt3A_843 : vector<512x32xi1>
    %or3A_845 = arith.ori %gt3A_838, %and3A_844 : vector<512x32xi1>
    %convert_element_type3A_846 = arith.extui %or3A_845 : vector<512x32xi1> to vector<512x32xi32>
    %add3A_847 = arith.addi %add3A_835, %convert_element_type3A_846 : vector<512x32xi32>
    %slice3A_848 = vector.extract_strided_slice %select_n3A_485 {offsets = [0, 30], sizes = [512, 1], strides = [1, 1]} : vector<512x32xf32> to vector<512x1xf32>
    %gt3A_849 = vector.broadcast %slice3A_848 : vector<512x1xf32> to vector<512x32xf32>
    %gt3A_850 = arith.cmpf ogt, %gt3A_849, %select_n3A_485 : vector<512x32xf32>
    %eq3A_851 = vector.broadcast %slice3A_848 : vector<512x1xf32> to vector<512x32xf32>
    %eq3A_852 = arith.cmpf oeq, %eq3A_851, %select_n3A_485 : vector<512x32xf32>
    %gt3A_853 = arith.constant 30 : i32
    %gt3A_854 = vector.broadcast %gt3A_853 : i32 to vector<512x32xi32>
    %gt3A_855 = arith.cmpi sgt, %iota3A_4, %gt3A_854 : vector<512x32xi32>
    %and3A_856 = arith.andi %eq3A_852, %gt3A_855 : vector<512x32xi1>
    %or3A_857 = arith.ori %gt3A_850, %and3A_856 : vector<512x32xi1>
    %convert_element_type3A_858 = arith.extui %or3A_857 : vector<512x32xi1> to vector<512x32xi32>
    %add3A_859 = arith.addi %add3A_847, %convert_element_type3A_858 : vector<512x32xi32>
    %slice3A_860 = vector.extract_strided_slice %select_n3A_485 {offsets = [0, 31], sizes = [512, 1], strides = [1, 1]} : vector<512x32xf32> to vector<512x1xf32>
    %gt3A_861 = vector.broadcast %slice3A_860 : vector<512x1xf32> to vector<512x32xf32>
    %gt3A_862 = arith.cmpf ogt, %gt3A_861, %select_n3A_485 : vector<512x32xf32>
    %eq3A_863 = vector.broadcast %slice3A_860 : vector<512x1xf32> to vector<512x32xf32>
    %eq3A_864 = arith.cmpf oeq, %eq3A_863, %select_n3A_485 : vector<512x32xf32>
    %gt3A_865 = arith.constant 31 : i32
    %gt3A_866 = vector.broadcast %gt3A_865 : i32 to vector<512x32xi32>
    %gt3A_867 = arith.cmpi sgt, %iota3A_4, %gt3A_866 : vector<512x32xi32>
    %and3A_868 = arith.andi %eq3A_864, %gt3A_867 : vector<512x32xi1>
    %or3A_869 = arith.ori %gt3A_862, %and3A_868 : vector<512x32xi1>
    %convert_element_type3A_870 = arith.extui %or3A_869 : vector<512x32xi1> to vector<512x32xi32>
    %add3A_871 = arith.addi %add3A_859, %convert_element_type3A_870 : vector<512x32xi32>
    %lt3A_872 = vector.broadcast %get3A_1 : i32 to vector<512x32xi32>
    %lt3A_873 = arith.cmpi slt, %add3A_871, %lt3A_872 : vector<512x32xi32>
    %gt3A_874 = arith.constant -1.000000e+08 : f32
    %gt3A_875 = vector.broadcast %gt3A_874 : f32 to vector<512x32xf32>
    %gt3A_876 = arith.cmpf ogt, %select_n3A_485, %gt3A_875 : vector<512x32xf32>
    %and3A_877 = arith.andi %lt3A_873, %gt3A_876 : vector<512x32xi1>
    %convert_element_type3A_878 = arith.extui %and3A_877 : vector<512x32xi1> to vector<512x32xi32>
    %convert_element_type3A_879 = arith.sitofp %convert_element_type3A_878 : vector<512x32xi32> to vector<512x32xf32>
    %convert_element_type3A_880 = arith.truncf %convert_element_type3A_879 : vector<512x32xf32> to vector<512x32xbf16>
    %add3A_881 = arith.constant 1 : i32
    %add3A_882 = arith.addi %arg1, %add3A_881 : i32
    %mul3A_883 = arith.constant 512 : i32
    %mul3A_884 = arith.muli %add3A_882, %mul3A_883 : i32
    %add3A_885 = arith.constant 1024 : i32
    %add3A_886 = arith.addi %mul3A_884, %add3A_885 : i32
    %sub3A_887 = arith.constant 1 : i32
    %sub3A_888 = arith.subi %add3A_886, %sub3A_887 : i32
    %jit3A_889 = arith.constant 1024 : i32
    %div3A_890 = arith.divsi %sub3A_888, %jit3A_889 : i32
    %sign3A_891 = arith.constant 0 : i32
    %sign3A_892 = arith.cmpi sgt, %sub3A_888, %sign3A_891 : i32
    %sign3A_893 = arith.extui %sign3A_892 : i1 to i32
    %sign3A_894 = arith.constant 0 : i32
    %sign3A_895 = arith.cmpi slt, %sub3A_888, %sign3A_894 : i32
    %sign3A_896 = arith.extui %sign3A_895 : i1 to i32
    %sign3A_897 = arith.subi %sign3A_893, %sign3A_896 : i32
    %sign3A_898 = arith.constant 0 : i32
    %sign3A_899 = arith.cmpi sgt, %jit3A_889, %sign3A_898 : i32
    %sign3A_900 = arith.extui %sign3A_899 : i1 to i32
    %sign3A_901 = arith.constant 0 : i32
    %sign3A_902 = arith.cmpi slt, %jit3A_889, %sign3A_901 : i32
    %sign3A_903 = arith.extui %sign3A_902 : i1 to i32
    %sign3A_904 = arith.subi %sign3A_900, %sign3A_903 : i32
    %ne3A_905 = arith.cmpi ne, %sign3A_897, %sign3A_904 : i32
    %rem3A_906 = arith.remsi %sub3A_888, %jit3A_889 : i32
    %ne3A_907 = arith.constant 0 : i32
    %ne3A_908 = arith.cmpi ne, %rem3A_906, %ne3A_907 : i32
    %and3A_909 = arith.andi %ne3A_905, %ne3A_908 : i1
    %sub3A_910 = arith.constant 1 : i32
    %sub3A_911 = arith.subi %div3A_890, %sub3A_910 : i32
    %select_n3A_912 = arith.select %and3A_909, %sub3A_911, %div3A_890 : i32
    %broadcast_in_dim3A_913 = arith.constant -1.000000e+30 : f32
    %broadcast_in_dim3A_914 = vector.broadcast %broadcast_in_dim3A_913 : f32 to vector<512x1xf32>
    %broadcast_in_dim3A_915 = arith.constant 0.000000e+00 : f32
    %broadcast_in_dim3A_916 = vector.broadcast %broadcast_in_dim3A_915 : f32 to vector<512x128xf32>
    %broadcast_in_dim3A_917 = arith.constant 1.000000e+00 : bf16
    %broadcast_in_dim3A_918 = vector.broadcast %broadcast_in_dim3A_917 : bf16 to vector<1024x64xbf16>
    %get3A_919 = arith.constant 0 : index
    %get3A_920 = arith.constant 0 : index
    %get3A_921 = vector.load %arg3[%get3A_919, %get3A_920] : memref<512x128xbf16, #tpu.memory_space<vmem>>, vector<512x64xbf16>
    %mul3A_922 = arith.constant 1.250000e-01 : bf16
    %mul3A_923 = vector.broadcast %mul3A_922 : bf16 to vector<512x64xbf16>
    %mul3A_924 = arith.mulf %get3A_921, %mul3A_923 : vector<512x64xbf16>
    %get3A_925 = arith.constant 0 : index
    %get3A_926 = arith.constant 64 : index
    %get3A_927 = vector.load %arg3[%get3A_925, %get3A_926] : memref<512x128xbf16, #tpu.memory_space<vmem>>, vector<512x64xbf16>
    %mul3A_928 = arith.constant 1.250000e-01 : bf16
    %mul3A_929 = vector.broadcast %mul3A_928 : bf16 to vector<512x64xbf16>
    %mul3A_930 = arith.mulf %get3A_927, %mul3A_929 : vector<512x64xbf16>
    %sub3A_931 = arith.constant 1 : i32
    %sub3A_932 = arith.subi %select_n3A_912, %sub3A_931 : i32
    %while3A = arith.constant 0 : i32
    %while3A_933 = arith.subi %sub3A_932, %while3A : i32
    %while3A_934 = arith.addi %while3A, %while3A_933 : i32
    %while3A_935 = arith.constant 1 : i32
    %while3A_936 = arith.divsi %while3A_933, %while3A_935 : i32
    %while3A_937 = arith.muli %while3A_936, %while3A_935 : i32
    %while3A_938 = arith.addi %while3A, %while3A_937 : i32
    %while3A_939 = arith.constant 1 : i32
    %while3A_940:4 = scf.for %while3A_1051 = %while3A to %while3A_938 step %while3A_939 iter_args(%while3A_1052 = %broadcast_in_dim3A_914, %while3A_1053 = %broadcast_in_dim3A_916, %while3A_1054 = %broadcast_in_dim3A_914, %while3A_1055 = %broadcast_in_dim3A_916) -> (vector<512x1xf32>, vector<512x128xf32>, vector<512x1xf32>, vector<512x128xf32>)  : i32 {
      %mul3A_1056 = arith.constant 1024 : i32
      %mul3A_1057 = arith.muli %while3A_1051, %mul3A_1056 : i32
      %get3A_1058 = arith.index_cast %mul3A_1057 : i32 to index
      %get3A_1059 = arith.constant 0 : index
      %get3A_1060 = vector.load %arg4[%get3A_1058, %get3A_1059] : memref<2048x128xbf16, #tpu.memory_space<vmem>>, vector<1024x128xbf16>
      %mul3A_1061 = arith.constant 1024 : i32
      %mul3A_1062 = arith.muli %while3A_1051, %mul3A_1061 : i32
      %get3A_1063 = arith.index_cast %mul3A_1062 : i32 to index
      %get3A_1064 = arith.constant 0 : index
      %get3A_1065 = vector.load %arg5[%get3A_1063, %get3A_1064] : memref<2048x128xbf16, #tpu.memory_space<vmem>>, vector<1024x128xbf16>
      %slice3A_1066 = vector.extract_strided_slice %get3A_1060 {offsets = [0, 0], sizes = [1024, 64], strides = [1, 1]} : vector<1024x128xbf16> to vector<1024x64xbf16>
      %slice3A_1067 = vector.extract_strided_slice %get3A_1065 {offsets = [0, 0], sizes = [1024, 64], strides = [1, 1]} : vector<1024x128xbf16> to vector<1024x64xbf16>
      %concatenate3A_1068 = tpu.concatenate %slice3A_1067, %broadcast_in_dim3A_918 in 1 : vector<1024x64xbf16>, vector<1024x64xbf16> -> vector<1024x128xbf16>
      %dot_general3A_1069 = arith.constant dense<0.000000e+00> : vector<512x1024xf32>
      %dot_general3A_1070 = tpu.matmul %mul3A_924, %slice3A_1066, %dot_general3A_1069 {dimension_numbers = #tpu.dot_dimension_numbers<[1], [1], [0], [0], [0, 0, 1, 0], [], []>, transpose_lhs_hint = false} : vector<512x64xbf16>, vector<1024x64xbf16>, vector<512x1024xf32> -> vector<512x1024xf32>
      %mul3A_1071 = arith.constant 16 : i32
      %mul3A_1072 = arith.muli %while3A_1051, %mul3A_1071 : i32
      %add3A_1073 = vector.broadcast %mul3A_1072 : i32 to vector<32x1024xi32>
      %add3A_1074 = arith.addi %add3A_1073, %select_n3A_65 : vector<32x1024xi32>
      %eq3A_1075 = arith.cmpi eq, %iota3A_33, %add3A_1074 : vector<32x1024xi32>
      %jit3A_1076 = arith.constant 1.000000e+00 : f32
      %jit3A_1077 = arith.constant 0.000000e+00 : f32
      %broadcast_in_dim3A_1078 = vector.broadcast %jit3A_1076 : f32 to vector<32x1024xf32>
      %broadcast_in_dim3A_1079 = vector.broadcast %jit3A_1077 : f32 to vector<32x1024xf32>
      %select_n3A_1080 = arith.select %eq3A_1075, %broadcast_in_dim3A_1078, %broadcast_in_dim3A_1079 : vector<32x1024xi1>, vector<32x1024xf32>
      %convert_element_type3A_1081 = arith.truncf %select_n3A_1080 : vector<32x1024xf32> to vector<32x1024xbf16>
      %dot_general3A_1082 = arith.constant dense<0.000000e+00> : vector<512x1024xf32>
      %dot_general3A_1083 = tpu.matmul %convert_element_type3A_469, %convert_element_type3A_1081, %dot_general3A_1082 {dimension_numbers = #tpu.dot_dimension_numbers<[1], [0], [0], [1], [0, 0, 1, 1], [], []>, transpose_lhs_hint = false} : vector<512x32xbf16>, vector<32x1024xbf16>, vector<512x1024xf32> -> vector<512x1024xf32>
      %gt3A_1084 = arith.constant 5.000000e-01 : f32
      %gt3A_1085 = vector.broadcast %gt3A_1084 : f32 to vector<512x1024xf32>
      %gt3A_1086 = arith.cmpf ogt, %dot_general3A_1083, %gt3A_1085 : vector<512x1024xf32>
      %mul3A_1087 = arith.constant 1024 : i32
      %mul3A_1088 = arith.muli %while3A_1051, %mul3A_1087 : i32
      %add3A_1089 = vector.broadcast %mul3A_1088 : i32 to vector<512x1024xi32>
      %add3A_1090 = arith.addi %add3A_1089, %iota3A_66 : vector<512x1024xi32>
      %le3A_1091 = arith.cmpi sle, %add3A_1090, %add3A_32 : vector<512x1024xi32>
      %and3A_1092 = arith.andi %gt3A_1086, %le3A_1091 : vector<512x1024xi1>
      %jit3A_1093 = arith.constant -1.000000e+09 : f32
      %broadcast_in_dim3A_1094 = vector.broadcast %jit3A_1093 : f32 to vector<512x1024xf32>
      %select_n3A_1095 = arith.select %and3A_1092, %dot_general3A_1070, %broadcast_in_dim3A_1094 : vector<512x1024xi1>, vector<512x1024xf32>
      %reduce_max3A_1096 = arith.constant dense<0xFF800000> : vector<512xf32>
      %reduce_max3A_1097 = vector.multi_reduction <maximumf>, %select_n3A_1095, %reduce_max3A_1096 [1] : vector<512x1024xf32> to vector<512xf32>
      %broadcast_in_dim3A_1098 = vector.shape_cast %reduce_max3A_1097 : vector<512xf32> to vector<512x1xf32>
      %max3A_1099 = arith.maximumf %while3A_1052, %broadcast_in_dim3A_1098 : vector<512x1xf32>
      %sub3A_1100 = vector.broadcast %max3A_1099 : vector<512x1xf32> to vector<512x1024xf32>
      %sub3A_1101 = arith.subf %select_n3A_1095, %sub3A_1100 : vector<512x1024xf32>
      %exp3A_1102 = math.exp %sub3A_1101 : vector<512x1024xf32>
      %sub3A_1103 = arith.subf %while3A_1052, %max3A_1099 : vector<512x1xf32>
      %exp3A_1104 = math.exp %sub3A_1103 : vector<512x1xf32>
      %mul3A_1105 = vector.broadcast %exp3A_1104 : vector<512x1xf32> to vector<512x128xf32>
      %mul3A_1106 = arith.mulf %while3A_1053, %mul3A_1105 : vector<512x128xf32>
      %convert_element_type3A_1107 = arith.truncf %exp3A_1102 : vector<512x1024xf32> to vector<512x1024xbf16>
      %dot_general3A_1108 = arith.constant dense<0.000000e+00> : vector<512x128xf32>
      %dot_general3A_1109 = tpu.matmul %convert_element_type3A_1107, %concatenate3A_1068, %dot_general3A_1108 {dimension_numbers = #tpu.dot_dimension_numbers<[1], [0], [0], [1], [0, 0, 1, 1], [], []>, transpose_lhs_hint = false} : vector<512x1024xbf16>, vector<1024x128xbf16>, vector<512x128xf32> -> vector<512x128xf32>
      %add3A_1110 = arith.addf %mul3A_1106, %dot_general3A_1109 : vector<512x128xf32>
      %slice3A_1111 = vector.extract_strided_slice %get3A_1060 {offsets = [0, 64], sizes = [1024, 64], strides = [1, 1]} : vector<1024x128xbf16> to vector<1024x64xbf16>
      %slice3A_1112 = vector.extract_strided_slice %get3A_1065 {offsets = [0, 64], sizes = [1024, 64], strides = [1, 1]} : vector<1024x128xbf16> to vector<1024x64xbf16>
      %concatenate3A_1113 = tpu.concatenate %slice3A_1112, %broadcast_in_dim3A_918 in 1 : vector<1024x64xbf16>, vector<1024x64xbf16> -> vector<1024x128xbf16>
      %dot_general3A_1114 = arith.constant dense<0.000000e+00> : vector<512x1024xf32>
      %dot_general3A_1115 = tpu.matmul %mul3A_930, %slice3A_1111, %dot_general3A_1114 {dimension_numbers = #tpu.dot_dimension_numbers<[1], [1], [0], [0], [0, 0, 1, 0], [], []>, transpose_lhs_hint = false} : vector<512x64xbf16>, vector<1024x64xbf16>, vector<512x1024xf32> -> vector<512x1024xf32>
      %mul3A_1116 = arith.constant 16 : i32
      %mul3A_1117 = arith.muli %while3A_1051, %mul3A_1116 : i32
      %add3A_1118 = vector.broadcast %mul3A_1117 : i32 to vector<32x1024xi32>
      %add3A_1119 = arith.addi %add3A_1118, %select_n3A_65 : vector<32x1024xi32>
      %eq3A_1120 = arith.cmpi eq, %iota3A_33, %add3A_1119 : vector<32x1024xi32>
      %jit3A_1121 = arith.constant 1.000000e+00 : f32
      %jit3A_1122 = arith.constant 0.000000e+00 : f32
      %broadcast_in_dim3A_1123 = vector.broadcast %jit3A_1121 : f32 to vector<32x1024xf32>
      %broadcast_in_dim3A_1124 = vector.broadcast %jit3A_1122 : f32 to vector<32x1024xf32>
      %select_n3A_1125 = arith.select %eq3A_1120, %broadcast_in_dim3A_1123, %broadcast_in_dim3A_1124 : vector<32x1024xi1>, vector<32x1024xf32>
      %convert_element_type3A_1126 = arith.truncf %select_n3A_1125 : vector<32x1024xf32> to vector<32x1024xbf16>
      %dot_general3A_1127 = arith.constant dense<0.000000e+00> : vector<512x1024xf32>
      %dot_general3A_1128 = tpu.matmul %convert_element_type3A_880, %convert_element_type3A_1126, %dot_general3A_1127 {dimension_numbers = #tpu.dot_dimension_numbers<[1], [0], [0], [1], [0, 0, 1, 1], [], []>, transpose_lhs_hint = false} : vector<512x32xbf16>, vector<32x1024xbf16>, vector<512x1024xf32> -> vector<512x1024xf32>
      %gt3A_1129 = arith.constant 5.000000e-01 : f32
      %gt3A_1130 = vector.broadcast %gt3A_1129 : f32 to vector<512x1024xf32>
      %gt3A_1131 = arith.cmpf ogt, %dot_general3A_1128, %gt3A_1130 : vector<512x1024xf32>
      %mul3A_1132 = arith.constant 1024 : i32
      %mul3A_1133 = arith.muli %while3A_1051, %mul3A_1132 : i32
      %add3A_1134 = vector.broadcast %mul3A_1133 : i32 to vector<512x1024xi32>
      %add3A_1135 = arith.addi %add3A_1134, %iota3A_66 : vector<512x1024xi32>
      %le3A_1136 = arith.cmpi sle, %add3A_1135, %add3A_32 : vector<512x1024xi32>
      %and3A_1137 = arith.andi %gt3A_1131, %le3A_1136 : vector<512x1024xi1>
      %jit3A_1138 = arith.constant -1.000000e+09 : f32
      %broadcast_in_dim3A_1139 = vector.broadcast %jit3A_1138 : f32 to vector<512x1024xf32>
      %select_n3A_1140 = arith.select %and3A_1137, %dot_general3A_1115, %broadcast_in_dim3A_1139 : vector<512x1024xi1>, vector<512x1024xf32>
      %reduce_max3A_1141 = arith.constant dense<0xFF800000> : vector<512xf32>
      %reduce_max3A_1142 = vector.multi_reduction <maximumf>, %select_n3A_1140, %reduce_max3A_1141 [1] : vector<512x1024xf32> to vector<512xf32>
      %broadcast_in_dim3A_1143 = vector.shape_cast %reduce_max3A_1142 : vector<512xf32> to vector<512x1xf32>
      %max3A_1144 = arith.maximumf %while3A_1054, %broadcast_in_dim3A_1143 : vector<512x1xf32>
      %sub3A_1145 = vector.broadcast %max3A_1144 : vector<512x1xf32> to vector<512x1024xf32>
      %sub3A_1146 = arith.subf %select_n3A_1140, %sub3A_1145 : vector<512x1024xf32>
      %exp3A_1147 = math.exp %sub3A_1146 : vector<512x1024xf32>
      %sub3A_1148 = arith.subf %while3A_1054, %max3A_1144 : vector<512x1xf32>
      %exp3A_1149 = math.exp %sub3A_1148 : vector<512x1xf32>
      %mul3A_1150 = vector.broadcast %exp3A_1149 : vector<512x1xf32> to vector<512x128xf32>
      %mul3A_1151 = arith.mulf %while3A_1055, %mul3A_1150 : vector<512x128xf32>
      %convert_element_type3A_1152 = arith.truncf %exp3A_1147 : vector<512x1024xf32> to vector<512x1024xbf16>
      %dot_general3A_1153 = arith.constant dense<0.000000e+00> : vector<512x128xf32>
      %dot_general3A_1154 = tpu.matmul %convert_element_type3A_1152, %concatenate3A_1113, %dot_general3A_1153 {dimension_numbers = #tpu.dot_dimension_numbers<[1], [0], [0], [1], [0, 0, 1, 1], [], []>, transpose_lhs_hint = false} : vector<512x1024xbf16>, vector<1024x128xbf16>, vector<512x128xf32> -> vector<512x128xf32>
      %add3A_1155 = arith.addf %mul3A_1151, %dot_general3A_1154 : vector<512x128xf32>
      scf.yield %max3A_1099, %add3A_1110, %max3A_1144, %add3A_1155 : vector<512x1xf32>, vector<512x128xf32>, vector<512x1xf32>, vector<512x128xf32>
    }
    %while3A_941 = arith.constant 1 : i32
    %while3A_942:4 = scf.for %while3A_1051 = %while3A_938 to %while3A_934 step %while3A_941 iter_args(%while3A_1052 = %while3A_940#0, %while3A_1053 = %while3A_940#1, %while3A_1054 = %while3A_940#2, %while3A_1055 = %while3A_940#3) -> (vector<512x1xf32>, vector<512x128xf32>, vector<512x1xf32>, vector<512x128xf32>)  : i32 {
      %mul3A_1056 = arith.constant 1024 : i32
      %mul3A_1057 = arith.muli %while3A_1051, %mul3A_1056 : i32
      %get3A_1058 = arith.index_cast %mul3A_1057 : i32 to index
      %get3A_1059 = arith.constant 0 : index
      %get3A_1060 = vector.load %arg4[%get3A_1058, %get3A_1059] : memref<2048x128xbf16, #tpu.memory_space<vmem>>, vector<1024x128xbf16>
      %mul3A_1061 = arith.constant 1024 : i32
      %mul3A_1062 = arith.muli %while3A_1051, %mul3A_1061 : i32
      %get3A_1063 = arith.index_cast %mul3A_1062 : i32 to index
      %get3A_1064 = arith.constant 0 : index
      %get3A_1065 = vector.load %arg5[%get3A_1063, %get3A_1064] : memref<2048x128xbf16, #tpu.memory_space<vmem>>, vector<1024x128xbf16>
      %slice3A_1066 = vector.extract_strided_slice %get3A_1060 {offsets = [0, 0], sizes = [1024, 64], strides = [1, 1]} : vector<1024x128xbf16> to vector<1024x64xbf16>
      %slice3A_1067 = vector.extract_strided_slice %get3A_1065 {offsets = [0, 0], sizes = [1024, 64], strides = [1, 1]} : vector<1024x128xbf16> to vector<1024x64xbf16>
      %concatenate3A_1068 = tpu.concatenate %slice3A_1067, %broadcast_in_dim3A_918 in 1 : vector<1024x64xbf16>, vector<1024x64xbf16> -> vector<1024x128xbf16>
      %dot_general3A_1069 = arith.constant dense<0.000000e+00> : vector<512x1024xf32>
      %dot_general3A_1070 = tpu.matmul %mul3A_924, %slice3A_1066, %dot_general3A_1069 {dimension_numbers = #tpu.dot_dimension_numbers<[1], [1], [0], [0], [0, 0, 1, 0], [], []>, transpose_lhs_hint = false} : vector<512x64xbf16>, vector<1024x64xbf16>, vector<512x1024xf32> -> vector<512x1024xf32>
      %mul3A_1071 = arith.constant 16 : i32
      %mul3A_1072 = arith.muli %while3A_1051, %mul3A_1071 : i32
      %add3A_1073 = vector.broadcast %mul3A_1072 : i32 to vector<32x1024xi32>
      %add3A_1074 = arith.addi %add3A_1073, %select_n3A_65 : vector<32x1024xi32>
      %eq3A_1075 = arith.cmpi eq, %iota3A_33, %add3A_1074 : vector<32x1024xi32>
      %jit3A_1076 = arith.constant 1.000000e+00 : f32
      %jit3A_1077 = arith.constant 0.000000e+00 : f32
      %broadcast_in_dim3A_1078 = vector.broadcast %jit3A_1076 : f32 to vector<32x1024xf32>
      %broadcast_in_dim3A_1079 = vector.broadcast %jit3A_1077 : f32 to vector<32x1024xf32>
      %select_n3A_1080 = arith.select %eq3A_1075, %broadcast_in_dim3A_1078, %broadcast_in_dim3A_1079 : vector<32x1024xi1>, vector<32x1024xf32>
      %convert_element_type3A_1081 = arith.truncf %select_n3A_1080 : vector<32x1024xf32> to vector<32x1024xbf16>
      %dot_general3A_1082 = arith.constant dense<0.000000e+00> : vector<512x1024xf32>
      %dot_general3A_1083 = tpu.matmul %convert_element_type3A_469, %convert_element_type3A_1081, %dot_general3A_1082 {dimension_numbers = #tpu.dot_dimension_numbers<[1], [0], [0], [1], [0, 0, 1, 1], [], []>, transpose_lhs_hint = false} : vector<512x32xbf16>, vector<32x1024xbf16>, vector<512x1024xf32> -> vector<512x1024xf32>
      %gt3A_1084 = arith.constant 5.000000e-01 : f32
      %gt3A_1085 = vector.broadcast %gt3A_1084 : f32 to vector<512x1024xf32>
      %gt3A_1086 = arith.cmpf ogt, %dot_general3A_1083, %gt3A_1085 : vector<512x1024xf32>
      %mul3A_1087 = arith.constant 1024 : i32
      %mul3A_1088 = arith.muli %while3A_1051, %mul3A_1087 : i32
      %add3A_1089 = vector.broadcast %mul3A_1088 : i32 to vector<512x1024xi32>
      %add3A_1090 = arith.addi %add3A_1089, %iota3A_66 : vector<512x1024xi32>
      %le3A_1091 = arith.cmpi sle, %add3A_1090, %add3A_32 : vector<512x1024xi32>
      %and3A_1092 = arith.andi %gt3A_1086, %le3A_1091 : vector<512x1024xi1>
      %jit3A_1093 = arith.constant -1.000000e+09 : f32
      %broadcast_in_dim3A_1094 = vector.broadcast %jit3A_1093 : f32 to vector<512x1024xf32>
      %select_n3A_1095 = arith.select %and3A_1092, %dot_general3A_1070, %broadcast_in_dim3A_1094 : vector<512x1024xi1>, vector<512x1024xf32>
      %reduce_max3A_1096 = arith.constant dense<0xFF800000> : vector<512xf32>
      %reduce_max3A_1097 = vector.multi_reduction <maximumf>, %select_n3A_1095, %reduce_max3A_1096 [1] : vector<512x1024xf32> to vector<512xf32>
      %broadcast_in_dim3A_1098 = vector.shape_cast %reduce_max3A_1097 : vector<512xf32> to vector<512x1xf32>
      %max3A_1099 = arith.maximumf %while3A_1052, %broadcast_in_dim3A_1098 : vector<512x1xf32>
      %sub3A_1100 = vector.broadcast %max3A_1099 : vector<512x1xf32> to vector<512x1024xf32>
      %sub3A_1101 = arith.subf %select_n3A_1095, %sub3A_1100 : vector<512x1024xf32>
      %exp3A_1102 = math.exp %sub3A_1101 : vector<512x1024xf32>
      %sub3A_1103 = arith.subf %while3A_1052, %max3A_1099 : vector<512x1xf32>
      %exp3A_1104 = math.exp %sub3A_1103 : vector<512x1xf32>
      %mul3A_1105 = vector.broadcast %exp3A_1104 : vector<512x1xf32> to vector<512x128xf32>
      %mul3A_1106 = arith.mulf %while3A_1053, %mul3A_1105 : vector<512x128xf32>
      %convert_element_type3A_1107 = arith.truncf %exp3A_1102 : vector<512x1024xf32> to vector<512x1024xbf16>
      %dot_general3A_1108 = arith.constant dense<0.000000e+00> : vector<512x128xf32>
      %dot_general3A_1109 = tpu.matmul %convert_element_type3A_1107, %concatenate3A_1068, %dot_general3A_1108 {dimension_numbers = #tpu.dot_dimension_numbers<[1], [0], [0], [1], [0, 0, 1, 1], [], []>, transpose_lhs_hint = false} : vector<512x1024xbf16>, vector<1024x128xbf16>, vector<512x128xf32> -> vector<512x128xf32>
      %add3A_1110 = arith.addf %mul3A_1106, %dot_general3A_1109 : vector<512x128xf32>
      %slice3A_1111 = vector.extract_strided_slice %get3A_1060 {offsets = [0, 64], sizes = [1024, 64], strides = [1, 1]} : vector<1024x128xbf16> to vector<1024x64xbf16>
      %slice3A_1112 = vector.extract_strided_slice %get3A_1065 {offsets = [0, 64], sizes = [1024, 64], strides = [1, 1]} : vector<1024x128xbf16> to vector<1024x64xbf16>
      %concatenate3A_1113 = tpu.concatenate %slice3A_1112, %broadcast_in_dim3A_918 in 1 : vector<1024x64xbf16>, vector<1024x64xbf16> -> vector<1024x128xbf16>
      %dot_general3A_1114 = arith.constant dense<0.000000e+00> : vector<512x1024xf32>
      %dot_general3A_1115 = tpu.matmul %mul3A_930, %slice3A_1111, %dot_general3A_1114 {dimension_numbers = #tpu.dot_dimension_numbers<[1], [1], [0], [0], [0, 0, 1, 0], [], []>, transpose_lhs_hint = false} : vector<512x64xbf16>, vector<1024x64xbf16>, vector<512x1024xf32> -> vector<512x1024xf32>
      %mul3A_1116 = arith.constant 16 : i32
      %mul3A_1117 = arith.muli %while3A_1051, %mul3A_1116 : i32
      %add3A_1118 = vector.broadcast %mul3A_1117 : i32 to vector<32x1024xi32>
      %add3A_1119 = arith.addi %add3A_1118, %select_n3A_65 : vector<32x1024xi32>
      %eq3A_1120 = arith.cmpi eq, %iota3A_33, %add3A_1119 : vector<32x1024xi32>
      %jit3A_1121 = arith.constant 1.000000e+00 : f32
      %jit3A_1122 = arith.constant 0.000000e+00 : f32
      %broadcast_in_dim3A_1123 = vector.broadcast %jit3A_1121 : f32 to vector<32x1024xf32>
      %broadcast_in_dim3A_1124 = vector.broadcast %jit3A_1122 : f32 to vector<32x1024xf32>
      %select_n3A_1125 = arith.select %eq3A_1120, %broadcast_in_dim3A_1123, %broadcast_in_dim3A_1124 : vector<32x1024xi1>, vector<32x1024xf32>
      %convert_element_type3A_1126 = arith.truncf %select_n3A_1125 : vector<32x1024xf32> to vector<32x1024xbf16>
      %dot_general3A_1127 = arith.constant dense<0.000000e+00> : vector<512x1024xf32>
      %dot_general3A_1128 = tpu.matmul %convert_element_type3A_880, %convert_element_type3A_1126, %dot_general3A_1127 {dimension_numbers = #tpu.dot_dimension_numbers<[1], [0], [0], [1], [0, 0, 1, 1], [], []>, transpose_lhs_hint = false} : vector<512x32xbf16>, vector<32x1024xbf16>, vector<512x1024xf32> -> vector<512x1024xf32>
      %gt3A_1129 = arith.constant 5.000000e-01 : f32
      %gt3A_1130 = vector.broadcast %gt3A_1129 : f32 to vector<512x1024xf32>
      %gt3A_1131 = arith.cmpf ogt, %dot_general3A_1128, %gt3A_1130 : vector<512x1024xf32>
      %mul3A_1132 = arith.constant 1024 : i32
      %mul3A_1133 = arith.muli %while3A_1051, %mul3A_1132 : i32
      %add3A_1134 = vector.broadcast %mul3A_1133 : i32 to vector<512x1024xi32>
      %add3A_1135 = arith.addi %add3A_1134, %iota3A_66 : vector<512x1024xi32>
      %le3A_1136 = arith.cmpi sle, %add3A_1135, %add3A_32 : vector<512x1024xi32>
      %and3A_1137 = arith.andi %gt3A_1131, %le3A_1136 : vector<512x1024xi1>
      %jit3A_1138 = arith.constant -1.000000e+09 : f32
      %broadcast_in_dim3A_1139 = vector.broadcast %jit3A_1138 : f32 to vector<512x1024xf32>
      %select_n3A_1140 = arith.select %and3A_1137, %dot_general3A_1115, %broadcast_in_dim3A_1139 : vector<512x1024xi1>, vector<512x1024xf32>
      %reduce_max3A_1141 = arith.constant dense<0xFF800000> : vector<512xf32>
      %reduce_max3A_1142 = vector.multi_reduction <maximumf>, %select_n3A_1140, %reduce_max3A_1141 [1] : vector<512x1024xf32> to vector<512xf32>
      %broadcast_in_dim3A_1143 = vector.shape_cast %reduce_max3A_1142 : vector<512xf32> to vector<512x1xf32>
      %max3A_1144 = arith.maximumf %while3A_1054, %broadcast_in_dim3A_1143 : vector<512x1xf32>
      %sub3A_1145 = vector.broadcast %max3A_1144 : vector<512x1xf32> to vector<512x1024xf32>
      %sub3A_1146 = arith.subf %select_n3A_1140, %sub3A_1145 : vector<512x1024xf32>
      %exp3A_1147 = math.exp %sub3A_1146 : vector<512x1024xf32>
      %sub3A_1148 = arith.subf %while3A_1054, %max3A_1144 : vector<512x1xf32>
      %exp3A_1149 = math.exp %sub3A_1148 : vector<512x1xf32>
      %mul3A_1150 = vector.broadcast %exp3A_1149 : vector<512x1xf32> to vector<512x128xf32>
      %mul3A_1151 = arith.mulf %while3A_1055, %mul3A_1150 : vector<512x128xf32>
      %convert_element_type3A_1152 = arith.truncf %exp3A_1147 : vector<512x1024xf32> to vector<512x1024xbf16>
      %dot_general3A_1153 = arith.constant dense<0.000000e+00> : vector<512x128xf32>
      %dot_general3A_1154 = tpu.matmul %convert_element_type3A_1152, %concatenate3A_1113, %dot_general3A_1153 {dimension_numbers = #tpu.dot_dimension_numbers<[1], [0], [0], [1], [0, 0, 1, 1], [], []>, transpose_lhs_hint = false} : vector<512x1024xbf16>, vector<1024x128xbf16>, vector<512x128xf32> -> vector<512x128xf32>
      %add3A_1155 = arith.addf %mul3A_1151, %dot_general3A_1154 : vector<512x128xf32>
      scf.yield %max3A_1099, %add3A_1110, %max3A_1144, %add3A_1155 : vector<512x1xf32>, vector<512x128xf32>, vector<512x1xf32>, vector<512x128xf32>
    }
    %sub3A_943 = arith.constant 1 : i32
    %sub3A_944 = arith.subi %select_n3A_912, %sub3A_943 : i32
    %mul3A_945 = arith.constant 1024 : i32
    %mul3A_946 = arith.muli %sub3A_944, %mul3A_945 : i32
    %get3A_947 = arith.index_cast %mul3A_946 : i32 to index
    %get3A_948 = arith.constant 0 : index
    %get3A_949 = vector.load %arg4[%get3A_947, %get3A_948] : memref<2048x128xbf16, #tpu.memory_space<vmem>>, vector<1024x128xbf16>
    %mul3A_950 = arith.constant 1024 : i32
    %mul3A_951 = arith.muli %sub3A_944, %mul3A_950 : i32
    %get3A_952 = arith.index_cast %mul3A_951 : i32 to index
    %get3A_953 = arith.constant 0 : index
    %get3A_954 = vector.load %arg5[%get3A_952, %get3A_953] : memref<2048x128xbf16, #tpu.memory_space<vmem>>, vector<1024x128xbf16>
    %slice3A_955 = vector.extract_strided_slice %get3A_949 {offsets = [0, 0], sizes = [1024, 64], strides = [1, 1]} : vector<1024x128xbf16> to vector<1024x64xbf16>
    %slice3A_956 = vector.extract_strided_slice %get3A_954 {offsets = [0, 0], sizes = [1024, 64], strides = [1, 1]} : vector<1024x128xbf16> to vector<1024x64xbf16>
    %concatenate3A = tpu.concatenate %slice3A_956, %broadcast_in_dim3A_918 in 1 : vector<1024x64xbf16>, vector<1024x64xbf16> -> vector<1024x128xbf16>
    %dot_general3A_957 = arith.constant dense<0.000000e+00> : vector<512x1024xf32>
    %dot_general3A_958 = tpu.matmul %mul3A_924, %slice3A_955, %dot_general3A_957 {dimension_numbers = #tpu.dot_dimension_numbers<[1], [1], [0], [0], [0, 0, 1, 0], [], []>, transpose_lhs_hint = false} : vector<512x64xbf16>, vector<1024x64xbf16>, vector<512x1024xf32> -> vector<512x1024xf32>
    %mul3A_959 = arith.constant 16 : i32
    %mul3A_960 = arith.muli %sub3A_944, %mul3A_959 : i32
    %add3A_961 = vector.broadcast %mul3A_960 : i32 to vector<32x1024xi32>
    %add3A_962 = arith.addi %add3A_961, %select_n3A_65 : vector<32x1024xi32>
    %eq3A_963 = arith.cmpi eq, %iota3A_33, %add3A_962 : vector<32x1024xi32>
    %jit3A_964 = arith.constant 1.000000e+00 : f32
    %jit3A_965 = arith.constant 0.000000e+00 : f32
    %broadcast_in_dim3A_966 = vector.broadcast %jit3A_964 : f32 to vector<32x1024xf32>
    %broadcast_in_dim3A_967 = vector.broadcast %jit3A_965 : f32 to vector<32x1024xf32>
    %select_n3A_968 = arith.select %eq3A_963, %broadcast_in_dim3A_966, %broadcast_in_dim3A_967 : vector<32x1024xi1>, vector<32x1024xf32>
    %convert_element_type3A_969 = arith.truncf %select_n3A_968 : vector<32x1024xf32> to vector<32x1024xbf16>
    %dot_general3A_970 = arith.constant dense<0.000000e+00> : vector<512x1024xf32>
    %dot_general3A_971 = tpu.matmul %convert_element_type3A_469, %convert_element_type3A_969, %dot_general3A_970 {dimension_numbers = #tpu.dot_dimension_numbers<[1], [0], [0], [1], [0, 0, 1, 1], [], []>, transpose_lhs_hint = false} : vector<512x32xbf16>, vector<32x1024xbf16>, vector<512x1024xf32> -> vector<512x1024xf32>
    %gt3A_972 = arith.constant 5.000000e-01 : f32
    %gt3A_973 = vector.broadcast %gt3A_972 : f32 to vector<512x1024xf32>
    %gt3A_974 = arith.cmpf ogt, %dot_general3A_971, %gt3A_973 : vector<512x1024xf32>
    %mul3A_975 = arith.constant 1024 : i32
    %mul3A_976 = arith.muli %sub3A_944, %mul3A_975 : i32
    %add3A_977 = vector.broadcast %mul3A_976 : i32 to vector<512x1024xi32>
    %add3A_978 = arith.addi %add3A_977, %iota3A_66 : vector<512x1024xi32>
    %le3A = arith.cmpi sle, %add3A_978, %add3A_32 : vector<512x1024xi32>
    %and3A_979 = arith.andi %gt3A_974, %le3A : vector<512x1024xi1>
    %jit3A_980 = arith.constant -1.000000e+09 : f32
    %broadcast_in_dim3A_981 = vector.broadcast %jit3A_980 : f32 to vector<512x1024xf32>
    %select_n3A_982 = arith.select %and3A_979, %dot_general3A_958, %broadcast_in_dim3A_981 : vector<512x1024xi1>, vector<512x1024xf32>
    %reduce_max3A = arith.constant dense<0xFF800000> : vector<512xf32>
    %reduce_max3A_983 = vector.multi_reduction <maximumf>, %select_n3A_982, %reduce_max3A [1] : vector<512x1024xf32> to vector<512xf32>
    %broadcast_in_dim3A_984 = vector.shape_cast %reduce_max3A_983 : vector<512xf32> to vector<512x1xf32>
    %max3A = arith.maximumf %while3A_942#0, %broadcast_in_dim3A_984 : vector<512x1xf32>
    %sub3A_985 = vector.broadcast %max3A : vector<512x1xf32> to vector<512x1024xf32>
    %sub3A_986 = arith.subf %select_n3A_982, %sub3A_985 : vector<512x1024xf32>
    %exp3A = math.exp %sub3A_986 : vector<512x1024xf32>
    %sub3A_987 = arith.subf %while3A_942#0, %max3A : vector<512x1xf32>
    %exp3A_988 = math.exp %sub3A_987 : vector<512x1xf32>
    %mul3A_989 = vector.broadcast %exp3A_988 : vector<512x1xf32> to vector<512x128xf32>
    %mul3A_990 = arith.mulf %while3A_942#1, %mul3A_989 : vector<512x128xf32>
    %convert_element_type3A_991 = arith.truncf %exp3A : vector<512x1024xf32> to vector<512x1024xbf16>
    %dot_general3A_992 = arith.constant dense<0.000000e+00> : vector<512x128xf32>
    %dot_general3A_993 = tpu.matmul %convert_element_type3A_991, %concatenate3A, %dot_general3A_992 {dimension_numbers = #tpu.dot_dimension_numbers<[1], [0], [0], [1], [0, 0, 1, 1], [], []>, transpose_lhs_hint = false} : vector<512x1024xbf16>, vector<1024x128xbf16>, vector<512x128xf32> -> vector<512x128xf32>
    %add3A_994 = arith.addf %mul3A_990, %dot_general3A_993 : vector<512x128xf32>
    %slice3A_995 = vector.extract_strided_slice %get3A_949 {offsets = [0, 64], sizes = [1024, 64], strides = [1, 1]} : vector<1024x128xbf16> to vector<1024x64xbf16>
    %slice3A_996 = vector.extract_strided_slice %get3A_954 {offsets = [0, 64], sizes = [1024, 64], strides = [1, 1]} : vector<1024x128xbf16> to vector<1024x64xbf16>
    %concatenate3A_997 = tpu.concatenate %slice3A_996, %broadcast_in_dim3A_918 in 1 : vector<1024x64xbf16>, vector<1024x64xbf16> -> vector<1024x128xbf16>
    %dot_general3A_998 = arith.constant dense<0.000000e+00> : vector<512x1024xf32>
    %dot_general3A_999 = tpu.matmul %mul3A_930, %slice3A_995, %dot_general3A_998 {dimension_numbers = #tpu.dot_dimension_numbers<[1], [1], [0], [0], [0, 0, 1, 0], [], []>, transpose_lhs_hint = false} : vector<512x64xbf16>, vector<1024x64xbf16>, vector<512x1024xf32> -> vector<512x1024xf32>
    %mul3A_1000 = arith.constant 16 : i32
    %mul3A_1001 = arith.muli %sub3A_944, %mul3A_1000 : i32
    %add3A_1002 = vector.broadcast %mul3A_1001 : i32 to vector<32x1024xi32>
    %add3A_1003 = arith.addi %add3A_1002, %select_n3A_65 : vector<32x1024xi32>
    %eq3A_1004 = arith.cmpi eq, %iota3A_33, %add3A_1003 : vector<32x1024xi32>
    %jit3A_1005 = arith.constant 1.000000e+00 : f32
    %jit3A_1006 = arith.constant 0.000000e+00 : f32
    %broadcast_in_dim3A_1007 = vector.broadcast %jit3A_1005 : f32 to vector<32x1024xf32>
    %broadcast_in_dim3A_1008 = vector.broadcast %jit3A_1006 : f32 to vector<32x1024xf32>
    %select_n3A_1009 = arith.select %eq3A_1004, %broadcast_in_dim3A_1007, %broadcast_in_dim3A_1008 : vector<32x1024xi1>, vector<32x1024xf32>
    %convert_element_type3A_1010 = arith.truncf %select_n3A_1009 : vector<32x1024xf32> to vector<32x1024xbf16>
    %dot_general3A_1011 = arith.constant dense<0.000000e+00> : vector<512x1024xf32>
    %dot_general3A_1012 = tpu.matmul %convert_element_type3A_880, %convert_element_type3A_1010, %dot_general3A_1011 {dimension_numbers = #tpu.dot_dimension_numbers<[1], [0], [0], [1], [0, 0, 1, 1], [], []>, transpose_lhs_hint = false} : vector<512x32xbf16>, vector<32x1024xbf16>, vector<512x1024xf32> -> vector<512x1024xf32>
    %gt3A_1013 = arith.constant 5.000000e-01 : f32
    %gt3A_1014 = vector.broadcast %gt3A_1013 : f32 to vector<512x1024xf32>
    %gt3A_1015 = arith.cmpf ogt, %dot_general3A_1012, %gt3A_1014 : vector<512x1024xf32>
    %mul3A_1016 = arith.constant 1024 : i32
    %mul3A_1017 = arith.muli %sub3A_944, %mul3A_1016 : i32
    %add3A_1018 = vector.broadcast %mul3A_1017 : i32 to vector<512x1024xi32>
    %add3A_1019 = arith.addi %add3A_1018, %iota3A_66 : vector<512x1024xi32>
    %le3A_1020 = arith.cmpi sle, %add3A_1019, %add3A_32 : vector<512x1024xi32>
    %and3A_1021 = arith.andi %gt3A_1015, %le3A_1020 : vector<512x1024xi1>
    %jit3A_1022 = arith.constant -1.000000e+09 : f32
    %broadcast_in_dim3A_1023 = vector.broadcast %jit3A_1022 : f32 to vector<512x1024xf32>
    %select_n3A_1024 = arith.select %and3A_1021, %dot_general3A_999, %broadcast_in_dim3A_1023 : vector<512x1024xi1>, vector<512x1024xf32>
    %reduce_max3A_1025 = arith.constant dense<0xFF800000> : vector<512xf32>
    %reduce_max3A_1026 = vector.multi_reduction <maximumf>, %select_n3A_1024, %reduce_max3A_1025 [1] : vector<512x1024xf32> to vector<512xf32>
    %broadcast_in_dim3A_1027 = vector.shape_cast %reduce_max3A_1026 : vector<512xf32> to vector<512x1xf32>
    %max3A_1028 = arith.maximumf %while3A_942#2, %broadcast_in_dim3A_1027 : vector<512x1xf32>
    %sub3A_1029 = vector.broadcast %max3A_1028 : vector<512x1xf32> to vector<512x1024xf32>
    %sub3A_1030 = arith.subf %select_n3A_1024, %sub3A_1029 : vector<512x1024xf32>
    %exp3A_1031 = math.exp %sub3A_1030 : vector<512x1024xf32>
    %sub3A_1032 = arith.subf %while3A_942#2, %max3A_1028 : vector<512x1xf32>
    %exp3A_1033 = math.exp %sub3A_1032 : vector<512x1xf32>
    %mul3A_1034 = vector.broadcast %exp3A_1033 : vector<512x1xf32> to vector<512x128xf32>
    %mul3A_1035 = arith.mulf %while3A_942#3, %mul3A_1034 : vector<512x128xf32>
    %convert_element_type3A_1036 = arith.truncf %exp3A_1031 : vector<512x1024xf32> to vector<512x1024xbf16>
    %dot_general3A_1037 = arith.constant dense<0.000000e+00> : vector<512x128xf32>
    %dot_general3A_1038 = tpu.matmul %convert_element_type3A_1036, %concatenate3A_997, %dot_general3A_1037 {dimension_numbers = #tpu.dot_dimension_numbers<[1], [0], [0], [1], [0, 0, 1, 1], [], []>, transpose_lhs_hint = false} : vector<512x1024xbf16>, vector<1024x128xbf16>, vector<512x128xf32> -> vector<512x128xf32>
    %add3A_1039 = arith.addf %mul3A_1035, %dot_general3A_1038 : vector<512x128xf32>
    %slice3A_1040 = vector.extract_strided_slice %add3A_994 {offsets = [0, 0], sizes = [512, 64], strides = [1, 1]} : vector<512x128xf32> to vector<512x64xf32>
    %slice3A_1041 = vector.extract_strided_slice %add3A_994 {offsets = [0, 64], sizes = [512, 1], strides = [1, 1]} : vector<512x128xf32> to vector<512x1xf32>
    %div3A_1042 = vector.broadcast %slice3A_1041 : vector<512x1xf32> to vector<512x64xf32>
    %div3A_1043 = arith.divf %slice3A_1040, %div3A_1042 : vector<512x64xf32>
    %slice3A_1044 = vector.extract_strided_slice %add3A_1039 {offsets = [0, 0], sizes = [512, 64], strides = [1, 1]} : vector<512x128xf32> to vector<512x64xf32>
    %slice3A_1045 = vector.extract_strided_slice %add3A_1039 {offsets = [0, 64], sizes = [512, 1], strides = [1, 1]} : vector<512x128xf32> to vector<512x1xf32>
    %div3A_1046 = vector.broadcast %slice3A_1045 : vector<512x1xf32> to vector<512x64xf32>
    %div3A_1047 = arith.divf %slice3A_1044, %div3A_1046 : vector<512x64xf32>
    %concatenate3A_1048 = tpu.concatenate %div3A_1043, %div3A_1047 in 1 : vector<512x64xf32>, vector<512x64xf32> -> vector<512x128xf32>
    %swap3A = arith.constant 0 : index
    %swap3A_1049 = arith.constant 0 : index
    %swap3A_1050 = vector.load %arg8[%swap3A, %swap3A_1049] : memref<512x128xf32, #tpu.memory_space<vmem>>, vector<512x128xf32>
    tpu.vector_store %arg8[%swap3A, %swap3A_1049], %concatenate3A_1048 {strides = array<i32>} : memref<512x128xf32, #tpu.memory_space<vmem>>, vector<512x128xf32>,
    return
  }
  func.func @transform_0(%arg0: i32, %arg1: i32) -> (i32, i32) {
    %c0_i32 = arith.constant 0 : i32
    %c0_i32_0 = arith.constant 0 : i32
    %c0_i32_1 = arith.constant 0 : i32
    return %c0_i32, %c0_i32_0 : i32, i32
  }
  func.func @transform_1(%arg0: i32, %arg1: i32) -> (i32, i32) {
    %c0_i32 = arith.constant 0 : i32
    return %arg1, %arg0 : i32, i32
  }
  func.func @transform_2(%arg0: i32, %arg1: i32) -> (i32, i32) {
    %add3A = arith.constant 8 : i32
    %add3A_0 = arith.addi %add3A, %arg0 : i32
    %c0_i32 = arith.constant 0 : i32
    %c0_i32_1 = arith.constant 0 : i32
    return %c0_i32, %add3A_0 : i32, i32
  }
  func.func @transform_3(%arg0: i32, %arg1: i32) -> (i32, i32) {
    %add3A = arith.constant 16 : i32
    %add3A_0 = arith.addi %add3A, %arg0 : i32
    %c0_i32 = arith.constant 0 : i32
    %c0_i32_1 = arith.constant 0 : i32
    return %c0_i32, %add3A_0 : i32, i32
  }
  func.func @transform_4(%arg0: i32, %arg1: i32) -> (i32, i32) {
    %c0_i32 = arith.constant 0 : i32
    return %arg1, %arg0 : i32, i32
  }
  func.func @transform_5(%arg0: i32, %arg1: i32) -> (i32, i32) {
    %c0_i32 = arith.constant 0 : i32
    %c0_i32_0 = arith.constant 0 : i32
    return %c0_i32, %arg0 : i32, i32
  }
  func.func @transform_6(%arg0: i32, %arg1: i32) -> (i32, i32) {
    %c0_i32 = arith.constant 0 : i32
    return %arg1, %arg0 : i32, i32
  }
}

module attributes {stable_mosaic.version = 14 : i64} {
  func.func @_mlp_kernel(%arg0: i32, %arg1: memref<512x1024xf32, #tpu.memory_space<vmem>>, %arg2: memref<1024x1024xf32, #tpu.memory_space<vmem>>, %arg3: memref<1x1024xf32, #tpu.memory_space<vmem>>, %arg4: memref<1x1024xf32, #tpu.memory_space<vmem>>, %arg5: memref<1x1024xf32, #tpu.memory_space<vmem>>, %arg6: memref<1024x1024xf32, #tpu.memory_space<vmem>>, %arg7: memref<1x1024xf32, #tpu.memory_space<vmem>>, %arg8: memref<1x1024xf32, #tpu.memory_space<vmem>>, %arg9: memref<1x1024xf32, #tpu.memory_space<vmem>>, %arg10: memref<512x1024xf32, #tpu.memory_space<vmem>>) attributes {dimension_semantics = [#tpu.dimension_semantics<arbitrary>], iteration_bounds = array<i64: 4>, scalar_prefetch = 0 : i64, scratch_operands = 0 : i64, tpu.core_type = #tpu.core_type<tc>, window_params = [{transform_indices = @transform_0, window_bounds = array<i64: 512, 1024>}, {pipeline_mode = #tpu.pipeline_mode<synchronous>, transform_indices = @transform_1, window_bounds = array<i64: 1024, 1024>}, {pipeline_mode = #tpu.pipeline_mode<synchronous>, transform_indices = @transform_2, window_bounds = array<i64: 1, 1024>}, {pipeline_mode = #tpu.pipeline_mode<synchronous>, transform_indices = @transform_3, window_bounds = array<i64: 1, 1024>}, {pipeline_mode = #tpu.pipeline_mode<synchronous>, transform_indices = @transform_4, window_bounds = array<i64: 1, 1024>}, {pipeline_mode = #tpu.pipeline_mode<synchronous>, transform_indices = @transform_5, window_bounds = array<i64: 1024, 1024>}, {pipeline_mode = #tpu.pipeline_mode<synchronous>, transform_indices = @transform_6, window_bounds = array<i64: 1, 1024>}, {pipeline_mode = #tpu.pipeline_mode<synchronous>, transform_indices = @transform_7, window_bounds = array<i64: 1, 1024>}, {pipeline_mode = #tpu.pipeline_mode<synchronous>, transform_indices = @transform_8, window_bounds = array<i64: 1, 1024>}, {transform_indices = @transform_9, window_bounds = array<i64: 512, 1024>}]} {
    %get3A = arith.constant 0 : index
    %get3A_0 = arith.constant 0 : index
    %get3A_1 = vector.load %arg1[%get3A, %get3A_0] : memref<512x1024xf32, #tpu.memory_space<vmem>>, vector<512x1024xf32>
    %get3A_2 = arith.constant 0 : index
    %get3A_3 = arith.constant 0 : index
    %get3A_4 = vector.load %arg2[%get3A_2, %get3A_3] : memref<1024x1024xf32, #tpu.memory_space<vmem>>, vector<1024x1024xf32>
    %dot_general3A = arith.constant dense<0.000000e+00> : vector<512x1024xf32>
    %dot_general3A_5 = tpu.matmul %get3A_1, %get3A_4, %dot_general3A {dimension_numbers = #tpu.dot_dimension_numbers<[1], [0], [0], [1], [0, 0, 1, 1], [], []>, transpose_lhs_hint = false} : vector<512x1024xf32>, vector<1024x1024xf32>, vector<512x1024xf32> -> vector<512x1024xf32>
    %get3A_6 = arith.constant 0 : index
    %get3A_7 = arith.constant 0 : index
    %get3A_8 = vector.load %arg3[%get3A_6, %get3A_7] : memref<1x1024xf32, #tpu.memory_space<vmem>>, vector<1x1024xf32>
    %add3A = vector.broadcast %get3A_8 : vector<1x1024xf32> to vector<512x1024xf32>
    %add3A_9 = arith.addf %dot_general3A_5, %add3A : vector<512x1024xf32>
    %get3A_10 = arith.constant 0 : index
    %get3A_11 = arith.constant 0 : index
    %get3A_12 = vector.load %arg4[%get3A_10, %get3A_11] : memref<1x1024xf32, #tpu.memory_space<vmem>>, vector<1x1024xf32>
    %get3A_13 = arith.constant 0 : index
    %get3A_14 = arith.constant 0 : index
    %get3A_15 = vector.load %arg5[%get3A_13, %get3A_14] : memref<1x1024xf32, #tpu.memory_space<vmem>>, vector<1x1024xf32>
    %reduce_sum3A = arith.constant dense<0.000000e+00> : vector<512xf32>
    %reduce_sum3A_16 = vector.multi_reduction <add>, %add3A_9, %reduce_sum3A [1] : vector<512x1024xf32> to vector<512xf32>
    %broadcast_in_dim3A = vector.shape_cast %reduce_sum3A_16 : vector<512xf32> to vector<512x1xf32>
    %div3A = arith.constant 1.024000e+03 : f32
    %div3A_17 = vector.broadcast %div3A : f32 to vector<512x1xf32>
    %div3A_18 = arith.divf %broadcast_in_dim3A, %div3A_17 : vector<512x1xf32>
    %sub3A = vector.broadcast %div3A_18 : vector<512x1xf32> to vector<512x1024xf32>
    %sub3A_19 = arith.subf %add3A_9, %sub3A : vector<512x1024xf32>
    %integer_pow3A = arith.mulf %sub3A_19, %sub3A_19 : vector<512x1024xf32>
    %reduce_sum3A_20 = arith.constant dense<0.000000e+00> : vector<512xf32>
    %reduce_sum3A_21 = vector.multi_reduction <add>, %integer_pow3A, %reduce_sum3A_20 [1] : vector<512x1024xf32> to vector<512xf32>
    %broadcast_in_dim3A_22 = vector.shape_cast %reduce_sum3A_21 : vector<512xf32> to vector<512x1xf32>
    %div3A_23 = arith.constant 1.024000e+03 : f32
    %div3A_24 = vector.broadcast %div3A_23 : f32 to vector<512x1xf32>
    %div3A_25 = arith.divf %broadcast_in_dim3A_22, %div3A_24 : vector<512x1xf32>
    %sub3A_26 = vector.broadcast %div3A_18 : vector<512x1xf32> to vector<512x1024xf32>
    %sub3A_27 = arith.subf %add3A_9, %sub3A_26 : vector<512x1024xf32>
    %add3A_28 = arith.constant 9.99999997E-7 : f32
    %add3A_29 = vector.broadcast %add3A_28 : f32 to vector<512x1xf32>
    %add3A_30 = arith.addf %div3A_25, %add3A_29 : vector<512x1xf32>
    %sqrt3A = math.sqrt %add3A_30 : vector<512x1xf32>
    %div3A_31 = vector.broadcast %sqrt3A : vector<512x1xf32> to vector<512x1024xf32>
    %div3A_32 = arith.divf %sub3A_27, %div3A_31 : vector<512x1024xf32>
    %mul3A = vector.broadcast %get3A_12 : vector<1x1024xf32> to vector<512x1024xf32>
    %mul3A_33 = arith.mulf %div3A_32, %mul3A : vector<512x1024xf32>
    %add3A_34 = vector.broadcast %get3A_15 : vector<1x1024xf32> to vector<512x1024xf32>
    %add3A_35 = arith.addf %mul3A_33, %add3A_34 : vector<512x1024xf32>
    %max3A = arith.constant 0.000000e+00 : f32
    %max3A_36 = vector.broadcast %max3A : f32 to vector<512x1024xf32>
    %max3A_37 = arith.maximumf %add3A_35, %max3A_36 : vector<512x1024xf32>
    %get3A_38 = arith.constant 0 : index
    %get3A_39 = arith.constant 0 : index
    %get3A_40 = vector.load %arg6[%get3A_38, %get3A_39] : memref<1024x1024xf32, #tpu.memory_space<vmem>>, vector<1024x1024xf32>
    %dot_general3A_41 = arith.constant dense<0.000000e+00> : vector<512x1024xf32>
    %dot_general3A_42 = tpu.matmul %max3A_37, %get3A_40, %dot_general3A_41 {dimension_numbers = #tpu.dot_dimension_numbers<[1], [0], [0], [1], [0, 0, 1, 1], [], []>, transpose_lhs_hint = false} : vector<512x1024xf32>, vector<1024x1024xf32>, vector<512x1024xf32> -> vector<512x1024xf32>
    %get3A_43 = arith.constant 0 : index
    %get3A_44 = arith.constant 0 : index
    %get3A_45 = vector.load %arg7[%get3A_43, %get3A_44] : memref<1x1024xf32, #tpu.memory_space<vmem>>, vector<1x1024xf32>
    %add3A_46 = vector.broadcast %get3A_45 : vector<1x1024xf32> to vector<512x1024xf32>
    %add3A_47 = arith.addf %dot_general3A_42, %add3A_46 : vector<512x1024xf32>
    %get3A_48 = arith.constant 0 : index
    %get3A_49 = arith.constant 0 : index
    %get3A_50 = vector.load %arg8[%get3A_48, %get3A_49] : memref<1x1024xf32, #tpu.memory_space<vmem>>, vector<1x1024xf32>
    %get3A_51 = arith.constant 0 : index
    %get3A_52 = arith.constant 0 : index
    %get3A_53 = vector.load %arg9[%get3A_51, %get3A_52] : memref<1x1024xf32, #tpu.memory_space<vmem>>, vector<1x1024xf32>
    %reduce_sum3A_54 = arith.constant dense<0.000000e+00> : vector<512xf32>
    %reduce_sum3A_55 = vector.multi_reduction <add>, %add3A_47, %reduce_sum3A_54 [1] : vector<512x1024xf32> to vector<512xf32>
    %broadcast_in_dim3A_56 = vector.shape_cast %reduce_sum3A_55 : vector<512xf32> to vector<512x1xf32>
    %div3A_57 = arith.constant 1.024000e+03 : f32
    %div3A_58 = vector.broadcast %div3A_57 : f32 to vector<512x1xf32>
    %div3A_59 = arith.divf %broadcast_in_dim3A_56, %div3A_58 : vector<512x1xf32>
    %sub3A_60 = vector.broadcast %div3A_59 : vector<512x1xf32> to vector<512x1024xf32>
    %sub3A_61 = arith.subf %add3A_47, %sub3A_60 : vector<512x1024xf32>
    %integer_pow3A_62 = arith.mulf %sub3A_61, %sub3A_61 : vector<512x1024xf32>
    %reduce_sum3A_63 = arith.constant dense<0.000000e+00> : vector<512xf32>
    %reduce_sum3A_64 = vector.multi_reduction <add>, %integer_pow3A_62, %reduce_sum3A_63 [1] : vector<512x1024xf32> to vector<512xf32>
    %broadcast_in_dim3A_65 = vector.shape_cast %reduce_sum3A_64 : vector<512xf32> to vector<512x1xf32>
    %div3A_66 = arith.constant 1.024000e+03 : f32
    %div3A_67 = vector.broadcast %div3A_66 : f32 to vector<512x1xf32>
    %div3A_68 = arith.divf %broadcast_in_dim3A_65, %div3A_67 : vector<512x1xf32>
    %sub3A_69 = vector.broadcast %div3A_59 : vector<512x1xf32> to vector<512x1024xf32>
    %sub3A_70 = arith.subf %add3A_47, %sub3A_69 : vector<512x1024xf32>
    %add3A_71 = arith.constant 9.99999997E-7 : f32
    %add3A_72 = vector.broadcast %add3A_71 : f32 to vector<512x1xf32>
    %add3A_73 = arith.addf %div3A_68, %add3A_72 : vector<512x1xf32>
    %sqrt3A_74 = math.sqrt %add3A_73 : vector<512x1xf32>
    %div3A_75 = vector.broadcast %sqrt3A_74 : vector<512x1xf32> to vector<512x1024xf32>
    %div3A_76 = arith.divf %sub3A_70, %div3A_75 : vector<512x1024xf32>
    %mul3A_77 = vector.broadcast %get3A_50 : vector<1x1024xf32> to vector<512x1024xf32>
    %mul3A_78 = arith.mulf %div3A_76, %mul3A_77 : vector<512x1024xf32>
    %add3A_79 = vector.broadcast %get3A_53 : vector<1x1024xf32> to vector<512x1024xf32>
    %add3A_80 = arith.addf %mul3A_78, %add3A_79 : vector<512x1024xf32>
    %swap3A = arith.constant 0 : index
    %swap3A_81 = arith.constant 0 : index
    %swap3A_82 = vector.load %arg10[%swap3A, %swap3A_81] : memref<512x1024xf32, #tpu.memory_space<vmem>>, vector<512x1024xf32>
    tpu.vector_store %arg10[%swap3A, %swap3A_81], %add3A_80 {strides = array<i32>} : memref<512x1024xf32, #tpu.memory_space<vmem>>, vector<512x1024xf32>,
    return
  }
  func.func @transform_0(%arg0: i32) -> (i32, i32) {
    %c0_i32 = arith.constant 0 : i32
    %c0_i32_0 = arith.constant 0 : i32
    return %arg0, %c0_i32 : i32, i32
  }
  func.func @transform_1(%arg0: i32) -> (i32, i32) {
    %c0_i32 = arith.constant 0 : i32
    %c0_i32_0 = arith.constant 0 : i32
    %c0_i32_1 = arith.constant 0 : i32
    return %c0_i32, %c0_i32_0 : i32, i32
  }
  func.func @transform_2(%arg0: i32) -> (i32, i32) {
    %c0_i32 = arith.constant 0 : i32
    %c0_i32_0 = arith.constant 0 : i32
    %c0_i32_1 = arith.constant 0 : i32
    return %c0_i32, %c0_i32_0 : i32, i32
  }
  func.func @transform_3(%arg0: i32) -> (i32, i32) {
    %c0_i32 = arith.constant 0 : i32
    %c0_i32_0 = arith.constant 0 : i32
    %c0_i32_1 = arith.constant 0 : i32
    return %c0_i32, %c0_i32_0 : i32, i32
  }
  func.func @transform_4(%arg0: i32) -> (i32, i32) {
    %c0_i32 = arith.constant 0 : i32
    %c0_i32_0 = arith.constant 0 : i32
    %c0_i32_1 = arith.constant 0 : i32
    return %c0_i32, %c0_i32_0 : i32, i32
  }
  func.func @transform_5(%arg0: i32) -> (i32, i32) {
    %c0_i32 = arith.constant 0 : i32
    %c0_i32_0 = arith.constant 0 : i32
    %c0_i32_1 = arith.constant 0 : i32
    return %c0_i32, %c0_i32_0 : i32, i32
  }
  func.func @transform_6(%arg0: i32) -> (i32, i32) {
    %c0_i32 = arith.constant 0 : i32
    %c0_i32_0 = arith.constant 0 : i32
    %c0_i32_1 = arith.constant 0 : i32
    return %c0_i32, %c0_i32_0 : i32, i32
  }
  func.func @transform_7(%arg0: i32) -> (i32, i32) {
    %c0_i32 = arith.constant 0 : i32
    %c0_i32_0 = arith.constant 0 : i32
    %c0_i32_1 = arith.constant 0 : i32
    return %c0_i32, %c0_i32_0 : i32, i32
  }
  func.func @transform_8(%arg0: i32) -> (i32, i32) {
    %c0_i32 = arith.constant 0 : i32
    %c0_i32_0 = arith.constant 0 : i32
    %c0_i32_1 = arith.constant 0 : i32
    return %c0_i32, %c0_i32_0 : i32, i32
  }
  func.func @transform_9(%arg0: i32) -> (i32, i32) {
    %c0_i32 = arith.constant 0 : i32
    %c0_i32_0 = arith.constant 0 : i32
    return %arg0, %c0_i32 : i32, i32
  }
}

</mosaic_0001>

<sc_bundles>
// kernel: kernel.6.cloned.1.call-start
scs
__scs_entry_jumppad:
0x0: {  	(pc) =	sbr.rel $0x88, $3  }
0x1: {  	(tag) =	ssettag $0x0;
	lr =	simm.s32 $0x1  }
0x2: {  	[smem:$0x3F8F] =	sst lr;
	_ =	strace $0xD0000000  }
0x3: {  	_ = 	snop  }
0x4: {  	_ = 	snop  }
0x5: {  	_ = 	snop  }
0x6: {  	_ = 	snop  }
0x7: {  	_ = 	snop  }
__scs_overlays_trampoline_lowered:
0x8: {  	[smem:$0x3F9E] =	sst s0  }
0x9: {  	[smem:$0x3F9F] =	sst s1  }
0xa: {  	[smem:$0x3FA0] =	sst s2  }
0xb: {  	[smem:$0x3FA1] =	sst s3  }
0xc: {  	[smem:$0x3FA2] =	sst s4  }
0xd: {  	[smem:$0x3FA3] =	sst s5  }
0xe: {  	[smem:$0x3FA4] =	sst s6  }
0xf: {  	[smem:$0x3FA5] =	sst s7  }
0x10: {  	[smem:$0x3FA6] =	sst s8  }
0x11: {  	[smem:$0x3FA7] =	sst s9;
	s0 =	simm.s32 @!p0 $0x0  }
0x12: {  	s1 =	sld [smem:$0x3F8D];
	s0 =	simm.s32 @p0 $0x1  }
0x13: {  	[smem:$0x3FA8] =	sst s0;
	s0 =	simm.s32 @!p1 $0x0  }
0x14: {  	s2 =	sld [smem:$0x3F8C];
	s0 =	simm.s32 @p1 $0x1  }
0x15: {  	[smem:$0x3FA9] =	sst s0;
	s0 =	simm.s32 @!p2 $0x0  }
0x16: {  	s3 =	sld [smem:$0x3FDB];
	s0 =	simm.s32 @p2 $0x1  }
0x17: {  	s4 =	simm.s32 $0x1BF5;
	[smem:$0x3FAB] =	sst s0  }
0x18: {  	s0 =	sld [smem:$0x3F8E];
	_ =	swait.ge [sflag:s4], $0x0  }
0x19: {  	s7 =	sld [smem:$0x3F8F]  }
0x1a: {  	s8 =	sadd.s32 $0xFFFFE003, lr  }
0x1b: {  	s9 =	sadd.s32 $0xFFFFFEF7, lr;
	s5 =	simm.s32 $0xFFFFFFFF;
	p2 =	slt.u32 s8, $0xFFFFF086  }
0x1c: {  	p1 =	slt.u32 s9, $0xF7A;
	s5 =	simm.s32 @!p2 $0x0  }
0x1d: {  	s5 =	simm.s32 @p1 $0x1;
	p0 =	seq.s32 s7, s2  }
0x1e: {  	s7 =	smul.u32 @!p0 $0xF7A, s2;
	p2 =	seq.s32 @!p0 s5, $0x0  }
0x1f: {  	s9 =	smul.u32 $0xF7A, s1;
	s8 =	simm.s32 @!p0 $0x1BF5;
	p2 =	por !p2, p0  }
0x20: {  	[sflag:s8] =	ssyncset.s32 @!p0 $0xFFFFF086;
	s6 =	sadd.s32 @!p0 s3, s7;
	s7 =	simm.s32 @!p0 $0x108  }
0x21: {  	s3 =	sadd.s32 s3, s9;
	s6 =	sadd.s32 @!p0 $0x88, s6;
	s7 =	simm.s32 @p2 $0x1082  }
0x22: {  	[simem:s7], [sflag:s8] =	dma.local @!p0 [hbm:s6], $0xF7A  }
0x23: {  	s9 =	sor.u32 $0xD0000000, s2;
	s6 =	simm.s32 $0x108;
	_ =	swait.ge @!p0 [sflag:s8], $0x0  }
0x24: {  	s3 =	sadd.s32 $0x88, s3;
	s6 =	simm.s32 @!p1 $0x1082;
	[sflag:s4] =	ssyncset.s32 $0xFFFFF086  }
0x25: {  	[simem:s6], [sflag:s4] =	dma.local [hbm:s3], $0xF7A  }
0x26: {  	[smem:$0x3F8F] =	sst s1;
	(tag) =	ssettag s2;
	_ =	strace s9  }
0x27: {  	s1 =	sld [smem:$0x3F9F]  }
0x28: {  	s2 =	sld [smem:$0x3FA0]  }
0x29: {  	s4 =	sld [smem:$0x3FA2]  }
0x2a: {  	p0 =	seq.s32 s5, $0x0;
	s5 =	sld [smem:$0x3FA3]  }
0x2b: {  	s6 =	sld [smem:$0x3FA4]  }
0x2c: {  	s7 =	sld [smem:$0x3FA5]  }
0x2d: {  	s3 =	simm.s32 $0x108;
	s8 =	sld [smem:$0x3FA6]  }
0x2e: {  	s3 =	simm.s32 @!p0 $0x1082;
	s9 =	sld [smem:$0x3FA7]  }
0x2f: {  	lr =	sadd.s32 s0, s3;
	s0 =	sld [smem:$0x3F9E]  }
0x30: {  	s3 =	sld [smem:$0x3FA1]  }
0x31: {  	[smem:$0x3FAA] =	sst s10  }
0x32: {  	s10 =	sld [smem:$0x3FA8];
	_ =	sdelay $0x3  }
0x33: {  	p0 =	seq.s32 s10, $0x1;
	s10 =	sld [smem:$0x3FAA];
	_ =	sdelay $0x3  }
0x34: {  	[smem:$0x3FAA] =	sst s10  }
0x35: {  	s10 =	sld [smem:$0x3FA9];
	_ =	sdelay $0x3  }
0x36: {  	p1 =	seq.s32 s10, $0x1;
	s10 =	sld [smem:$0x3FAA];
	_ =	sdelay $0x3  }
0x37: {  	[smem:$0x3FAA] =	sst s10  }
0x38: {  	s10 =	sld [smem:$0x3FAB]  }
0x39: {  	_ = 	snop;
	(pc) =	sbr.ind lr, $3  }
0x3a: {  	_ = 	snop  }
0x3b: {  	_ = 	snop  }
0x3c: {  	p2 =	seq.s32 s10, $0x1;
	s10 =	sld [smem:$0x3FAA]  }
0x3d: {  	_ =	shalt  }
0x3e: {  	_ =	shalt  }
0x3f: {  	_ =	shalt  }
0x40: {  	_ =	shalt  }
0x41: {  	_ =	shalt  }
0x42: {  	_ =	shalt  }
0x43: {  	_ =	shalt  }
0x44: {  	_ =	shalt  }
0x45: {  	_ =	shalt  }
0x46: {  	_ =	shalt  }
0x47: {  	_ =	shalt  }
0x48: {  	_ =	shalt  }
0x49: {  	_ =	shalt  }
0x4a: {  	_ =	shalt  }
0x4b: {  	_ =	shalt  }
0x4c: {  	_ =	shalt  }
0x4d: {  	_ =	shalt  }
0x4e: {  	_ =	shalt  }
0x4f: {  	_ =	shalt  }
0x50: {  	_ =	shalt  }
0x51: {  	_ =	shalt  }
0x52: {  	_ =	shalt  }
0x53: {  	_ =	shalt  }
0x54: {  	_ =	shalt  }
0x55: {  	_ =	shalt  }
0x56: {  	_ =	shalt  }
0x57: {  	_ =	shalt  }
0x58: {  	_ =	shalt  }
0x59: {  	_ =	shalt  }
0x5a: {  	_ =	shalt  }
0x5b: {  	_ =	shalt  }
0x5c: {  	_ =	shalt  }
0x5d: {  	_ =	shalt  }
0x5e: {  	_ =	shalt  }
0x5f: {  	_ =	shalt  }
0x60: {  	_ =	shalt  }
0x61: {  	_ =	shalt  }
0x62: {  	_ =	shalt  }
0x63: {  	_ =	shalt  }
0x64: {  	_ =	shalt  }
0x65: {  	_ =	shalt  }
0x66: {  	_ =	shalt  }
0x67: {  	_ =	shalt  }
0x68: {  	_ =	shalt  }
0x69: {  	_ =	shalt  }
0x6a: {  	_ =	shalt  }
0x6b: {  	_ =	shalt  }
0x6c: {  	_ =	shalt  }
0x6d: {  	_ =	shalt  }
0x6e: {  	_ =	shalt  }
0x6f: {  	_ =	shalt  }
0x70: {  	_ =	shalt  }
0x71: {  	_ =	shalt  }
0x72: {  	_ =	shalt  }
0x73: {  	_ =	shalt  }
0x74: {  	_ =	shalt  }
0x75: {  	_ =	shalt  }
0x76: {  	_ =	shalt  }
0x77: {  	_ =	shalt  }
0x78: {  	_ =	shalt  }
0x79: {  	_ =	shalt  }
0x7a: {  	_ =	shalt  }
0x7b: {  	_ =	shalt  }
0x7c: {  	_ =	shalt  }
0x7d: {  	_ =	shalt  }
0x7e: {  	_ =	shalt  }
0x7f: {  	_ =	shalt  }
0x80: {  	_ =	shalt  }
0x81: {  	_ =	shalt  }
0x82: {  	_ =	shalt  }
0x83: {  	_ =	shalt  }
0x84: {  	_ =	shalt  }
0x85: {  	_ =	shalt  }
0x86: {  	_ =	shalt  }
0x87: {  	_ =	shalt  }
.Lfunc_end0:
.L_simem_size_0:
called_computation_lowered:
.L_overlay_start_0:
0x88: {  	s2 =	sld [smem:$0x3FD9]  }
0x89: {  	s3 =	sld [smem:$0x3FFE];
	_ =	sdelay $0x1  }
0x8a: {  	s1 =	srdreg.scid  }
0x8b: {  	s0 =	sand.u32 $0x1, s1  }
0x8c: {  	s14 =	sshll.u32 s0, $0xA;
	s2 =	sadd.s32 s3, s2  }
0x8d: {  	s2 =	sadd.s32 s2, s14  }
0x8e: {  	[smem:$0x3FB6] =	sst s2  }
0x8f: {  	_ = 	snop  }
0x90: {  	s2 =	sld [smem:$0x3FD0];
	_ =	sdelay $0x2  }
0x91: {  	s15 =	simm.s32 $0xA;
	s4 =	simm.s32 $0x10  }
0x92: {  	[smem:s4], [sflag:s15] =	dma.local [hbm:s2], $0x1  }
0x93: {  	_ =	swait.eq [sflag:s15], $0x1  }
0x94: {  	[sflag:s15] =	ssyncset.done $0x0  }
0x95: {  	[sflag:s15] =	ssyncadd.s32 $0xFFFFFFFF  }
0x96: {  	s16 =	sld [smem:$0x10];
	(tm) =	ssettm $0x1  }
0x97: {  	s17 =	sld [smem:$0x3FFB];
	_ =	sdelay $0x3  }
0x98: {  	_ =	strace s17  }
0x99: {  	s3 =	sld [smem:$0x3FFC];
	_ =	sdelay $0x3  }
0x9a: {  	_ =	strace s3  }
0x9b: {  	s3 =	sld [smem:$0x3FFD];
	_ =	sdelay $0x3  }
0x9c: {  	_ =	strace s3  }
0x9d: {  	_ =	strace $0x8FFFFFFF  }
0x9e: {  	s18 =	sld [smem:$0x3FDB];
	_ =	sdelay $0x1  }
0x9f: {  	s19 =	simm.s32 $_scs_section_size  }
0xa0: {  	s5 =	simm.s32 $_size__tile_overlayer_lowered;
	s6 =	simm.s32 $_tile_overlayer_lowered  }
0xa1: {  	s22 =	simm.s32 $0x1BFF;
	s21 =	sshll.u32 s6, $0x1;
	s3 =	sadd.s32 s19, s18  }
0xa2: {  	s7 =	simm.s32 $0x0;
	s20 =	sshll.u32 s5, $0x1;
	s5 =	sadd.s32 s21, s3  }
0xa3: {  	[timem:s7], [sflag:s22] =	dma.local [hbm:s5], s20  }
0xa4: {  	_ =	swait.ge [sflag:s22], s20  }
0xa5: {  	s4 =	ssub.s32 $0x0, s20;
	[sflag:s22] =	ssyncset.done $0x0  }
0xa6: {  	[sflag:s22] =	ssyncadd.s32 s4;
	_ =	sdelay $0x1  }
0xa7: {  	s23 =	simm.s32 $0x1B8B  }
0xa8: {  	_ =	swait.ge [sflag:s23], $0x1  }
0xa9: {  	[sflag:s23] =	ssyncset.done $0x0  }
0xaa: {  	s25 =	simm.s32 $0x1B8E;
	s24 =	sld [smem:$0x3FFE];
	[sflag:s23] =	ssyncadd.s32 $0xFFFFFFFF  }
0xab: {  	s26 =	simm.s32 $execute0_lowered;
	[smem:$0x3FD2] =	sst s25  }
0xac: {  	s5 =	sshll.u32 s26, $0x1;
	_ =	strace $0x80000046;
	[dreg:$0x1] =	wrdreg $0xFFFFFFFF  }
0xad: {  	s28 =	simm.s32 $_size_execute0_lowered;
	s3 =	sadd.s32 s3, s5;
	[dreg:$0x0] =	wrdreg $0x0  }
0xae: {  	s5 =	sshll.u32 s28, $0x1;
	[dreg:$0x2] =	wrdreg s3  }
0xaf: {  	[dreg:$0x3] =	wrdreg s5  }
0xb0: {  	[dreg:$0x4] =	wrdreg $0xC0  }
0xb1: {  	_ =	task [dreg:s7], $0x5FFFF  }
0xb2: {  	[dreg:$0x1] =	wrdreg $0xFFFFFFFF  }
0xb3: {  	[dreg:$0x0] =	wrdreg $0x60  }
0xb4: {  	[dreg:$0x2] =	wrdreg s16  }
0xb5: {  	[dreg:$0x3] =	wrdreg s24  }
0xb6: {  	[dreg:$0x4] =	wrdreg $0x9  }
0xb7: {  	_ =	task.clear_ibuf [dreg:s7], $0x5FFFF;
	_ =	strace $0x90000046  }
0xb8: {  	s29 =	simm.s32 $0x9;
	_ =	strace $0x80000048  }
0xb9: {  	_ =	swait.ge [sflag:s29], $0x1  }
0xba: {  	[sflag:s29] =	ssyncadd.s32 $0xFFFFFFFF  }
0xbb: {  	_ =	strace $0x90000048  }
0xbc: {  	_ =	sfence  }
0xbd: {  	s30 =	sld [smem:$0x0];
	_ =	sdelay $0x2  }
0xbe: {  	s31 =	sshll.u32 s1, $0xD;
	s1 =	sshrl.u32 s1, $0x2  }
0xbf: {  	s3 =	sand.u32 $0x4000, s31;
	s1 =	sadd.s32 s1, s30  }
0xc0: {  	s0 =	sor.u32 s3, s0;
	s1 =	sshll.u32 s1, $0x11  }
0xc1: {  	s0 =	sor.u32 s1, s0  }
0xc2: {  	s0 =	sadd.s32 $0x8F2B, s0  }
0xc3: {  	[sflag:s0] =	ssyncadd.remote.s32 $0x1  }
0xc4: {  	_ =	sfence.sel $0xFFFF  }
0xc5: {  	[dreg:$0x0] =	wrdreg $0xFFFFFFFF;
	(pc) =	sbr.abs _section_cstart, $3  }
0xc6: {  	[dreg:$0x1] =	wrdreg $0xFFFFFFFF  }
0xc7: {  	_ =	task.clear_ibuf [dreg:s7], $0x2FFFF;
	_ =	strace $0x9FFFFFFF  }
0xc8: {  	(tm) =	ssettm $0x7FFFFFFF  }
0xc9: {  	_ =	shalt  }
tec
execute0_lowered:
.L_overlay_start_1:
0x0: {  	(tag) =	ssettag $0x1  }
0x1: {  	s0 =	rddreg [dreg:$0x0]  }
0x2: {  	s30 =	srdreg.scid;
	s1 =	rddreg [dreg:$0x1]  }
0x3: {  	[dreg:$0x3] =	wrdreg s0;
	s2 =	sand.u32 $0x1, s30  }
0x4: {  	s0 =	rddreg [dreg:$0x2];
	s1 =	sadd.s32 $0x63200, s1;
	s3 =	ssub.s32 $0x2, s2  }
0x5: {  	_ =	strace $0x80000047;
	[dreg:$0x4] =	wrdreg s1;
	s1 =	stileid.u32  }
0x6: {  	s5 =	ssub.s32 $0x0, s2;
	s4 =	sshrl.u32 s3, $0x1;
	s31 =	sshll.u32 s1, $0x1  }
0x7: {  	s3 =	ssub.s32 s3, s4;
	p0 =	sne.s32 s31, s5  }
0x8: {  	v4 =	vimm.s32 $0x0;
	s4 =	simm.s32 $0x1;
	s2 =	smax.u32 s3, $0x1;
	s3 =	simm.s32 $0x0  }
.LBB2_1:
0x9: {  	s5 =	rddreg [dreg:$0x3]  }
0xa: {  	[tilespmem:s3], [sflag:$0x1] =	stream.linear.gather [hbm4b:s5+s3], $0x800, $0x38;
	[tilespmem:$0x880] =	vst v63  }
0xb: {  	_ =	swait.ge [sflag:s4], $0x800  }
0xc: {  	[sflag:s4] =	ssyncset.done $0x0  }
0xd: {  	[sflag:s4] =	ssyncadd.s32 $0xFFFFF800  }
0xe: {  	v0 =	vld [tilespmem:$0x0];
	_ =	sdelay $0x1  }
0xf: {  	v1 =	vld [tilespmem:$0x10];
	_ =	sdelay $0x1  }
0x10: {  	v2 =	vld [tilespmem:$0x20]  }
0x11: {  	v5 =	vadd.f32 $0.0e+00, v0  }
0x12: {  	v63 =	vld [tilespmem:$0x30]  }
0x13: {  	v6 =	vadd.f32 v1, v5  }
0x14: {  	v5 =	vld [tilespmem:$0x40]  }
0x15: {  	v7 =	vadd.f32 v2, v6  }
0x16: {  	v6 =	vld [tilespmem:$0x50]  }
0x17: {  	v8 =	vadd.f32 v63, v7  }
0x18: {  	v7 =	vld [tilespmem:$0x60]  }
0x19: {  	v9 =	vadd.f32 v5, v8  }
0x1a: {  	v8 =	vld [tilespmem:$0x70]  }
0x1b: {  	v10 =	vadd.f32 v6, v9  }
0x1c: {  	v9 =	vld [tilespmem:$0x80]  }
0x1d: {  	v11 =	vadd.f32 v7, v10  }
0x1e: {  	v10 =	vld [tilespmem:$0x90]  }
0x1f: {  	v12 =	vadd.f32 v8, v11  }
0x20: {  	v11 =	vld [tilespmem:$0xA0]  }
0x21: {  	v13 =	vadd.f32 v9, v12  }
0x22: {  	v12 =	vld [tilespmem:$0xB0]  }
0x23: {  	v14 =	vadd.f32 v10, v13  }
0x24: {  	v13 =	vld [tilespmem:$0xC0]  }
0x25: {  	v15 =	vadd.f32 v11, v14  }
0x26: {  	v14 =	vld [tilespmem:$0xD0]  }
0x27: {  	v16 =	vadd.f32 v12, v15  }
0x28: {  	v15 =	vld [tilespmem:$0xE0]  }
0x29: {  	v17 =	vadd.f32 v13, v16  }
0x2a: {  	v16 =	vld [tilespmem:$0xF0]  }
0x2b: {  	v18 =	vadd.f32 v14, v17  }
0x2c: {  	v17 =	vld [tilespmem:$0x100]  }
0x2d: {  	v19 =	vadd.f32 v15, v18  }
0x2e: {  	v18 =	vld [tilespmem:$0x110]  }
0x2f: {  	v20 =	vadd.f32 v16, v19  }
0x30: {  	v19 =	vld [tilespmem:$0x120]  }
0x31: {  	v21 =	vadd.f32 v17, v20  }
0x32: {  	v20 =	vld [tilespmem:$0x130]  }
0x33: {  	v22 =	vadd.f32 v18, v21  }
0x34: {  	v21 =	vld [tilespmem:$0x140]  }
0x35: {  	v23 =	vadd.f32 v19, v22  }
0x36: {  	v22 =	vld [tilespmem:$0x150]  }
0x37: {  	v24 =	vadd.f32 v20, v23  }
0x38: {  	v23 =	vld [tilespmem:$0x160]  }
0x39: {  	v25 =	vadd.f32 v21, v24  }
0x3a: {  	v24 =	vld [tilespmem:$0x170]  }
0x3b: {  	v26 =	vadd.f32 v22, v25  }
0x3c: {  	v25 =	vld [tilespmem:$0x180]  }
0x3d: {  	v27 =	vadd.f32 v23, v26  }
0x3e: {  	v26 =	vld [tilespmem:$0x190]  }
0x3f: {  	v28 =	vadd.f32 v24, v27  }
0x40: {  	v27 =	vld [tilespmem:$0x1A0]  }
0x41: {  	v29 =	vadd.f32 v25, v28  }
0x42: {  	v28 =	vld [tilespmem:$0x1B0]  }
0x43: {  	v30 =	vadd.f32 v26, v29  }
0x44: {  	v29 =	vld [tilespmem:$0x1C0]  }
0x45: {  	v31 =	vadd.f32 v27, v30  }
0x46: {  	v30 =	vld [tilespmem:$0x1D0]  }
0x47: {  	v32 =	vadd.f32 v28, v31  }
0x48: {  	v31 =	vld [tilespmem:$0x1E0]  }
0x49: {  	v33 =	vadd.f32 v29, v32  }
0x4a: {  	v32 =	vld [tilespmem:$0x1F0]  }
0x4b: {  	v34 =	vadd.f32 v30, v33  }
0x4c: {  	v33 =	vld [tilespmem:$0x200]  }
0x4d: {  	v35 =	vadd.f32 v31, v34  }
0x4e: {  	v34 =	vld [tilespmem:$0x210]  }
0x4f: {  	v36 =	vadd.f32 v32, v35  }
0x50: {  	v35 =	vld [tilespmem:$0x220]  }
0x51: {  	v37 =	vadd.f32 v33, v36  }
0x52: {  	v36 =	vld [tilespmem:$0x230]  }
0x53: {  	v38 =	vadd.f32 v34, v37  }
0x54: {  	v37 =	vld [tilespmem:$0x240]  }
0x55: {  	v39 =	vadd.f32 v35, v38  }
0x56: {  	v38 =	vld [tilespmem:$0x250]  }
0x57: {  	v40 =	vadd.f32 v36, v39  }
0x58: {  	v39 =	vld [tilespmem:$0x260]  }
0x59: {  	v41 =	vadd.f32 v37, v40  }
0x5a: {  	v40 =	vld [tilespmem:$0x270]  }
0x5b: {  	v42 =	vadd.f32 v38, v41  }
0x5c: {  	v41 =	vld [tilespmem:$0x280]  }
0x5d: {  	v43 =	vadd.f32 v39, v42  }
0x5e: {  	v42 =	vld [tilespmem:$0x290]  }
0x5f: {  	v44 =	vadd.f32 v40, v43  }
0x60: {  	v43 =	vld [tilespmem:$0x2A0]  }
0x61: {  	v45 =	vadd.f32 v41, v44  }
0x62: {  	v44 =	vld [tilespmem:$0x2B0]  }
0x63: {  	v46 =	vadd.f32 v42, v45  }
0x64: {  	v45 =	vld [tilespmem:$0x2C0]  }
0x65: {  	v47 =	vadd.f32 v43, v46  }
0x66: {  	v46 =	vld [tilespmem:$0x2D0]  }
0x67: {  	v48 =	vadd.f32 v44, v47  }
0x68: {  	v47 =	vld [tilespmem:$0x2E0]  }
0x69: {  	v49 =	vadd.f32 v45, v48  }
0x6a: {  	v48 =	vld [tilespmem:$0x2F0]  }
0x6b: {  	v50 =	vadd.f32 v46, v49  }
0x6c: {  	v49 =	vld [tilespmem:$0x300]  }
0x6d: {  	v51 =	vadd.f32 v47, v50  }
0x6e: {  	v50 =	vld [tilespmem:$0x310]  }
0x6f: {  	v52 =	vadd.f32 v48, v51  }
0x70: {  	v51 =	vld [tilespmem:$0x320]  }
0x71: {  	v53 =	vadd.f32 v49, v52  }
0x72: {  	v52 =	vld [tilespmem:$0x330]  }
0x73: {  	v54 =	vadd.f32 v50, v53  }
0x74: {  	v53 =	vld [tilespmem:$0x340]  }
0x75: {  	v55 =	vadd.f32 v51, v54  }
0x76: {  	v54 =	vld [tilespmem:$0x350]  }
0x77: {  	v56 =	vadd.f32 v52, v55  }
0x78: {  	v55 =	vld [tilespmem:$0x360]  }
0x79: {  	v57 =	vadd.f32 v53, v56  }
0x7a: {  	v56 =	vld [tilespmem:$0x370]  }
0x7b: {  	v58 =	vadd.f32 v54, v57  }
0x7c: {  	v57 =	vld [tilespmem:$0x380]  }
0x7d: {  	v59 =	vadd.f32 v55, v58  }
0x7e: {  	v58 =	vld [tilespmem:$0x390]  }
0x7f: {  	v60 =	vadd.f32 v56, v59  }
0x80: {  	v59 =	vld [tilespmem:$0x3A0]  }
0x81: {  	v61 =	vadd.f32 v57, v60  }
0x82: {  	v60 =	vld [tilespmem:$0x3B0]  }
0x83: {  	v62 =	vadd.f32 v58, v61  }
0x84: {  	v61 =	vld [tilespmem:$0x3C0]  }
0x85: {  	[tilespmem:$0x1FC00] =	vst v63;
	v63 =	vadd.f32 v59, v62  }
0x86: {  	v62 =	vld [tilespmem:$0x3D0]  }
0x87: {  	[tilespmem:$0x1FBE0] =	vst v1;
	v1 =	vadd.f32 v60, v63  }
0x88: {  	v63 =	vld [tilespmem:$0x3E0]  }
0x89: {  	v1 =	vadd.f32 v61, v1  }
0x8a: {  	[tilespmem:$0x1FBF0] =	vst v2;
	v2 =	vld [tilespmem:$0x3F0]  }
0x8b: {  	v1 =	vadd.f32 v62, v1  }
0x8c: {  	[tilespmem:$0x1FBD0] =	vst v0;
	v0 =	vld [tilespmem:$0x400]  }
0x8d: {  	v1 =	vadd.f32 v63, v1  }
0x8e: {  	v3 =	vld [tilespmem:$0x410]  }
0x8f: {  	v1 =	vadd.f32 v2, v1  }
0x90: {  	[tilespmem:$0x1FC10] =	vst v2;
	v2 =	vld [tilespmem:$0x420]  }
0x91: {  	v1 =	vadd.f32 v0, v1  }
0x92: {  	[tilespmem:$0x1FC20] =	vst v0;
	v0 =	vld [tilespmem:$0x430]  }
0x93: {  	v1 =	vadd.f32 v3, v1  }
0x94: {  	[tilespmem:$0x1FC30] =	vst v3;
	v3 =	vld [tilespmem:$0x440]  }
0x95: {  	v1 =	vadd.f32 v2, v1  }
0x96: {  	[tilespmem:$0x1FC40] =	vst v2;
	v2 =	vld [tilespmem:$0x450]  }
0x97: {  	v1 =	vadd.f32 v0, v1  }
0x98: {  	[tilespmem:$0x1FC50] =	vst v0;
	v0 =	vld [tilespmem:$0x460]  }
0x99: {  	v1 =	vadd.f32 v3, v1  }
0x9a: {  	[tilespmem:$0x1FC60] =	vst v3;
	v3 =	vld [tilespmem:$0x470]  }
0x9b: {  	v1 =	vadd.f32 v2, v1  }
0x9c: {  	[tilespmem:$0x1FC70] =	vst v2;
	v2 =	vld [tilespmem:$0x480]  }
0x9d: {  	v1 =	vadd.f32 v0, v1  }
0x9e: {  	[tilespmem:$0x1FC80] =	vst v0;
	v0 =	vld [tilespmem:$0x490]  }
0x9f: {  	v1 =	vadd.f32 v3, v1  }
0xa0: {  	[tilespmem:$0x1FC90] =	vst v3;
	v3 =	vld [tilespmem:$0x4A0]  }
0xa1: {  	v1 =	vadd.f32 v2, v1  }
0xa2: {  	[tilespmem:$0x1FCA0] =	vst v2;
	v2 =	vld [tilespmem:$0x4B0]  }
0xa3: {  	v1 =	vadd.f32 v0, v1  }
0xa4: {  	[tilespmem:$0x1FCB0] =	vst v0;
	v0 =	vld [tilespmem:$0x4C0]  }
0xa5: {  	v1 =	vadd.f32 v3, v1  }
0xa6: {  	[tilespmem:$0x1FCC0] =	vst v3;
	v3 =	vld [tilespmem:$0x4D0]  }
0xa7: {  	v1 =	vadd.f32 v2, v1  }
0xa8: {  	[tilespmem:$0x1FCD0] =	vst v2;
	v2 =	vld [tilespmem:$0x4E0]  }
0xa9: {  	v1 =	vadd.f32 v0, v1  }
0xaa: {  	[tilespmem:$0x1FCE0] =	vst v0;
	v0 =	vld [tilespmem:$0x4F0]  }
0xab: {  	v1 =	vadd.f32 v3, v1  }
0xac: {  	[tilespmem:$0x1FCF0] =	vst v3;
	v3 =	vld [tilespmem:$0x500]  }
0xad: {  	v1 =	vadd.f32 v2, v1  }
0xae: {  	[tilespmem:$0x1FD00] =	vst v2;
	v2 =	vld [tilespmem:$0x510]  }
0xaf: {  	v1 =	vadd.f32 v0, v1  }
0xb0: {  	[tilespmem:$0x1FD10] =	vst v0;
	v0 =	vld [tilespmem:$0x520]  }
0xb1: {  	v1 =	vadd.f32 v3, v1  }
0xb2: {  	[tilespmem:$0x1FD20] =	vst v3;
	v3 =	vld [tilespmem:$0x530]  }
0xb3: {  	v1 =	vadd.f32 v2, v1  }
0xb4: {  	[tilespmem:$0x1FD30] =	vst v2;
	v2 =	vld [tilespmem:$0x540]  }
0xb5: {  	v1 =	vadd.f32 v0, v1  }
0xb6: {  	[tilespmem:$0x1FD40] =	vst v0;
	v0 =	vld [tilespmem:$0x550]  }
0xb7: {  	v1 =	vadd.f32 v3, v1  }
0xb8: {  	[tilespmem:$0x1FD50] =	vst v3;
	v3 =	vld [tilespmem:$0x560]  }
0xb9: {  	v1 =	vadd.f32 v2, v1  }
0xba: {  	[tilespmem:$0x1FD60] =	vst v2;
	v2 =	vld [tilespmem:$0x570]  }
0xbb: {  	v1 =	vadd.f32 v0, v1  }
0xbc: {  	[tilespmem:$0x1FD70] =	vst v0;
	v0 =	vld [tilespmem:$0x580]  }
0xbd: {  	v1 =	vadd.f32 v3, v1  }
0xbe: {  	[tilespmem:$0x1FD80] =	vst v3;
	v3 =	vld [tilespmem:$0x590]  }
0xbf: {  	v1 =	vadd.f32 v2, v1  }
0xc0: {  	[tilespmem:$0x1FD90] =	vst v2;
	v2 =	vld [tilespmem:$0x5A0]  }
0xc1: {  	v1 =	vadd.f32 v0, v1  }
0xc2: {  	[tilespmem:$0x1FDA0] =	vst v0;
	v0 =	vld [tilespmem:$0x5B0]  }
0xc3: {  	v1 =	vadd.f32 v3, v1  }
0xc4: {  	[tilespmem:$0x1FDB0] =	vst v3;
	v3 =	vld [tilespmem:$0x5C0]  }
0xc5: {  	v1 =	vadd.f32 v2, v1  }
0xc6: {  	[tilespmem:$0x1FDC0] =	vst v2;
	v2 =	vld [tilespmem:$0x5D0]  }
0xc7: {  	v1 =	vadd.f32 v0, v1  }
0xc8: {  	[tilespmem:$0x1FDD0] =	vst v0;
	v0 =	vld [tilespmem:$0x5E0]  }
0xc9: {  	v1 =	vadd.f32 v3, v1  }
0xca: {  	[tilespmem:$0x1FDE0] =	vst v3;
	v3 =	vld [tilespmem:$0x5F0]  }
0xcb: {  	v1 =	vadd.f32 v2, v1  }
0xcc: {  	[tilespmem:$0x1FDF0] =	vst v2;
	v2 =	vld [tilespmem:$0x600]  }
0xcd: {  	v1 =	vadd.f32 v0, v1  }
0xce: {  	[tilespmem:$0x1FE00] =	vst v0;
	v0 =	vld [tilespmem:$0x610]  }
0xcf: {  	v1 =	vadd.f32 v3, v1  }
0xd0: {  	[tilespmem:$0x1FE10] =	vst v3;
	v3 =	vld [tilespmem:$0x620]  }
0xd1: {  	v1 =	vadd.f32 v2, v1  }
0xd2: {  	[tilespmem:$0x1FE20] =	vst v2;
	v2 =	vld [tilespmem:$0x630]  }
0xd3: {  	v1 =	vadd.f32 v0, v1  }
0xd4: {  	[tilespmem:$0x1FE30] =	vst v0;
	v0 =	vld [tilespmem:$0x640]  }
0xd5: {  	v1 =	vadd.f32 v3, v1  }
0xd6: {  	[tilespmem:$0x1FE40] =	vst v3;
	v3 =	vld [tilespmem:$0x650]  }
0xd7: {  	v1 =	vadd.f32 v2, v1  }
0xd8: {  	[tilespmem:$0x1FE50] =	vst v2;
	v2 =	vld [tilespmem:$0x660]  }
0xd9: {  	v1 =	vadd.f32 v0, v1  }
0xda: {  	[tilespmem:$0x1FE60] =	vst v0;
	v0 =	vld [tilespmem:$0x670]  }
0xdb: {  	v1 =	vadd.f32 v3, v1  }
0xdc: {  	[tilespmem:$0x1FE70] =	vst v3;
	v3 =	vld [tilespmem:$0x680]  }
0xdd: {  	v1 =	vadd.f32 v2, v1  }
0xde: {  	[tilespmem:$0x1FE80] =	vst v2;
	v2 =	vld [tilespmem:$0x690]  }
0xdf: {  	v1 =	vadd.f32 v0, v1  }
0xe0: {  	[tilespmem:$0x1FE90] =	vst v0;
	v0 =	vld [tilespmem:$0x6A0]  }
0xe1: {  	v1 =	vadd.f32 v3, v1  }
0xe2: {  	[tilespmem:$0x1FEA0] =	vst v3;
	v3 =	vld [tilespmem:$0x6B0]  }
0xe3: {  	v1 =	vadd.f32 v2, v1  }
0xe4: {  	[tilespmem:$0x1FEB0] =	vst v2;
	v2 =	vld [tilespmem:$0x6C0]  }
0xe5: {  	v1 =	vadd.f32 v0, v1  }
0xe6: {  	[tilespmem:$0x1FEC0] =	vst v0;
	v0 =	vld [tilespmem:$0x6D0]  }
0xe7: {  	v1 =	vadd.f32 v3, v1  }
0xe8: {  	[tilespmem:$0x1FED0] =	vst v3;
	v3 =	vld [tilespmem:$0x6E0]  }
0xe9: {  	v1 =	vadd.f32 v2, v1  }
0xea: {  	[tilespmem:$0x1FEE0] =	vst v2;
	v2 =	vld [tilespmem:$0x6F0]  }
0xeb: {  	v1 =	vadd.f32 v0, v1  }
0xec: {  	[tilespmem:$0x1FEF0] =	vst v0;
	v0 =	vld [tilespmem:$0x700]  }
0xed: {  	v1 =	vadd.f32 v3, v1  }
0xee: {  	[tilespmem:$0x1FF00] =	vst v3;
	v3 =	vld [tilespmem:$0x710]  }
0xef: {  	v1 =	vadd.f32 v2, v1  }
0xf0: {  	[tilespmem:$0x1FF10] =	vst v2;
	v2 =	vld [tilespmem:$0x720]  }
0xf1: {  	v1 =	vadd.f32 v0, v1  }
0xf2: {  	[tilespmem:$0x1FF20] =	vst v0;
	v0 =	vld [tilespmem:$0x730]  }
0xf3: {  	v1 =	vadd.f32 v3, v1  }
0xf4: {  	[tilespmem:$0x1FF30] =	vst v3;
	v3 =	vld [tilespmem:$0x740]  }
0xf5: {  	v1 =	vadd.f32 v2, v1  }
0xf6: {  	[tilespmem:$0x1FF40] =	vst v2;
	v2 =	vld [tilespmem:$0x750]  }
0xf7: {  	v1 =	vadd.f32 v0, v1  }
0xf8: {  	[tilespmem:$0x1FF50] =	vst v0;
	v0 =	vld [tilespmem:$0x760]  }
0xf9: {  	v1 =	vadd.f32 v3, v1  }
0xfa: {  	[tilespmem:$0x1FF60] =	vst v3;
	v3 =	vld [tilespmem:$0x770]  }
0xfb: {  	v1 =	vadd.f32 v2, v1  }
0xfc: {  	[tilespmem:$0x1FF70] =	vst v2;
	v2 =	vld [tilespmem:$0x780]  }
0xfd: {  	v1 =	vadd.f32 v0, v1  }
0xfe: {  	[tilespmem:$0x1FF80] =	vst v0;
	v0 =	vld [tilespmem:$0x790]  }
0xff: {  	v1 =	vadd.f32 v3, v1  }
0x100: {  	[tilespmem:$0x1FF90] =	vst v3;
	v3 =	vld [tilespmem:$0x7A0]  }
0x101: {  	v1 =	vadd.f32 v2, v1  }
0x102: {  	[tilespmem:$0x1FFA0] =	vst v2;
	v2 =	vld [tilespmem:$0x7B0]  }
0x103: {  	v1 =	vadd.f32 v0, v1  }
0x104: {  	[tilespmem:$0x1FFB0] =	vst v0;
	v0 =	vld [tilespmem:$0x7C0]  }
0x105: {  	v1 =	vadd.f32 v3, v1  }
0x106: {  	[tilespmem:$0x1FFC0] =	vst v3;
	v3 =	vld [tilespmem:$0x7D0]  }
0x107: {  	v1 =	vadd.f32 v2, v1  }
0x108: {  	[tilespmem:$0x1FFD0] =	vst v2;
	v2 =	vld [tilespmem:$0x7E0]  }
0x109: {  	v1 =	vadd.f32 v0, v1  }
0x10a: {  	[tilespmem:$0x1FFE0] =	vst v0;
	v0 =	vld [tilespmem:$0x7F0]  }
0x10b: {  	v1 =	vadd.f32 v3, v1;
	_ =	sdelay $0x1  }
0x10c: {  	v1 =	vadd.f32 v2, v1;
	_ =	sdelay $0x1  }
0x10d: {  	v1 =	vadd.f32 v0, v1;
	_ =	sdelay $0x1  }
0x10e: {  	(v2sf) =	vpush v1, $0x0  }
0x10f: {  	(v2sf) =	vpush v1, $0x1;
	_ =	sdelay $0x1  }
0x110: {  	(v2sf) =	vpush v1, $0x2;
	_ =	sdelay $0x1  }
0x111: {  	(v2sf) =	vpush v1, $0x3;
	_ =	sdelay $0x1  }
0x112: {  	(v2sf) =	vpush v1, $0x4;
	_ =	sdelay $0x1  }
0x113: {  	(v2sf) =	vpush v1, $0x5;
	_ =	sdelay $0x1  }
0x114: {  	(v2sf) =	vpush v1, $0x6;
	_ =	sdelay $0x1  }
0x115: {  	(v2sf) =	vpush v1, $0x7;
	_ =	sdelay $0x1  }
0x116: {  	s25 =	spop (v2sf);
	(v2sf) =	vpush v1, $0x8  }
0x117: {  	s6 =	spop (v2sf)  }
0x118: {  	(v2sf) =	vpush v1, $0x9;
	s5 =	sadd.f32 s6, s25  }
0x119: {  	s26 =	spop (v2sf)  }
0x11a: {  	(v2sf) =	vpush v1, $0xA;
	s5 =	sadd.f32 s5, s26  }
0x11b: {  	s28 =	spop (v2sf)  }
0x11c: {  	(v2sf) =	vpush v1, $0xB;
	s5 =	sadd.f32 s5, s28  }
0x11d: {  	s29 =	spop (v2sf)  }
0x11e: {  	(v2sf) =	vpush v1, $0xC;
	s5 =	sadd.f32 s5, s29  }
0x11f: {  	s30 =	spop (v2sf)  }
0x120: {  	(v2sf) =	vpush v1, $0xD;
	s5 =	sadd.f32 s5, s30  }
0x121: {  	s31 =	spop (v2sf)  }
0x122: {  	(v2sf) =	vpush v1, $0xE;
	s5 =	sadd.f32 s5, s31  }
0x123: {  	s7 =	spop (v2sf)  }
0x124: {  	(v2sf) =	vpush v1, $0xF;
	s5 =	sadd.f32 s5, s7  }
0x125: {  	s8 =	spop (v2sf)  }
0x126: {  	s5 =	sadd.f32 s5, s8  }
0x127: {  	s9 =	spop (v2sf)  }
0x128: {  	s5 =	sadd.f32 s5, s9  }
0x129: {  	s10 =	spop (v2sf)  }
0x12a: {  	s5 =	sadd.f32 s5, s10  }
0x12b: {  	s11 =	spop (v2sf)  }
0x12c: {  	s5 =	sadd.f32 s5, s11  }
0x12d: {  	s12 =	spop (v2sf)  }
0x12e: {  	s5 =	sadd.f32 s5, s12  }
0x12f: {  	s13 =	spop (v2sf)  }
0x130: {  	s5 =	sadd.f32 s5, s13  }
0x131: {  	s14 =	spop (v2sf)  }
0x132: {  	s5 =	sadd.f32 s5, s14  }
0x133: {  	v1 =	vld [tilespmem:$0x1FBD0];
	s15 =	spop (v2sf)  }
0x134: {  	s5 =	sadd.f32 s5, s15;
	_ =	sdelay $0x1  }
0x135: {  	s5 =	smul.f32 $4.882812500e-04, s5;
	_ =	sdelay $0x1  }
0x136: {  	vm0 =	vgt.f32 v1, s5;
	v1 =	vld [tilespmem:$0x1FBE0];
	_ =	sdelay $0x4  }
0x137: {  	vm1 =	vgt.f32 v1, s5;
	v1 =	vld [tilespmem:$0x1FBF0];
	_ =	sdelay $0x4  }
0x138: {  	[tilespmem:$0x1FFF0] =	vst v3;
	v3 =	vmovc v2;
	v2 =	vsel vm1, $0x1, v4;
	vm2 =	vgt.f32 v1, s5;
	v1 =	vsel vm0, $0x1, v4  }
0x139: {  	v1 =	vadd.s32 v2, v1;
	v2 =	vld [tilespmem:$0x1FC00];
	_ =	sdelay $0x4  }
0x13a: {  	vm11 =	vgt.f32 v2, s5;
	v2 =	vsel vm2, $0x1, v4  }
0x13b: {  	vm12 =	vgt.f32 v5, s5;
	v1 =	vadd.s32 v2, v1;
	v2 =	vsel vm11, $0x1, v4  }
0x13c: {  	vm13 =	vgt.f32 v6, s5;
	v1 =	vadd.s32 v2, v1;
	v2 =	vsel vm12, $0x1, v4  }
0x13d: {  	vm14 =	vgt.f32 v7, s5;
	v1 =	vadd.s32 v2, v1;
	v2 =	vsel vm13, $0x1, v4  }
0x13e: {  	vm15 =	vgt.f32 v8, s5;
	v8 =	vsel vm14, $0x1, v4;
	v1 =	vadd.s32 v2, v1  }
0x13f: {  	vm4 =	vgt.f32 v9, s5;
	v9 =	vsel vm15, $0x1, v4;
	v1 =	vadd.s32 v8, v1  }
0x140: {  	vm5 =	vgt.f32 v10, s5;
	v10 =	vsel vm4, $0x1, v4;
	v1 =	vadd.s32 v9, v1  }
0x141: {  	vm6 =	vgt.f32 v11, s5;
	v11 =	vsel vm5, $0x1, v4;
	v1 =	vadd.s32 v10, v1  }
0x142: {  	vm7 =	vgt.f32 v12, s5;
	v12 =	vsel vm6, $0x1, v4;
	v1 =	vadd.s32 v11, v1  }
0x143: {  	vm8 =	vgt.f32 v13, s5;
	v13 =	vsel vm7, $0x1, v4;
	v1 =	vadd.s32 v12, v1  }
0x144: {  	vm9 =	vgt.f32 v14, s5;
	v14 =	vsel vm8, $0x1, v4;
	v1 =	vadd.s32 v13, v1  }
0x145: {  	vm10 =	vgt.f32 v15, s5;
	v15 =	vsel vm9, $0x1, v4;
	v1 =	vadd.s32 v14, v1  }
0x146: {  	vm11 =	vgt.f32 v16, s5;
	v16 =	vsel vm10, $0x1, v4;
	v1 =	vadd.s32 v15, v1  }
0x147: {  	vm12 =	vgt.f32 v17, s5;
	v17 =	vsel vm11, $0x1, v4;
	v1 =	vadd.s32 v16, v1  }
0x148: {  	vm13 =	vgt.f32 v18, s5;
	v18 =	vsel vm12, $0x1, v4;
	v1 =	vadd.s32 v17, v1  }
0x149: {  	vm14 =	vgt.f32 v19, s5;
	v19 =	vsel vm13, $0x1, v4;
	v1 =	vadd.s32 v18, v1  }
0x14a: {  	vm15 =	vgt.f32 v20, s5;
	v20 =	vsel vm14, $0x1, v4;
	v1 =	vadd.s32 v19, v1  }
0x14b: {  	vm4 =	vgt.f32 v21, s5;
	v21 =	vsel vm15, $0x1, v4;
	v1 =	vadd.s32 v20, v1  }
0x14c: {  	vm5 =	vgt.f32 v22, s5;
	v22 =	vsel vm4, $0x1, v4;
	v1 =	vadd.s32 v21, v1  }
0x14d: {  	vm6 =	vgt.f32 v23, s5;
	v23 =	vsel vm5, $0x1, v4;
	v1 =	vadd.s32 v22, v1  }
0x14e: {  	vm7 =	vgt.f32 v24, s5;
	v24 =	vsel vm6, $0x1, v4;
	v1 =	vadd.s32 v23, v1  }
0x14f: {  	vm8 =	vgt.f32 v25, s5;
	v25 =	vsel vm7, $0x1, v4;
	v1 =	vadd.s32 v24, v1  }
0x150: {  	vm9 =	vgt.f32 v26, s5;
	v8 =	vsel vm8, $0x1, v4;
	v1 =	vadd.s32 v25, v1  }
0x151: {  	vm10 =	vgt.f32 v27, s5;
	v9 =	vsel vm9, $0x1, v4;
	v1 =	vadd.s32 v8, v1  }
0x152: {  	vm11 =	vgt.f32 v28, s5;
	v10 =	vsel vm10, $0x1, v4;
	v1 =	vadd.s32 v9, v1  }
0x153: {  	vm12 =	vgt.f32 v29, s5;
	v11 =	vsel vm11, $0x1, v4;
	v1 =	vadd.s32 v10, v1  }
0x154: {  	vm13 =	vgt.f32 v30, s5;
	v12 =	vsel vm12, $0x1, v4;
	v1 =	vadd.s32 v11, v1  }
0x155: {  	vm14 =	vgt.f32 v31, s5;
	v13 =	vsel vm13, $0x1, v4;
	v1 =	vadd.s32 v12, v1  }
0x156: {  	vm15 =	vgt.f32 v32, s5;
	v14 =	vsel vm14, $0x1, v4;
	v1 =	vadd.s32 v13, v1  }
0x157: {  	vm4 =	vgt.f32 v33, s5;
	v15 =	vsel vm15, $0x1, v4;
	v1 =	vadd.s32 v14, v1  }
0x158: {  	vm5 =	vgt.f32 v34, s5;
	v16 =	vsel vm4, $0x1, v4;
	v1 =	vadd.s32 v15, v1  }
0x159: {  	vm6 =	vgt.f32 v35, s5;
	v17 =	vsel vm5, $0x1, v4;
	v1 =	vadd.s32 v16, v1  }
0x15a: {  	vm7 =	vgt.f32 v36, s5;
	v18 =	vsel vm6, $0x1, v4;
	v1 =	vadd.s32 v17, v1  }
0x15b: {  	vm8 =	vgt.f32 v37, s5;
	v19 =	vsel vm7, $0x1, v4;
	v1 =	vadd.s32 v18, v1  }
0x15c: {  	vm9 =	vgt.f32 v38, s5;
	v20 =	vsel vm8, $0x1, v4;
	v1 =	vadd.s32 v19, v1  }
0x15d: {  	vm10 =	vgt.f32 v39, s5;
	v21 =	vsel vm9, $0x1, v4;
	v1 =	vadd.s32 v20, v1  }
0x15e: {  	vm11 =	vgt.f32 v40, s5;
	v22 =	vsel vm10, $0x1, v4;
	v1 =	vadd.s32 v21, v1  }
0x15f: {  	vm12 =	vgt.f32 v41, s5;
	v23 =	vsel vm11, $0x1, v4;
	v1 =	vadd.s32 v22, v1  }
0x160: {  	vm13 =	vgt.f32 v42, s5;
	v24 =	vsel vm12, $0x1, v4;
	v1 =	vadd.s32 v23, v1  }
0x161: {  	vm14 =	vgt.f32 v43, s5;
	v25 =	vsel vm13, $0x1, v4;
	v1 =	vadd.s32 v24, v1  }
0x162: {  	vm15 =	vgt.f32 v44, s5;
	v26 =	vsel vm14, $0x1, v4;
	v1 =	vadd.s32 v25, v1  }
0x163: {  	vm4 =	vgt.f32 v45, s5;
	v27 =	vsel vm15, $0x1, v4;
	v1 =	vadd.s32 v26, v1  }
0x164: {  	vm5 =	vgt.f32 v46, s5;
	v28 =	vsel vm4, $0x1, v4;
	v1 =	vadd.s32 v27, v1  }
0x165: {  	vm6 =	vgt.f32 v47, s5;
	v29 =	vsel vm5, $0x1, v4;
	v1 =	vadd.s32 v28, v1  }
0x166: {  	vm7 =	vgt.f32 v48, s5;
	v30 =	vsel vm6, $0x1, v4;
	v1 =	vadd.s32 v29, v1  }
0x167: {  	vm8 =	vgt.f32 v49, s5;
	v31 =	vsel vm7, $0x1, v4;
	v1 =	vadd.s32 v30, v1  }
0x168: {  	vm9 =	vgt.f32 v50, s5;
	v32 =	vsel vm8, $0x1, v4;
	v1 =	vadd.s32 v31, v1  }
0x169: {  	vm10 =	vgt.f32 v51, s5;
	v33 =	vsel vm9, $0x1, v4;
	v1 =	vadd.s32 v32, v1  }
0x16a: {  	vm11 =	vgt.f32 v52, s5;
	v34 =	vsel vm10, $0x1, v4;
	v1 =	vadd.s32 v33, v1  }
0x16b: {  	vm12 =	vgt.f32 v53, s5;
	v35 =	vsel vm11, $0x1, v4;
	v1 =	vadd.s32 v34, v1  }
0x16c: {  	vm13 =	vgt.f32 v54, s5;
	v36 =	vsel vm12, $0x1, v4;
	v1 =	vadd.s32 v35, v1  }
0x16d: {  	vm14 =	vgt.f32 v55, s5;
	v37 =	vsel vm13, $0x1, v4;
	v1 =	vadd.s32 v36, v1  }
0x16e: {  	vm15 =	vgt.f32 v56, s5;
	v38 =	vsel vm14, $0x1, v4;
	v1 =	vadd.s32 v37, v1  }
0x16f: {  	vm4 =	vgt.f32 v57, s5;
	v39 =	vsel vm15, $0x1, v4;
	v1 =	vadd.s32 v38, v1  }
0x170: {  	vm5 =	vgt.f32 v58, s5;
	v40 =	vsel vm4, $0x1, v4;
	v1 =	vadd.s32 v39, v1  }
0x171: {  	v46 =	vld [tilespmem:$0x1FC10];
	vm6 =	vgt.f32 v59, s5;
	v41 =	vsel vm5, $0x1, v4;
	v1 =	vadd.s32 v40, v1  }
0x172: {  	v48 =	vld [tilespmem:$0x1FC20];
	vm7 =	vgt.f32 v60, s5;
	v42 =	vsel vm6, $0x1, v4;
	v1 =	vadd.s32 v41, v1  }
0x173: {  	vm8 =	vgt.f32 v61, s5;
	v43 =	vsel vm7, $0x1, v4;
	v50 =	vld [tilespmem:$0x1FC30];
	v1 =	vadd.s32 v42, v1  }
0x174: {  	vm9 =	vgt.f32 v62, s5;
	v44 =	vsel vm8, $0x1, v4;
	v52 =	vld [tilespmem:$0x1FC40];
	v1 =	vadd.s32 v43, v1  }
0x175: {  	vm10 =	vgt.f32 v63, s5;
	v45 =	vsel vm9, $0x1, v4;
	v54 =	vld [tilespmem:$0x1FC50];
	v1 =	vadd.s32 v44, v1  }
0x176: {  	v56 =	vld [tilespmem:$0x1FC60];
	vm11 =	vgt.f32 v46, s5;
	v47 =	vsel vm10, $0x1, v4;
	v1 =	vadd.s32 v45, v1  }
0x177: {  	v58 =	vld [tilespmem:$0x1FC70];
	vm12 =	vgt.f32 v48, s5;
	v49 =	vsel vm11, $0x1, v4;
	v1 =	vadd.s32 v47, v1  }
0x178: {  	v60 =	vld [tilespmem:$0x1FC80];
	vm13 =	vgt.f32 v50, s5;
	v51 =	vsel vm12, $0x1, v4;
	v1 =	vadd.s32 v49, v1  }
0x179: {  	v62 =	vld [tilespmem:$0x1FC90];
	v53 =	vsel vm13, $0x1, v4;
	vm14 =	vgt.f32 v52, s5;
	v1 =	vadd.s32 v51, v1  }
0x17a: {  	v8 =	vld [tilespmem:$0x1FCA0];
	v55 =	vsel vm14, $0x1, v4;
	vm15 =	vgt.f32 v54, s5;
	v1 =	vadd.s32 v53, v1  }
0x17b: {  	vm4 =	vgt.f32 v56, s5;
	v10 =	vld [tilespmem:$0x1FCB0];
	v57 =	vsel vm15, $0x1, v4;
	v1 =	vadd.s32 v55, v1  }
0x17c: {  	v59 =	vsel vm4, $0x1, v4;
	vm5 =	vgt.f32 v58, s5;
	v12 =	vld [tilespmem:$0x1FCC0];
	v1 =	vadd.s32 v57, v1  }
0x17d: {  	v61 =	vsel vm5, $0x1, v4;
	vm6 =	vgt.f32 v60, s5;
	v14 =	vld [tilespmem:$0x1FCD0];
	v1 =	vadd.s32 v59, v1  }
0x17e: {  	v63 =	vsel vm6, $0x1, v4;
	vm7 =	vgt.f32 v62, s5;
	v16 =	vld [tilespmem:$0x1FCE0];
	v1 =	vadd.s32 v61, v1  }
0x17f: {  	v9 =	vsel vm7, $0x1, v4;
	vm8 =	vgt.f32 v8, s5;
	v18 =	vld [tilespmem:$0x1FCF0];
	v1 =	vadd.s32 v63, v1  }
0x180: {  	v11 =	vsel vm8, $0x1, v4;
	vm9 =	vgt.f32 v10, s5;
	v20 =	vld [tilespmem:$0x1FD00];
	v1 =	vadd.s32 v9, v1  }
0x181: {  	v13 =	vsel vm9, $0x1, v4;
	vm10 =	vgt.f32 v12, s5;
	v22 =	vld [tilespmem:$0x1FD10];
	v1 =	vadd.s32 v11, v1  }
0x182: {  	v15 =	vsel vm10, $0x1, v4;
	vm11 =	vgt.f32 v14, s5;
	v24 =	vld [tilespmem:$0x1FD20];
	v1 =	vadd.s32 v13, v1  }
0x183: {  	v17 =	vsel vm11, $0x1, v4;
	vm12 =	vgt.f32 v16, s5;
	v26 =	vld [tilespmem:$0x1FD30];
	v1 =	vadd.s32 v15, v1  }
0x184: {  	v19 =	vsel vm12, $0x1, v4;
	vm13 =	vgt.f32 v18, s5;
	v28 =	vld [tilespmem:$0x1FD40];
	v1 =	vadd.s32 v17, v1  }
0x185: {  	v21 =	vsel vm13, $0x1, v4;
	vm14 =	vgt.f32 v20, s5;
	v30 =	vld [tilespmem:$0x1FD50];
	v1 =	vadd.s32 v19, v1  }
0x186: {  	v23 =	vsel vm14, $0x1, v4;
	vm15 =	vgt.f32 v22, s5;
	v32 =	vld [tilespmem:$0x1FD60];
	v1 =	vadd.s32 v21, v1  }
0x187: {  	v25 =	vsel vm15, $0x1, v4;
	vm4 =	vgt.f32 v24, s5;
	v34 =	vld [tilespmem:$0x1FD70];
	v1 =	vadd.s32 v23, v1  }
0x188: {  	v27 =	vsel vm4, $0x1, v4;
	vm5 =	vgt.f32 v26, s5;
	v36 =	vld [tilespmem:$0x1FD80];
	v1 =	vadd.s32 v25, v1  }
0x189: {  	v29 =	vsel vm5, $0x1, v4;
	vm6 =	vgt.f32 v28, s5;
	v38 =	vld [tilespmem:$0x1FD90];
	v1 =	vadd.s32 v27, v1  }
0x18a: {  	v31 =	vsel vm6, $0x1, v4;
	vm7 =	vgt.f32 v30, s5;
	v40 =	vld [tilespmem:$0x1FDA0];
	v1 =	vadd.s32 v29, v1  }
0x18b: {  	v33 =	vsel vm7, $0x1, v4;
	vm8 =	vgt.f32 v32, s5;
	v42 =	vld [tilespmem:$0x1FDB0];
	v1 =	vadd.s32 v31, v1  }
0x18c: {  	v35 =	vsel vm8, $0x1, v4;
	vm9 =	vgt.f32 v34, s5;
	v44 =	vld [tilespmem:$0x1FDC0];
	v1 =	vadd.s32 v33, v1  }
0x18d: {  	v46 =	vld [tilespmem:$0x1FDD0];
	v37 =	vsel vm9, $0x1, v4;
	vm10 =	vgt.f32 v36, s5;
	v1 =	vadd.s32 v35, v1  }
0x18e: {  	v48 =	vld [tilespmem:$0x1FDE0];
	v39 =	vsel vm10, $0x1, v4;
	vm11 =	vgt.f32 v38, s5;
	v1 =	vadd.s32 v37, v1  }
0x18f: {  	v50 =	vld [tilespmem:$0x1FDF0];
	v41 =	vsel vm11, $0x1, v4;
	vm12 =	vgt.f32 v40, s5;
	v1 =	vadd.s32 v39, v1  }
0x190: {  	v52 =	vld [tilespmem:$0x1FE00];
	v43 =	vsel vm12, $0x1, v4;
	vm13 =	vgt.f32 v42, s5;
	v1 =	vadd.s32 v41, v1  }
0x191: {  	v54 =	vld [tilespmem:$0x1FE10];
	v45 =	vsel vm13, $0x1, v4;
	vm14 =	vgt.f32 v44, s5;
	v1 =	vadd.s32 v43, v1  }
0x192: {  	v56 =	vld [tilespmem:$0x1FE20];
	vm15 =	vgt.f32 v46, s5;
	v47 =	vsel vm14, $0x1, v4;
	v1 =	vadd.s32 v45, v1  }
0x193: {  	v58 =	vld [tilespmem:$0x1FE30];
	vm4 =	vgt.f32 v48, s5;
	v49 =	vsel vm15, $0x1, v4;
	v1 =	vadd.s32 v47, v1  }
0x194: {  	v60 =	vld [tilespmem:$0x1FE40];
	vm5 =	vgt.f32 v50, s5;
	v51 =	vsel vm4, $0x1, v4;
	v1 =	vadd.s32 v49, v1  }
0x195: {  	v62 =	vld [tilespmem:$0x1FE50];
	vm6 =	vgt.f32 v52, s5;
	v53 =	vsel vm5, $0x1, v4;
	v1 =	vadd.s32 v51, v1  }
0x196: {  	v8 =	vld [tilespmem:$0x1FE60];
	vm7 =	vgt.f32 v54, s5;
	v55 =	vsel vm6, $0x1, v4;
	v1 =	vadd.s32 v53, v1  }
0x197: {  	v10 =	vld [tilespmem:$0x1FE70];
	vm8 =	vgt.f32 v56, s5;
	v57 =	vsel vm7, $0x1, v4;
	v1 =	vadd.s32 v55, v1  }
0x198: {  	v12 =	vld [tilespmem:$0x1FE80];
	vm9 =	vgt.f32 v58, s5;
	v59 =	vsel vm8, $0x1, v4;
	v1 =	vadd.s32 v57, v1  }
0x199: {  	v14 =	vld [tilespmem:$0x1FE90];
	vm10 =	vgt.f32 v60, s5;
	v61 =	vsel vm9, $0x1, v4;
	v1 =	vadd.s32 v59, v1  }
0x19a: {  	v16 =	vld [tilespmem:$0x1FEA0];
	vm11 =	vgt.f32 v62, s5;
	v63 =	vsel vm10, $0x1, v4;
	v1 =	vadd.s32 v61, v1  }
0x19b: {  	v18 =	vld [tilespmem:$0x1FEB0];
	vm12 =	vgt.f32 v8, s5;
	v9 =	vsel vm11, $0x1, v4;
	v1 =	vadd.s32 v63, v1  }
0x19c: {  	v20 =	vld [tilespmem:$0x1FEC0];
	vm13 =	vgt.f32 v10, s5;
	v11 =	vsel vm12, $0x1, v4;
	v1 =	vadd.s32 v9, v1  }
0x19d: {  	v22 =	vld [tilespmem:$0x1FED0];
	vm14 =	vgt.f32 v12, s5;
	v13 =	vsel vm13, $0x1, v4;
	v1 =	vadd.s32 v11, v1  }
0x19e: {  	v24 =	vld [tilespmem:$0x1FEE0];
	vm15 =	vgt.f32 v14, s5;
	v15 =	vsel vm14, $0x1, v4;
	v1 =	vadd.s32 v13, v1  }
0x19f: {  	v26 =	vld [tilespmem:$0x1FEF0];
	vm4 =	vgt.f32 v16, s5;
	v17 =	vsel vm15, $0x1, v4;
	v1 =	vadd.s32 v15, v1  }
0x1a0: {  	v28 =	vld [tilespmem:$0x1FF00];
	vm5 =	vgt.f32 v18, s5;
	v19 =	vsel vm4, $0x1, v4;
	v1 =	vadd.s32 v17, v1  }
0x1a1: {  	v30 =	vld [tilespmem:$0x1FF10];
	vm6 =	vgt.f32 v20, s5;
	v21 =	vsel vm5, $0x1, v4;
	v1 =	vadd.s32 v19, v1  }
0x1a2: {  	v32 =	vld [tilespmem:$0x1FF20];
	vm7 =	vgt.f32 v22, s5;
	v23 =	vsel vm6, $0x1, v4;
	v1 =	vadd.s32 v21, v1  }
0x1a3: {  	v34 =	vld [tilespmem:$0x1FF30];
	vm8 =	vgt.f32 v24, s5;
	v25 =	vsel vm7, $0x1, v4;
	v1 =	vadd.s32 v23, v1  }
0x1a4: {  	v36 =	vld [tilespmem:$0x1FF40];
	vm9 =	vgt.f32 v26, s5;
	v27 =	vsel vm8, $0x1, v4;
	v1 =	vadd.s32 v25, v1  }
0x1a5: {  	v38 =	vld [tilespmem:$0x1FF50];
	vm10 =	vgt.f32 v28, s5;
	v29 =	vsel vm9, $0x1, v4;
	v1 =	vadd.s32 v27, v1  }
0x1a6: {  	v40 =	vld [tilespmem:$0x1FF60];
	vm11 =	vgt.f32 v30, s5;
	v31 =	vsel vm10, $0x1, v4;
	v1 =	vadd.s32 v29, v1  }
0x1a7: {  	v42 =	vld [tilespmem:$0x1FF70];
	vm12 =	vgt.f32 v32, s5;
	v33 =	vsel vm11, $0x1, v4;
	v1 =	vadd.s32 v31, v1  }
0x1a8: {  	v44 =	vld [tilespmem:$0x1FF80];
	vm13 =	vgt.f32 v34, s5;
	v35 =	vsel vm12, $0x1, v4;
	v1 =	vadd.s32 v33, v1  }
0x1a9: {  	v46 =	vld [tilespmem:$0x1FF90];
	vm14 =	vgt.f32 v36, s5;
	v37 =	vsel vm13, $0x1, v4;
	v1 =	vadd.s32 v35, v1  }
0x1aa: {  	v48 =	vld [tilespmem:$0x1FFA0];
	vm15 =	vgt.f32 v38, s5;
	v39 =	vsel vm14, $0x1, v4;
	v1 =	vadd.s32 v37, v1  }
0x1ab: {  	v50 =	vld [tilespmem:$0x1FFB0];
	vm4 =	vgt.f32 v40, s5;
	v41 =	vsel vm15, $0x1, v4;
	v1 =	vadd.s32 v39, v1  }
0x1ac: {  	v52 =	vld [tilespmem:$0x1FFC0];
	vm5 =	vgt.f32 v42, s5;
	v43 =	vsel vm4, $0x1, v4;
	v1 =	vadd.s32 v41, v1  }
0x1ad: {  	v54 =	vld [tilespmem:$0x1FFD0];
	vm6 =	vgt.f32 v44, s5;
	v45 =	vsel vm5, $0x1, v4;
	v1 =	vadd.s32 v43, v1  }
0x1ae: {  	v56 =	vld [tilespmem:$0x1FFE0];
	vm7 =	vgt.f32 v46, s5;
	v47 =	vsel vm6, $0x1, v4;
	v1 =	vadd.s32 v45, v1  }
0x1af: {  	v58 =	vld [tilespmem:$0x1FFF0];
	vm8 =	vgt.f32 v48, s5;
	v49 =	vsel vm7, $0x1, v4;
	v1 =	vadd.s32 v47, v1  }
0x1b0: {  	vm9 =	vgt.f32 v50, s5;
	v51 =	vsel vm8, $0x1, v4;
	v1 =	vadd.s32 v49, v1  }
0x1b1: {  	vm10 =	vgt.f32 v52, s5;
	v53 =	vsel vm9, $0x1, v4;
	v1 =	vadd.s32 v51, v1  }
0x1b2: {  	vm11 =	vgt.f32 v54, s5;
	v55 =	vsel vm10, $0x1, v4;
	v1 =	vadd.s32 v53, v1  }
0x1b3: {  	vm12 =	vgt.f32 v56, s5;
	v57 =	vsel vm11, $0x1, v4;
	v1 =	vadd.s32 v55, v1  }
0x1b4: {  	vm13 =	vgt.f32 v58, s5;
	v59 =	vsel vm12, $0x1, v4;
	v1 =	vadd.s32 v57, v1  }
0x1b5: {  	vm14 =	vgt.f32 v3, s5;
	v60 =	vsel vm13, $0x1, v4;
	v1 =	vadd.s32 v59, v1  }
0x1b6: {  	vm15 =	vgt.f32 v0, s5;
	v61 =	vsel vm14, $0x1, v4;
	v1 =	vadd.s32 v60, v1  }
0x1b7: {  	v62 =	vsel vm15, $0x1, v4;
	v1 =	vadd.s32 v61, v1  }
0x1b8: {  	v1 =	vadd.s32 v62, v1  }
0x1b9: {  	(v2sf) =	vpush v1, $0x0  }
0x1ba: {  	(v2sf) =	vpush v1, $0x1  }
0x1bb: {  	(v2sf) =	vpush v1, $0x2  }
0x1bc: {  	(v2sf) =	vpush v1, $0x3  }
0x1bd: {  	(v2sf) =	vpush v1, $0x4  }
0x1be: {  	(v2sf) =	vpush v1, $0x5  }
0x1bf: {  	(v2sf) =	vpush v1, $0x6  }
0x1c0: {  	(v2sf) =	vpush v1, $0x7  }
0x1c1: {  	(v2sf) =	vpush v1, $0x8  }
0x1c2: {  	(v2sf) =	vpush v1, $0x9  }
0x1c3: {  	(v2sf) =	vpush v1, $0xA  }
0x1c4: {  	(v2sf) =	vpush v1, $0xB  }
0x1c5: {  	(v2sf) =	vpush v1, $0xC  }
0x1c6: {  	(v2sf) =	vpush v1, $0xD  }
0x1c7: {  	(v2sf) =	vpush v1, $0xE  }
0x1c8: {  	s16 =	spop (v2sf);
	(v2sf) =	vpush v1, $0xF  }
0x1c9: {  	s17 =	spop (v2sf)  }
0x1ca: {  	s7 =	spop (v2sf);
	s5 =	sadd.s32 s17, s16  }
0x1cb: {  	s18 =	spop (v2sf);
	s5 =	sadd.s32 s7, s5  }
0x1cc: {  	s19 =	spop (v2sf);
	s5 =	sadd.s32 s18, s5  }
0x1cd: {  	s20 =	spop (v2sf);
	s5 =	sadd.s32 s19, s5  }
0x1ce: {  	s21 =	spop (v2sf);
	s5 =	sadd.s32 s20, s5  }
0x1cf: {  	s22 =	spop (v2sf);
	s5 =	sadd.s32 s21, s5  }
0x1d0: {  	s23 =	spop (v2sf);
	s5 =	sadd.s32 s22, s5  }
0x1d1: {  	s24 =	spop (v2sf);
	s5 =	sadd.s32 s23, s5  }
0x1d2: {  	s25 =	spop (v2sf);
	s5 =	sadd.s32 s24, s5  }
0x1d3: {  	s26 =	spop (v2sf);
	s5 =	sadd.s32 s25, s5  }
0x1d4: {  	s28 =	spop (v2sf);
	s5 =	sadd.s32 s26, s5  }
0x1d5: {  	s29 =	spop (v2sf);
	s5 =	sadd.s32 s28, s5  }
0x1d6: {  	s30 =	spop (v2sf);
	s5 =	sadd.s32 s29, s5  }
0x1d7: {  	s5 =	sadd.s32 s30, s5;
	s31 =	spop (v2sf)  }
0x1d8: {  	s5 =	sadd.s32 s31, s5  }
0x1d9: {  	p1 =	sgt.s32 s5, $0x2  }
0x1da: {  	s5 =	simm.s32 @!p1 $0x2  }
0x1db: {  	s5 =	smin.u32 s5, $0x800  }
0x1dc: {  	s5 =	scvt.s32.f32 s5;
	_ =	sdelay $0x1  }
0x1dd: {  	s5 =	smul.f32 $2.000000030e-01, s5;
	_ =	sdelay $0x1  }
0x1de: {  	s5 =	sadd.f32 $3.200000050e+00, s5;
	_ =	sdelay $0x1  }
0x1df: {  	s5 =	scvt.f32.s32 s5;
	_ =	sdelay $0x1  }
0x1e0: {  	p1 =	sgt.s32 s5, $0x1  }
0x1e1: {  	s5 =	simm.s32 @!p1 $0x1  }
0x1e2: {  	s5 =	smin.u32 s5, $0x20  }
0x1e3: {  	s2 =	sadd.s32 $0xFFFFFFFF, s2;
	s6 =	rddreg [dreg:$0x4];
	v63 =	vmov s5  }
0x1e4: {  	s7 =	simm.s32 @!p0 $0x800;
	p1 =	sne.s32 s2, $0x0;
	s5 =	simm.s32 @!p0 $0x0;
	[tilespmem:$0x800] =	vst v63  }
0x1e5: {  	[hbm4b:s6+s5] =	stream.linear.scatter @!p0 [tilespmem:s7], [sflag:$0x1], $0x80, $0x38;
	[tilespmem:$0x880] =	vst v63  }
.Ltmp0:
0x1e6: {  	_ = 	snop;
	(pc) =	sbr.rel @p1 .LBB2_1-.Ltmp0, $4  }
0x1e7: {  	s5 =	simm.s32 @!p0 $0x1  }
0x1e8: {  	_ =	swait.ge @!p0 [sflag:s5], $0x80  }
0x1e9: {  	[sflag:s5] =	ssyncset.done @!p0 $0x0  }
0x1ea: {  	[sflag:s5] =	ssyncadd.s32 @!p0 $0xFFFFFF80  }
0x1eb: {  	_ =	sfence.sel $0x180000  }
0x1ec: {  	[bflag:$0x0] =	sbarrier.arrive $0xFFFF  }
0x1ed: {  	p0 =	sne.s32 s1, $0x0;
	_ =	strace $0x90000047  }
0x1ee: {  	s0 =	sadd.s32 @!p0 $0x100000, s0;
	[bflag:$0x2] =	sbarrier.arrive $0xFFFF  }
0x1ef: {  	[sflag:s0] =	ssyncadd.tile.s32 @!p0 $0x1;
	_ =	shalt  }
.Lfunc_end2:
_tile_overlayer_lowered:
.L_overlay_start_2:
0x1f0: {  	(tag) =	ssettag $0x2  }
0x1f1: {  	s0 =	rddreg [dreg:$0x0];
	s2 =	stileid.u32  }
0x1f2: {  	s1 =	rddreg [dreg:$0x1];
	p0 =	sne.s32 s2, $0x0  }
0x1f3: {  	s3 =	rddreg [dreg:$0x2];
	[bflag:$0x3] =	sbarrier.arrive $0xFFFF;
	s2 =	simm.s32 @!p0 $0x1C01  }
0x1f4: {  	[timem:s3], [sflag:s2] =	dma.local @!p0 [hbm:s0], s1  }
0x1f5: {  	s0 =	simm.s32 @!p0 $0x1  }
0x1f6: {  	_ =	swait.ge @!p0 [sflag:s0], s1  }
0x1f7: {  	s1 =	ssub.s32 @!p0 $0x0, s1;
	[sflag:s0] =	ssyncset.done @!p0 $0x0  }
0x1f8: {  	[sflag:s0] =	ssyncadd.s32 @!p0 s1  }
0x1f9: {  	[bflag:$0x3] =	sbarrier.arrive $0xFFFF  }
0x1fa: {  	_ =	shalt  }

</sc_bundles>
